<compile_context>
chip_gen: v7x
topology: tpu7x:2x2x1
jax: 0.10.2.dev20260603
libtpu: 0.0.44.dev20260713+nightly
codegen_flags: <defaults>
</compile_context>

<pallas_src>
import functools

import jax
import jax.numpy as jnp
from jax import lax
from jax.experimental import pallas as pl
from jax.experimental.pallas import tpu as pltpu, tpu_sc as plsc

B, C, T, H, W = 8, 64, 32, 56, 56
NC, NS = 2, 16
NW = NC * NS
SLABS = B * T
SPW = SLABS // NW
ROWS = SLABS * H
RCH = 8
CPS = H // RCH


@functools.partial(
    pl.kernel,
    out_type=jax.ShapeDtypeStruct((ROWS, W, C), jnp.float32),
    mesh=plsc.VectorSubcoreMesh(core_axis_name="c", subcore_axis_name="s"),
    scratch_types=[
        pltpu.VMEM((T + 16,), jnp.int32),
        pltpu.VMEM((RCH, W, C), jnp.float32),
        pltpu.VMEM((RCH, W, C), jnp.float32),
        pltpu.SemaphoreType.DMA,
        pltpu.SemaphoreType.DMA,
        pltpu.SemaphoreType.DMA,
        pltpu.SemaphoreType.DMA,
    ],
)
def _sc_shuffle(x_hbm, idx_hbm, out_hbm, idxs_v, buf0, buf1, g0, g1, o0, o1):
    wid = lax.axis_index("s") * NC + lax.axis_index("c")
    pltpu.sync_copy(idx_hbm, idxs_v.at[pl.ds(0, T)])

    bufs = (buf0, buf1)
    gsems = (g0, g1)
    osems = (o0, o1)

    def src_row(c):
        s, k = divmod(c, CPS)
        d = wid * SPW + s
        b = lax.shift_right_logical(d, 5)
        j = lax.bitwise_and(d, T - 1)
        pj = idxs_v[pl.ds(j, 16)][0]
        return (b * T + pj) * H + k * RCH

    def dst_row(c):
        s, k = divmod(c, CPS)
        return (wid * SPW + s) * H + k * RCH

    def gather(c):
        pltpu.async_copy(x_hbm.at[pl.ds(src_row(c), RCH)],
                         bufs[c % 2], gsems[c % 2])

    def gather_wait(c):
        pltpu.make_async_copy(x_hbm.at[pl.ds(src_row(c), RCH)],
                              bufs[c % 2], gsems[c % 2]).wait()

    def scatter(c):
        pltpu.async_copy(bufs[c % 2], out_hbm.at[pl.ds(dst_row(c), RCH)],
                         osems[c % 2])

    def scatter_wait(c):
        pltpu.make_async_copy(bufs[c % 2], out_hbm.at[pl.ds(dst_row(c), RCH)],
                              osems[c % 2]).wait()

    NCH = SPW * CPS
    gather(0)
    gather(1)
    for c in range(NCH):
        gather_wait(c)
        scatter(c)
        if c >= 1:
            scatter_wait(c - 1)
            if c + 1 < NCH:
                gather(c + 1)
    scatter_wait(NCH - 1)


def kernel(x, idxs):
    xt = jnp.transpose(x, (0, 2, 3, 4, 1))
    xr = xt.reshape(ROWS, W, C)
    out = _sc_shuffle(xr, idxs.astype(jnp.int32))
    out5 = out.reshape(B, T, H, W, C)
    return jnp.transpose(out5, (0, 4, 1, 2, 3))

# --- scband reference (transcript-rebuilt; emitter-appended) ---
"""Pipeline reference for scband-temporal-shuffle-25494925869816 (READ-ONLY COPY).

The authoritative reference and input builder live on the scoring server;
editing this copy changes nothing except your own understanding.
"""

import jax, jax.numpy as jnp
import numpy as np


def setup_inputs(seed: int = 0) -> dict:
    key = jax.random.key(seed)
    k1, k2 = jax.random.split(key)
    x = jax.random.normal(k1, (8, 64, 32, 56, 56), dtype=jnp.float32)
    # The original module draws a random temporal permutation (s=1 path: torch.randperm(t))
    # and rejects the identity permutation. We materialize one fixed permutation here so the
    # reference is deterministic; a random permutation of length 32 is identity with prob ~0.
    idxs = jax.random.permutation(k2, 32).astype(jnp.int64)
    return {"x": x, "idxs": idxs}


def reference(x, idxs):
    # out = x[:, :, idxs, :, :] -- gather along the temporal dim
    out = jnp.take(x, idxs, axis=2)
    return out

if __name__ == "__main__":
    import jax
    _d = setup_inputs()
    print(jax.jit(kernel)(*tuple(_d.values())))

</pallas_src>

<mosaic_0001>
#map = affine_map<(d0, d1) -> (0, 0, 0)>
#map1 = affine_map<(d0, d1) -> (0)>
module attributes {stable_mosaic.version = 14 : i64} {
  func.func @_sc_shuffle(%arg0: i32, %arg1: i32, %arg2: memref<14336x56x64xf32, #tpu.memory_space<hbm>>, %arg3: memref<32xi32, #tpu.memory_space<hbm>>, %arg4: memref<14336x56x64xf32, #tpu.memory_space<hbm>>, %arg5: memref<48xi32, #tpu.memory_space<vmem>>, %arg6: memref<8x56x64xf32, #tpu.memory_space<vmem>>, %arg7: memref<8x56x64xf32, #tpu.memory_space<vmem>>, %arg8: memref<!tpu.dma_semaphore, #tpu.memory_space<semaphore_mem>>, %arg9: memref<!tpu.dma_semaphore, #tpu.memory_space<semaphore_mem>>, %arg10: memref<!tpu.dma_semaphore, #tpu.memory_space<semaphore_mem>>, %arg11: memref<!tpu.dma_semaphore, #tpu.memory_space<semaphore_mem>>) attributes {dimension_semantics = [#tpu.dimension_semantics<core_parallel>, #tpu.dimension_semantics<subcore_parallel>], iteration_bounds = array<i64: 2, 16>, scalar_prefetch = 0 : i64, scratch_operands = 7 : i64, tpu.core_type = #tpu.core_type<sc_vector_subcore>, window_params = [{transform_indices = #map}, {transform_indices = #map1}, {transform_indices = #map}]} {
    %mul3A = arith.constant 2 : i32
    %mul3A_0 = arith.muli %arg1, %mul3A : i32
    %add3A = arith.addi %mul3A_0, %arg0 : i32
    "tpu.region"() ({
      %run_scoped3A = tpu.sem_alloc : memref<!tpu.dma_semaphore, #tpu.memory_space<semaphore_mem>>
      %dma_start3A_4474 = arith.constant 0 : i32
      %dma_start3A_4475 = tpu.memref_slice %arg5[%dma_start3A_4474] : memref<48xi32, #tpu.memory_space<vmem>> -> memref<32xi32, #tpu.memory_space<vmem>>
      %dma_start3A_4476 = arith.constant 0 : i32
      %dma_start3A_4477 = tpu.memref_slice %arg5[%dma_start3A_4476] : memref<48xi32, #tpu.memory_space<vmem>> -> memref<32xi32, #tpu.memory_space<vmem>>
      tpu.enqueue_dma source(%arg3 : memref<32xi32, #tpu.memory_space<hbm>>) target(%dma_start3A_4477 : memref<32xi32, #tpu.memory_space<vmem>>) target_semaphore(%run_scoped3A : memref<!tpu.dma_semaphore, #tpu.memory_space<semaphore_mem>>)
      %dma_wait3A_4478 = arith.constant 0 : i32
      %dma_wait3A_4479 = tpu.memref_slice %arg5[%dma_wait3A_4478] : memref<48xi32, #tpu.memory_space<vmem>> -> memref<32xi32, #tpu.memory_space<vmem>>
      %dma_wait3A_4480 = arith.constant 0 : i32
      %dma_wait3A_4481 = tpu.memref_slice %arg5[%dma_wait3A_4480] : memref<48xi32, #tpu.memory_space<vmem>> -> memref<32xi32, #tpu.memory_space<vmem>>
      tpu.wait_dma2 semaphore(%run_scoped3A : memref<!tpu.dma_semaphore, #tpu.memory_space<semaphore_mem>>) src(%arg3 : memref<32xi32, #tpu.memory_space<hbm>>) dst(%dma_wait3A_4481 : memref<32xi32, #tpu.memory_space<vmem>>)
      tpu.yield
    }) : () -> ()
    %mul3A_1 = arith.constant 8 : i32
    %mul3A_2 = arith.muli %add3A, %mul3A_1 : i32
    %add3A_3 = arith.constant 0 : i32
    %add3A_4 = arith.addi %mul3A_2, %add3A_3 : i32
    %shift_right_logical3A = arith.constant 5 : i32
    %shift_right_logical3A_5 = arith.shrui %add3A_4, %shift_right_logical3A : i32
    %and3A = arith.constant 31 : i32
    %and3A_6 = arith.andi %add3A_4, %and3A : i32
    %get3A = arith.index_cast %and3A_6 : i32 to index
    %get3A_7 = tpu.vector_load %arg5[%get3A] {strides = array<i32>} : memref<48xi32, #tpu.memory_space<vmem>>, vector<16xi32>,
    %get3A_8 = vector.shape_cast %get3A_7 : vector<16xi32> to vector<16xi32>
    %slice3A = vector.extract_strided_slice %get3A_8 {offsets = [0], sizes = [1], strides = [1]} : vector<16xi32> to vector<1xi32>
    %squeeze3A = vector.extract %slice3A[0] : i32 from vector<1xi32>
    %mul3A_9 = arith.constant 32 : i32
    %mul3A_10 = arith.muli %shift_right_logical3A_5, %mul3A_9 : i32
    %add3A_11 = arith.addi %mul3A_10, %squeeze3A : i32
    %mul3A_12 = arith.constant 56 : i32
    %mul3A_13 = arith.muli %add3A_11, %mul3A_12 : i32
    %add3A_14 = arith.constant 0 : i32
    %add3A_15 = arith.addi %mul3A_13, %add3A_14 : i32
    %dma_start3A = arith.constant 0 : i32
    %dma_start3A_16 = arith.constant 0 : i32
    %dma_start3A_17 = tpu.memref_slice %arg2[%add3A_15, %dma_start3A, %dma_start3A_16] : memref<14336x56x64xf32, #tpu.memory_space<hbm>> -> memref<8x56x64xf32, #tpu.memory_space<hbm>>
    %dma_start3A_18 = arith.constant 0 : i32
    %dma_start3A_19 = arith.constant 0 : i32
    %dma_start3A_20 = tpu.memref_slice %arg2[%add3A_15, %dma_start3A_18, %dma_start3A_19] : memref<14336x56x64xf32, #tpu.memory_space<hbm>> -> memref<8x56x64xf32, #tpu.memory_space<hbm>>
    tpu.enqueue_dma source(%dma_start3A_20 : memref<8x56x64xf32, #tpu.memory_space<hbm>>) target(%arg6 : memref<8x56x64xf32, #tpu.memory_space<vmem>>) target_semaphore(%arg8 : memref<!tpu.dma_semaphore, #tpu.memory_space<semaphore_mem>>)
    %mul3A_21 = arith.constant 8 : i32
    %mul3A_22 = arith.muli %add3A, %mul3A_21 : i32
    %add3A_23 = arith.constant 0 : i32
    %add3A_24 = arith.addi %mul3A_22, %add3A_23 : i32
    %shift_right_logical3A_25 = arith.constant 5 : i32
    %shift_right_logical3A_26 = arith.shrui %add3A_24, %shift_right_logical3A_25 : i32
    %and3A_27 = arith.constant 31 : i32
    %and3A_28 = arith.andi %add3A_24, %and3A_27 : i32
    %get3A_29 = arith.index_cast %and3A_28 : i32 to index
    %get3A_30 = tpu.vector_load %arg5[%get3A_29] {strides = array<i32>} : memref<48xi32, #tpu.memory_space<vmem>>, vector<16xi32>,
    %get3A_31 = vector.shape_cast %get3A_30 : vector<16xi32> to vector<16xi32>
    %slice3A_32 = vector.extract_strided_slice %get3A_31 {offsets = [0], sizes = [1], strides = [1]} : vector<16xi32> to vector<1xi32>
    %squeeze3A_33 = vector.extract %slice3A_32[0] : i32 from vector<1xi32>
    %mul3A_34 = arith.constant 32 : i32
    %mul3A_35 = arith.muli %shift_right_logical3A_26, %mul3A_34 : i32
    %add3A_36 = arith.addi %mul3A_35, %squeeze3A_33 : i32
    %mul3A_37 = arith.constant 56 : i32
    %mul3A_38 = arith.muli %add3A_36, %mul3A_37 : i32
    %add3A_39 = arith.constant 8 : i32
    %add3A_40 = arith.addi %mul3A_38, %add3A_39 : i32
    %dma_start3A_41 = arith.constant 0 : i32
    %dma_start3A_42 = arith.constant 0 : i32
    %dma_start3A_43 = tpu.memref_slice %arg2[%add3A_40, %dma_start3A_41, %dma_start3A_42] : memref<14336x56x64xf32, #tpu.memory_space<hbm>> -> memref<8x56x64xf32, #tpu.memory_space<hbm>>
    %dma_start3A_44 = arith.constant 0 : i32
    %dma_start3A_45 = arith.constant 0 : i32
    %dma_start3A_46 = tpu.memref_slice %arg2[%add3A_40, %dma_start3A_44, %dma_start3A_45] : memref<14336x56x64xf32, #tpu.memory_space<hbm>> -> memref<8x56x64xf32, #tpu.memory_space<hbm>>
    tpu.enqueue_dma source(%dma_start3A_46 : memref<8x56x64xf32, #tpu.memory_space<hbm>>) target(%arg7 : memref<8x56x64xf32, #tpu.memory_space<vmem>>) target_semaphore(%arg9 : memref<!tpu.dma_semaphore, #tpu.memory_space<semaphore_mem>>)
    %mul3A_47 = arith.constant 8 : i32
    %mul3A_48 = arith.muli %add3A, %mul3A_47 : i32
    %add3A_49 = arith.constant 0 : i32
    %add3A_50 = arith.addi %mul3A_48, %add3A_49 : i32
    %shift_right_logical3A_51 = arith.constant 5 : i32
    %shift_right_logical3A_52 = arith.shrui %add3A_50, %shift_right_logical3A_51 : i32
    %and3A_53 = arith.constant 31 : i32
    %and3A_54 = arith.andi %add3A_50, %and3A_53 : i32
    %get3A_55 = arith.index_cast %and3A_54 : i32 to index
    %get3A_56 = tpu.vector_load %arg5[%get3A_55] {strides = array<i32>} : memref<48xi32, #tpu.memory_space<vmem>>, vector<16xi32>,
    %get3A_57 = vector.shape_cast %get3A_56 : vector<16xi32> to vector<16xi32>
    %slice3A_58 = vector.extract_strided_slice %get3A_57 {offsets = [0], sizes = [1], strides = [1]} : vector<16xi32> to vector<1xi32>
    %squeeze3A_59 = vector.extract %slice3A_58[0] : i32 from vector<1xi32>
    %mul3A_60 = arith.constant 32 : i32
    %mul3A_61 = arith.muli %shift_right_logical3A_52, %mul3A_60 : i32
    %add3A_62 = arith.addi %mul3A_61, %squeeze3A_59 : i32
    %mul3A_63 = arith.constant 56 : i32
    %mul3A_64 = arith.muli %add3A_62, %mul3A_63 : i32
    %add3A_65 = arith.constant 0 : i32
    %add3A_66 = arith.addi %mul3A_64, %add3A_65 : i32
    %dma_wait3A = arith.constant 0 : i32
    %dma_wait3A_67 = arith.constant 0 : i32
    %dma_wait3A_68 = tpu.memref_slice %arg2[%add3A_66, %dma_wait3A, %dma_wait3A_67] : memref<14336x56x64xf32, #tpu.memory_space<hbm>> -> memref<8x56x64xf32, #tpu.memory_space<hbm>>
    %dma_wait3A_69 = arith.constant 0 : i32
    %dma_wait3A_70 = arith.constant 0 : i32
    %dma_wait3A_71 = tpu.memref_slice %arg2[%add3A_66, %dma_wait3A_69, %dma_wait3A_70] : memref<14336x56x64xf32, #tpu.memory_space<hbm>> -> memref<8x56x64xf32, #tpu.memory_space<hbm>>
    tpu.wait_dma2 semaphore(%arg8 : memref<!tpu.dma_semaphore, #tpu.memory_space<semaphore_mem>>) src(%dma_wait3A_71 : memref<8x56x64xf32, #tpu.memory_space<hbm>>) dst(%arg6 : memref<8x56x64xf32, #tpu.memory_space<vmem>>)
    %mul3A_72 = arith.constant 8 : i32
    %mul3A_73 = arith.muli %add3A, %mul3A_72 : i32
    %add3A_74 = arith.constant 0 : i32
    %add3A_75 = arith.addi %mul3A_73, %add3A_74 : i32
    %mul3A_76 = arith.constant 56 : i32
    %mul3A_77 = arith.muli %add3A_75, %mul3A_76 : i32
    %add3A_78 = arith.constant 0 : i32
    %add3A_79 = arith.addi %mul3A_77, %add3A_78 : i32
    %dma_start3A_80 = arith.constant 0 : i32
    %dma_start3A_81 = arith.constant 0 : i32
    %dma_start3A_82 = tpu.memref_slice %arg4[%add3A_79, %dma_start3A_80, %dma_start3A_81] : memref<14336x56x64xf32, #tpu.memory_space<hbm>> -> memref<8x56x64xf32, #tpu.memory_space<hbm>>
    %dma_start3A_83 = arith.constant 0 : i32
    %dma_start3A_84 = arith.constant 0 : i32
    %dma_start3A_85 = tpu.memref_slice %arg4[%add3A_79, %dma_start3A_83, %dma_start3A_84] : memref<14336x56x64xf32, #tpu.memory_space<hbm>> -> memref<8x56x64xf32, #tpu.memory_space<hbm>>
    tpu.enqueue_dma source(%arg6 : memref<8x56x64xf32, #tpu.memory_space<vmem>>) target(%dma_start3A_85 : memref<8x56x64xf32, #tpu.memory_space<hbm>>) target_semaphore(%arg10 : memref<!tpu.dma_semaphore, #tpu.memory_space<semaphore_mem>>)
    %mul3A_86 = arith.constant 8 : i32
    %mul3A_87 = arith.muli %add3A, %mul3A_86 : i32
    %add3A_88 = arith.constant 0 : i32
    %add3A_89 = arith.addi %mul3A_87, %add3A_88 : i32
    %shift_right_logical3A_90 = arith.constant 5 : i32
    %shift_right_logical3A_91 = arith.shrui %add3A_89, %shift_right_logical3A_90 : i32
    %and3A_92 = arith.constant 31 : i32
    %and3A_93 = arith.andi %add3A_89, %and3A_92 : i32
    %get3A_94 = arith.index_cast %and3A_93 : i32 to index
    %get3A_95 = tpu.vector_load %arg5[%get3A_94] {strides = array<i32>} : memref<48xi32, #tpu.memory_space<vmem>>, vector<16xi32>,
    %get3A_96 = vector.shape_cast %get3A_95 : vector<16xi32> to vector<16xi32>
    %slice3A_97 = vector.extract_strided_slice %get3A_96 {offsets = [0], sizes = [1], strides = [1]} : vector<16xi32> to vector<1xi32>
    %squeeze3A_98 = vector.extract %slice3A_97[0] : i32 from vector<1xi32>
    %mul3A_99 = arith.constant 32 : i32
    %mul3A_100 = arith.muli %shift_right_logical3A_91, %mul3A_99 : i32
    %add3A_101 = arith.addi %mul3A_100, %squeeze3A_98 : i32
    %mul3A_102 = arith.constant 56 : i32
    %mul3A_103 = arith.muli %add3A_101, %mul3A_102 : i32
    %add3A_104 = arith.constant 8 : i32
    %add3A_105 = arith.addi %mul3A_103, %add3A_104 : i32
    %dma_wait3A_106 = arith.constant 0 : i32
    %dma_wait3A_107 = arith.constant 0 : i32
    %dma_wait3A_108 = tpu.memref_slice %arg2[%add3A_105, %dma_wait3A_106, %dma_wait3A_107] : memref<14336x56x64xf32, #tpu.memory_space<hbm>> -> memref<8x56x64xf32, #tpu.memory_space<hbm>>
    %dma_wait3A_109 = arith.constant 0 : i32
    %dma_wait3A_110 = arith.constant 0 : i32
    %dma_wait3A_111 = tpu.memref_slice %arg2[%add3A_105, %dma_wait3A_109, %dma_wait3A_110] : memref<14336x56x64xf32, #tpu.memory_space<hbm>> -> memref<8x56x64xf32, #tpu.memory_space<hbm>>
    tpu.wait_dma2 semaphore(%arg9 : memref<!tpu.dma_semaphore, #tpu.memory_space<semaphore_mem>>) src(%dma_wait3A_111 : memref<8x56x64xf32, #tpu.memory_space<hbm>>) dst(%arg7 : memref<8x56x64xf32, #tpu.memory_space<vmem>>)
    %mul3A_112 = arith.constant 8 : i32
    %mul3A_113 = arith.muli %add3A, %mul3A_112 : i32
    %add3A_114 = arith.constant 0 : i32
    %add3A_115 = arith.addi %mul3A_113, %add3A_114 : i32
    %mul3A_116 = arith.constant 56 : i32
    %mul3A_117 = arith.muli %add3A_115, %mul3A_116 : i32
    %add3A_118 = arith.constant 8 : i32
    %add3A_119 = arith.addi %mul3A_117, %add3A_118 : i32
    %dma_start3A_120 = arith.constant 0 : i32
    %dma_start3A_121 = arith.constant 0 : i32
    %dma_start3A_122 = tpu.memref_slice %arg4[%add3A_119, %dma_start3A_120, %dma_start3A_121] : memref<14336x56x64xf32, #tpu.memory_space<hbm>> -> memref<8x56x64xf32, #tpu.memory_space<hbm>>
    %dma_start3A_123 = arith.constant 0 : i32
    %dma_start3A_124 = arith.constant 0 : i32
    %dma_start3A_125 = tpu.memref_slice %arg4[%add3A_119, %dma_start3A_123, %dma_start3A_124] : memref<14336x56x64xf32, #tpu.memory_space<hbm>> -> memref<8x56x64xf32, #tpu.memory_space<hbm>>
    tpu.enqueue_dma source(%arg7 : memref<8x56x64xf32, #tpu.memory_space<vmem>>) target(%dma_start3A_125 : memref<8x56x64xf32, #tpu.memory_space<hbm>>) target_semaphore(%arg11 : memref<!tpu.dma_semaphore, #tpu.memory_space<semaphore_mem>>)
    %mul3A_126 = arith.constant 8 : i32
    %mul3A_127 = arith.muli %add3A, %mul3A_126 : i32
    %add3A_128 = arith.constant 0 : i32
    %add3A_129 = arith.addi %mul3A_127, %add3A_128 : i32
    %mul3A_130 = arith.constant 56 : i32
    %mul3A_131 = arith.muli %add3A_129, %mul3A_130 : i32
    %add3A_132 = arith.constant 0 : i32
    %add3A_133 = arith.addi %mul3A_131, %add3A_132 : i32
    %dma_wait3A_134 = arith.constant 0 : i32
    %dma_wait3A_135 = arith.constant 0 : i32
    %dma_wait3A_136 = tpu.memref_slice %arg4[%add3A_133, %dma_wait3A_134, %dma_wait3A_135] : memref<14336x56x64xf32, #tpu.memory_space<hbm>> -> memref<8x56x64xf32, #tpu.memory_space<hbm>>
    %dma_wait3A_137 = arith.constant 0 : i32
    %dma_wait3A_138 = arith.constant 0 : i32
    %dma_wait3A_139 = tpu.memref_slice %arg4[%add3A_133, %dma_wait3A_137, %dma_wait3A_138] : memref<14336x56x64xf32, #tpu.memory_space<hbm>> -> memref<8x56x64xf32, #tpu.memory_space<hbm>>
    tpu.wait_dma2 semaphore(%arg10 : memref<!tpu.dma_semaphore, #tpu.memory_space<semaphore_mem>>) src(%arg6 : memref<8x56x64xf32, #tpu.memory_space<vmem>>) dst(%dma_wait3A_139 : memref<8x56x64xf32, #tpu.memory_space<hbm>>)
    %mul3A_140 = arith.constant 8 : i32
    %mul3A_141 = arith.muli %add3A, %mul3A_140 : i32
    %add3A_142 = arith.constant 0 : i32
    %add3A_143 = arith.addi %mul3A_141, %add3A_142 : i32
    %shift_right_logical3A_144 = arith.constant 5 : i32
    %shift_right_logical3A_145 = arith.shrui %add3A_143, %shift_right_logical3A_144 : i32
    %and3A_146 = arith.constant 31 : i32
    %and3A_147 = arith.andi %add3A_143, %and3A_146 : i32
    %get3A_148 = arith.index_cast %and3A_147 : i32 to index
    %get3A_149 = tpu.vector_load %arg5[%get3A_148] {strides = array<i32>} : memref<48xi32, #tpu.memory_space<vmem>>, vector<16xi32>,
    %get3A_150 = vector.shape_cast %get3A_149 : vector<16xi32> to vector<16xi32>
    %slice3A_151 = vector.extract_strided_slice %get3A_150 {offsets = [0], sizes = [1], strides = [1]} : vector<16xi32> to vector<1xi32>
    %squeeze3A_152 = vector.extract %slice3A_151[0] : i32 from vector<1xi32>
    %mul3A_153 = arith.constant 32 : i32
    %mul3A_154 = arith.muli %shift_right_logical3A_145, %mul3A_153 : i32
    %add3A_155 = arith.addi %mul3A_154, %squeeze3A_152 : i32
    %mul3A_156 = arith.constant 56 : i32
    %mul3A_157 = arith.muli %add3A_155, %mul3A_156 : i32
    %add3A_158 = arith.constant 16 : i32
    %add3A_159 = arith.addi %mul3A_157, %add3A_158 : i32
    %dma_start3A_160 = arith.constant 0 : i32
    %dma_start3A_161 = arith.constant 0 : i32
    %dma_start3A_162 = tpu.memref_slice %arg2[%add3A_159, %dma_start3A_160, %dma_start3A_161] : memref<14336x56x64xf32, #tpu.memory_space<hbm>> -> memref<8x56x64xf32, #tpu.memory_space<hbm>>
    %dma_start3A_163 = arith.constant 0 : i32
    %dma_start3A_164 = arith.constant 0 : i32
    %dma_start3A_165 = tpu.memref_slice %arg2[%add3A_159, %dma_start3A_163, %dma_start3A_164] : memref<14336x56x64xf32, #tpu.memory_space<hbm>> -> memref<8x56x64xf32, #tpu.memory_space<hbm>>
    tpu.enqueue_dma source(%dma_start3A_165 : memref<8x56x64xf32, #tpu.memory_space<hbm>>) target(%arg6 : memref<8x56x64xf32, #tpu.memory_space<vmem>>) target_semaphore(%arg8 : memref<!tpu.dma_semaphore, #tpu.memory_space<semaphore_mem>>)
    %mul3A_166 = arith.constant 8 : i32
    %mul3A_167 = arith.muli %add3A, %mul3A_166 : i32
    %add3A_168 = arith.constant 0 : i32
    %add3A_169 = arith.addi %mul3A_167, %add3A_168 : i32
    %shift_right_logical3A_170 = arith.constant 5 : i32
    %shift_right_logical3A_171 = arith.shrui %add3A_169, %shift_right_logical3A_170 : i32
    %and3A_172 = arith.constant 31 : i32
    %and3A_173 = arith.andi %add3A_169, %and3A_172 : i32
    %get3A_174 = arith.index_cast %and3A_173 : i32 to index
    %get3A_175 = tpu.vector_load %arg5[%get3A_174] {strides = array<i32>} : memref<48xi32, #tpu.memory_space<vmem>>, vector<16xi32>,
    %get3A_176 = vector.shape_cast %get3A_175 : vector<16xi32> to vector<16xi32>
    %slice3A_177 = vector.extract_strided_slice %get3A_176 {offsets = [0], sizes = [1], strides = [1]} : vector<16xi32> to vector<1xi32>
    %squeeze3A_178 = vector.extract %slice3A_177[0] : i32 from vector<1xi32>
    %mul3A_179 = arith.constant 32 : i32
    %mul3A_180 = arith.muli %shift_right_logical3A_171, %mul3A_179 : i32
    %add3A_181 = arith.addi %mul3A_180, %squeeze3A_178 : i32
    %mul3A_182 = arith.constant 56 : i32
    %mul3A_183 = arith.muli %add3A_181, %mul3A_182 : i32
    %add3A_184 = arith.constant 16 : i32
    %add3A_185 = arith.addi %mul3A_183, %add3A_184 : i32
    %dma_wait3A_186 = arith.constant 0 : i32
    %dma_wait3A_187 = arith.constant 0 : i32
    %dma_wait3A_188 = tpu.memref_slice %arg2[%add3A_185, %dma_wait3A_186, %dma_wait3A_187] : memref<14336x56x64xf32, #tpu.memory_space<hbm>> -> memref<8x56x64xf32, #tpu.memory_space<hbm>>
    %dma_wait3A_189 = arith.constant 0 : i32
    %dma_wait3A_190 = arith.constant 0 : i32
    %dma_wait3A_191 = tpu.memref_slice %arg2[%add3A_185, %dma_wait3A_189, %dma_wait3A_190] : memref<14336x56x64xf32, #tpu.memory_space<hbm>> -> memref<8x56x64xf32, #tpu.memory_space<hbm>>
    tpu.wait_dma2 semaphore(%arg8 : memref<!tpu.dma_semaphore, #tpu.memory_space<semaphore_mem>>) src(%dma_wait3A_191 : memref<8x56x64xf32, #tpu.memory_space<hbm>>) dst(%arg6 : memref<8x56x64xf32, #tpu.memory_space<vmem>>)
    %mul3A_192 = arith.constant 8 : i32
    %mul3A_193 = arith.muli %add3A, %mul3A_192 : i32
    %add3A_194 = arith.constant 0 : i32
    %add3A_195 = arith.addi %mul3A_193, %add3A_194 : i32
    %mul3A_196 = arith.constant 56 : i32
    %mul3A_197 = arith.muli %add3A_195, %mul3A_196 : i32
    %add3A_198 = arith.constant 16 : i32
    %add3A_199 = arith.addi %mul3A_197, %add3A_198 : i32
    %dma_start3A_200 = arith.constant 0 : i32
    %dma_start3A_201 = arith.constant 0 : i32
    %dma_start3A_202 = tpu.memref_slice %arg4[%add3A_199, %dma_start3A_200, %dma_start3A_201] : memref<14336x56x64xf32, #tpu.memory_space<hbm>> -> memref<8x56x64xf32, #tpu.memory_space<hbm>>
    %dma_start3A_203 = arith.constant 0 : i32
    %dma_start3A_204 = arith.constant 0 : i32
    %dma_start3A_205 = tpu.memref_slice %arg4[%add3A_199, %dma_start3A_203, %dma_start3A_204] : memref<14336x56x64xf32, #tpu.memory_space<hbm>> -> memref<8x56x64xf32, #tpu.memory_space<hbm>>
    tpu.enqueue_dma source(%arg6 : memref<8x56x64xf32, #tpu.memory_space<vmem>>) target(%dma_start3A_205 : memref<8x56x64xf32, #tpu.memory_space<hbm>>) target_semaphore(%arg10 : memref<!tpu.dma_semaphore, #tpu.memory_space<semaphore_mem>>)
    %mul3A_206 = arith.constant 8 : i32
    %mul3A_207 = arith.muli %add3A, %mul3A_206 : i32
    %add3A_208 = arith.constant 0 : i32
    %add3A_209 = arith.addi %mul3A_207, %add3A_208 : i32
    %mul3A_210 = arith.constant 56 : i32
    %mul3A_211 = arith.muli %add3A_209, %mul3A_210 : i32
    %add3A_212 = arith.constant 8 : i32
    %add3A_213 = arith.addi %mul3A_211, %add3A_212 : i32
    %dma_wait3A_214 = arith.constant 0 : i32
    %dma_wait3A_215 = arith.constant 0 : i32
    %dma_wait3A_216 = tpu.memref_slice %arg4[%add3A_213, %dma_wait3A_214, %dma_wait3A_215] : memref<14336x56x64xf32, #tpu.memory_space<hbm>> -> memref<8x56x64xf32, #tpu.memory_space<hbm>>
    %dma_wait3A_217 = arith.constant 0 : i32
    %dma_wait3A_218 = arith.constant 0 : i32
    %dma_wait3A_219 = tpu.memref_slice %arg4[%add3A_213, %dma_wait3A_217, %dma_wait3A_218] : memref<14336x56x64xf32, #tpu.memory_space<hbm>> -> memref<8x56x64xf32, #tpu.memory_space<hbm>>
    tpu.wait_dma2 semaphore(%arg11 : memref<!tpu.dma_semaphore, #tpu.memory_space<semaphore_mem>>) src(%arg7 : memref<8x56x64xf32, #tpu.memory_space<vmem>>) dst(%dma_wait3A_219 : memref<8x56x64xf32, #tpu.memory_space<hbm>>)
    %mul3A_220 = arith.constant 8 : i32
    %mul3A_221 = arith.muli %add3A, %mul3A_220 : i32
    %add3A_222 = arith.constant 0 : i32
    %add3A_223 = arith.addi %mul3A_221, %add3A_222 : i32
    %shift_right_logical3A_224 = arith.constant 5 : i32
    %shift_right_logical3A_225 = arith.shrui %add3A_223, %shift_right_logical3A_224 : i32
    %and3A_226 = arith.constant 31 : i32
    %and3A_227 = arith.andi %add3A_223, %and3A_226 : i32
    %get3A_228 = arith.index_cast %and3A_227 : i32 to index
    %get3A_229 = tpu.vector_load %arg5[%get3A_228] {strides = array<i32>} : memref<48xi32, #tpu.memory_space<vmem>>, vector<16xi32>,
    %get3A_230 = vector.shape_cast %get3A_229 : vector<16xi32> to vector<16xi32>
    %slice3A_231 = vector.extract_strided_slice %get3A_230 {offsets = [0], sizes = [1], strides = [1]} : vector<16xi32> to vector<1xi32>
    %squeeze3A_232 = vector.extract %slice3A_231[0] : i32 from vector<1xi32>
    %mul3A_233 = arith.constant 32 : i32
    %mul3A_234 = arith.muli %shift_right_logical3A_225, %mul3A_233 : i32
    %add3A_235 = arith.addi %mul3A_234, %squeeze3A_232 : i32
    %mul3A_236 = arith.constant 56 : i32
    %mul3A_237 = arith.muli %add3A_235, %mul3A_236 : i32
    %add3A_238 = arith.constant 24 : i32
    %add3A_239 = arith.addi %mul3A_237, %add3A_238 : i32
    %dma_start3A_240 = arith.constant 0 : i32
    %dma_start3A_241 = arith.constant 0 : i32
    %dma_start3A_242 = tpu.memref_slice %arg2[%add3A_239, %dma_start3A_240, %dma_start3A_241] : memref<14336x56x64xf32, #tpu.memory_space<hbm>> -> memref<8x56x64xf32, #tpu.memory_space<hbm>>
    %dma_start3A_243 = arith.constant 0 : i32
    %dma_start3A_244 = arith.constant 0 : i32
    %dma_start3A_245 = tpu.memref_slice %arg2[%add3A_239, %dma_start3A_243, %dma_start3A_244] : memref<14336x56x64xf32, #tpu.memory_space<hbm>> -> memref<8x56x64xf32, #tpu.memory_space<hbm>>
    tpu.enqueue_dma source(%dma_start3A_245 : memref<8x56x64xf32, #tpu.memory_space<hbm>>) target(%arg7 : memref<8x56x64xf32, #tpu.memory_space<vmem>>) target_semaphore(%arg9 : memref<!tpu.dma_semaphore, #tpu.memory_space<semaphore_mem>>)
    %mul3A_246 = arith.constant 8 : i32
    %mul3A_247 = arith.muli %add3A, %mul3A_246 : i32
    %add3A_248 = arith.constant 0 : i32
    %add3A_249 = arith.addi %mul3A_247, %add3A_248 : i32
    %shift_right_logical3A_250 = arith.constant 5 : i32
    %shift_right_logical3A_251 = arith.shrui %add3A_249, %shift_right_logical3A_250 : i32
    %and3A_252 = arith.constant 31 : i32
    %and3A_253 = arith.andi %add3A_249, %and3A_252 : i32
    %get3A_254 = arith.index_cast %and3A_253 : i32 to index
    %get3A_255 = tpu.vector_load %arg5[%get3A_254] {strides = array<i32>} : memref<48xi32, #tpu.memory_space<vmem>>, vector<16xi32>,
    %get3A_256 = vector.shape_cast %get3A_255 : vector<16xi32> to vector<16xi32>
    %slice3A_257 = vector.extract_strided_slice %get3A_256 {offsets = [0], sizes = [1], strides = [1]} : vector<16xi32> to vector<1xi32>
    %squeeze3A_258 = vector.extract %slice3A_257[0] : i32 from vector<1xi32>
    %mul3A_259 = arith.constant 32 : i32
    %mul3A_260 = arith.muli %shift_right_logical3A_251, %mul3A_259 : i32
    %add3A_261 = arith.addi %mul3A_260, %squeeze3A_258 : i32
    %mul3A_262 = arith.constant 56 : i32
    %mul3A_263 = arith.muli %add3A_261, %mul3A_262 : i32
    %add3A_264 = arith.constant 24 : i32
    %add3A_265 = arith.addi %mul3A_263, %add3A_264 : i32
    %dma_wait3A_266 = arith.constant 0 : i32
    %dma_wait3A_267 = arith.constant 0 : i32
    %dma_wait3A_268 = tpu.memref_slice %arg2[%add3A_265, %dma_wait3A_266, %dma_wait3A_267] : memref<14336x56x64xf32, #tpu.memory_space<hbm>> -> memref<8x56x64xf32, #tpu.memory_space<hbm>>
    %dma_wait3A_269 = arith.constant 0 : i32
    %dma_wait3A_270 = arith.constant 0 : i32
    %dma_wait3A_271 = tpu.memref_slice %arg2[%add3A_265, %dma_wait3A_269, %dma_wait3A_270] : memref<14336x56x64xf32, #tpu.memory_space<hbm>> -> memref<8x56x64xf32, #tpu.memory_space<hbm>>
    tpu.wait_dma2 semaphore(%arg9 : memref<!tpu.dma_semaphore, #tpu.memory_space<semaphore_mem>>) src(%dma_wait3A_271 : memref<8x56x64xf32, #tpu.memory_space<hbm>>) dst(%arg7 : memref<8x56x64xf32, #tpu.memory_space<vmem>>)
    %mul3A_272 = arith.constant 8 : i32
    %mul3A_273 = arith.muli %add3A, %mul3A_272 : i32
    %add3A_274 = arith.constant 0 : i32
    %add3A_275 = arith.addi %mul3A_273, %add3A_274 : i32
    %mul3A_276 = arith.constant 56 : i32
    %mul3A_277 = arith.muli %add3A_275, %mul3A_276 : i32
    %add3A_278 = arith.constant 24 : i32
    %add3A_279 = arith.addi %mul3A_277, %add3A_278 : i32
    %dma_start3A_280 = arith.constant 0 : i32
    %dma_start3A_281 = arith.constant 0 : i32
    %dma_start3A_282 = tpu.memref_slice %arg4[%add3A_279, %dma_start3A_280, %dma_start3A_281] : memref<14336x56x64xf32, #tpu.memory_space<hbm>> -> memref<8x56x64xf32, #tpu.memory_space<hbm>>
    %dma_start3A_283 = arith.constant 0 : i32
    %dma_start3A_284 = arith.constant 0 : i32
    %dma_start3A_285 = tpu.memref_slice %arg4[%add3A_279, %dma_start3A_283, %dma_start3A_284] : memref<14336x56x64xf32, #tpu.memory_space<hbm>> -> memref<8x56x64xf32, #tpu.memory_space<hbm>>
    tpu.enqueue_dma source(%arg7 : memref<8x56x64xf32, #tpu.memory_space<vmem>>) target(%dma_start3A_285 : memref<8x56x64xf32, #tpu.memory_space<hbm>>) target_semaphore(%arg11 : memref<!tpu.dma_semaphore, #tpu.memory_space<semaphore_mem>>)
    %mul3A_286 = arith.constant 8 : i32
    %mul3A_287 = arith.muli %add3A, %mul3A_286 : i32
    %add3A_288 = arith.constant 0 : i32
    %add3A_289 = arith.addi %mul3A_287, %add3A_288 : i32
    %mul3A_290 = arith.constant 56 : i32
    %mul3A_291 = arith.muli %add3A_289, %mul3A_290 : i32
    %add3A_292 = arith.constant 16 : i32
    %add3A_293 = arith.addi %mul3A_291, %add3A_292 : i32
    %dma_wait3A_294 = arith.constant 0 : i32
    %dma_wait3A_295 = arith.constant 0 : i32
    %dma_wait3A_296 = tpu.memref_slice %arg4[%add3A_293, %dma_wait3A_294, %dma_wait3A_295] : memref<14336x56x64xf32, #tpu.memory_space<hbm>> -> memref<8x56x64xf32, #tpu.memory_space<hbm>>
    %dma_wait3A_297 = arith.constant 0 : i32
    %dma_wait3A_298 = arith.constant 0 : i32
    %dma_wait3A_299 = tpu.memref_slice %arg4[%add3A_293, %dma_wait3A_297, %dma_wait3A_298] : memref<14336x56x64xf32, #tpu.memory_space<hbm>> -> memref<8x56x64xf32, #tpu.memory_space<hbm>>
    tpu.wait_dma2 semaphore(%arg10 : memref<!tpu.dma_semaphore, #tpu.memory_space<semaphore_mem>>) src(%arg6 : memref<8x56x64xf32, #tpu.memory_space<vmem>>) dst(%dma_wait3A_299 : memref<8x56x64xf32, #tpu.memory_space<hbm>>)
    %mul3A_300 = arith.constant 8 : i32
    %mul3A_301 = arith.muli %add3A, %mul3A_300 : i32
    %add3A_302 = arith.constant 0 : i32
    %add3A_303 = arith.addi %mul3A_301, %add3A_302 : i32
    %shift_right_logical3A_304 = arith.constant 5 : i32
    %shift_right_logical3A_305 = arith.shrui %add3A_303, %shift_right_logical3A_304 : i32
    %and3A_306 = arith.constant 31 : i32
    %and3A_307 = arith.andi %add3A_303, %and3A_306 : i32
    %get3A_308 = arith.index_cast %and3A_307 : i32 to index
    %get3A_309 = tpu.vector_load %arg5[%get3A_308] {strides = array<i32>} : memref<48xi32, #tpu.memory_space<vmem>>, vector<16xi32>,
    %get3A_310 = vector.shape_cast %get3A_309 : vector<16xi32> to vector<16xi32>
    %slice3A_311 = vector.extract_strided_slice %get3A_310 {offsets = [0], sizes = [1], strides = [1]} : vector<16xi32> to vector<1xi32>
    %squeeze3A_312 = vector.extract %slice3A_311[0] : i32 from vector<1xi32>
    %mul3A_313 = arith.constant 32 : i32
    %mul3A_314 = arith.muli %shift_right_logical3A_305, %mul3A_313 : i32
    %add3A_315 = arith.addi %mul3A_314, %squeeze3A_312 : i32
    %mul3A_316 = arith.constant 56 : i32
    %mul3A_317 = arith.muli %add3A_315, %mul3A_316 : i32
    %add3A_318 = arith.constant 32 : i32
    %add3A_319 = arith.addi %mul3A_317, %add3A_318 : i32
    %dma_start3A_320 = arith.constant 0 : i32
    %dma_start3A_321 = arith.constant 0 : i32
    %dma_start3A_322 = tpu.memref_slice %arg2[%add3A_319, %dma_start3A_320, %dma_start3A_321] : memref<14336x56x64xf32, #tpu.memory_space<hbm>> -> memref<8x56x64xf32, #tpu.memory_space<hbm>>
    %dma_start3A_323 = arith.constant 0 : i32
    %dma_start3A_324 = arith.constant 0 : i32
    %dma_start3A_325 = tpu.memref_slice %arg2[%add3A_319, %dma_start3A_323, %dma_start3A_324] : memref<14336x56x64xf32, #tpu.memory_space<hbm>> -> memref<8x56x64xf32, #tpu.memory_space<hbm>>
    tpu.enqueue_dma source(%dma_start3A_325 : memref<8x56x64xf32, #tpu.memory_space<hbm>>) target(%arg6 : memref<8x56x64xf32, #tpu.memory_space<vmem>>) target_semaphore(%arg8 : memref<!tpu.dma_semaphore, #tpu.memory_space<semaphore_mem>>)
    %mul3A_326 = arith.constant 8 : i32
    %mul3A_327 = arith.muli %add3A, %mul3A_326 : i32
    %add3A_328 = arith.constant 0 : i32
    %add3A_329 = arith.addi %mul3A_327, %add3A_328 : i32
    %shift_right_logical3A_330 = arith.constant 5 : i32
    %shift_right_logical3A_331 = arith.shrui %add3A_329, %shift_right_logical3A_330 : i32
    %and3A_332 = arith.constant 31 : i32
    %and3A_333 = arith.andi %add3A_329, %and3A_332 : i32
    %get3A_334 = arith.index_cast %and3A_333 : i32 to index
    %get3A_335 = tpu.vector_load %arg5[%get3A_334] {strides = array<i32>} : memref<48xi32, #tpu.memory_space<vmem>>, vector<16xi32>,
    %get3A_336 = vector.shape_cast %get3A_335 : vector<16xi32> to vector<16xi32>
    %slice3A_337 = vector.extract_strided_slice %get3A_336 {offsets = [0], sizes = [1], strides = [1]} : vector<16xi32> to vector<1xi32>
    %squeeze3A_338 = vector.extract %slice3A_337[0] : i32 from vector<1xi32>
    %mul3A_339 = arith.constant 32 : i32
    %mul3A_340 = arith.muli %shift_right_logical3A_331, %mul3A_339 : i32
    %add3A_341 = arith.addi %mul3A_340, %squeeze3A_338 : i32
    %mul3A_342 = arith.constant 56 : i32
    %mul3A_343 = arith.muli %add3A_341, %mul3A_342 : i32
    %add3A_344 = arith.constant 32 : i32
    %add3A_345 = arith.addi %mul3A_343, %add3A_344 : i32
    %dma_wait3A_346 = arith.constant 0 : i32
    %dma_wait3A_347 = arith.constant 0 : i32
    %dma_wait3A_348 = tpu.memref_slice %arg2[%add3A_345, %dma_wait3A_346, %dma_wait3A_347] : memref<14336x56x64xf32, #tpu.memory_space<hbm>> -> memref<8x56x64xf32, #tpu.memory_space<hbm>>
    %dma_wait3A_349 = arith.constant 0 : i32
    %dma_wait3A_350 = arith.constant 0 : i32
    %dma_wait3A_351 = tpu.memref_slice %arg2[%add3A_345, %dma_wait3A_349, %dma_wait3A_350] : memref<14336x56x64xf32, #tpu.memory_space<hbm>> -> memref<8x56x64xf32, #tpu.memory_space<hbm>>
    tpu.wait_dma2 semaphore(%arg8 : memref<!tpu.dma_semaphore, #tpu.memory_space<semaphore_mem>>) src(%dma_wait3A_351 : memref<8x56x64xf32, #tpu.memory_space<hbm>>) dst(%arg6 : memref<8x56x64xf32, #tpu.memory_space<vmem>>)
    %mul3A_352 = arith.constant 8 : i32
    %mul3A_353 = arith.muli %add3A, %mul3A_352 : i32
    %add3A_354 = arith.constant 0 : i32
    %add3A_355 = arith.addi %mul3A_353, %add3A_354 : i32
    %mul3A_356 = arith.constant 56 : i32
    %mul3A_357 = arith.muli %add3A_355, %mul3A_356 : i32
    %add3A_358 = arith.constant 32 : i32
    %add3A_359 = arith.addi %mul3A_357, %add3A_358 : i32
    %dma_start3A_360 = arith.constant 0 : i32
    %dma_start3A_361 = arith.constant 0 : i32
    %dma_start3A_362 = tpu.memref_slice %arg4[%add3A_359, %dma_start3A_360, %dma_start3A_361] : memref<14336x56x64xf32, #tpu.memory_space<hbm>> -> memref<8x56x64xf32, #tpu.memory_space<hbm>>
    %dma_start3A_363 = arith.constant 0 : i32
    %dma_start3A_364 = arith.constant 0 : i32
    %dma_start3A_365 = tpu.memref_slice %arg4[%add3A_359, %dma_start3A_363, %dma_start3A_364] : memref<14336x56x64xf32, #tpu.memory_space<hbm>> -> memref<8x56x64xf32, #tpu.memory_space<hbm>>
    tpu.enqueue_dma source(%arg6 : memref<8x56x64xf32, #tpu.memory_space<vmem>>) target(%dma_start3A_365 : memref<8x56x64xf32, #tpu.memory_space<hbm>>) target_semaphore(%arg10 : memref<!tpu.dma_semaphore, #tpu.memory_space<semaphore_mem>>)
    %mul3A_366 = arith.constant 8 : i32
    %mul3A_367 = arith.muli %add3A, %mul3A_366 : i32
    %add3A_368 = arith.constant 0 : i32
    %add3A_369 = arith.addi %mul3A_367, %add3A_368 : i32
    %mul3A_370 = arith.constant 56 : i32
    %mul3A_371 = arith.muli %add3A_369, %mul3A_370 : i32
    %add3A_372 = arith.constant 24 : i32
    %add3A_373 = arith.addi %mul3A_371, %add3A_372 : i32
    %dma_wait3A_374 = arith.constant 0 : i32
    %dma_wait3A_375 = arith.constant 0 : i32
    %dma_wait3A_376 = tpu.memref_slice %arg4[%add3A_373, %dma_wait3A_374, %dma_wait3A_375] : memref<14336x56x64xf32, #tpu.memory_space<hbm>> -> memref<8x56x64xf32, #tpu.memory_space<hbm>>
    %dma_wait3A_377 = arith.constant 0 : i32
    %dma_wait3A_378 = arith.constant 0 : i32
    %dma_wait3A_379 = tpu.memref_slice %arg4[%add3A_373, %dma_wait3A_377, %dma_wait3A_378] : memref<14336x56x64xf32, #tpu.memory_space<hbm>> -> memref<8x56x64xf32, #tpu.memory_space<hbm>>
    tpu.wait_dma2 semaphore(%arg11 : memref<!tpu.dma_semaphore, #tpu.memory_space<semaphore_mem>>) src(%arg7 : memref<8x56x64xf32, #tpu.memory_space<vmem>>) dst(%dma_wait3A_379 : memref<8x56x64xf32, #tpu.memory_space<hbm>>)
    %mul3A_380 = arith.constant 8 : i32
    %mul3A_381 = arith.muli %add3A, %mul3A_380 : i32
    %add3A_382 = arith.constant 0 : i32
    %add3A_383 = arith.addi %mul3A_381, %add3A_382 : i32
    %shift_right_logical3A_384 = arith.constant 5 : i32
    %shift_right_logical3A_385 = arith.shrui %add3A_383, %shift_right_logical3A_384 : i32
    %and3A_386 = arith.constant 31 : i32
    %and3A_387 = arith.andi %add3A_383, %and3A_386 : i32
    %get3A_388 = arith.index_cast %and3A_387 : i32 to index
    %get3A_389 = tpu.vector_load %arg5[%get3A_388] {strides = array<i32>} : memref<48xi32, #tpu.memory_space<vmem>>, vector<16xi32>,
    %get3A_390 = vector.shape_cast %get3A_389 : vector<16xi32> to vector<16xi32>
    %slice3A_391 = vector.extract_strided_slice %get3A_390 {offsets = [0], sizes = [1], strides = [1]} : vector<16xi32> to vector<1xi32>
    %squeeze3A_392 = vector.extract %slice3A_391[0] : i32 from vector<1xi32>
    %mul3A_393 = arith.constant 32 : i32
    %mul3A_394 = arith.muli %shift_right_logical3A_385, %mul3A_393 : i32
    %add3A_395 = arith.addi %mul3A_394, %squeeze3A_392 : i32
    %mul3A_396 = arith.constant 56 : i32
    %mul3A_397 = arith.muli %add3A_395, %mul3A_396 : i32
    %add3A_398 = arith.constant 40 : i32
    %add3A_399 = arith.addi %mul3A_397, %add3A_398 : i32
    %dma_start3A_400 = arith.constant 0 : i32
    %dma_start3A_401 = arith.constant 0 : i32
    %dma_start3A_402 = tpu.memref_slice %arg2[%add3A_399, %dma_start3A_400, %dma_start3A_401] : memref<14336x56x64xf32, #tpu.memory_space<hbm>> -> memref<8x56x64xf32, #tpu.memory_space<hbm>>
    %dma_start3A_403 = arith.constant 0 : i32
    %dma_start3A_404 = arith.constant 0 : i32
    %dma_start3A_405 = tpu.memref_slice %arg2[%add3A_399, %dma_start3A_403, %dma_start3A_404] : memref<14336x56x64xf32, #tpu.memory_space<hbm>> -> memref<8x56x64xf32, #tpu.memory_space<hbm>>
    tpu.enqueue_dma source(%dma_start3A_405 : memref<8x56x64xf32, #tpu.memory_space<hbm>>) target(%arg7 : memref<8x56x64xf32, #tpu.memory_space<vmem>>) target_semaphore(%arg9 : memref<!tpu.dma_semaphore, #tpu.memory_space<semaphore_mem>>)
    %mul3A_406 = arith.constant 8 : i32
    %mul3A_407 = arith.muli %add3A, %mul3A_406 : i32
    %add3A_408 = arith.constant 0 : i32
    %add3A_409 = arith.addi %mul3A_407, %add3A_408 : i32
    %shift_right_logical3A_410 = arith.constant 5 : i32
    %shift_right_logical3A_411 = arith.shrui %add3A_409, %shift_right_logical3A_410 : i32
    %and3A_412 = arith.constant 31 : i32
    %and3A_413 = arith.andi %add3A_409, %and3A_412 : i32
    %get3A_414 = arith.index_cast %and3A_413 : i32 to index
    %get3A_415 = tpu.vector_load %arg5[%get3A_414] {strides = array<i32>} : memref<48xi32, #tpu.memory_space<vmem>>, vector<16xi32>,
    %get3A_416 = vector.shape_cast %get3A_415 : vector<16xi32> to vector<16xi32>
    %slice3A_417 = vector.extract_strided_slice %get3A_416 {offsets = [0], sizes = [1], strides = [1]} : vector<16xi32> to vector<1xi32>
    %squeeze3A_418 = vector.extract %slice3A_417[0] : i32 from vector<1xi32>
    %mul3A_419 = arith.constant 32 : i32
    %mul3A_420 = arith.muli %shift_right_logical3A_411, %mul3A_419 : i32
    %add3A_421 = arith.addi %mul3A_420, %squeeze3A_418 : i32
    %mul3A_422 = arith.constant 56 : i32
    %mul3A_423 = arith.muli %add3A_421, %mul3A_422 : i32
    %add3A_424 = arith.constant 40 : i32
    %add3A_425 = arith.addi %mul3A_423, %add3A_424 : i32
    %dma_wait3A_426 = arith.constant 0 : i32
    %dma_wait3A_427 = arith.constant 0 : i32
    %dma_wait3A_428 = tpu.memref_slice %arg2[%add3A_425, %dma_wait3A_426, %dma_wait3A_427] : memref<14336x56x64xf32, #tpu.memory_space<hbm>> -> memref<8x56x64xf32, #tpu.memory_space<hbm>>
    %dma_wait3A_429 = arith.constant 0 : i32
    %dma_wait3A_430 = arith.constant 0 : i32
    %dma_wait3A_431 = tpu.memref_slice %arg2[%add3A_425, %dma_wait3A_429, %dma_wait3A_430] : memref<14336x56x64xf32, #tpu.memory_space<hbm>> -> memref<8x56x64xf32, #tpu.memory_space<hbm>>
    tpu.wait_dma2 semaphore(%arg9 : memref<!tpu.dma_semaphore, #tpu.memory_space<semaphore_mem>>) src(%dma_wait3A_431 : memref<8x56x64xf32, #tpu.memory_space<hbm>>) dst(%arg7 : memref<8x56x64xf32, #tpu.memory_space<vmem>>)
    %mul3A_432 = arith.constant 8 : i32
    %mul3A_433 = arith.muli %add3A, %mul3A_432 : i32
    %add3A_434 = arith.constant 0 : i32
    %add3A_435 = arith.addi %mul3A_433, %add3A_434 : i32
    %mul3A_436 = arith.constant 56 : i32
    %mul3A_437 = arith.muli %add3A_435, %mul3A_436 : i32
    %add3A_438 = arith.constant 40 : i32
    %add3A_439 = arith.addi %mul3A_437, %add3A_438 : i32
    %dma_start3A_440 = arith.constant 0 : i32
    %dma_start3A_441 = arith.constant 0 : i32
    %dma_start3A_442 = tpu.memref_slice %arg4[%add3A_439, %dma_start3A_440, %dma_start3A_441] : memref<14336x56x64xf32, #tpu.memory_space<hbm>> -> memref<8x56x64xf32, #tpu.memory_space<hbm>>
    %dma_start3A_443 = arith.constant 0 : i32
    %dma_start3A_444 = arith.constant 0 : i32
    %dma_start3A_445 = tpu.memref_slice %arg4[%add3A_439, %dma_start3A_443, %dma_start3A_444] : memref<14336x56x64xf32, #tpu.memory_space<hbm>> -> memref<8x56x64xf32, #tpu.memory_space<hbm>>
    tpu.enqueue_dma source(%arg7 : memref<8x56x64xf32, #tpu.memory_space<vmem>>) target(%dma_start3A_445 : memref<8x56x64xf32, #tpu.memory_space<hbm>>) target_semaphore(%arg11 : memref<!tpu.dma_semaphore, #tpu.memory_space<semaphore_mem>>)
    %mul3A_446 = arith.constant 8 : i32
    %mul3A_447 = arith.muli %add3A, %mul3A_446 : i32
    %add3A_448 = arith.constant 0 : i32
    %add3A_449 = arith.addi %mul3A_447, %add3A_448 : i32
    %mul3A_450 = arith.constant 56 : i32
    %mul3A_451 = arith.muli %add3A_449, %mul3A_450 : i32
    %add3A_452 = arith.constant 32 : i32
    %add3A_453 = arith.addi %mul3A_451, %add3A_452 : i32
    %dma_wait3A_454 = arith.constant 0 : i32
    %dma_wait3A_455 = arith.constant 0 : i32
    %dma_wait3A_456 = tpu.memref_slice %arg4[%add3A_453, %dma_wait3A_454, %dma_wait3A_455] : memref<14336x56x64xf32, #tpu.memory_space<hbm>> -> memref<8x56x64xf32, #tpu.memory_space<hbm>>
    %dma_wait3A_457 = arith.constant 0 : i32
    %dma_wait3A_458 = arith.constant 0 : i32
    %dma_wait3A_459 = tpu.memref_slice %arg4[%add3A_453, %dma_wait3A_457, %dma_wait3A_458] : memref<14336x56x64xf32, #tpu.memory_space<hbm>> -> memref<8x56x64xf32, #tpu.memory_space<hbm>>
    tpu.wait_dma2 semaphore(%arg10 : memref<!tpu.dma_semaphore, #tpu.memory_space<semaphore_mem>>) src(%arg6 : memref<8x56x64xf32, #tpu.memory_space<vmem>>) dst(%dma_wait3A_459 : memref<8x56x64xf32, #tpu.memory_space<hbm>>)
    %mul3A_460 = arith.constant 8 : i32
    %mul3A_461 = arith.muli %add3A, %mul3A_460 : i32
    %add3A_462 = arith.constant 0 : i32
    %add3A_463 = arith.addi %mul3A_461, %add3A_462 : i32
    %shift_right_logical3A_464 = arith.constant 5 : i32
    %shift_right_logical3A_465 = arith.shrui %add3A_463, %shift_right_logical3A_464 : i32
    %and3A_466 = arith.constant 31 : i32
    %and3A_467 = arith.andi %add3A_463, %and3A_466 : i32
    %get3A_468 = arith.index_cast %and3A_467 : i32 to index
    %get3A_469 = tpu.vector_load %arg5[%get3A_468] {strides = array<i32>} : memref<48xi32, #tpu.memory_space<vmem>>, vector<16xi32>,
    %get3A_470 = vector.shape_cast %get3A_469 : vector<16xi32> to vector<16xi32>
    %slice3A_471 = vector.extract_strided_slice %get3A_470 {offsets = [0], sizes = [1], strides = [1]} : vector<16xi32> to vector<1xi32>
    %squeeze3A_472 = vector.extract %slice3A_471[0] : i32 from vector<1xi32>
    %mul3A_473 = arith.constant 32 : i32
    %mul3A_474 = arith.muli %shift_right_logical3A_465, %mul3A_473 : i32
    %add3A_475 = arith.addi %mul3A_474, %squeeze3A_472 : i32
    %mul3A_476 = arith.constant 56 : i32
    %mul3A_477 = arith.muli %add3A_475, %mul3A_476 : i32
    %add3A_478 = arith.constant 48 : i32
    %add3A_479 = arith.addi %mul3A_477, %add3A_478 : i32
    %dma_start3A_480 = arith.constant 0 : i32
    %dma_start3A_481 = arith.constant 0 : i32
    %dma_start3A_482 = tpu.memref_slice %arg2[%add3A_479, %dma_start3A_480, %dma_start3A_481] : memref<14336x56x64xf32, #tpu.memory_space<hbm>> -> memref<8x56x64xf32, #tpu.memory_space<hbm>>
    %dma_start3A_483 = arith.constant 0 : i32
    %dma_start3A_484 = arith.constant 0 : i32
    %dma_start3A_485 = tpu.memref_slice %arg2[%add3A_479, %dma_start3A_483, %dma_start3A_484] : memref<14336x56x64xf32, #tpu.memory_space<hbm>> -> memref<8x56x64xf32, #tpu.memory_space<hbm>>
    tpu.enqueue_dma source(%dma_start3A_485 : memref<8x56x64xf32, #tpu.memory_space<hbm>>) target(%arg6 : memref<8x56x64xf32, #tpu.memory_space<vmem>>) target_semaphore(%arg8 : memref<!tpu.dma_semaphore, #tpu.memory_space<semaphore_mem>>)
    %mul3A_486 = arith.constant 8 : i32
    %mul3A_487 = arith.muli %add3A, %mul3A_486 : i32
    %add3A_488 = arith.constant 0 : i32
    %add3A_489 = arith.addi %mul3A_487, %add3A_488 : i32
    %shift_right_logical3A_490 = arith.constant 5 : i32
    %shift_right_logical3A_491 = arith.shrui %add3A_489, %shift_right_logical3A_490 : i32
    %and3A_492 = arith.constant 31 : i32
    %and3A_493 = arith.andi %add3A_489, %and3A_492 : i32
    %get3A_494 = arith.index_cast %and3A_493 : i32 to index
    %get3A_495 = tpu.vector_load %arg5[%get3A_494] {strides = array<i32>} : memref<48xi32, #tpu.memory_space<vmem>>, vector<16xi32>,
    %get3A_496 = vector.shape_cast %get3A_495 : vector<16xi32> to vector<16xi32>
    %slice3A_497 = vector.extract_strided_slice %get3A_496 {offsets = [0], sizes = [1], strides = [1]} : vector<16xi32> to vector<1xi32>
    %squeeze3A_498 = vector.extract %slice3A_497[0] : i32 from vector<1xi32>
    %mul3A_499 = arith.constant 32 : i32
    %mul3A_500 = arith.muli %shift_right_logical3A_491, %mul3A_499 : i32
    %add3A_501 = arith.addi %mul3A_500, %squeeze3A_498 : i32
    %mul3A_502 = arith.constant 56 : i32
    %mul3A_503 = arith.muli %add3A_501, %mul3A_502 : i32
    %add3A_504 = arith.constant 48 : i32
    %add3A_505 = arith.addi %mul3A_503, %add3A_504 : i32
    %dma_wait3A_506 = arith.constant 0 : i32
    %dma_wait3A_507 = arith.constant 0 : i32
    %dma_wait3A_508 = tpu.memref_slice %arg2[%add3A_505, %dma_wait3A_506, %dma_wait3A_507] : memref<14336x56x64xf32, #tpu.memory_space<hbm>> -> memref<8x56x64xf32, #tpu.memory_space<hbm>>
    %dma_wait3A_509 = arith.constant 0 : i32
    %dma_wait3A_510 = arith.constant 0 : i32
    %dma_wait3A_511 = tpu.memref_slice %arg2[%add3A_505, %dma_wait3A_509, %dma_wait3A_510] : memref<14336x56x64xf32, #tpu.memory_space<hbm>> -> memref<8x56x64xf32, #tpu.memory_space<hbm>>
    tpu.wait_dma2 semaphore(%arg8 : memref<!tpu.dma_semaphore, #tpu.memory_space<semaphore_mem>>) src(%dma_wait3A_511 : memref<8x56x64xf32, #tpu.memory_space<hbm>>) dst(%arg6 : memref<8x56x64xf32, #tpu.memory_space<vmem>>)
    %mul3A_512 = arith.constant 8 : i32
    %mul3A_513 = arith.muli %add3A, %mul3A_512 : i32
    %add3A_514 = arith.constant 0 : i32
    %add3A_515 = arith.addi %mul3A_513, %add3A_514 : i32
    %mul3A_516 = arith.constant 56 : i32
    %mul3A_517 = arith.muli %add3A_515, %mul3A_516 : i32
    %add3A_518 = arith.constant 48 : i32
    %add3A_519 = arith.addi %mul3A_517, %add3A_518 : i32
    %dma_start3A_520 = arith.constant 0 : i32
    %dma_start3A_521 = arith.constant 0 : i32
    %dma_start3A_522 = tpu.memref_slice %arg4[%add3A_519, %dma_start3A_520, %dma_start3A_521] : memref<14336x56x64xf32, #tpu.memory_space<hbm>> -> memref<8x56x64xf32, #tpu.memory_space<hbm>>
    %dma_start3A_523 = arith.constant 0 : i32
    %dma_start3A_524 = arith.constant 0 : i32
    %dma_start3A_525 = tpu.memref_slice %arg4[%add3A_519, %dma_start3A_523, %dma_start3A_524] : memref<14336x56x64xf32, #tpu.memory_space<hbm>> -> memref<8x56x64xf32, #tpu.memory_space<hbm>>
    tpu.enqueue_dma source(%arg6 : memref<8x56x64xf32, #tpu.memory_space<vmem>>) target(%dma_start3A_525 : memref<8x56x64xf32, #tpu.memory_space<hbm>>) target_semaphore(%arg10 : memref<!tpu.dma_semaphore, #tpu.memory_space<semaphore_mem>>)
    %mul3A_526 = arith.constant 8 : i32
    %mul3A_527 = arith.muli %add3A, %mul3A_526 : i32
    %add3A_528 = arith.constant 0 : i32
    %add3A_529 = arith.addi %mul3A_527, %add3A_528 : i32
    %mul3A_530 = arith.constant 56 : i32
    %mul3A_531 = arith.muli %add3A_529, %mul3A_530 : i32
    %add3A_532 = arith.constant 40 : i32
    %add3A_533 = arith.addi %mul3A_531, %add3A_532 : i32
    %dma_wait3A_534 = arith.constant 0 : i32
    %dma_wait3A_535 = arith.constant 0 : i32
    %dma_wait3A_536 = tpu.memref_slice %arg4[%add3A_533, %dma_wait3A_534, %dma_wait3A_535] : memref<14336x56x64xf32, #tpu.memory_space<hbm>> -> memref<8x56x64xf32, #tpu.memory_space<hbm>>
    %dma_wait3A_537 = arith.constant 0 : i32
    %dma_wait3A_538 = arith.constant 0 : i32
    %dma_wait3A_539 = tpu.memref_slice %arg4[%add3A_533, %dma_wait3A_537, %dma_wait3A_538] : memref<14336x56x64xf32, #tpu.memory_space<hbm>> -> memref<8x56x64xf32, #tpu.memory_space<hbm>>
    tpu.wait_dma2 semaphore(%arg11 : memref<!tpu.dma_semaphore, #tpu.memory_space<semaphore_mem>>) src(%arg7 : memref<8x56x64xf32, #tpu.memory_space<vmem>>) dst(%dma_wait3A_539 : memref<8x56x64xf32, #tpu.memory_space<hbm>>)
    %mul3A_540 = arith.constant 8 : i32
    %mul3A_541 = arith.muli %add3A, %mul3A_540 : i32
    %add3A_542 = arith.constant 1 : i32
    %add3A_543 = arith.addi %mul3A_541, %add3A_542 : i32
    %shift_right_logical3A_544 = arith.constant 5 : i32
    %shift_right_logical3A_545 = arith.shrui %add3A_543, %shift_right_logical3A_544 : i32
    %and3A_546 = arith.constant 31 : i32
    %and3A_547 = arith.andi %add3A_543, %and3A_546 : i32
    %get3A_548 = arith.index_cast %and3A_547 : i32 to index
    %get3A_549 = tpu.vector_load %arg5[%get3A_548] {strides = array<i32>} : memref<48xi32, #tpu.memory_space<vmem>>, vector<16xi32>,
    %get3A_550 = vector.shape_cast %get3A_549 : vector<16xi32> to vector<16xi32>
    %slice3A_551 = vector.extract_strided_slice %get3A_550 {offsets = [0], sizes = [1], strides = [1]} : vector<16xi32> to vector<1xi32>
    %squeeze3A_552 = vector.extract %slice3A_551[0] : i32 from vector<1xi32>
    %mul3A_553 = arith.constant 32 : i32
    %mul3A_554 = arith.muli %shift_right_logical3A_545, %mul3A_553 : i32
    %add3A_555 = arith.addi %mul3A_554, %squeeze3A_552 : i32
    %mul3A_556 = arith.constant 56 : i32
    %mul3A_557 = arith.muli %add3A_555, %mul3A_556 : i32
    %add3A_558 = arith.constant 0 : i32
    %add3A_559 = arith.addi %mul3A_557, %add3A_558 : i32
    %dma_start3A_560 = arith.constant 0 : i32
    %dma_start3A_561 = arith.constant 0 : i32
    %dma_start3A_562 = tpu.memref_slice %arg2[%add3A_559, %dma_start3A_560, %dma_start3A_561] : memref<14336x56x64xf32, #tpu.memory_space<hbm>> -> memref<8x56x64xf32, #tpu.memory_space<hbm>>
    %dma_start3A_563 = arith.constant 0 : i32
    %dma_start3A_564 = arith.constant 0 : i32
    %dma_start3A_565 = tpu.memref_slice %arg2[%add3A_559, %dma_start3A_563, %dma_start3A_564] : memref<14336x56x64xf32, #tpu.memory_space<hbm>> -> memref<8x56x64xf32, #tpu.memory_space<hbm>>
    tpu.enqueue_dma source(%dma_start3A_565 : memref<8x56x64xf32, #tpu.memory_space<hbm>>) target(%arg7 : memref<8x56x64xf32, #tpu.memory_space<vmem>>) target_semaphore(%arg9 : memref<!tpu.dma_semaphore, #tpu.memory_space<semaphore_mem>>)
    %mul3A_566 = arith.constant 8 : i32
    %mul3A_567 = arith.muli %add3A, %mul3A_566 : i32
    %add3A_568 = arith.constant 1 : i32
    %add3A_569 = arith.addi %mul3A_567, %add3A_568 : i32
    %shift_right_logical3A_570 = arith.constant 5 : i32
    %shift_right_logical3A_571 = arith.shrui %add3A_569, %shift_right_logical3A_570 : i32
    %and3A_572 = arith.constant 31 : i32
    %and3A_573 = arith.andi %add3A_569, %and3A_572 : i32
    %get3A_574 = arith.index_cast %and3A_573 : i32 to index
    %get3A_575 = tpu.vector_load %arg5[%get3A_574] {strides = array<i32>} : memref<48xi32, #tpu.memory_space<vmem>>, vector<16xi32>,
    %get3A_576 = vector.shape_cast %get3A_575 : vector<16xi32> to vector<16xi32>
    %slice3A_577 = vector.extract_strided_slice %get3A_576 {offsets = [0], sizes = [1], strides = [1]} : vector<16xi32> to vector<1xi32>
    %squeeze3A_578 = vector.extract %slice3A_577[0] : i32 from vector<1xi32>
    %mul3A_579 = arith.constant 32 : i32
    %mul3A_580 = arith.muli %shift_right_logical3A_571, %mul3A_579 : i32
    %add3A_581 = arith.addi %mul3A_580, %squeeze3A_578 : i32
    %mul3A_582 = arith.constant 56 : i32
    %mul3A_583 = arith.muli %add3A_581, %mul3A_582 : i32
    %add3A_584 = arith.constant 0 : i32
    %add3A_585 = arith.addi %mul3A_583, %add3A_584 : i32
    %dma_wait3A_586 = arith.constant 0 : i32
    %dma_wait3A_587 = arith.constant 0 : i32
    %dma_wait3A_588 = tpu.memref_slice %arg2[%add3A_585, %dma_wait3A_586, %dma_wait3A_587] : memref<14336x56x64xf32, #tpu.memory_space<hbm>> -> memref<8x56x64xf32, #tpu.memory_space<hbm>>
    %dma_wait3A_589 = arith.constant 0 : i32
    %dma_wait3A_590 = arith.constant 0 : i32
    %dma_wait3A_591 = tpu.memref_slice %arg2[%add3A_585, %dma_wait3A_589, %dma_wait3A_590] : memref<14336x56x64xf32, #tpu.memory_space<hbm>> -> memref<8x56x64xf32, #tpu.memory_space<hbm>>
    tpu.wait_dma2 semaphore(%arg9 : memref<!tpu.dma_semaphore, #tpu.memory_space<semaphore_mem>>) src(%dma_wait3A_591 : memref<8x56x64xf32, #tpu.memory_space<hbm>>) dst(%arg7 : memref<8x56x64xf32, #tpu.memory_space<vmem>>)
    %mul3A_592 = arith.constant 8 : i32
    %mul3A_593 = arith.muli %add3A, %mul3A_592 : i32
    %add3A_594 = arith.constant 1 : i32
    %add3A_595 = arith.addi %mul3A_593, %add3A_594 : i32
    %mul3A_596 = arith.constant 56 : i32
    %mul3A_597 = arith.muli %add3A_595, %mul3A_596 : i32
    %add3A_598 = arith.constant 0 : i32
    %add3A_599 = arith.addi %mul3A_597, %add3A_598 : i32
    %dma_start3A_600 = arith.constant 0 : i32
    %dma_start3A_601 = arith.constant 0 : i32
    %dma_start3A_602 = tpu.memref_slice %arg4[%add3A_599, %dma_start3A_600, %dma_start3A_601] : memref<14336x56x64xf32, #tpu.memory_space<hbm>> -> memref<8x56x64xf32, #tpu.memory_space<hbm>>
    %dma_start3A_603 = arith.constant 0 : i32
    %dma_start3A_604 = arith.constant 0 : i32
    %dma_start3A_605 = tpu.memref_slice %arg4[%add3A_599, %dma_start3A_603, %dma_start3A_604] : memref<14336x56x64xf32, #tpu.memory_space<hbm>> -> memref<8x56x64xf32, #tpu.memory_space<hbm>>
    tpu.enqueue_dma source(%arg7 : memref<8x56x64xf32, #tpu.memory_space<vmem>>) target(%dma_start3A_605 : memref<8x56x64xf32, #tpu.memory_space<hbm>>) target_semaphore(%arg11 : memref<!tpu.dma_semaphore, #tpu.memory_space<semaphore_mem>>)
    %mul3A_606 = arith.constant 8 : i32
    %mul3A_607 = arith.muli %add3A, %mul3A_606 : i32
    %add3A_608 = arith.constant 0 : i32
    %add3A_609 = arith.addi %mul3A_607, %add3A_608 : i32
    %mul3A_610 = arith.constant 56 : i32
    %mul3A_611 = arith.muli %add3A_609, %mul3A_610 : i32
    %add3A_612 = arith.constant 48 : i32
    %add3A_613 = arith.addi %mul3A_611, %add3A_612 : i32
    %dma_wait3A_614 = arith.constant 0 : i32
    %dma_wait3A_615 = arith.constant 0 : i32
    %dma_wait3A_616 = tpu.memref_slice %arg4[%add3A_613, %dma_wait3A_614, %dma_wait3A_615] : memref<14336x56x64xf32, #tpu.memory_space<hbm>> -> memref<8x56x64xf32, #tpu.memory_space<hbm>>
    %dma_wait3A_617 = arith.constant 0 : i32
    %dma_wait3A_618 = arith.constant 0 : i32
    %dma_wait3A_619 = tpu.memref_slice %arg4[%add3A_613, %dma_wait3A_617, %dma_wait3A_618] : memref<14336x56x64xf32, #tpu.memory_space<hbm>> -> memref<8x56x64xf32, #tpu.memory_space<hbm>>
    tpu.wait_dma2 semaphore(%arg10 : memref<!tpu.dma_semaphore, #tpu.memory_space<semaphore_mem>>) src(%arg6 : memref<8x56x64xf32, #tpu.memory_space<vmem>>) dst(%dma_wait3A_619 : memref<8x56x64xf32, #tpu.memory_space<hbm>>)
    %mul3A_620 = arith.constant 8 : i32
    %mul3A_621 = arith.muli %add3A, %mul3A_620 : i32
    %add3A_622 = arith.constant 1 : i32
    %add3A_623 = arith.addi %mul3A_621, %add3A_622 : i32
    %shift_right_logical3A_624 = arith.constant 5 : i32
    %shift_right_logical3A_625 = arith.shrui %add3A_623, %shift_right_logical3A_624 : i32
    %and3A_626 = arith.constant 31 : i32
    %and3A_627 = arith.andi %add3A_623, %and3A_626 : i32
    %get3A_628 = arith.index_cast %and3A_627 : i32 to index
    %get3A_629 = tpu.vector_load %arg5[%get3A_628] {strides = array<i32>} : memref<48xi32, #tpu.memory_space<vmem>>, vector<16xi32>,
    %get3A_630 = vector.shape_cast %get3A_629 : vector<16xi32> to vector<16xi32>
    %slice3A_631 = vector.extract_strided_slice %get3A_630 {offsets = [0], sizes = [1], strides = [1]} : vector<16xi32> to vector<1xi32>
    %squeeze3A_632 = vector.extract %slice3A_631[0] : i32 from vector<1xi32>
    %mul3A_633 = arith.constant 32 : i32
    %mul3A_634 = arith.muli %shift_right_logical3A_625, %mul3A_633 : i32
    %add3A_635 = arith.addi %mul3A_634, %squeeze3A_632 : i32
    %mul3A_636 = arith.constant 56 : i32
    %mul3A_637 = arith.muli %add3A_635, %mul3A_636 : i32
    %add3A_638 = arith.constant 8 : i32
    %add3A_639 = arith.addi %mul3A_637, %add3A_638 : i32
    %dma_start3A_640 = arith.constant 0 : i32
    %dma_start3A_641 = arith.constant 0 : i32
    %dma_start3A_642 = tpu.memref_slice %arg2[%add3A_639, %dma_start3A_640, %dma_start3A_641] : memref<14336x56x64xf32, #tpu.memory_space<hbm>> -> memref<8x56x64xf32, #tpu.memory_space<hbm>>
    %dma_start3A_643 = arith.constant 0 : i32
    %dma_start3A_644 = arith.constant 0 : i32
    %dma_start3A_645 = tpu.memref_slice %arg2[%add3A_639, %dma_start3A_643, %dma_start3A_644] : memref<14336x56x64xf32, #tpu.memory_space<hbm>> -> memref<8x56x64xf32, #tpu.memory_space<hbm>>
    tpu.enqueue_dma source(%dma_start3A_645 : memref<8x56x64xf32, #tpu.memory_space<hbm>>) target(%arg6 : memref<8x56x64xf32, #tpu.memory_space<vmem>>) target_semaphore(%arg8 : memref<!tpu.dma_semaphore, #tpu.memory_space<semaphore_mem>>)
    %mul3A_646 = arith.constant 8 : i32
    %mul3A_647 = arith.muli %add3A, %mul3A_646 : i32
    %add3A_648 = arith.constant 1 : i32
    %add3A_649 = arith.addi %mul3A_647, %add3A_648 : i32
    %shift_right_logical3A_650 = arith.constant 5 : i32
    %shift_right_logical3A_651 = arith.shrui %add3A_649, %shift_right_logical3A_650 : i32
    %and3A_652 = arith.constant 31 : i32
    %and3A_653 = arith.andi %add3A_649, %and3A_652 : i32
    %get3A_654 = arith.index_cast %and3A_653 : i32 to index
    %get3A_655 = tpu.vector_load %arg5[%get3A_654] {strides = array<i32>} : memref<48xi32, #tpu.memory_space<vmem>>, vector<16xi32>,
    %get3A_656 = vector.shape_cast %get3A_655 : vector<16xi32> to vector<16xi32>
    %slice3A_657 = vector.extract_strided_slice %get3A_656 {offsets = [0], sizes = [1], strides = [1]} : vector<16xi32> to vector<1xi32>
    %squeeze3A_658 = vector.extract %slice3A_657[0] : i32 from vector<1xi32>
    %mul3A_659 = arith.constant 32 : i32
    %mul3A_660 = arith.muli %shift_right_logical3A_651, %mul3A_659 : i32
    %add3A_661 = arith.addi %mul3A_660, %squeeze3A_658 : i32
    %mul3A_662 = arith.constant 56 : i32
    %mul3A_663 = arith.muli %add3A_661, %mul3A_662 : i32
    %add3A_664 = arith.constant 8 : i32
    %add3A_665 = arith.addi %mul3A_663, %add3A_664 : i32
    %dma_wait3A_666 = arith.constant 0 : i32
    %dma_wait3A_667 = arith.constant 0 : i32
    %dma_wait3A_668 = tpu.memref_slice %arg2[%add3A_665, %dma_wait3A_666, %dma_wait3A_667] : memref<14336x56x64xf32, #tpu.memory_space<hbm>> -> memref<8x56x64xf32, #tpu.memory_space<hbm>>
    %dma_wait3A_669 = arith.constant 0 : i32
    %dma_wait3A_670 = arith.constant 0 : i32
    %dma_wait3A_671 = tpu.memref_slice %arg2[%add3A_665, %dma_wait3A_669, %dma_wait3A_670] : memref<14336x56x64xf32, #tpu.memory_space<hbm>> -> memref<8x56x64xf32, #tpu.memory_space<hbm>>
    tpu.wait_dma2 semaphore(%arg8 : memref<!tpu.dma_semaphore, #tpu.memory_space<semaphore_mem>>) src(%dma_wait3A_671 : memref<8x56x64xf32, #tpu.memory_space<hbm>>) dst(%arg6 : memref<8x56x64xf32, #tpu.memory_space<vmem>>)
    %mul3A_672 = arith.constant 8 : i32
    %mul3A_673 = arith.muli %add3A, %mul3A_672 : i32
    %add3A_674 = arith.constant 1 : i32
    %add3A_675 = arith.addi %mul3A_673, %add3A_674 : i32
    %mul3A_676 = arith.constant 56 : i32
    %mul3A_677 = arith.muli %add3A_675, %mul3A_676 : i32
    %add3A_678 = arith.constant 8 : i32
    %add3A_679 = arith.addi %mul3A_677, %add3A_678 : i32
    %dma_start3A_680 = arith.constant 0 : i32
    %dma_start3A_681 = arith.constant 0 : i32
    %dma_start3A_682 = tpu.memref_slice %arg4[%add3A_679, %dma_start3A_680, %dma_start3A_681] : memref<14336x56x64xf32, #tpu.memory_space<hbm>> -> memref<8x56x64xf32, #tpu.memory_space<hbm>>
    %dma_start3A_683 = arith.constant 0 : i32
    %dma_start3A_684 = arith.constant 0 : i32
    %dma_start3A_685 = tpu.memref_slice %arg4[%add3A_679, %dma_start3A_683, %dma_start3A_684] : memref<14336x56x64xf32, #tpu.memory_space<hbm>> -> memref<8x56x64xf32, #tpu.memory_space<hbm>>
    tpu.enqueue_dma source(%arg6 : memref<8x56x64xf32, #tpu.memory_space<vmem>>) target(%dma_start3A_685 : memref<8x56x64xf32, #tpu.memory_space<hbm>>) target_semaphore(%arg10 : memref<!tpu.dma_semaphore, #tpu.memory_space<semaphore_mem>>)
    %mul3A_686 = arith.constant 8 : i32
    %mul3A_687 = arith.muli %add3A, %mul3A_686 : i32
    %add3A_688 = arith.constant 1 : i32
    %add3A_689 = arith.addi %mul3A_687, %add3A_688 : i32
    %mul3A_690 = arith.constant 56 : i32
    %mul3A_691 = arith.muli %add3A_689, %mul3A_690 : i32
    %add3A_692 = arith.constant 0 : i32
    %add3A_693 = arith.addi %mul3A_691, %add3A_692 : i32
    %dma_wait3A_694 = arith.constant 0 : i32
    %dma_wait3A_695 = arith.constant 0 : i32
    %dma_wait3A_696 = tpu.memref_slice %arg4[%add3A_693, %dma_wait3A_694, %dma_wait3A_695] : memref<14336x56x64xf32, #tpu.memory_space<hbm>> -> memref<8x56x64xf32, #tpu.memory_space<hbm>>
    %dma_wait3A_697 = arith.constant 0 : i32
    %dma_wait3A_698 = arith.constant 0 : i32
    %dma_wait3A_699 = tpu.memref_slice %arg4[%add3A_693, %dma_wait3A_697, %dma_wait3A_698] : memref<14336x56x64xf32, #tpu.memory_space<hbm>> -> memref<8x56x64xf32, #tpu.memory_space<hbm>>
    tpu.wait_dma2 semaphore(%arg11 : memref<!tpu.dma_semaphore, #tpu.memory_space<semaphore_mem>>) src(%arg7 : memref<8x56x64xf32, #tpu.memory_space<vmem>>) dst(%dma_wait3A_699 : memref<8x56x64xf32, #tpu.memory_space<hbm>>)
    %mul3A_700 = arith.constant 8 : i32
    %mul3A_701 = arith.muli %add3A, %mul3A_700 : i32
    %add3A_702 = arith.constant 1 : i32
    %add3A_703 = arith.addi %mul3A_701, %add3A_702 : i32
    %shift_right_logical3A_704 = arith.constant 5 : i32
    %shift_right_logical3A_705 = arith.shrui %add3A_703, %shift_right_logical3A_704 : i32
    %and3A_706 = arith.constant 31 : i32
    %and3A_707 = arith.andi %add3A_703, %and3A_706 : i32
    %get3A_708 = arith.index_cast %and3A_707 : i32 to index
    %get3A_709 = tpu.vector_load %arg5[%get3A_708] {strides = array<i32>} : memref<48xi32, #tpu.memory_space<vmem>>, vector<16xi32>,
    %get3A_710 = vector.shape_cast %get3A_709 : vector<16xi32> to vector<16xi32>
    %slice3A_711 = vector.extract_strided_slice %get3A_710 {offsets = [0], sizes = [1], strides = [1]} : vector<16xi32> to vector<1xi32>
    %squeeze3A_712 = vector.extract %slice3A_711[0] : i32 from vector<1xi32>
    %mul3A_713 = arith.constant 32 : i32
    %mul3A_714 = arith.muli %shift_right_logical3A_705, %mul3A_713 : i32
    %add3A_715 = arith.addi %mul3A_714, %squeeze3A_712 : i32
    %mul3A_716 = arith.constant 56 : i32
    %mul3A_717 = arith.muli %add3A_715, %mul3A_716 : i32
    %add3A_718 = arith.constant 16 : i32
    %add3A_719 = arith.addi %mul3A_717, %add3A_718 : i32
    %dma_start3A_720 = arith.constant 0 : i32
    %dma_start3A_721 = arith.constant 0 : i32
    %dma_start3A_722 = tpu.memref_slice %arg2[%add3A_719, %dma_start3A_720, %dma_start3A_721] : memref<14336x56x64xf32, #tpu.memory_space<hbm>> -> memref<8x56x64xf32, #tpu.memory_space<hbm>>
    %dma_start3A_723 = arith.constant 0 : i32
    %dma_start3A_724 = arith.constant 0 : i32
    %dma_start3A_725 = tpu.memref_slice %arg2[%add3A_719, %dma_start3A_723, %dma_start3A_724] : memref<14336x56x64xf32, #tpu.memory_space<hbm>> -> memref<8x56x64xf32, #tpu.memory_space<hbm>>
    tpu.enqueue_dma source(%dma_start3A_725 : memref<8x56x64xf32, #tpu.memory_space<hbm>>) target(%arg7 : memref<8x56x64xf32, #tpu.memory_space<vmem>>) target_semaphore(%arg9 : memref<!tpu.dma_semaphore, #tpu.memory_space<semaphore_mem>>)
    %mul3A_726 = arith.constant 8 : i32
    %mul3A_727 = arith.muli %add3A, %mul3A_726 : i32
    %add3A_728 = arith.constant 1 : i32
    %add3A_729 = arith.addi %mul3A_727, %add3A_728 : i32
    %shift_right_logical3A_730 = arith.constant 5 : i32
    %shift_right_logical3A_731 = arith.shrui %add3A_729, %shift_right_logical3A_730 : i32
    %and3A_732 = arith.constant 31 : i32
    %and3A_733 = arith.andi %add3A_729, %and3A_732 : i32
    %get3A_734 = arith.index_cast %and3A_733 : i32 to index
    %get3A_735 = tpu.vector_load %arg5[%get3A_734] {strides = array<i32>} : memref<48xi32, #tpu.memory_space<vmem>>, vector<16xi32>,
    %get3A_736 = vector.shape_cast %get3A_735 : vector<16xi32> to vector<16xi32>
    %slice3A_737 = vector.extract_strided_slice %get3A_736 {offsets = [0], sizes = [1], strides = [1]} : vector<16xi32> to vector<1xi32>
    %squeeze3A_738 = vector.extract %slice3A_737[0] : i32 from vector<1xi32>
    %mul3A_739 = arith.constant 32 : i32
    %mul3A_740 = arith.muli %shift_right_logical3A_731, %mul3A_739 : i32
    %add3A_741 = arith.addi %mul3A_740, %squeeze3A_738 : i32
    %mul3A_742 = arith.constant 56 : i32
    %mul3A_743 = arith.muli %add3A_741, %mul3A_742 : i32
    %add3A_744 = arith.constant 16 : i32
    %add3A_745 = arith.addi %mul3A_743, %add3A_744 : i32
    %dma_wait3A_746 = arith.constant 0 : i32
    %dma_wait3A_747 = arith.constant 0 : i32
    %dma_wait3A_748 = tpu.memref_slice %arg2[%add3A_745, %dma_wait3A_746, %dma_wait3A_747] : memref<14336x56x64xf32, #tpu.memory_space<hbm>> -> memref<8x56x64xf32, #tpu.memory_space<hbm>>
    %dma_wait3A_749 = arith.constant 0 : i32
    %dma_wait3A_750 = arith.constant 0 : i32
    %dma_wait3A_751 = tpu.memref_slice %arg2[%add3A_745, %dma_wait3A_749, %dma_wait3A_750] : memref<14336x56x64xf32, #tpu.memory_space<hbm>> -> memref<8x56x64xf32, #tpu.memory_space<hbm>>
    tpu.wait_dma2 semaphore(%arg9 : memref<!tpu.dma_semaphore, #tpu.memory_space<semaphore_mem>>) src(%dma_wait3A_751 : memref<8x56x64xf32, #tpu.memory_space<hbm>>) dst(%arg7 : memref<8x56x64xf32, #tpu.memory_space<vmem>>)
    %mul3A_752 = arith.constant 8 : i32
    %mul3A_753 = arith.muli %add3A, %mul3A_752 : i32
    %add3A_754 = arith.constant 1 : i32
    %add3A_755 = arith.addi %mul3A_753, %add3A_754 : i32
    %mul3A_756 = arith.constant 56 : i32
    %mul3A_757 = arith.muli %add3A_755, %mul3A_756 : i32
    %add3A_758 = arith.constant 16 : i32
    %add3A_759 = arith.addi %mul3A_757, %add3A_758 : i32
    %dma_start3A_760 = arith.constant 0 : i32
    %dma_start3A_761 = arith.constant 0 : i32
    %dma_start3A_762 = tpu.memref_slice %arg4[%add3A_759, %dma_start3A_760, %dma_start3A_761] : memref<14336x56x64xf32, #tpu.memory_space<hbm>> -> memref<8x56x64xf32, #tpu.memory_space<hbm>>
    %dma_start3A_763 = arith.constant 0 : i32
    %dma_start3A_764 = arith.constant 0 : i32
    %dma_start3A_765 = tpu.memref_slice %arg4[%add3A_759, %dma_start3A_763, %dma_start3A_764] : memref<14336x56x64xf32, #tpu.memory_space<hbm>> -> memref<8x56x64xf32, #tpu.memory_space<hbm>>
    tpu.enqueue_dma source(%arg7 : memref<8x56x64xf32, #tpu.memory_space<vmem>>) target(%dma_start3A_765 : memref<8x56x64xf32, #tpu.memory_space<hbm>>) target_semaphore(%arg11 : memref<!tpu.dma_semaphore, #tpu.memory_space<semaphore_mem>>)
    %mul3A_766 = arith.constant 8 : i32
    %mul3A_767 = arith.muli %add3A, %mul3A_766 : i32
    %add3A_768 = arith.constant 1 : i32
    %add3A_769 = arith.addi %mul3A_767, %add3A_768 : i32
    %mul3A_770 = arith.constant 56 : i32
    %mul3A_771 = arith.muli %add3A_769, %mul3A_770 : i32
    %add3A_772 = arith.constant 8 : i32
    %add3A_773 = arith.addi %mul3A_771, %add3A_772 : i32
    %dma_wait3A_774 = arith.constant 0 : i32
    %dma_wait3A_775 = arith.constant 0 : i32
    %dma_wait3A_776 = tpu.memref_slice %arg4[%add3A_773, %dma_wait3A_774, %dma_wait3A_775] : memref<14336x56x64xf32, #tpu.memory_space<hbm>> -> memref<8x56x64xf32, #tpu.memory_space<hbm>>
    %dma_wait3A_777 = arith.constant 0 : i32
    %dma_wait3A_778 = arith.constant 0 : i32
    %dma_wait3A_779 = tpu.memref_slice %arg4[%add3A_773, %dma_wait3A_777, %dma_wait3A_778] : memref<14336x56x64xf32, #tpu.memory_space<hbm>> -> memref<8x56x64xf32, #tpu.memory_space<hbm>>
    tpu.wait_dma2 semaphore(%arg10 : memref<!tpu.dma_semaphore, #tpu.memory_space<semaphore_mem>>) src(%arg6 : memref<8x56x64xf32, #tpu.memory_space<vmem>>) dst(%dma_wait3A_779 : memref<8x56x64xf32, #tpu.memory_space<hbm>>)
    %mul3A_780 = arith.constant 8 : i32
    %mul3A_781 = arith.muli %add3A, %mul3A_780 : i32
    %add3A_782 = arith.constant 1 : i32
    %add3A_783 = arith.addi %mul3A_781, %add3A_782 : i32
    %shift_right_logical3A_784 = arith.constant 5 : i32
    %shift_right_logical3A_785 = arith.shrui %add3A_783, %shift_right_logical3A_784 : i32
    %and3A_786 = arith.constant 31 : i32
    %and3A_787 = arith.andi %add3A_783, %and3A_786 : i32
    %get3A_788 = arith.index_cast %and3A_787 : i32 to index
    %get3A_789 = tpu.vector_load %arg5[%get3A_788] {strides = array<i32>} : memref<48xi32, #tpu.memory_space<vmem>>, vector<16xi32>,
    %get3A_790 = vector.shape_cast %get3A_789 : vector<16xi32> to vector<16xi32>
    %slice3A_791 = vector.extract_strided_slice %get3A_790 {offsets = [0], sizes = [1], strides = [1]} : vector<16xi32> to vector<1xi32>
    %squeeze3A_792 = vector.extract %slice3A_791[0] : i32 from vector<1xi32>
    %mul3A_793 = arith.constant 32 : i32
    %mul3A_794 = arith.muli %shift_right_logical3A_785, %mul3A_793 : i32
    %add3A_795 = arith.addi %mul3A_794, %squeeze3A_792 : i32
    %mul3A_796 = arith.constant 56 : i32
    %mul3A_797 = arith.muli %add3A_795, %mul3A_796 : i32
    %add3A_798 = arith.constant 24 : i32
    %add3A_799 = arith.addi %mul3A_797, %add3A_798 : i32
    %dma_start3A_800 = arith.constant 0 : i32
    %dma_start3A_801 = arith.constant 0 : i32
    %dma_start3A_802 = tpu.memref_slice %arg2[%add3A_799, %dma_start3A_800, %dma_start3A_801] : memref<14336x56x64xf32, #tpu.memory_space<hbm>> -> memref<8x56x64xf32, #tpu.memory_space<hbm>>
    %dma_start3A_803 = arith.constant 0 : i32
    %dma_start3A_804 = arith.constant 0 : i32
    %dma_start3A_805 = tpu.memref_slice %arg2[%add3A_799, %dma_start3A_803, %dma_start3A_804] : memref<14336x56x64xf32, #tpu.memory_space<hbm>> -> memref<8x56x64xf32, #tpu.memory_space<hbm>>
    tpu.enqueue_dma source(%dma_start3A_805 : memref<8x56x64xf32, #tpu.memory_space<hbm>>) target(%arg6 : memref<8x56x64xf32, #tpu.memory_space<vmem>>) target_semaphore(%arg8 : memref<!tpu.dma_semaphore, #tpu.memory_space<semaphore_mem>>)
    %mul3A_806 = arith.constant 8 : i32
    %mul3A_807 = arith.muli %add3A, %mul3A_806 : i32
    %add3A_808 = arith.constant 1 : i32
    %add3A_809 = arith.addi %mul3A_807, %add3A_808 : i32
    %shift_right_logical3A_810 = arith.constant 5 : i32
    %shift_right_logical3A_811 = arith.shrui %add3A_809, %shift_right_logical3A_810 : i32
    %and3A_812 = arith.constant 31 : i32
    %and3A_813 = arith.andi %add3A_809, %and3A_812 : i32
    %get3A_814 = arith.index_cast %and3A_813 : i32 to index
    %get3A_815 = tpu.vector_load %arg5[%get3A_814] {strides = array<i32>} : memref<48xi32, #tpu.memory_space<vmem>>, vector<16xi32>,
    %get3A_816 = vector.shape_cast %get3A_815 : vector<16xi32> to vector<16xi32>
    %slice3A_817 = vector.extract_strided_slice %get3A_816 {offsets = [0], sizes = [1], strides = [1]} : vector<16xi32> to vector<1xi32>
    %squeeze3A_818 = vector.extract %slice3A_817[0] : i32 from vector<1xi32>
    %mul3A_819 = arith.constant 32 : i32
    %mul3A_820 = arith.muli %shift_right_logical3A_811, %mul3A_819 : i32
    %add3A_821 = arith.addi %mul3A_820, %squeeze3A_818 : i32
    %mul3A_822 = arith.constant 56 : i32
    %mul3A_823 = arith.muli %add3A_821, %mul3A_822 : i32
    %add3A_824 = arith.constant 24 : i32
    %add3A_825 = arith.addi %mul3A_823, %add3A_824 : i32
    %dma_wait3A_826 = arith.constant 0 : i32
    %dma_wait3A_827 = arith.constant 0 : i32
    %dma_wait3A_828 = tpu.memref_slice %arg2[%add3A_825, %dma_wait3A_826, %dma_wait3A_827] : memref<14336x56x64xf32, #tpu.memory_space<hbm>> -> memref<8x56x64xf32, #tpu.memory_space<hbm>>
    %dma_wait3A_829 = arith.constant 0 : i32
    %dma_wait3A_830 = arith.constant 0 : i32
    %dma_wait3A_831 = tpu.memref_slice %arg2[%add3A_825, %dma_wait3A_829, %dma_wait3A_830] : memref<14336x56x64xf32, #tpu.memory_space<hbm>> -> memref<8x56x64xf32, #tpu.memory_space<hbm>>
    tpu.wait_dma2 semaphore(%arg8 : memref<!tpu.dma_semaphore, #tpu.memory_space<semaphore_mem>>) src(%dma_wait3A_831 : memref<8x56x64xf32, #tpu.memory_space<hbm>>) dst(%arg6 : memref<8x56x64xf32, #tpu.memory_space<vmem>>)
    %mul3A_832 = arith.constant 8 : i32
    %mul3A_833 = arith.muli %add3A, %mul3A_832 : i32
    %add3A_834 = arith.constant 1 : i32
    %add3A_835 = arith.addi %mul3A_833, %add3A_834 : i32
    %mul3A_836 = arith.constant 56 : i32
    %mul3A_837 = arith.muli %add3A_835, %mul3A_836 : i32
    %add3A_838 = arith.constant 24 : i32
    %add3A_839 = arith.addi %mul3A_837, %add3A_838 : i32
    %dma_start3A_840 = arith.constant 0 : i32
    %dma_start3A_841 = arith.constant 0 : i32
    %dma_start3A_842 = tpu.memref_slice %arg4[%add3A_839, %dma_start3A_840, %dma_start3A_841] : memref<14336x56x64xf32, #tpu.memory_space<hbm>> -> memref<8x56x64xf32, #tpu.memory_space<hbm>>
    %dma_start3A_843 = arith.constant 0 : i32
    %dma_start3A_844 = arith.constant 0 : i32
    %dma_start3A_845 = tpu.memref_slice %arg4[%add3A_839, %dma_start3A_843, %dma_start3A_844] : memref<14336x56x64xf32, #tpu.memory_space<hbm>> -> memref<8x56x64xf32, #tpu.memory_space<hbm>>
    tpu.enqueue_dma source(%arg6 : memref<8x56x64xf32, #tpu.memory_space<vmem>>) target(%dma_start3A_845 : memref<8x56x64xf32, #tpu.memory_space<hbm>>) target_semaphore(%arg10 : memref<!tpu.dma_semaphore, #tpu.memory_space<semaphore_mem>>)
    %mul3A_846 = arith.constant 8 : i32
    %mul3A_847 = arith.muli %add3A, %mul3A_846 : i32
    %add3A_848 = arith.constant 1 : i32
    %add3A_849 = arith.addi %mul3A_847, %add3A_848 : i32
    %mul3A_850 = arith.constant 56 : i32
    %mul3A_851 = arith.muli %add3A_849, %mul3A_850 : i32
    %add3A_852 = arith.constant 16 : i32
    %add3A_853 = arith.addi %mul3A_851, %add3A_852 : i32
    %dma_wait3A_854 = arith.constant 0 : i32
    %dma_wait3A_855 = arith.constant 0 : i32
    %dma_wait3A_856 = tpu.memref_slice %arg4[%add3A_853, %dma_wait3A_854, %dma_wait3A_855] : memref<14336x56x64xf32, #tpu.memory_space<hbm>> -> memref<8x56x64xf32, #tpu.memory_space<hbm>>
    %dma_wait3A_857 = arith.constant 0 : i32
    %dma_wait3A_858 = arith.constant 0 : i32
    %dma_wait3A_859 = tpu.memref_slice %arg4[%add3A_853, %dma_wait3A_857, %dma_wait3A_858] : memref<14336x56x64xf32, #tpu.memory_space<hbm>> -> memref<8x56x64xf32, #tpu.memory_space<hbm>>
    tpu.wait_dma2 semaphore(%arg11 : memref<!tpu.dma_semaphore, #tpu.memory_space<semaphore_mem>>) src(%arg7 : memref<8x56x64xf32, #tpu.memory_space<vmem>>) dst(%dma_wait3A_859 : memref<8x56x64xf32, #tpu.memory_space<hbm>>)
    %mul3A_860 = arith.constant 8 : i32
    %mul3A_861 = arith.muli %add3A, %mul3A_860 : i32
    %add3A_862 = arith.constant 1 : i32
    %add3A_863 = arith.addi %mul3A_861, %add3A_862 : i32
    %shift_right_logical3A_864 = arith.constant 5 : i32
    %shift_right_logical3A_865 = arith.shrui %add3A_863, %shift_right_logical3A_864 : i32
    %and3A_866 = arith.constant 31 : i32
    %and3A_867 = arith.andi %add3A_863, %and3A_866 : i32
    %get3A_868 = arith.index_cast %and3A_867 : i32 to index
    %get3A_869 = tpu.vector_load %arg5[%get3A_868] {strides = array<i32>} : memref<48xi32, #tpu.memory_space<vmem>>, vector<16xi32>,
    %get3A_870 = vector.shape_cast %get3A_869 : vector<16xi32> to vector<16xi32>
    %slice3A_871 = vector.extract_strided_slice %get3A_870 {offsets = [0], sizes = [1], strides = [1]} : vector<16xi32> to vector<1xi32>
    %squeeze3A_872 = vector.extract %slice3A_871[0] : i32 from vector<1xi32>
    %mul3A_873 = arith.constant 32 : i32
    %mul3A_874 = arith.muli %shift_right_logical3A_865, %mul3A_873 : i32
    %add3A_875 = arith.addi %mul3A_874, %squeeze3A_872 : i32
    %mul3A_876 = arith.constant 56 : i32
    %mul3A_877 = arith.muli %add3A_875, %mul3A_876 : i32
    %add3A_878 = arith.constant 32 : i32
    %add3A_879 = arith.addi %mul3A_877, %add3A_878 : i32
    %dma_start3A_880 = arith.constant 0 : i32
    %dma_start3A_881 = arith.constant 0 : i32
    %dma_start3A_882 = tpu.memref_slice %arg2[%add3A_879, %dma_start3A_880, %dma_start3A_881] : memref<14336x56x64xf32, #tpu.memory_space<hbm>> -> memref<8x56x64xf32, #tpu.memory_space<hbm>>
    %dma_start3A_883 = arith.constant 0 : i32
    %dma_start3A_884 = arith.constant 0 : i32
    %dma_start3A_885 = tpu.memref_slice %arg2[%add3A_879, %dma_start3A_883, %dma_start3A_884] : memref<14336x56x64xf32, #tpu.memory_space<hbm>> -> memref<8x56x64xf32, #tpu.memory_space<hbm>>
    tpu.enqueue_dma source(%dma_start3A_885 : memref<8x56x64xf32, #tpu.memory_space<hbm>>) target(%arg7 : memref<8x56x64xf32, #tpu.memory_space<vmem>>) target_semaphore(%arg9 : memref<!tpu.dma_semaphore, #tpu.memory_space<semaphore_mem>>)
    %mul3A_886 = arith.constant 8 : i32
    %mul3A_887 = arith.muli %add3A, %mul3A_886 : i32
    %add3A_888 = arith.constant 1 : i32
    %add3A_889 = arith.addi %mul3A_887, %add3A_888 : i32
    %shift_right_logical3A_890 = arith.constant 5 : i32
    %shift_right_logical3A_891 = arith.shrui %add3A_889, %shift_right_logical3A_890 : i32
    %and3A_892 = arith.constant 31 : i32
    %and3A_893 = arith.andi %add3A_889, %and3A_892 : i32
    %get3A_894 = arith.index_cast %and3A_893 : i32 to index
    %get3A_895 = tpu.vector_load %arg5[%get3A_894] {strides = array<i32>} : memref<48xi32, #tpu.memory_space<vmem>>, vector<16xi32>,
    %get3A_896 = vector.shape_cast %get3A_895 : vector<16xi32> to vector<16xi32>
    %slice3A_897 = vector.extract_strided_slice %get3A_896 {offsets = [0], sizes = [1], strides = [1]} : vector<16xi32> to vector<1xi32>
    %squeeze3A_898 = vector.extract %slice3A_897[0] : i32 from vector<1xi32>
    %mul3A_899 = arith.constant 32 : i32
    %mul3A_900 = arith.muli %shift_right_logical3A_891, %mul3A_899 : i32
    %add3A_901 = arith.addi %mul3A_900, %squeeze3A_898 : i32
    %mul3A_902 = arith.constant 56 : i32
    %mul3A_903 = arith.muli %add3A_901, %mul3A_902 : i32
    %add3A_904 = arith.constant 32 : i32
    %add3A_905 = arith.addi %mul3A_903, %add3A_904 : i32
    %dma_wait3A_906 = arith.constant 0 : i32
    %dma_wait3A_907 = arith.constant 0 : i32
    %dma_wait3A_908 = tpu.memref_slice %arg2[%add3A_905, %dma_wait3A_906, %dma_wait3A_907] : memref<14336x56x64xf32, #tpu.memory_space<hbm>> -> memref<8x56x64xf32, #tpu.memory_space<hbm>>
    %dma_wait3A_909 = arith.constant 0 : i32
    %dma_wait3A_910 = arith.constant 0 : i32
    %dma_wait3A_911 = tpu.memref_slice %arg2[%add3A_905, %dma_wait3A_909, %dma_wait3A_910] : memref<14336x56x64xf32, #tpu.memory_space<hbm>> -> memref<8x56x64xf32, #tpu.memory_space<hbm>>
    tpu.wait_dma2 semaphore(%arg9 : memref<!tpu.dma_semaphore, #tpu.memory_space<semaphore_mem>>) src(%dma_wait3A_911 : memref<8x56x64xf32, #tpu.memory_space<hbm>>) dst(%arg7 : memref<8x56x64xf32, #tpu.memory_space<vmem>>)
    %mul3A_912 = arith.constant 8 : i32
    %mul3A_913 = arith.muli %add3A, %mul3A_912 : i32
    %add3A_914 = arith.constant 1 : i32
    %add3A_915 = arith.addi %mul3A_913, %add3A_914 : i32
    %mul3A_916 = arith.constant 56 : i32
    %mul3A_917 = arith.muli %add3A_915, %mul3A_916 : i32
    %add3A_918 = arith.constant 32 : i32
    %add3A_919 = arith.addi %mul3A_917, %add3A_918 : i32
    %dma_start3A_920 = arith.constant 0 : i32
    %dma_start3A_921 = arith.constant 0 : i32
    %dma_start3A_922 = tpu.memref_slice %arg4[%add3A_919, %dma_start3A_920, %dma_start3A_921] : memref<14336x56x64xf32, #tpu.memory_space<hbm>> -> memref<8x56x64xf32, #tpu.memory_space<hbm>>
    %dma_start3A_923 = arith.constant 0 : i32
    %dma_start3A_924 = arith.constant 0 : i32
    %dma_start3A_925 = tpu.memref_slice %arg4[%add3A_919, %dma_start3A_923, %dma_start3A_924] : memref<14336x56x64xf32, #tpu.memory_space<hbm>> -> memref<8x56x64xf32, #tpu.memory_space<hbm>>
    tpu.enqueue_dma source(%arg7 : memref<8x56x64xf32, #tpu.memory_space<vmem>>) target(%dma_start3A_925 : memref<8x56x64xf32, #tpu.memory_space<hbm>>) target_semaphore(%arg11 : memref<!tpu.dma_semaphore, #tpu.memory_space<semaphore_mem>>)
    %mul3A_926 = arith.constant 8 : i32
    %mul3A_927 = arith.muli %add3A, %mul3A_926 : i32
    %add3A_928 = arith.constant 1 : i32
    %add3A_929 = arith.addi %mul3A_927, %add3A_928 : i32
    %mul3A_930 = arith.constant 56 : i32
    %mul3A_931 = arith.muli %add3A_929, %mul3A_930 : i32
    %add3A_932 = arith.constant 24 : i32
    %add3A_933 = arith.addi %mul3A_931, %add3A_932 : i32
    %dma_wait3A_934 = arith.constant 0 : i32
    %dma_wait3A_935 = arith.constant 0 : i32
    %dma_wait3A_936 = tpu.memref_slice %arg4[%add3A_933, %dma_wait3A_934, %dma_wait3A_935] : memref<14336x56x64xf32, #tpu.memory_space<hbm>> -> memref<8x56x64xf32, #tpu.memory_space<hbm>>
    %dma_wait3A_937 = arith.constant 0 : i32
    %dma_wait3A_938 = arith.constant 0 : i32
    %dma_wait3A_939 = tpu.memref_slice %arg4[%add3A_933, %dma_wait3A_937, %dma_wait3A_938] : memref<14336x56x64xf32, #tpu.memory_space<hbm>> -> memref<8x56x64xf32, #tpu.memory_space<hbm>>
    tpu.wait_dma2 semaphore(%arg10 : memref<!tpu.dma_semaphore, #tpu.memory_space<semaphore_mem>>) src(%arg6 : memref<8x56x64xf32, #tpu.memory_space<vmem>>) dst(%dma_wait3A_939 : memref<8x56x64xf32, #tpu.memory_space<hbm>>)
    %mul3A_940 = arith.constant 8 : i32
    %mul3A_941 = arith.muli %add3A, %mul3A_940 : i32
    %add3A_942 = arith.constant 1 : i32
    %add3A_943 = arith.addi %mul3A_941, %add3A_942 : i32
    %shift_right_logical3A_944 = arith.constant 5 : i32
    %shift_right_logical3A_945 = arith.shrui %add3A_943, %shift_right_logical3A_944 : i32
    %and3A_946 = arith.constant 31 : i32
    %and3A_947 = arith.andi %add3A_943, %and3A_946 : i32
    %get3A_948 = arith.index_cast %and3A_947 : i32 to index
    %get3A_949 = tpu.vector_load %arg5[%get3A_948] {strides = array<i32>} : memref<48xi32, #tpu.memory_space<vmem>>, vector<16xi32>,
    %get3A_950 = vector.shape_cast %get3A_949 : vector<16xi32> to vector<16xi32>
    %slice3A_951 = vector.extract_strided_slice %get3A_950 {offsets = [0], sizes = [1], strides = [1]} : vector<16xi32> to vector<1xi32>
    %squeeze3A_952 = vector.extract %slice3A_951[0] : i32 from vector<1xi32>
    %mul3A_953 = arith.constant 32 : i32
    %mul3A_954 = arith.muli %shift_right_logical3A_945, %mul3A_953 : i32
    %add3A_955 = arith.addi %mul3A_954, %squeeze3A_952 : i32
    %mul3A_956 = arith.constant 56 : i32
    %mul3A_957 = arith.muli %add3A_955, %mul3A_956 : i32
    %add3A_958 = arith.constant 40 : i32
    %add3A_959 = arith.addi %mul3A_957, %add3A_958 : i32
    %dma_start3A_960 = arith.constant 0 : i32
    %dma_start3A_961 = arith.constant 0 : i32
    %dma_start3A_962 = tpu.memref_slice %arg2[%add3A_959, %dma_start3A_960, %dma_start3A_961] : memref<14336x56x64xf32, #tpu.memory_space<hbm>> -> memref<8x56x64xf32, #tpu.memory_space<hbm>>
    %dma_start3A_963 = arith.constant 0 : i32
    %dma_start3A_964 = arith.constant 0 : i32
    %dma_start3A_965 = tpu.memref_slice %arg2[%add3A_959, %dma_start3A_963, %dma_start3A_964] : memref<14336x56x64xf32, #tpu.memory_space<hbm>> -> memref<8x56x64xf32, #tpu.memory_space<hbm>>
    tpu.enqueue_dma source(%dma_start3A_965 : memref<8x56x64xf32, #tpu.memory_space<hbm>>) target(%arg6 : memref<8x56x64xf32, #tpu.memory_space<vmem>>) target_semaphore(%arg8 : memref<!tpu.dma_semaphore, #tpu.memory_space<semaphore_mem>>)
    %mul3A_966 = arith.constant 8 : i32
    %mul3A_967 = arith.muli %add3A, %mul3A_966 : i32
    %add3A_968 = arith.constant 1 : i32
    %add3A_969 = arith.addi %mul3A_967, %add3A_968 : i32
    %shift_right_logical3A_970 = arith.constant 5 : i32
    %shift_right_logical3A_971 = arith.shrui %add3A_969, %shift_right_logical3A_970 : i32
    %and3A_972 = arith.constant 31 : i32
    %and3A_973 = arith.andi %add3A_969, %and3A_972 : i32
    %get3A_974 = arith.index_cast %and3A_973 : i32 to index
    %get3A_975 = tpu.vector_load %arg5[%get3A_974] {strides = array<i32>} : memref<48xi32, #tpu.memory_space<vmem>>, vector<16xi32>,
    %get3A_976 = vector.shape_cast %get3A_975 : vector<16xi32> to vector<16xi32>
    %slice3A_977 = vector.extract_strided_slice %get3A_976 {offsets = [0], sizes = [1], strides = [1]} : vector<16xi32> to vector<1xi32>
    %squeeze3A_978 = vector.extract %slice3A_977[0] : i32 from vector<1xi32>
    %mul3A_979 = arith.constant 32 : i32
    %mul3A_980 = arith.muli %shift_right_logical3A_971, %mul3A_979 : i32
    %add3A_981 = arith.addi %mul3A_980, %squeeze3A_978 : i32
    %mul3A_982 = arith.constant 56 : i32
    %mul3A_983 = arith.muli %add3A_981, %mul3A_982 : i32
    %add3A_984 = arith.constant 40 : i32
    %add3A_985 = arith.addi %mul3A_983, %add3A_984 : i32
    %dma_wait3A_986 = arith.constant 0 : i32
    %dma_wait3A_987 = arith.constant 0 : i32
    %dma_wait3A_988 = tpu.memref_slice %arg2[%add3A_985, %dma_wait3A_986, %dma_wait3A_987] : memref<14336x56x64xf32, #tpu.memory_space<hbm>> -> memref<8x56x64xf32, #tpu.memory_space<hbm>>
    %dma_wait3A_989 = arith.constant 0 : i32
    %dma_wait3A_990 = arith.constant 0 : i32
    %dma_wait3A_991 = tpu.memref_slice %arg2[%add3A_985, %dma_wait3A_989, %dma_wait3A_990] : memref<14336x56x64xf32, #tpu.memory_space<hbm>> -> memref<8x56x64xf32, #tpu.memory_space<hbm>>
    tpu.wait_dma2 semaphore(%arg8 : memref<!tpu.dma_semaphore, #tpu.memory_space<semaphore_mem>>) src(%dma_wait3A_991 : memref<8x56x64xf32, #tpu.memory_space<hbm>>) dst(%arg6 : memref<8x56x64xf32, #tpu.memory_space<vmem>>)
    %mul3A_992 = arith.constant 8 : i32
    %mul3A_993 = arith.muli %add3A, %mul3A_992 : i32
    %add3A_994 = arith.constant 1 : i32
    %add3A_995 = arith.addi %mul3A_993, %add3A_994 : i32
    %mul3A_996 = arith.constant 56 : i32
    %mul3A_997 = arith.muli %add3A_995, %mul3A_996 : i32
    %add3A_998 = arith.constant 40 : i32
    %add3A_999 = arith.addi %mul3A_997, %add3A_998 : i32
    %dma_start3A_1000 = arith.constant 0 : i32
    %dma_start3A_1001 = arith.constant 0 : i32
    %dma_start3A_1002 = tpu.memref_slice %arg4[%add3A_999, %dma_start3A_1000, %dma_start3A_1001] : memref<14336x56x64xf32, #tpu.memory_space<hbm>> -> memref<8x56x64xf32, #tpu.memory_space<hbm>>
    %dma_start3A_1003 = arith.constant 0 : i32
    %dma_start3A_1004 = arith.constant 0 : i32
    %dma_start3A_1005 = tpu.memref_slice %arg4[%add3A_999, %dma_start3A_1003, %dma_start3A_1004] : memref<14336x56x64xf32, #tpu.memory_space<hbm>> -> memref<8x56x64xf32, #tpu.memory_space<hbm>>
    tpu.enqueue_dma source(%arg6 : memref<8x56x64xf32, #tpu.memory_space<vmem>>) target(%dma_start3A_1005 : memref<8x56x64xf32, #tpu.memory_space<hbm>>) target_semaphore(%arg10 : memref<!tpu.dma_semaphore, #tpu.memory_space<semaphore_mem>>)
    %mul3A_1006 = arith.constant 8 : i32
    %mul3A_1007 = arith.muli %add3A, %mul3A_1006 : i32
    %add3A_1008 = arith.constant 1 : i32
    %add3A_1009 = arith.addi %mul3A_1007, %add3A_1008 : i32
    %mul3A_1010 = arith.constant 56 : i32
    %mul3A_1011 = arith.muli %add3A_1009, %mul3A_1010 : i32
    %add3A_1012 = arith.constant 32 : i32
    %add3A_1013 = arith.addi %mul3A_1011, %add3A_1012 : i32
    %dma_wait3A_1014 = arith.constant 0 : i32
    %dma_wait3A_1015 = arith.constant 0 : i32
    %dma_wait3A_1016 = tpu.memref_slice %arg4[%add3A_1013, %dma_wait3A_1014, %dma_wait3A_1015] : memref<14336x56x64xf32, #tpu.memory_space<hbm>> -> memref<8x56x64xf32, #tpu.memory_space<hbm>>
    %dma_wait3A_1017 = arith.constant 0 : i32
    %dma_wait3A_1018 = arith.constant 0 : i32
    %dma_wait3A_1019 = tpu.memref_slice %arg4[%add3A_1013, %dma_wait3A_1017, %dma_wait3A_1018] : memref<14336x56x64xf32, #tpu.memory_space<hbm>> -> memref<8x56x64xf32, #tpu.memory_space<hbm>>
    tpu.wait_dma2 semaphore(%arg11 : memref<!tpu.dma_semaphore, #tpu.memory_space<semaphore_mem>>) src(%arg7 : memref<8x56x64xf32, #tpu.memory_space<vmem>>) dst(%dma_wait3A_1019 : memref<8x56x64xf32, #tpu.memory_space<hbm>>)
    %mul3A_1020 = arith.constant 8 : i32
    %mul3A_1021 = arith.muli %add3A, %mul3A_1020 : i32
    %add3A_1022 = arith.constant 1 : i32
    %add3A_1023 = arith.addi %mul3A_1021, %add3A_1022 : i32
    %shift_right_logical3A_1024 = arith.constant 5 : i32
    %shift_right_logical3A_1025 = arith.shrui %add3A_1023, %shift_right_logical3A_1024 : i32
    %and3A_1026 = arith.constant 31 : i32
    %and3A_1027 = arith.andi %add3A_1023, %and3A_1026 : i32
    %get3A_1028 = arith.index_cast %and3A_1027 : i32 to index
    %get3A_1029 = tpu.vector_load %arg5[%get3A_1028] {strides = array<i32>} : memref<48xi32, #tpu.memory_space<vmem>>, vector<16xi32>,
    %get3A_1030 = vector.shape_cast %get3A_1029 : vector<16xi32> to vector<16xi32>
    %slice3A_1031 = vector.extract_strided_slice %get3A_1030 {offsets = [0], sizes = [1], strides = [1]} : vector<16xi32> to vector<1xi32>
    %squeeze3A_1032 = vector.extract %slice3A_1031[0] : i32 from vector<1xi32>
    %mul3A_1033 = arith.constant 32 : i32
    %mul3A_1034 = arith.muli %shift_right_logical3A_1025, %mul3A_1033 : i32
    %add3A_1035 = arith.addi %mul3A_1034, %squeeze3A_1032 : i32
    %mul3A_1036 = arith.constant 56 : i32
    %mul3A_1037 = arith.muli %add3A_1035, %mul3A_1036 : i32
    %add3A_1038 = arith.constant 48 : i32
    %add3A_1039 = arith.addi %mul3A_1037, %add3A_1038 : i32
    %dma_start3A_1040 = arith.constant 0 : i32
    %dma_start3A_1041 = arith.constant 0 : i32
    %dma_start3A_1042 = tpu.memref_slice %arg2[%add3A_1039, %dma_start3A_1040, %dma_start3A_1041] : memref<14336x56x64xf32, #tpu.memory_space<hbm>> -> memref<8x56x64xf32, #tpu.memory_space<hbm>>
    %dma_start3A_1043 = arith.constant 0 : i32
    %dma_start3A_1044 = arith.constant 0 : i32
    %dma_start3A_1045 = tpu.memref_slice %arg2[%add3A_1039, %dma_start3A_1043, %dma_start3A_1044] : memref<14336x56x64xf32, #tpu.memory_space<hbm>> -> memref<8x56x64xf32, #tpu.memory_space<hbm>>
    tpu.enqueue_dma source(%dma_start3A_1045 : memref<8x56x64xf32, #tpu.memory_space<hbm>>) target(%arg7 : memref<8x56x64xf32, #tpu.memory_space<vmem>>) target_semaphore(%arg9 : memref<!tpu.dma_semaphore, #tpu.memory_space<semaphore_mem>>)
    %mul3A_1046 = arith.constant 8 : i32
    %mul3A_1047 = arith.muli %add3A, %mul3A_1046 : i32
    %add3A_1048 = arith.constant 1 : i32
    %add3A_1049 = arith.addi %mul3A_1047, %add3A_1048 : i32
    %shift_right_logical3A_1050 = arith.constant 5 : i32
    %shift_right_logical3A_1051 = arith.shrui %add3A_1049, %shift_right_logical3A_1050 : i32
    %and3A_1052 = arith.constant 31 : i32
    %and3A_1053 = arith.andi %add3A_1049, %and3A_1052 : i32
    %get3A_1054 = arith.index_cast %and3A_1053 : i32 to index
    %get3A_1055 = tpu.vector_load %arg5[%get3A_1054] {strides = array<i32>} : memref<48xi32, #tpu.memory_space<vmem>>, vector<16xi32>,
    %get3A_1056 = vector.shape_cast %get3A_1055 : vector<16xi32> to vector<16xi32>
    %slice3A_1057 = vector.extract_strided_slice %get3A_1056 {offsets = [0], sizes = [1], strides = [1]} : vector<16xi32> to vector<1xi32>
    %squeeze3A_1058 = vector.extract %slice3A_1057[0] : i32 from vector<1xi32>
    %mul3A_1059 = arith.constant 32 : i32
    %mul3A_1060 = arith.muli %shift_right_logical3A_1051, %mul3A_1059 : i32
    %add3A_1061 = arith.addi %mul3A_1060, %squeeze3A_1058 : i32
    %mul3A_1062 = arith.constant 56 : i32
    %mul3A_1063 = arith.muli %add3A_1061, %mul3A_1062 : i32
    %add3A_1064 = arith.constant 48 : i32
    %add3A_1065 = arith.addi %mul3A_1063, %add3A_1064 : i32
    %dma_wait3A_1066 = arith.constant 0 : i32
    %dma_wait3A_1067 = arith.constant 0 : i32
    %dma_wait3A_1068 = tpu.memref_slice %arg2[%add3A_1065, %dma_wait3A_1066, %dma_wait3A_1067] : memref<14336x56x64xf32, #tpu.memory_space<hbm>> -> memref<8x56x64xf32, #tpu.memory_space<hbm>>
    %dma_wait3A_1069 = arith.constant 0 : i32
    %dma_wait3A_1070 = arith.constant 0 : i32
    %dma_wait3A_1071 = tpu.memref_slice %arg2[%add3A_1065, %dma_wait3A_1069, %dma_wait3A_1070] : memref<14336x56x64xf32, #tpu.memory_space<hbm>> -> memref<8x56x64xf32, #tpu.memory_space<hbm>>
    tpu.wait_dma2 semaphore(%arg9 : memref<!tpu.dma_semaphore, #tpu.memory_space<semaphore_mem>>) src(%dma_wait3A_1071 : memref<8x56x64xf32, #tpu.memory_space<hbm>>) dst(%arg7 : memref<8x56x64xf32, #tpu.memory_space<vmem>>)
    %mul3A_1072 = arith.constant 8 : i32
    %mul3A_1073 = arith.muli %add3A, %mul3A_1072 : i32
    %add3A_1074 = arith.constant 1 : i32
    %add3A_1075 = arith.addi %mul3A_1073, %add3A_1074 : i32
    %mul3A_1076 = arith.constant 56 : i32
    %mul3A_1077 = arith.muli %add3A_1075, %mul3A_1076 : i32
    %add3A_1078 = arith.constant 48 : i32
    %add3A_1079 = arith.addi %mul3A_1077, %add3A_1078 : i32
    %dma_start3A_1080 = arith.constant 0 : i32
    %dma_start3A_1081 = arith.constant 0 : i32
    %dma_start3A_1082 = tpu.memref_slice %arg4[%add3A_1079, %dma_start3A_1080, %dma_start3A_1081] : memref<14336x56x64xf32, #tpu.memory_space<hbm>> -> memref<8x56x64xf32, #tpu.memory_space<hbm>>
    %dma_start3A_1083 = arith.constant 0 : i32
    %dma_start3A_1084 = arith.constant 0 : i32
    %dma_start3A_1085 = tpu.memref_slice %arg4[%add3A_1079, %dma_start3A_1083, %dma_start3A_1084] : memref<14336x56x64xf32, #tpu.memory_space<hbm>> -> memref<8x56x64xf32, #tpu.memory_space<hbm>>
    tpu.enqueue_dma source(%arg7 : memref<8x56x64xf32, #tpu.memory_space<vmem>>) target(%dma_start3A_1085 : memref<8x56x64xf32, #tpu.memory_space<hbm>>) target_semaphore(%arg11 : memref<!tpu.dma_semaphore, #tpu.memory_space<semaphore_mem>>)
    %mul3A_1086 = arith.constant 8 : i32
    %mul3A_1087 = arith.muli %add3A, %mul3A_1086 : i32
    %add3A_1088 = arith.constant 1 : i32
    %add3A_1089 = arith.addi %mul3A_1087, %add3A_1088 : i32
    %mul3A_1090 = arith.constant 56 : i32
    %mul3A_1091 = arith.muli %add3A_1089, %mul3A_1090 : i32
    %add3A_1092 = arith.constant 40 : i32
    %add3A_1093 = arith.addi %mul3A_1091, %add3A_1092 : i32
    %dma_wait3A_1094 = arith.constant 0 : i32
    %dma_wait3A_1095 = arith.constant 0 : i32
    %dma_wait3A_1096 = tpu.memref_slice %arg4[%add3A_1093, %dma_wait3A_1094, %dma_wait3A_1095] : memref<14336x56x64xf32, #tpu.memory_space<hbm>> -> memref<8x56x64xf32, #tpu.memory_space<hbm>>
    %dma_wait3A_1097 = arith.constant 0 : i32
    %dma_wait3A_1098 = arith.constant 0 : i32
    %dma_wait3A_1099 = tpu.memref_slice %arg4[%add3A_1093, %dma_wait3A_1097, %dma_wait3A_1098] : memref<14336x56x64xf32, #tpu.memory_space<hbm>> -> memref<8x56x64xf32, #tpu.memory_space<hbm>>
    tpu.wait_dma2 semaphore(%arg10 : memref<!tpu.dma_semaphore, #tpu.memory_space<semaphore_mem>>) src(%arg6 : memref<8x56x64xf32, #tpu.memory_space<vmem>>) dst(%dma_wait3A_1099 : memref<8x56x64xf32, #tpu.memory_space<hbm>>)
    %mul3A_1100 = arith.constant 8 : i32
    %mul3A_1101 = arith.muli %add3A, %mul3A_1100 : i32
    %add3A_1102 = arith.constant 2 : i32
    %add3A_1103 = arith.addi %mul3A_1101, %add3A_1102 : i32
    %shift_right_logical3A_1104 = arith.constant 5 : i32
    %shift_right_logical3A_1105 = arith.shrui %add3A_1103, %shift_right_logical3A_1104 : i32
    %and3A_1106 = arith.constant 31 : i32
    %and3A_1107 = arith.andi %add3A_1103, %and3A_1106 : i32
    %get3A_1108 = arith.index_cast %and3A_1107 : i32 to index
    %get3A_1109 = tpu.vector_load %arg5[%get3A_1108] {strides = array<i32>} : memref<48xi32, #tpu.memory_space<vmem>>, vector<16xi32>,
    %get3A_1110 = vector.shape_cast %get3A_1109 : vector<16xi32> to vector<16xi32>
    %slice3A_1111 = vector.extract_strided_slice %get3A_1110 {offsets = [0], sizes = [1], strides = [1]} : vector<16xi32> to vector<1xi32>
    %squeeze3A_1112 = vector.extract %slice3A_1111[0] : i32 from vector<1xi32>
    %mul3A_1113 = arith.constant 32 : i32
    %mul3A_1114 = arith.muli %shift_right_logical3A_1105, %mul3A_1113 : i32
    %add3A_1115 = arith.addi %mul3A_1114, %squeeze3A_1112 : i32
    %mul3A_1116 = arith.constant 56 : i32
    %mul3A_1117 = arith.muli %add3A_1115, %mul3A_1116 : i32
    %add3A_1118 = arith.constant 0 : i32
    %add3A_1119 = arith.addi %mul3A_1117, %add3A_1118 : i32
    %dma_start3A_1120 = arith.constant 0 : i32
    %dma_start3A_1121 = arith.constant 0 : i32
    %dma_start3A_1122 = tpu.memref_slice %arg2[%add3A_1119, %dma_start3A_1120, %dma_start3A_1121] : memref<14336x56x64xf32, #tpu.memory_space<hbm>> -> memref<8x56x64xf32, #tpu.memory_space<hbm>>
    %dma_start3A_1123 = arith.constant 0 : i32
    %dma_start3A_1124 = arith.constant 0 : i32
    %dma_start3A_1125 = tpu.memref_slice %arg2[%add3A_1119, %dma_start3A_1123, %dma_start3A_1124] : memref<14336x56x64xf32, #tpu.memory_space<hbm>> -> memref<8x56x64xf32, #tpu.memory_space<hbm>>
    tpu.enqueue_dma source(%dma_start3A_1125 : memref<8x56x64xf32, #tpu.memory_space<hbm>>) target(%arg6 : memref<8x56x64xf32, #tpu.memory_space<vmem>>) target_semaphore(%arg8 : memref<!tpu.dma_semaphore, #tpu.memory_space<semaphore_mem>>)
    %mul3A_1126 = arith.constant 8 : i32
    %mul3A_1127 = arith.muli %add3A, %mul3A_1126 : i32
    %add3A_1128 = arith.constant 2 : i32
    %add3A_1129 = arith.addi %mul3A_1127, %add3A_1128 : i32
    %shift_right_logical3A_1130 = arith.constant 5 : i32
    %shift_right_logical3A_1131 = arith.shrui %add3A_1129, %shift_right_logical3A_1130 : i32
    %and3A_1132 = arith.constant 31 : i32
    %and3A_1133 = arith.andi %add3A_1129, %and3A_1132 : i32
    %get3A_1134 = arith.index_cast %and3A_1133 : i32 to index
    %get3A_1135 = tpu.vector_load %arg5[%get3A_1134] {strides = array<i32>} : memref<48xi32, #tpu.memory_space<vmem>>, vector<16xi32>,
    %get3A_1136 = vector.shape_cast %get3A_1135 : vector<16xi32> to vector<16xi32>
    %slice3A_1137 = vector.extract_strided_slice %get3A_1136 {offsets = [0], sizes = [1], strides = [1]} : vector<16xi32> to vector<1xi32>
    %squeeze3A_1138 = vector.extract %slice3A_1137[0] : i32 from vector<1xi32>
    %mul3A_1139 = arith.constant 32 : i32
    %mul3A_1140 = arith.muli %shift_right_logical3A_1131, %mul3A_1139 : i32
    %add3A_1141 = arith.addi %mul3A_1140, %squeeze3A_1138 : i32
    %mul3A_1142 = arith.constant 56 : i32
    %mul3A_1143 = arith.muli %add3A_1141, %mul3A_1142 : i32
    %add3A_1144 = arith.constant 0 : i32
    %add3A_1145 = arith.addi %mul3A_1143, %add3A_1144 : i32
    %dma_wait3A_1146 = arith.constant 0 : i32
    %dma_wait3A_1147 = arith.constant 0 : i32
    %dma_wait3A_1148 = tpu.memref_slice %arg2[%add3A_1145, %dma_wait3A_1146, %dma_wait3A_1147] : memref<14336x56x64xf32, #tpu.memory_space<hbm>> -> memref<8x56x64xf32, #tpu.memory_space<hbm>>
    %dma_wait3A_1149 = arith.constant 0 : i32
    %dma_wait3A_1150 = arith.constant 0 : i32
    %dma_wait3A_1151 = tpu.memref_slice %arg2[%add3A_1145, %dma_wait3A_1149, %dma_wait3A_1150] : memref<14336x56x64xf32, #tpu.memory_space<hbm>> -> memref<8x56x64xf32, #tpu.memory_space<hbm>>
    tpu.wait_dma2 semaphore(%arg8 : memref<!tpu.dma_semaphore, #tpu.memory_space<semaphore_mem>>) src(%dma_wait3A_1151 : memref<8x56x64xf32, #tpu.memory_space<hbm>>) dst(%arg6 : memref<8x56x64xf32, #tpu.memory_space<vmem>>)
    %mul3A_1152 = arith.constant 8 : i32
    %mul3A_1153 = arith.muli %add3A, %mul3A_1152 : i32
    %add3A_1154 = arith.constant 2 : i32
    %add3A_1155 = arith.addi %mul3A_1153, %add3A_1154 : i32
    %mul3A_1156 = arith.constant 56 : i32
    %mul3A_1157 = arith.muli %add3A_1155, %mul3A_1156 : i32
    %add3A_1158 = arith.constant 0 : i32
    %add3A_1159 = arith.addi %mul3A_1157, %add3A_1158 : i32
    %dma_start3A_1160 = arith.constant 0 : i32
    %dma_start3A_1161 = arith.constant 0 : i32
    %dma_start3A_1162 = tpu.memref_slice %arg4[%add3A_1159, %dma_start3A_1160, %dma_start3A_1161] : memref<14336x56x64xf32, #tpu.memory_space<hbm>> -> memref<8x56x64xf32, #tpu.memory_space<hbm>>
    %dma_start3A_1163 = arith.constant 0 : i32
    %dma_start3A_1164 = arith.constant 0 : i32
    %dma_start3A_1165 = tpu.memref_slice %arg4[%add3A_1159, %dma_start3A_1163, %dma_start3A_1164] : memref<14336x56x64xf32, #tpu.memory_space<hbm>> -> memref<8x56x64xf32, #tpu.memory_space<hbm>>
    tpu.enqueue_dma source(%arg6 : memref<8x56x64xf32, #tpu.memory_space<vmem>>) target(%dma_start3A_1165 : memref<8x56x64xf32, #tpu.memory_space<hbm>>) target_semaphore(%arg10 : memref<!tpu.dma_semaphore, #tpu.memory_space<semaphore_mem>>)
    %mul3A_1166 = arith.constant 8 : i32
    %mul3A_1167 = arith.muli %add3A, %mul3A_1166 : i32
    %add3A_1168 = arith.constant 1 : i32
    %add3A_1169 = arith.addi %mul3A_1167, %add3A_1168 : i32
    %mul3A_1170 = arith.constant 56 : i32
    %mul3A_1171 = arith.muli %add3A_1169, %mul3A_1170 : i32
    %add3A_1172 = arith.constant 48 : i32
    %add3A_1173 = arith.addi %mul3A_1171, %add3A_1172 : i32
    %dma_wait3A_1174 = arith.constant 0 : i32
    %dma_wait3A_1175 = arith.constant 0 : i32
    %dma_wait3A_1176 = tpu.memref_slice %arg4[%add3A_1173, %dma_wait3A_1174, %dma_wait3A_1175] : memref<14336x56x64xf32, #tpu.memory_space<hbm>> -> memref<8x56x64xf32, #tpu.memory_space<hbm>>
    %dma_wait3A_1177 = arith.constant 0 : i32
    %dma_wait3A_1178 = arith.constant 0 : i32
    %dma_wait3A_1179 = tpu.memref_slice %arg4[%add3A_1173, %dma_wait3A_1177, %dma_wait3A_1178] : memref<14336x56x64xf32, #tpu.memory_space<hbm>> -> memref<8x56x64xf32, #tpu.memory_space<hbm>>
    tpu.wait_dma2 semaphore(%arg11 : memref<!tpu.dma_semaphore, #tpu.memory_space<semaphore_mem>>) src(%arg7 : memref<8x56x64xf32, #tpu.memory_space<vmem>>) dst(%dma_wait3A_1179 : memref<8x56x64xf32, #tpu.memory_space<hbm>>)
    %mul3A_1180 = arith.constant 8 : i32
    %mul3A_1181 = arith.muli %add3A, %mul3A_1180 : i32
    %add3A_1182 = arith.constant 2 : i32
    %add3A_1183 = arith.addi %mul3A_1181, %add3A_1182 : i32
    %shift_right_logical3A_1184 = arith.constant 5 : i32
    %shift_right_logical3A_1185 = arith.shrui %add3A_1183, %shift_right_logical3A_1184 : i32
    %and3A_1186 = arith.constant 31 : i32
    %and3A_1187 = arith.andi %add3A_1183, %and3A_1186 : i32
    %get3A_1188 = arith.index_cast %and3A_1187 : i32 to index
    %get3A_1189 = tpu.vector_load %arg5[%get3A_1188] {strides = array<i32>} : memref<48xi32, #tpu.memory_space<vmem>>, vector<16xi32>,
    %get3A_1190 = vector.shape_cast %get3A_1189 : vector<16xi32> to vector<16xi32>
    %slice3A_1191 = vector.extract_strided_slice %get3A_1190 {offsets = [0], sizes = [1], strides = [1]} : vector<16xi32> to vector<1xi32>
    %squeeze3A_1192 = vector.extract %slice3A_1191[0] : i32 from vector<1xi32>
    %mul3A_1193 = arith.constant 32 : i32
    %mul3A_1194 = arith.muli %shift_right_logical3A_1185, %mul3A_1193 : i32
    %add3A_1195 = arith.addi %mul3A_1194, %squeeze3A_1192 : i32
    %mul3A_1196 = arith.constant 56 : i32
    %mul3A_1197 = arith.muli %add3A_1195, %mul3A_1196 : i32
    %add3A_1198 = arith.constant 8 : i32
    %add3A_1199 = arith.addi %mul3A_1197, %add3A_1198 : i32
    %dma_start3A_1200 = arith.constant 0 : i32
    %dma_start3A_1201 = arith.constant 0 : i32
    %dma_start3A_1202 = tpu.memref_slice %arg2[%add3A_1199, %dma_start3A_1200, %dma_start3A_1201] : memref<14336x56x64xf32, #tpu.memory_space<hbm>> -> memref<8x56x64xf32, #tpu.memory_space<hbm>>
    %dma_start3A_1203 = arith.constant 0 : i32
    %dma_start3A_1204 = arith.constant 0 : i32
    %dma_start3A_1205 = tpu.memref_slice %arg2[%add3A_1199, %dma_start3A_1203, %dma_start3A_1204] : memref<14336x56x64xf32, #tpu.memory_space<hbm>> -> memref<8x56x64xf32, #tpu.memory_space<hbm>>
    tpu.enqueue_dma source(%dma_start3A_1205 : memref<8x56x64xf32, #tpu.memory_space<hbm>>) target(%arg7 : memref<8x56x64xf32, #tpu.memory_space<vmem>>) target_semaphore(%arg9 : memref<!tpu.dma_semaphore, #tpu.memory_space<semaphore_mem>>)
    %mul3A_1206 = arith.constant 8 : i32
    %mul3A_1207 = arith.muli %add3A, %mul3A_1206 : i32
    %add3A_1208 = arith.constant 2 : i32
    %add3A_1209 = arith.addi %mul3A_1207, %add3A_1208 : i32
    %shift_right_logical3A_1210 = arith.constant 5 : i32
    %shift_right_logical3A_1211 = arith.shrui %add3A_1209, %shift_right_logical3A_1210 : i32
    %and3A_1212 = arith.constant 31 : i32
    %and3A_1213 = arith.andi %add3A_1209, %and3A_1212 : i32
    %get3A_1214 = arith.index_cast %and3A_1213 : i32 to index
    %get3A_1215 = tpu.vector_load %arg5[%get3A_1214] {strides = array<i32>} : memref<48xi32, #tpu.memory_space<vmem>>, vector<16xi32>,
    %get3A_1216 = vector.shape_cast %get3A_1215 : vector<16xi32> to vector<16xi32>
    %slice3A_1217 = vector.extract_strided_slice %get3A_1216 {offsets = [0], sizes = [1], strides = [1]} : vector<16xi32> to vector<1xi32>
    %squeeze3A_1218 = vector.extract %slice3A_1217[0] : i32 from vector<1xi32>
    %mul3A_1219 = arith.constant 32 : i32
    %mul3A_1220 = arith.muli %shift_right_logical3A_1211, %mul3A_1219 : i32
    %add3A_1221 = arith.addi %mul3A_1220, %squeeze3A_1218 : i32
    %mul3A_1222 = arith.constant 56 : i32
    %mul3A_1223 = arith.muli %add3A_1221, %mul3A_1222 : i32
    %add3A_1224 = arith.constant 8 : i32
    %add3A_1225 = arith.addi %mul3A_1223, %add3A_1224 : i32
    %dma_wait3A_1226 = arith.constant 0 : i32
    %dma_wait3A_1227 = arith.constant 0 : i32
    %dma_wait3A_1228 = tpu.memref_slice %arg2[%add3A_1225, %dma_wait3A_1226, %dma_wait3A_1227] : memref<14336x56x64xf32, #tpu.memory_space<hbm>> -> memref<8x56x64xf32, #tpu.memory_space<hbm>>
    %dma_wait3A_1229 = arith.constant 0 : i32
    %dma_wait3A_1230 = arith.constant 0 : i32
    %dma_wait3A_1231 = tpu.memref_slice %arg2[%add3A_1225, %dma_wait3A_1229, %dma_wait3A_1230] : memref<14336x56x64xf32, #tpu.memory_space<hbm>> -> memref<8x56x64xf32, #tpu.memory_space<hbm>>
    tpu.wait_dma2 semaphore(%arg9 : memref<!tpu.dma_semaphore, #tpu.memory_space<semaphore_mem>>) src(%dma_wait3A_1231 : memref<8x56x64xf32, #tpu.memory_space<hbm>>) dst(%arg7 : memref<8x56x64xf32, #tpu.memory_space<vmem>>)
    %mul3A_1232 = arith.constant 8 : i32
    %mul3A_1233 = arith.muli %add3A, %mul3A_1232 : i32
    %add3A_1234 = arith.constant 2 : i32
    %add3A_1235 = arith.addi %mul3A_1233, %add3A_1234 : i32
    %mul3A_1236 = arith.constant 56 : i32
    %mul3A_1237 = arith.muli %add3A_1235, %mul3A_1236 : i32
    %add3A_1238 = arith.constant 8 : i32
    %add3A_1239 = arith.addi %mul3A_1237, %add3A_1238 : i32
    %dma_start3A_1240 = arith.constant 0 : i32
    %dma_start3A_1241 = arith.constant 0 : i32
    %dma_start3A_1242 = tpu.memref_slice %arg4[%add3A_1239, %dma_start3A_1240, %dma_start3A_1241] : memref<14336x56x64xf32, #tpu.memory_space<hbm>> -> memref<8x56x64xf32, #tpu.memory_space<hbm>>
    %dma_start3A_1243 = arith.constant 0 : i32
    %dma_start3A_1244 = arith.constant 0 : i32
    %dma_start3A_1245 = tpu.memref_slice %arg4[%add3A_1239, %dma_start3A_1243, %dma_start3A_1244] : memref<14336x56x64xf32, #tpu.memory_space<hbm>> -> memref<8x56x64xf32, #tpu.memory_space<hbm>>
    tpu.enqueue_dma source(%arg7 : memref<8x56x64xf32, #tpu.memory_space<vmem>>) target(%dma_start3A_1245 : memref<8x56x64xf32, #tpu.memory_space<hbm>>) target_semaphore(%arg11 : memref<!tpu.dma_semaphore, #tpu.memory_space<semaphore_mem>>)
    %mul3A_1246 = arith.constant 8 : i32
    %mul3A_1247 = arith.muli %add3A, %mul3A_1246 : i32
    %add3A_1248 = arith.constant 2 : i32
    %add3A_1249 = arith.addi %mul3A_1247, %add3A_1248 : i32
    %mul3A_1250 = arith.constant 56 : i32
    %mul3A_1251 = arith.muli %add3A_1249, %mul3A_1250 : i32
    %add3A_1252 = arith.constant 0 : i32
    %add3A_1253 = arith.addi %mul3A_1251, %add3A_1252 : i32
    %dma_wait3A_1254 = arith.constant 0 : i32
    %dma_wait3A_1255 = arith.constant 0 : i32
    %dma_wait3A_1256 = tpu.memref_slice %arg4[%add3A_1253, %dma_wait3A_1254, %dma_wait3A_1255] : memref<14336x56x64xf32, #tpu.memory_space<hbm>> -> memref<8x56x64xf32, #tpu.memory_space<hbm>>
    %dma_wait3A_1257 = arith.constant 0 : i32
    %dma_wait3A_1258 = arith.constant 0 : i32
    %dma_wait3A_1259 = tpu.memref_slice %arg4[%add3A_1253, %dma_wait3A_1257, %dma_wait3A_1258] : memref<14336x56x64xf32, #tpu.memory_space<hbm>> -> memref<8x56x64xf32, #tpu.memory_space<hbm>>
    tpu.wait_dma2 semaphore(%arg10 : memref<!tpu.dma_semaphore, #tpu.memory_space<semaphore_mem>>) src(%arg6 : memref<8x56x64xf32, #tpu.memory_space<vmem>>) dst(%dma_wait3A_1259 : memref<8x56x64xf32, #tpu.memory_space<hbm>>)
    %mul3A_1260 = arith.constant 8 : i32
    %mul3A_1261 = arith.muli %add3A, %mul3A_1260 : i32
    %add3A_1262 = arith.constant 2 : i32
    %add3A_1263 = arith.addi %mul3A_1261, %add3A_1262 : i32
    %shift_right_logical3A_1264 = arith.constant 5 : i32
    %shift_right_logical3A_1265 = arith.shrui %add3A_1263, %shift_right_logical3A_1264 : i32
    %and3A_1266 = arith.constant 31 : i32
    %and3A_1267 = arith.andi %add3A_1263, %and3A_1266 : i32
    %get3A_1268 = arith.index_cast %and3A_1267 : i32 to index
    %get3A_1269 = tpu.vector_load %arg5[%get3A_1268] {strides = array<i32>} : memref<48xi32, #tpu.memory_space<vmem>>, vector<16xi32>,
    %get3A_1270 = vector.shape_cast %get3A_1269 : vector<16xi32> to vector<16xi32>
    %slice3A_1271 = vector.extract_strided_slice %get3A_1270 {offsets = [0], sizes = [1], strides = [1]} : vector<16xi32> to vector<1xi32>
    %squeeze3A_1272 = vector.extract %slice3A_1271[0] : i32 from vector<1xi32>
    %mul3A_1273 = arith.constant 32 : i32
    %mul3A_1274 = arith.muli %shift_right_logical3A_1265, %mul3A_1273 : i32
    %add3A_1275 = arith.addi %mul3A_1274, %squeeze3A_1272 : i32
    %mul3A_1276 = arith.constant 56 : i32
    %mul3A_1277 = arith.muli %add3A_1275, %mul3A_1276 : i32
    %add3A_1278 = arith.constant 16 : i32
    %add3A_1279 = arith.addi %mul3A_1277, %add3A_1278 : i32
    %dma_start3A_1280 = arith.constant 0 : i32
    %dma_start3A_1281 = arith.constant 0 : i32
    %dma_start3A_1282 = tpu.memref_slice %arg2[%add3A_1279, %dma_start3A_1280, %dma_start3A_1281] : memref<14336x56x64xf32, #tpu.memory_space<hbm>> -> memref<8x56x64xf32, #tpu.memory_space<hbm>>
    %dma_start3A_1283 = arith.constant 0 : i32
    %dma_start3A_1284 = arith.constant 0 : i32
    %dma_start3A_1285 = tpu.memref_slice %arg2[%add3A_1279, %dma_start3A_1283, %dma_start3A_1284] : memref<14336x56x64xf32, #tpu.memory_space<hbm>> -> memref<8x56x64xf32, #tpu.memory_space<hbm>>
    tpu.enqueue_dma source(%dma_start3A_1285 : memref<8x56x64xf32, #tpu.memory_space<hbm>>) target(%arg6 : memref<8x56x64xf32, #tpu.memory_space<vmem>>) target_semaphore(%arg8 : memref<!tpu.dma_semaphore, #tpu.memory_space<semaphore_mem>>)
    %mul3A_1286 = arith.constant 8 : i32
    %mul3A_1287 = arith.muli %add3A, %mul3A_1286 : i32
    %add3A_1288 = arith.constant 2 : i32
    %add3A_1289 = arith.addi %mul3A_1287, %add3A_1288 : i32
    %shift_right_logical3A_1290 = arith.constant 5 : i32
    %shift_right_logical3A_1291 = arith.shrui %add3A_1289, %shift_right_logical3A_1290 : i32
    %and3A_1292 = arith.constant 31 : i32
    %and3A_1293 = arith.andi %add3A_1289, %and3A_1292 : i32
    %get3A_1294 = arith.index_cast %and3A_1293 : i32 to index
    %get3A_1295 = tpu.vector_load %arg5[%get3A_1294] {strides = array<i32>} : memref<48xi32, #tpu.memory_space<vmem>>, vector<16xi32>,
    %get3A_1296 = vector.shape_cast %get3A_1295 : vector<16xi32> to vector<16xi32>
    %slice3A_1297 = vector.extract_strided_slice %get3A_1296 {offsets = [0], sizes = [1], strides = [1]} : vector<16xi32> to vector<1xi32>
    %squeeze3A_1298 = vector.extract %slice3A_1297[0] : i32 from vector<1xi32>
    %mul3A_1299 = arith.constant 32 : i32
    %mul3A_1300 = arith.muli %shift_right_logical3A_1291, %mul3A_1299 : i32
    %add3A_1301 = arith.addi %mul3A_1300, %squeeze3A_1298 : i32
    %mul3A_1302 = arith.constant 56 : i32
    %mul3A_1303 = arith.muli %add3A_1301, %mul3A_1302 : i32
    %add3A_1304 = arith.constant 16 : i32
    %add3A_1305 = arith.addi %mul3A_1303, %add3A_1304 : i32
    %dma_wait3A_1306 = arith.constant 0 : i32
    %dma_wait3A_1307 = arith.constant 0 : i32
    %dma_wait3A_1308 = tpu.memref_slice %arg2[%add3A_1305, %dma_wait3A_1306, %dma_wait3A_1307] : memref<14336x56x64xf32, #tpu.memory_space<hbm>> -> memref<8x56x64xf32, #tpu.memory_space<hbm>>
    %dma_wait3A_1309 = arith.constant 0 : i32
    %dma_wait3A_1310 = arith.constant 0 : i32
    %dma_wait3A_1311 = tpu.memref_slice %arg2[%add3A_1305, %dma_wait3A_1309, %dma_wait3A_1310] : memref<14336x56x64xf32, #tpu.memory_space<hbm>> -> memref<8x56x64xf32, #tpu.memory_space<hbm>>
    tpu.wait_dma2 semaphore(%arg8 : memref<!tpu.dma_semaphore, #tpu.memory_space<semaphore_mem>>) src(%dma_wait3A_1311 : memref<8x56x64xf32, #tpu.memory_space<hbm>>) dst(%arg6 : memref<8x56x64xf32, #tpu.memory_space<vmem>>)
    %mul3A_1312 = arith.constant 8 : i32
    %mul3A_1313 = arith.muli %add3A, %mul3A_1312 : i32
    %add3A_1314 = arith.constant 2 : i32
    %add3A_1315 = arith.addi %mul3A_1313, %add3A_1314 : i32
    %mul3A_1316 = arith.constant 56 : i32
    %mul3A_1317 = arith.muli %add3A_1315, %mul3A_1316 : i32
    %add3A_1318 = arith.constant 16 : i32
    %add3A_1319 = arith.addi %mul3A_1317, %add3A_1318 : i32
    %dma_start3A_1320 = arith.constant 0 : i32
    %dma_start3A_1321 = arith.constant 0 : i32
    %dma_start3A_1322 = tpu.memref_slice %arg4[%add3A_1319, %dma_start3A_1320, %dma_start3A_1321] : memref<14336x56x64xf32, #tpu.memory_space<hbm>> -> memref<8x56x64xf32, #tpu.memory_space<hbm>>
    %dma_start3A_1323 = arith.constant 0 : i32
    %dma_start3A_1324 = arith.constant 0 : i32
    %dma_start3A_1325 = tpu.memref_slice %arg4[%add3A_1319, %dma_start3A_1323, %dma_start3A_1324] : memref<14336x56x64xf32, #tpu.memory_space<hbm>> -> memref<8x56x64xf32, #tpu.memory_space<hbm>>
    tpu.enqueue_dma source(%arg6 : memref<8x56x64xf32, #tpu.memory_space<vmem>>) target(%dma_start3A_1325 : memref<8x56x64xf32, #tpu.memory_space<hbm>>) target_semaphore(%arg10 : memref<!tpu.dma_semaphore, #tpu.memory_space<semaphore_mem>>)
    %mul3A_1326 = arith.constant 8 : i32
    %mul3A_1327 = arith.muli %add3A, %mul3A_1326 : i32
    %add3A_1328 = arith.constant 2 : i32
    %add3A_1329 = arith.addi %mul3A_1327, %add3A_1328 : i32
    %mul3A_1330 = arith.constant 56 : i32
    %mul3A_1331 = arith.muli %add3A_1329, %mul3A_1330 : i32
    %add3A_1332 = arith.constant 8 : i32
    %add3A_1333 = arith.addi %mul3A_1331, %add3A_1332 : i32
    %dma_wait3A_1334 = arith.constant 0 : i32
    %dma_wait3A_1335 = arith.constant 0 : i32
    %dma_wait3A_1336 = tpu.memref_slice %arg4[%add3A_1333, %dma_wait3A_1334, %dma_wait3A_1335] : memref<14336x56x64xf32, #tpu.memory_space<hbm>> -> memref<8x56x64xf32, #tpu.memory_space<hbm>>
    %dma_wait3A_1337 = arith.constant 0 : i32
    %dma_wait3A_1338 = arith.constant 0 : i32
    %dma_wait3A_1339 = tpu.memref_slice %arg4[%add3A_1333, %dma_wait3A_1337, %dma_wait3A_1338] : memref<14336x56x64xf32, #tpu.memory_space<hbm>> -> memref<8x56x64xf32, #tpu.memory_space<hbm>>
    tpu.wait_dma2 semaphore(%arg11 : memref<!tpu.dma_semaphore, #tpu.memory_space<semaphore_mem>>) src(%arg7 : memref<8x56x64xf32, #tpu.memory_space<vmem>>) dst(%dma_wait3A_1339 : memref<8x56x64xf32, #tpu.memory_space<hbm>>)
    %mul3A_1340 = arith.constant 8 : i32
    %mul3A_1341 = arith.muli %add3A, %mul3A_1340 : i32
    %add3A_1342 = arith.constant 2 : i32
    %add3A_1343 = arith.addi %mul3A_1341, %add3A_1342 : i32
    %shift_right_logical3A_1344 = arith.constant 5 : i32
    %shift_right_logical3A_1345 = arith.shrui %add3A_1343, %shift_right_logical3A_1344 : i32
    %and3A_1346 = arith.constant 31 : i32
    %and3A_1347 = arith.andi %add3A_1343, %and3A_1346 : i32
    %get3A_1348 = arith.index_cast %and3A_1347 : i32 to index
    %get3A_1349 = tpu.vector_load %arg5[%get3A_1348] {strides = array<i32>} : memref<48xi32, #tpu.memory_space<vmem>>, vector<16xi32>,
    %get3A_1350 = vector.shape_cast %get3A_1349 : vector<16xi32> to vector<16xi32>
    %slice3A_1351 = vector.extract_strided_slice %get3A_1350 {offsets = [0], sizes = [1], strides = [1]} : vector<16xi32> to vector<1xi32>
    %squeeze3A_1352 = vector.extract %slice3A_1351[0] : i32 from vector<1xi32>
    %mul3A_1353 = arith.constant 32 : i32
    %mul3A_1354 = arith.muli %shift_right_logical3A_1345, %mul3A_1353 : i32
    %add3A_1355 = arith.addi %mul3A_1354, %squeeze3A_1352 : i32
    %mul3A_1356 = arith.constant 56 : i32
    %mul3A_1357 = arith.muli %add3A_1355, %mul3A_1356 : i32
    %add3A_1358 = arith.constant 24 : i32
    %add3A_1359 = arith.addi %mul3A_1357, %add3A_1358 : i32
    %dma_start3A_1360 = arith.constant 0 : i32
    %dma_start3A_1361 = arith.constant 0 : i32
    %dma_start3A_1362 = tpu.memref_slice %arg2[%add3A_1359, %dma_start3A_1360, %dma_start3A_1361] : memref<14336x56x64xf32, #tpu.memory_space<hbm>> -> memref<8x56x64xf32, #tpu.memory_space<hbm>>
    %dma_start3A_1363 = arith.constant 0 : i32
    %dma_start3A_1364 = arith.constant 0 : i32
    %dma_start3A_1365 = tpu.memref_slice %arg2[%add3A_1359, %dma_start3A_1363, %dma_start3A_1364] : memref<14336x56x64xf32, #tpu.memory_space<hbm>> -> memref<8x56x64xf32, #tpu.memory_space<hbm>>
    tpu.enqueue_dma source(%dma_start3A_1365 : memref<8x56x64xf32, #tpu.memory_space<hbm>>) target(%arg7 : memref<8x56x64xf32, #tpu.memory_space<vmem>>) target_semaphore(%arg9 : memref<!tpu.dma_semaphore, #tpu.memory_space<semaphore_mem>>)
    %mul3A_1366 = arith.constant 8 : i32
    %mul3A_1367 = arith.muli %add3A, %mul3A_1366 : i32
    %add3A_1368 = arith.constant 2 : i32
    %add3A_1369 = arith.addi %mul3A_1367, %add3A_1368 : i32
    %shift_right_logical3A_1370 = arith.constant 5 : i32
    %shift_right_logical3A_1371 = arith.shrui %add3A_1369, %shift_right_logical3A_1370 : i32
    %and3A_1372 = arith.constant 31 : i32
    %and3A_1373 = arith.andi %add3A_1369, %and3A_1372 : i32
    %get3A_1374 = arith.index_cast %and3A_1373 : i32 to index
    %get3A_1375 = tpu.vector_load %arg5[%get3A_1374] {strides = array<i32>} : memref<48xi32, #tpu.memory_space<vmem>>, vector<16xi32>,
    %get3A_1376 = vector.shape_cast %get3A_1375 : vector<16xi32> to vector<16xi32>
    %slice3A_1377 = vector.extract_strided_slice %get3A_1376 {offsets = [0], sizes = [1], strides = [1]} : vector<16xi32> to vector<1xi32>
    %squeeze3A_1378 = vector.extract %slice3A_1377[0] : i32 from vector<1xi32>
    %mul3A_1379 = arith.constant 32 : i32
    %mul3A_1380 = arith.muli %shift_right_logical3A_1371, %mul3A_1379 : i32
    %add3A_1381 = arith.addi %mul3A_1380, %squeeze3A_1378 : i32
    %mul3A_1382 = arith.constant 56 : i32
    %mul3A_1383 = arith.muli %add3A_1381, %mul3A_1382 : i32
    %add3A_1384 = arith.constant 24 : i32
    %add3A_1385 = arith.addi %mul3A_1383, %add3A_1384 : i32
    %dma_wait3A_1386 = arith.constant 0 : i32
    %dma_wait3A_1387 = arith.constant 0 : i32
    %dma_wait3A_1388 = tpu.memref_slice %arg2[%add3A_1385, %dma_wait3A_1386, %dma_wait3A_1387] : memref<14336x56x64xf32, #tpu.memory_space<hbm>> -> memref<8x56x64xf32, #tpu.memory_space<hbm>>
    %dma_wait3A_1389 = arith.constant 0 : i32
    %dma_wait3A_1390 = arith.constant 0 : i32
    %dma_wait3A_1391 = tpu.memref_slice %arg2[%add3A_1385, %dma_wait3A_1389, %dma_wait3A_1390] : memref<14336x56x64xf32, #tpu.memory_space<hbm>> -> memref<8x56x64xf32, #tpu.memory_space<hbm>>
    tpu.wait_dma2 semaphore(%arg9 : memref<!tpu.dma_semaphore, #tpu.memory_space<semaphore_mem>>) src(%dma_wait3A_1391 : memref<8x56x64xf32, #tpu.memory_space<hbm>>) dst(%arg7 : memref<8x56x64xf32, #tpu.memory_space<vmem>>)
    %mul3A_1392 = arith.constant 8 : i32
    %mul3A_1393 = arith.muli %add3A, %mul3A_1392 : i32
    %add3A_1394 = arith.constant 2 : i32
    %add3A_1395 = arith.addi %mul3A_1393, %add3A_1394 : i32
    %mul3A_1396 = arith.constant 56 : i32
    %mul3A_1397 = arith.muli %add3A_1395, %mul3A_1396 : i32
    %add3A_1398 = arith.constant 24 : i32
    %add3A_1399 = arith.addi %mul3A_1397, %add3A_1398 : i32
    %dma_start3A_1400 = arith.constant 0 : i32
    %dma_start3A_1401 = arith.constant 0 : i32
    %dma_start3A_1402 = tpu.memref_slice %arg4[%add3A_1399, %dma_start3A_1400, %dma_start3A_1401] : memref<14336x56x64xf32, #tpu.memory_space<hbm>> -> memref<8x56x64xf32, #tpu.memory_space<hbm>>
    %dma_start3A_1403 = arith.constant 0 : i32
    %dma_start3A_1404 = arith.constant 0 : i32
    %dma_start3A_1405 = tpu.memref_slice %arg4[%add3A_1399, %dma_start3A_1403, %dma_start3A_1404] : memref<14336x56x64xf32, #tpu.memory_space<hbm>> -> memref<8x56x64xf32, #tpu.memory_space<hbm>>
    tpu.enqueue_dma source(%arg7 : memref<8x56x64xf32, #tpu.memory_space<vmem>>) target(%dma_start3A_1405 : memref<8x56x64xf32, #tpu.memory_space<hbm>>) target_semaphore(%arg11 : memref<!tpu.dma_semaphore, #tpu.memory_space<semaphore_mem>>)
    %mul3A_1406 = arith.constant 8 : i32
    %mul3A_1407 = arith.muli %add3A, %mul3A_1406 : i32
    %add3A_1408 = arith.constant 2 : i32
    %add3A_1409 = arith.addi %mul3A_1407, %add3A_1408 : i32
    %mul3A_1410 = arith.constant 56 : i32
    %mul3A_1411 = arith.muli %add3A_1409, %mul3A_1410 : i32
    %add3A_1412 = arith.constant 16 : i32
    %add3A_1413 = arith.addi %mul3A_1411, %add3A_1412 : i32
    %dma_wait3A_1414 = arith.constant 0 : i32
    %dma_wait3A_1415 = arith.constant 0 : i32
    %dma_wait3A_1416 = tpu.memref_slice %arg4[%add3A_1413, %dma_wait3A_1414, %dma_wait3A_1415] : memref<14336x56x64xf32, #tpu.memory_space<hbm>> -> memref<8x56x64xf32, #tpu.memory_space<hbm>>
    %dma_wait3A_1417 = arith.constant 0 : i32
    %dma_wait3A_1418 = arith.constant 0 : i32
    %dma_wait3A_1419 = tpu.memref_slice %arg4[%add3A_1413, %dma_wait3A_1417, %dma_wait3A_1418] : memref<14336x56x64xf32, #tpu.memory_space<hbm>> -> memref<8x56x64xf32, #tpu.memory_space<hbm>>
    tpu.wait_dma2 semaphore(%arg10 : memref<!tpu.dma_semaphore, #tpu.memory_space<semaphore_mem>>) src(%arg6 : memref<8x56x64xf32, #tpu.memory_space<vmem>>) dst(%dma_wait3A_1419 : memref<8x56x64xf32, #tpu.memory_space<hbm>>)
    %mul3A_1420 = arith.constant 8 : i32
    %mul3A_1421 = arith.muli %add3A, %mul3A_1420 : i32
    %add3A_1422 = arith.constant 2 : i32
    %add3A_1423 = arith.addi %mul3A_1421, %add3A_1422 : i32
    %shift_right_logical3A_1424 = arith.constant 5 : i32
    %shift_right_logical3A_1425 = arith.shrui %add3A_1423, %shift_right_logical3A_1424 : i32
    %and3A_1426 = arith.constant 31 : i32
    %and3A_1427 = arith.andi %add3A_1423, %and3A_1426 : i32
    %get3A_1428 = arith.index_cast %and3A_1427 : i32 to index
    %get3A_1429 = tpu.vector_load %arg5[%get3A_1428] {strides = array<i32>} : memref<48xi32, #tpu.memory_space<vmem>>, vector<16xi32>,
    %get3A_1430 = vector.shape_cast %get3A_1429 : vector<16xi32> to vector<16xi32>
    %slice3A_1431 = vector.extract_strided_slice %get3A_1430 {offsets = [0], sizes = [1], strides = [1]} : vector<16xi32> to vector<1xi32>
    %squeeze3A_1432 = vector.extract %slice3A_1431[0] : i32 from vector<1xi32>
    %mul3A_1433 = arith.constant 32 : i32
    %mul3A_1434 = arith.muli %shift_right_logical3A_1425, %mul3A_1433 : i32
    %add3A_1435 = arith.addi %mul3A_1434, %squeeze3A_1432 : i32
    %mul3A_1436 = arith.constant 56 : i32
    %mul3A_1437 = arith.muli %add3A_1435, %mul3A_1436 : i32
    %add3A_1438 = arith.constant 32 : i32
    %add3A_1439 = arith.addi %mul3A_1437, %add3A_1438 : i32
    %dma_start3A_1440 = arith.constant 0 : i32
    %dma_start3A_1441 = arith.constant 0 : i32
    %dma_start3A_1442 = tpu.memref_slice %arg2[%add3A_1439, %dma_start3A_1440, %dma_start3A_1441] : memref<14336x56x64xf32, #tpu.memory_space<hbm>> -> memref<8x56x64xf32, #tpu.memory_space<hbm>>
    %dma_start3A_1443 = arith.constant 0 : i32
    %dma_start3A_1444 = arith.constant 0 : i32
    %dma_start3A_1445 = tpu.memref_slice %arg2[%add3A_1439, %dma_start3A_1443, %dma_start3A_1444] : memref<14336x56x64xf32, #tpu.memory_space<hbm>> -> memref<8x56x64xf32, #tpu.memory_space<hbm>>
    tpu.enqueue_dma source(%dma_start3A_1445 : memref<8x56x64xf32, #tpu.memory_space<hbm>>) target(%arg6 : memref<8x56x64xf32, #tpu.memory_space<vmem>>) target_semaphore(%arg8 : memref<!tpu.dma_semaphore, #tpu.memory_space<semaphore_mem>>)
    %mul3A_1446 = arith.constant 8 : i32
    %mul3A_1447 = arith.muli %add3A, %mul3A_1446 : i32
    %add3A_1448 = arith.constant 2 : i32
    %add3A_1449 = arith.addi %mul3A_1447, %add3A_1448 : i32
    %shift_right_logical3A_1450 = arith.constant 5 : i32
    %shift_right_logical3A_1451 = arith.shrui %add3A_1449, %shift_right_logical3A_1450 : i32
    %and3A_1452 = arith.constant 31 : i32
    %and3A_1453 = arith.andi %add3A_1449, %and3A_1452 : i32
    %get3A_1454 = arith.index_cast %and3A_1453 : i32 to index
    %get3A_1455 = tpu.vector_load %arg5[%get3A_1454] {strides = array<i32>} : memref<48xi32, #tpu.memory_space<vmem>>, vector<16xi32>,
    %get3A_1456 = vector.shape_cast %get3A_1455 : vector<16xi32> to vector<16xi32>
    %slice3A_1457 = vector.extract_strided_slice %get3A_1456 {offsets = [0], sizes = [1], strides = [1]} : vector<16xi32> to vector<1xi32>
    %squeeze3A_1458 = vector.extract %slice3A_1457[0] : i32 from vector<1xi32>
    %mul3A_1459 = arith.constant 32 : i32
    %mul3A_1460 = arith.muli %shift_right_logical3A_1451, %mul3A_1459 : i32
    %add3A_1461 = arith.addi %mul3A_1460, %squeeze3A_1458 : i32
    %mul3A_1462 = arith.constant 56 : i32
    %mul3A_1463 = arith.muli %add3A_1461, %mul3A_1462 : i32
    %add3A_1464 = arith.constant 32 : i32
    %add3A_1465 = arith.addi %mul3A_1463, %add3A_1464 : i32
    %dma_wait3A_1466 = arith.constant 0 : i32
    %dma_wait3A_1467 = arith.constant 0 : i32
    %dma_wait3A_1468 = tpu.memref_slice %arg2[%add3A_1465, %dma_wait3A_1466, %dma_wait3A_1467] : memref<14336x56x64xf32, #tpu.memory_space<hbm>> -> memref<8x56x64xf32, #tpu.memory_space<hbm>>
    %dma_wait3A_1469 = arith.constant 0 : i32
    %dma_wait3A_1470 = arith.constant 0 : i32
    %dma_wait3A_1471 = tpu.memref_slice %arg2[%add3A_1465, %dma_wait3A_1469, %dma_wait3A_1470] : memref<14336x56x64xf32, #tpu.memory_space<hbm>> -> memref<8x56x64xf32, #tpu.memory_space<hbm>>
    tpu.wait_dma2 semaphore(%arg8 : memref<!tpu.dma_semaphore, #tpu.memory_space<semaphore_mem>>) src(%dma_wait3A_1471 : memref<8x56x64xf32, #tpu.memory_space<hbm>>) dst(%arg6 : memref<8x56x64xf32, #tpu.memory_space<vmem>>)
    %mul3A_1472 = arith.constant 8 : i32
    %mul3A_1473 = arith.muli %add3A, %mul3A_1472 : i32
    %add3A_1474 = arith.constant 2 : i32
    %add3A_1475 = arith.addi %mul3A_1473, %add3A_1474 : i32
    %mul3A_1476 = arith.constant 56 : i32
    %mul3A_1477 = arith.muli %add3A_1475, %mul3A_1476 : i32
    %add3A_1478 = arith.constant 32 : i32
    %add3A_1479 = arith.addi %mul3A_1477, %add3A_1478 : i32
    %dma_start3A_1480 = arith.constant 0 : i32
    %dma_start3A_1481 = arith.constant 0 : i32
    %dma_start3A_1482 = tpu.memref_slice %arg4[%add3A_1479, %dma_start3A_1480, %dma_start3A_1481] : memref<14336x56x64xf32, #tpu.memory_space<hbm>> -> memref<8x56x64xf32, #tpu.memory_space<hbm>>
    %dma_start3A_1483 = arith.constant 0 : i32
    %dma_start3A_1484 = arith.constant 0 : i32
    %dma_start3A_1485 = tpu.memref_slice %arg4[%add3A_1479, %dma_start3A_1483, %dma_start3A_1484] : memref<14336x56x64xf32, #tpu.memory_space<hbm>> -> memref<8x56x64xf32, #tpu.memory_space<hbm>>
    tpu.enqueue_dma source(%arg6 : memref<8x56x64xf32, #tpu.memory_space<vmem>>) target(%dma_start3A_1485 : memref<8x56x64xf32, #tpu.memory_space<hbm>>) target_semaphore(%arg10 : memref<!tpu.dma_semaphore, #tpu.memory_space<semaphore_mem>>)
    %mul3A_1486 = arith.constant 8 : i32
    %mul3A_1487 = arith.muli %add3A, %mul3A_1486 : i32
    %add3A_1488 = arith.constant 2 : i32
    %add3A_1489 = arith.addi %mul3A_1487, %add3A_1488 : i32
    %mul3A_1490 = arith.constant 56 : i32
    %mul3A_1491 = arith.muli %add3A_1489, %mul3A_1490 : i32
    %add3A_1492 = arith.constant 24 : i32
    %add3A_1493 = arith.addi %mul3A_1491, %add3A_1492 : i32
    %dma_wait3A_1494 = arith.constant 0 : i32
    %dma_wait3A_1495 = arith.constant 0 : i32
    %dma_wait3A_1496 = tpu.memref_slice %arg4[%add3A_1493, %dma_wait3A_1494, %dma_wait3A_1495] : memref<14336x56x64xf32, #tpu.memory_space<hbm>> -> memref<8x56x64xf32, #tpu.memory_space<hbm>>
    %dma_wait3A_1497 = arith.constant 0 : i32
    %dma_wait3A_1498 = arith.constant 0 : i32
    %dma_wait3A_1499 = tpu.memref_slice %arg4[%add3A_1493, %dma_wait3A_1497, %dma_wait3A_1498] : memref<14336x56x64xf32, #tpu.memory_space<hbm>> -> memref<8x56x64xf32, #tpu.memory_space<hbm>>
    tpu.wait_dma2 semaphore(%arg11 : memref<!tpu.dma_semaphore, #tpu.memory_space<semaphore_mem>>) src(%arg7 : memref<8x56x64xf32, #tpu.memory_space<vmem>>) dst(%dma_wait3A_1499 : memref<8x56x64xf32, #tpu.memory_space<hbm>>)
    %mul3A_1500 = arith.constant 8 : i32
    %mul3A_1501 = arith.muli %add3A, %mul3A_1500 : i32
    %add3A_1502 = arith.constant 2 : i32
    %add3A_1503 = arith.addi %mul3A_1501, %add3A_1502 : i32
    %shift_right_logical3A_1504 = arith.constant 5 : i32
    %shift_right_logical3A_1505 = arith.shrui %add3A_1503, %shift_right_logical3A_1504 : i32
    %and3A_1506 = arith.constant 31 : i32
    %and3A_1507 = arith.andi %add3A_1503, %and3A_1506 : i32
    %get3A_1508 = arith.index_cast %and3A_1507 : i32 to index
    %get3A_1509 = tpu.vector_load %arg5[%get3A_1508] {strides = array<i32>} : memref<48xi32, #tpu.memory_space<vmem>>, vector<16xi32>,
    %get3A_1510 = vector.shape_cast %get3A_1509 : vector<16xi32> to vector<16xi32>
    %slice3A_1511 = vector.extract_strided_slice %get3A_1510 {offsets = [0], sizes = [1], strides = [1]} : vector<16xi32> to vector<1xi32>
    %squeeze3A_1512 = vector.extract %slice3A_1511[0] : i32 from vector<1xi32>
    %mul3A_1513 = arith.constant 32 : i32
    %mul3A_1514 = arith.muli %shift_right_logical3A_1505, %mul3A_1513 : i32
    %add3A_1515 = arith.addi %mul3A_1514, %squeeze3A_1512 : i32
    %mul3A_1516 = arith.constant 56 : i32
    %mul3A_1517 = arith.muli %add3A_1515, %mul3A_1516 : i32
    %add3A_1518 = arith.constant 40 : i32
    %add3A_1519 = arith.addi %mul3A_1517, %add3A_1518 : i32
    %dma_start3A_1520 = arith.constant 0 : i32
    %dma_start3A_1521 = arith.constant 0 : i32
    %dma_start3A_1522 = tpu.memref_slice %arg2[%add3A_1519, %dma_start3A_1520, %dma_start3A_1521] : memref<14336x56x64xf32, #tpu.memory_space<hbm>> -> memref<8x56x64xf32, #tpu.memory_space<hbm>>
    %dma_start3A_1523 = arith.constant 0 : i32
    %dma_start3A_1524 = arith.constant 0 : i32
    %dma_start3A_1525 = tpu.memref_slice %arg2[%add3A_1519, %dma_start3A_1523, %dma_start3A_1524] : memref<14336x56x64xf32, #tpu.memory_space<hbm>> -> memref<8x56x64xf32, #tpu.memory_space<hbm>>
    tpu.enqueue_dma source(%dma_start3A_1525 : memref<8x56x64xf32, #tpu.memory_space<hbm>>) target(%arg7 : memref<8x56x64xf32, #tpu.memory_space<vmem>>) target_semaphore(%arg9 : memref<!tpu.dma_semaphore, #tpu.memory_space<semaphore_mem>>)
    %mul3A_1526 = arith.constant 8 : i32
    %mul3A_1527 = arith.muli %add3A, %mul3A_1526 : i32
    %add3A_1528 = arith.constant 2 : i32
    %add3A_1529 = arith.addi %mul3A_1527, %add3A_1528 : i32
    %shift_right_logical3A_1530 = arith.constant 5 : i32
    %shift_right_logical3A_1531 = arith.shrui %add3A_1529, %shift_right_logical3A_1530 : i32
    %and3A_1532 = arith.constant 31 : i32
    %and3A_1533 = arith.andi %add3A_1529, %and3A_1532 : i32
    %get3A_1534 = arith.index_cast %and3A_1533 : i32 to index
    %get3A_1535 = tpu.vector_load %arg5[%get3A_1534] {strides = array<i32>} : memref<48xi32, #tpu.memory_space<vmem>>, vector<16xi32>,
    %get3A_1536 = vector.shape_cast %get3A_1535 : vector<16xi32> to vector<16xi32>
    %slice3A_1537 = vector.extract_strided_slice %get3A_1536 {offsets = [0], sizes = [1], strides = [1]} : vector<16xi32> to vector<1xi32>
    %squeeze3A_1538 = vector.extract %slice3A_1537[0] : i32 from vector<1xi32>
    %mul3A_1539 = arith.constant 32 : i32
    %mul3A_1540 = arith.muli %shift_right_logical3A_1531, %mul3A_1539 : i32
    %add3A_1541 = arith.addi %mul3A_1540, %squeeze3A_1538 : i32
    %mul3A_1542 = arith.constant 56 : i32
    %mul3A_1543 = arith.muli %add3A_1541, %mul3A_1542 : i32
    %add3A_1544 = arith.constant 40 : i32
    %add3A_1545 = arith.addi %mul3A_1543, %add3A_1544 : i32
    %dma_wait3A_1546 = arith.constant 0 : i32
    %dma_wait3A_1547 = arith.constant 0 : i32
    %dma_wait3A_1548 = tpu.memref_slice %arg2[%add3A_1545, %dma_wait3A_1546, %dma_wait3A_1547] : memref<14336x56x64xf32, #tpu.memory_space<hbm>> -> memref<8x56x64xf32, #tpu.memory_space<hbm>>
    %dma_wait3A_1549 = arith.constant 0 : i32
    %dma_wait3A_1550 = arith.constant 0 : i32
    %dma_wait3A_1551 = tpu.memref_slice %arg2[%add3A_1545, %dma_wait3A_1549, %dma_wait3A_1550] : memref<14336x56x64xf32, #tpu.memory_space<hbm>> -> memref<8x56x64xf32, #tpu.memory_space<hbm>>
    tpu.wait_dma2 semaphore(%arg9 : memref<!tpu.dma_semaphore, #tpu.memory_space<semaphore_mem>>) src(%dma_wait3A_1551 : memref<8x56x64xf32, #tpu.memory_space<hbm>>) dst(%arg7 : memref<8x56x64xf32, #tpu.memory_space<vmem>>)
    %mul3A_1552 = arith.constant 8 : i32
    %mul3A_1553 = arith.muli %add3A, %mul3A_1552 : i32
    %add3A_1554 = arith.constant 2 : i32
    %add3A_1555 = arith.addi %mul3A_1553, %add3A_1554 : i32
    %mul3A_1556 = arith.constant 56 : i32
    %mul3A_1557 = arith.muli %add3A_1555, %mul3A_1556 : i32
    %add3A_1558 = arith.constant 40 : i32
    %add3A_1559 = arith.addi %mul3A_1557, %add3A_1558 : i32
    %dma_start3A_1560 = arith.constant 0 : i32
    %dma_start3A_1561 = arith.constant 0 : i32
    %dma_start3A_1562 = tpu.memref_slice %arg4[%add3A_1559, %dma_start3A_1560, %dma_start3A_1561] : memref<14336x56x64xf32, #tpu.memory_space<hbm>> -> memref<8x56x64xf32, #tpu.memory_space<hbm>>
    %dma_start3A_1563 = arith.constant 0 : i32
    %dma_start3A_1564 = arith.constant 0 : i32
    %dma_start3A_1565 = tpu.memref_slice %arg4[%add3A_1559, %dma_start3A_1563, %dma_start3A_1564] : memref<14336x56x64xf32, #tpu.memory_space<hbm>> -> memref<8x56x64xf32, #tpu.memory_space<hbm>>
    tpu.enqueue_dma source(%arg7 : memref<8x56x64xf32, #tpu.memory_space<vmem>>) target(%dma_start3A_1565 : memref<8x56x64xf32, #tpu.memory_space<hbm>>) target_semaphore(%arg11 : memref<!tpu.dma_semaphore, #tpu.memory_space<semaphore_mem>>)
    %mul3A_1566 = arith.constant 8 : i32
    %mul3A_1567 = arith.muli %add3A, %mul3A_1566 : i32
    %add3A_1568 = arith.constant 2 : i32
    %add3A_1569 = arith.addi %mul3A_1567, %add3A_1568 : i32
    %mul3A_1570 = arith.constant 56 : i32
    %mul3A_1571 = arith.muli %add3A_1569, %mul3A_1570 : i32
    %add3A_1572 = arith.constant 32 : i32
    %add3A_1573 = arith.addi %mul3A_1571, %add3A_1572 : i32
    %dma_wait3A_1574 = arith.constant 0 : i32
    %dma_wait3A_1575 = arith.constant 0 : i32
    %dma_wait3A_1576 = tpu.memref_slice %arg4[%add3A_1573, %dma_wait3A_1574, %dma_wait3A_1575] : memref<14336x56x64xf32, #tpu.memory_space<hbm>> -> memref<8x56x64xf32, #tpu.memory_space<hbm>>
    %dma_wait3A_1577 = arith.constant 0 : i32
    %dma_wait3A_1578 = arith.constant 0 : i32
    %dma_wait3A_1579 = tpu.memref_slice %arg4[%add3A_1573, %dma_wait3A_1577, %dma_wait3A_1578] : memref<14336x56x64xf32, #tpu.memory_space<hbm>> -> memref<8x56x64xf32, #tpu.memory_space<hbm>>
    tpu.wait_dma2 semaphore(%arg10 : memref<!tpu.dma_semaphore, #tpu.memory_space<semaphore_mem>>) src(%arg6 : memref<8x56x64xf32, #tpu.memory_space<vmem>>) dst(%dma_wait3A_1579 : memref<8x56x64xf32, #tpu.memory_space<hbm>>)
    %mul3A_1580 = arith.constant 8 : i32
    %mul3A_1581 = arith.muli %add3A, %mul3A_1580 : i32
    %add3A_1582 = arith.constant 2 : i32
    %add3A_1583 = arith.addi %mul3A_1581, %add3A_1582 : i32
    %shift_right_logical3A_1584 = arith.constant 5 : i32
    %shift_right_logical3A_1585 = arith.shrui %add3A_1583, %shift_right_logical3A_1584 : i32
    %and3A_1586 = arith.constant 31 : i32
    %and3A_1587 = arith.andi %add3A_1583, %and3A_1586 : i32
    %get3A_1588 = arith.index_cast %and3A_1587 : i32 to index
    %get3A_1589 = tpu.vector_load %arg5[%get3A_1588] {strides = array<i32>} : memref<48xi32, #tpu.memory_space<vmem>>, vector<16xi32>,
    %get3A_1590 = vector.shape_cast %get3A_1589 : vector<16xi32> to vector<16xi32>
    %slice3A_1591 = vector.extract_strided_slice %get3A_1590 {offsets = [0], sizes = [1], strides = [1]} : vector<16xi32> to vector<1xi32>
    %squeeze3A_1592 = vector.extract %slice3A_1591[0] : i32 from vector<1xi32>
    %mul3A_1593 = arith.constant 32 : i32
    %mul3A_1594 = arith.muli %shift_right_logical3A_1585, %mul3A_1593 : i32
    %add3A_1595 = arith.addi %mul3A_1594, %squeeze3A_1592 : i32
    %mul3A_1596 = arith.constant 56 : i32
    %mul3A_1597 = arith.muli %add3A_1595, %mul3A_1596 : i32
    %add3A_1598 = arith.constant 48 : i32
    %add3A_1599 = arith.addi %mul3A_1597, %add3A_1598 : i32
    %dma_start3A_1600 = arith.constant 0 : i32
    %dma_start3A_1601 = arith.constant 0 : i32
    %dma_start3A_1602 = tpu.memref_slice %arg2[%add3A_1599, %dma_start3A_1600, %dma_start3A_1601] : memref<14336x56x64xf32, #tpu.memory_space<hbm>> -> memref<8x56x64xf32, #tpu.memory_space<hbm>>
    %dma_start3A_1603 = arith.constant 0 : i32
    %dma_start3A_1604 = arith.constant 0 : i32
    %dma_start3A_1605 = tpu.memref_slice %arg2[%add3A_1599, %dma_start3A_1603, %dma_start3A_1604] : memref<14336x56x64xf32, #tpu.memory_space<hbm>> -> memref<8x56x64xf32, #tpu.memory_space<hbm>>
    tpu.enqueue_dma source(%dma_start3A_1605 : memref<8x56x64xf32, #tpu.memory_space<hbm>>) target(%arg6 : memref<8x56x64xf32, #tpu.memory_space<vmem>>) target_semaphore(%arg8 : memref<!tpu.dma_semaphore, #tpu.memory_space<semaphore_mem>>)
    %mul3A_1606 = arith.constant 8 : i32
    %mul3A_1607 = arith.muli %add3A, %mul3A_1606 : i32
    %add3A_1608 = arith.constant 2 : i32
    %add3A_1609 = arith.addi %mul3A_1607, %add3A_1608 : i32
    %shift_right_logical3A_1610 = arith.constant 5 : i32
    %shift_right_logical3A_1611 = arith.shrui %add3A_1609, %shift_right_logical3A_1610 : i32
    %and3A_1612 = arith.constant 31 : i32
    %and3A_1613 = arith.andi %add3A_1609, %and3A_1612 : i32
    %get3A_1614 = arith.index_cast %and3A_1613 : i32 to index
    %get3A_1615 = tpu.vector_load %arg5[%get3A_1614] {strides = array<i32>} : memref<48xi32, #tpu.memory_space<vmem>>, vector<16xi32>,
    %get3A_1616 = vector.shape_cast %get3A_1615 : vector<16xi32> to vector<16xi32>
    %slice3A_1617 = vector.extract_strided_slice %get3A_1616 {offsets = [0], sizes = [1], strides = [1]} : vector<16xi32> to vector<1xi32>
    %squeeze3A_1618 = vector.extract %slice3A_1617[0] : i32 from vector<1xi32>
    %mul3A_1619 = arith.constant 32 : i32
    %mul3A_1620 = arith.muli %shift_right_logical3A_1611, %mul3A_1619 : i32
    %add3A_1621 = arith.addi %mul3A_1620, %squeeze3A_1618 : i32
    %mul3A_1622 = arith.constant 56 : i32
    %mul3A_1623 = arith.muli %add3A_1621, %mul3A_1622 : i32
    %add3A_1624 = arith.constant 48 : i32
    %add3A_1625 = arith.addi %mul3A_1623, %add3A_1624 : i32
    %dma_wait3A_1626 = arith.constant 0 : i32
    %dma_wait3A_1627 = arith.constant 0 : i32
    %dma_wait3A_1628 = tpu.memref_slice %arg2[%add3A_1625, %dma_wait3A_1626, %dma_wait3A_1627] : memref<14336x56x64xf32, #tpu.memory_space<hbm>> -> memref<8x56x64xf32, #tpu.memory_space<hbm>>
    %dma_wait3A_1629 = arith.constant 0 : i32
    %dma_wait3A_1630 = arith.constant 0 : i32
    %dma_wait3A_1631 = tpu.memref_slice %arg2[%add3A_1625, %dma_wait3A_1629, %dma_wait3A_1630] : memref<14336x56x64xf32, #tpu.memory_space<hbm>> -> memref<8x56x64xf32, #tpu.memory_space<hbm>>
    tpu.wait_dma2 semaphore(%arg8 : memref<!tpu.dma_semaphore, #tpu.memory_space<semaphore_mem>>) src(%dma_wait3A_1631 : memref<8x56x64xf32, #tpu.memory_space<hbm>>) dst(%arg6 : memref<8x56x64xf32, #tpu.memory_space<vmem>>)
    %mul3A_1632 = arith.constant 8 : i32
    %mul3A_1633 = arith.muli %add3A, %mul3A_1632 : i32
    %add3A_1634 = arith.constant 2 : i32
    %add3A_1635 = arith.addi %mul3A_1633, %add3A_1634 : i32
    %mul3A_1636 = arith.constant 56 : i32
    %mul3A_1637 = arith.muli %add3A_1635, %mul3A_1636 : i32
    %add3A_1638 = arith.constant 48 : i32
    %add3A_1639 = arith.addi %mul3A_1637, %add3A_1638 : i32
    %dma_start3A_1640 = arith.constant 0 : i32
    %dma_start3A_1641 = arith.constant 0 : i32
    %dma_start3A_1642 = tpu.memref_slice %arg4[%add3A_1639, %dma_start3A_1640, %dma_start3A_1641] : memref<14336x56x64xf32, #tpu.memory_space<hbm>> -> memref<8x56x64xf32, #tpu.memory_space<hbm>>
    %dma_start3A_1643 = arith.constant 0 : i32
    %dma_start3A_1644 = arith.constant 0 : i32
    %dma_start3A_1645 = tpu.memref_slice %arg4[%add3A_1639, %dma_start3A_1643, %dma_start3A_1644] : memref<14336x56x64xf32, #tpu.memory_space<hbm>> -> memref<8x56x64xf32, #tpu.memory_space<hbm>>
    tpu.enqueue_dma source(%arg6 : memref<8x56x64xf32, #tpu.memory_space<vmem>>) target(%dma_start3A_1645 : memref<8x56x64xf32, #tpu.memory_space<hbm>>) target_semaphore(%arg10 : memref<!tpu.dma_semaphore, #tpu.memory_space<semaphore_mem>>)
    %mul3A_1646 = arith.constant 8 : i32
    %mul3A_1647 = arith.muli %add3A, %mul3A_1646 : i32
    %add3A_1648 = arith.constant 2 : i32
    %add3A_1649 = arith.addi %mul3A_1647, %add3A_1648 : i32
    %mul3A_1650 = arith.constant 56 : i32
    %mul3A_1651 = arith.muli %add3A_1649, %mul3A_1650 : i32
    %add3A_1652 = arith.constant 40 : i32
    %add3A_1653 = arith.addi %mul3A_1651, %add3A_1652 : i32
    %dma_wait3A_1654 = arith.constant 0 : i32
    %dma_wait3A_1655 = arith.constant 0 : i32
    %dma_wait3A_1656 = tpu.memref_slice %arg4[%add3A_1653, %dma_wait3A_1654, %dma_wait3A_1655] : memref<14336x56x64xf32, #tpu.memory_space<hbm>> -> memref<8x56x64xf32, #tpu.memory_space<hbm>>
    %dma_wait3A_1657 = arith.constant 0 : i32
    %dma_wait3A_1658 = arith.constant 0 : i32
    %dma_wait3A_1659 = tpu.memref_slice %arg4[%add3A_1653, %dma_wait3A_1657, %dma_wait3A_1658] : memref<14336x56x64xf32, #tpu.memory_space<hbm>> -> memref<8x56x64xf32, #tpu.memory_space<hbm>>
    tpu.wait_dma2 semaphore(%arg11 : memref<!tpu.dma_semaphore, #tpu.memory_space<semaphore_mem>>) src(%arg7 : memref<8x56x64xf32, #tpu.memory_space<vmem>>) dst(%dma_wait3A_1659 : memref<8x56x64xf32, #tpu.memory_space<hbm>>)
    %mul3A_1660 = arith.constant 8 : i32
    %mul3A_1661 = arith.muli %add3A, %mul3A_1660 : i32
    %add3A_1662 = arith.constant 3 : i32
    %add3A_1663 = arith.addi %mul3A_1661, %add3A_1662 : i32
    %shift_right_logical3A_1664 = arith.constant 5 : i32
    %shift_right_logical3A_1665 = arith.shrui %add3A_1663, %shift_right_logical3A_1664 : i32
    %and3A_1666 = arith.constant 31 : i32
    %and3A_1667 = arith.andi %add3A_1663, %and3A_1666 : i32
    %get3A_1668 = arith.index_cast %and3A_1667 : i32 to index
    %get3A_1669 = tpu.vector_load %arg5[%get3A_1668] {strides = array<i32>} : memref<48xi32, #tpu.memory_space<vmem>>, vector<16xi32>,
    %get3A_1670 = vector.shape_cast %get3A_1669 : vector<16xi32> to vector<16xi32>
    %slice3A_1671 = vector.extract_strided_slice %get3A_1670 {offsets = [0], sizes = [1], strides = [1]} : vector<16xi32> to vector<1xi32>
    %squeeze3A_1672 = vector.extract %slice3A_1671[0] : i32 from vector<1xi32>
    %mul3A_1673 = arith.constant 32 : i32
    %mul3A_1674 = arith.muli %shift_right_logical3A_1665, %mul3A_1673 : i32
    %add3A_1675 = arith.addi %mul3A_1674, %squeeze3A_1672 : i32
    %mul3A_1676 = arith.constant 56 : i32
    %mul3A_1677 = arith.muli %add3A_1675, %mul3A_1676 : i32
    %add3A_1678 = arith.constant 0 : i32
    %add3A_1679 = arith.addi %mul3A_1677, %add3A_1678 : i32
    %dma_start3A_1680 = arith.constant 0 : i32
    %dma_start3A_1681 = arith.constant 0 : i32
    %dma_start3A_1682 = tpu.memref_slice %arg2[%add3A_1679, %dma_start3A_1680, %dma_start3A_1681] : memref<14336x56x64xf32, #tpu.memory_space<hbm>> -> memref<8x56x64xf32, #tpu.memory_space<hbm>>
    %dma_start3A_1683 = arith.constant 0 : i32
    %dma_start3A_1684 = arith.constant 0 : i32
    %dma_start3A_1685 = tpu.memref_slice %arg2[%add3A_1679, %dma_start3A_1683, %dma_start3A_1684] : memref<14336x56x64xf32, #tpu.memory_space<hbm>> -> memref<8x56x64xf32, #tpu.memory_space<hbm>>
    tpu.enqueue_dma source(%dma_start3A_1685 : memref<8x56x64xf32, #tpu.memory_space<hbm>>) target(%arg7 : memref<8x56x64xf32, #tpu.memory_space<vmem>>) target_semaphore(%arg9 : memref<!tpu.dma_semaphore, #tpu.memory_space<semaphore_mem>>)
    %mul3A_1686 = arith.constant 8 : i32
    %mul3A_1687 = arith.muli %add3A, %mul3A_1686 : i32
    %add3A_1688 = arith.constant 3 : i32
    %add3A_1689 = arith.addi %mul3A_1687, %add3A_1688 : i32
    %shift_right_logical3A_1690 = arith.constant 5 : i32
    %shift_right_logical3A_1691 = arith.shrui %add3A_1689, %shift_right_logical3A_1690 : i32
    %and3A_1692 = arith.constant 31 : i32
    %and3A_1693 = arith.andi %add3A_1689, %and3A_1692 : i32
    %get3A_1694 = arith.index_cast %and3A_1693 : i32 to index
    %get3A_1695 = tpu.vector_load %arg5[%get3A_1694] {strides = array<i32>} : memref<48xi32, #tpu.memory_space<vmem>>, vector<16xi32>,
    %get3A_1696 = vector.shape_cast %get3A_1695 : vector<16xi32> to vector<16xi32>
    %slice3A_1697 = vector.extract_strided_slice %get3A_1696 {offsets = [0], sizes = [1], strides = [1]} : vector<16xi32> to vector<1xi32>
    %squeeze3A_1698 = vector.extract %slice3A_1697[0] : i32 from vector<1xi32>
    %mul3A_1699 = arith.constant 32 : i32
    %mul3A_1700 = arith.muli %shift_right_logical3A_1691, %mul3A_1699 : i32
    %add3A_1701 = arith.addi %mul3A_1700, %squeeze3A_1698 : i32
    %mul3A_1702 = arith.constant 56 : i32
    %mul3A_1703 = arith.muli %add3A_1701, %mul3A_1702 : i32
    %add3A_1704 = arith.constant 0 : i32
    %add3A_1705 = arith.addi %mul3A_1703, %add3A_1704 : i32
    %dma_wait3A_1706 = arith.constant 0 : i32
    %dma_wait3A_1707 = arith.constant 0 : i32
    %dma_wait3A_1708 = tpu.memref_slice %arg2[%add3A_1705, %dma_wait3A_1706, %dma_wait3A_1707] : memref<14336x56x64xf32, #tpu.memory_space<hbm>> -> memref<8x56x64xf32, #tpu.memory_space<hbm>>
    %dma_wait3A_1709 = arith.constant 0 : i32
    %dma_wait3A_1710 = arith.constant 0 : i32
    %dma_wait3A_1711 = tpu.memref_slice %arg2[%add3A_1705, %dma_wait3A_1709, %dma_wait3A_1710] : memref<14336x56x64xf32, #tpu.memory_space<hbm>> -> memref<8x56x64xf32, #tpu.memory_space<hbm>>
    tpu.wait_dma2 semaphore(%arg9 : memref<!tpu.dma_semaphore, #tpu.memory_space<semaphore_mem>>) src(%dma_wait3A_1711 : memref<8x56x64xf32, #tpu.memory_space<hbm>>) dst(%arg7 : memref<8x56x64xf32, #tpu.memory_space<vmem>>)
    %mul3A_1712 = arith.constant 8 : i32
    %mul3A_1713 = arith.muli %add3A, %mul3A_1712 : i32
    %add3A_1714 = arith.constant 3 : i32
    %add3A_1715 = arith.addi %mul3A_1713, %add3A_1714 : i32
    %mul3A_1716 = arith.constant 56 : i32
    %mul3A_1717 = arith.muli %add3A_1715, %mul3A_1716 : i32
    %add3A_1718 = arith.constant 0 : i32
    %add3A_1719 = arith.addi %mul3A_1717, %add3A_1718 : i32
    %dma_start3A_1720 = arith.constant 0 : i32
    %dma_start3A_1721 = arith.constant 0 : i32
    %dma_start3A_1722 = tpu.memref_slice %arg4[%add3A_1719, %dma_start3A_1720, %dma_start3A_1721] : memref<14336x56x64xf32, #tpu.memory_space<hbm>> -> memref<8x56x64xf32, #tpu.memory_space<hbm>>
    %dma_start3A_1723 = arith.constant 0 : i32
    %dma_start3A_1724 = arith.constant 0 : i32
    %dma_start3A_1725 = tpu.memref_slice %arg4[%add3A_1719, %dma_start3A_1723, %dma_start3A_1724] : memref<14336x56x64xf32, #tpu.memory_space<hbm>> -> memref<8x56x64xf32, #tpu.memory_space<hbm>>
    tpu.enqueue_dma source(%arg7 : memref<8x56x64xf32, #tpu.memory_space<vmem>>) target(%dma_start3A_1725 : memref<8x56x64xf32, #tpu.memory_space<hbm>>) target_semaphore(%arg11 : memref<!tpu.dma_semaphore, #tpu.memory_space<semaphore_mem>>)
    %mul3A_1726 = arith.constant 8 : i32
    %mul3A_1727 = arith.muli %add3A, %mul3A_1726 : i32
    %add3A_1728 = arith.constant 2 : i32
    %add3A_1729 = arith.addi %mul3A_1727, %add3A_1728 : i32
    %mul3A_1730 = arith.constant 56 : i32
    %mul3A_1731 = arith.muli %add3A_1729, %mul3A_1730 : i32
    %add3A_1732 = arith.constant 48 : i32
    %add3A_1733 = arith.addi %mul3A_1731, %add3A_1732 : i32
    %dma_wait3A_1734 = arith.constant 0 : i32
    %dma_wait3A_1735 = arith.constant 0 : i32
    %dma_wait3A_1736 = tpu.memref_slice %arg4[%add3A_1733, %dma_wait3A_1734, %dma_wait3A_1735] : memref<14336x56x64xf32, #tpu.memory_space<hbm>> -> memref<8x56x64xf32, #tpu.memory_space<hbm>>
    %dma_wait3A_1737 = arith.constant 0 : i32
    %dma_wait3A_1738 = arith.constant 0 : i32
    %dma_wait3A_1739 = tpu.memref_slice %arg4[%add3A_1733, %dma_wait3A_1737, %dma_wait3A_1738] : memref<14336x56x64xf32, #tpu.memory_space<hbm>> -> memref<8x56x64xf32, #tpu.memory_space<hbm>>
    tpu.wait_dma2 semaphore(%arg10 : memref<!tpu.dma_semaphore, #tpu.memory_space<semaphore_mem>>) src(%arg6 : memref<8x56x64xf32, #tpu.memory_space<vmem>>) dst(%dma_wait3A_1739 : memref<8x56x64xf32, #tpu.memory_space<hbm>>)
    %mul3A_1740 = arith.constant 8 : i32
    %mul3A_1741 = arith.muli %add3A, %mul3A_1740 : i32
    %add3A_1742 = arith.constant 3 : i32
    %add3A_1743 = arith.addi %mul3A_1741, %add3A_1742 : i32
    %shift_right_logical3A_1744 = arith.constant 5 : i32
    %shift_right_logical3A_1745 = arith.shrui %add3A_1743, %shift_right_logical3A_1744 : i32
    %and3A_1746 = arith.constant 31 : i32
    %and3A_1747 = arith.andi %add3A_1743, %and3A_1746 : i32
    %get3A_1748 = arith.index_cast %and3A_1747 : i32 to index
    %get3A_1749 = tpu.vector_load %arg5[%get3A_1748] {strides = array<i32>} : memref<48xi32, #tpu.memory_space<vmem>>, vector<16xi32>,
    %get3A_1750 = vector.shape_cast %get3A_1749 : vector<16xi32> to vector<16xi32>
    %slice3A_1751 = vector.extract_strided_slice %get3A_1750 {offsets = [0], sizes = [1], strides = [1]} : vector<16xi32> to vector<1xi32>
    %squeeze3A_1752 = vector.extract %slice3A_1751[0] : i32 from vector<1xi32>
    %mul3A_1753 = arith.constant 32 : i32
    %mul3A_1754 = arith.muli %shift_right_logical3A_1745, %mul3A_1753 : i32
    %add3A_1755 = arith.addi %mul3A_1754, %squeeze3A_1752 : i32
    %mul3A_1756 = arith.constant 56 : i32
    %mul3A_1757 = arith.muli %add3A_1755, %mul3A_1756 : i32
    %add3A_1758 = arith.constant 8 : i32
    %add3A_1759 = arith.addi %mul3A_1757, %add3A_1758 : i32
    %dma_start3A_1760 = arith.constant 0 : i32
    %dma_start3A_1761 = arith.constant 0 : i32
    %dma_start3A_1762 = tpu.memref_slice %arg2[%add3A_1759, %dma_start3A_1760, %dma_start3A_1761] : memref<14336x56x64xf32, #tpu.memory_space<hbm>> -> memref<8x56x64xf32, #tpu.memory_space<hbm>>
    %dma_start3A_1763 = arith.constant 0 : i32
    %dma_start3A_1764 = arith.constant 0 : i32
    %dma_start3A_1765 = tpu.memref_slice %arg2[%add3A_1759, %dma_start3A_1763, %dma_start3A_1764] : memref<14336x56x64xf32, #tpu.memory_space<hbm>> -> memref<8x56x64xf32, #tpu.memory_space<hbm>>
    tpu.enqueue_dma source(%dma_start3A_1765 : memref<8x56x64xf32, #tpu.memory_space<hbm>>) target(%arg6 : memref<8x56x64xf32, #tpu.memory_space<vmem>>) target_semaphore(%arg8 : memref<!tpu.dma_semaphore, #tpu.memory_space<semaphore_mem>>)
    %mul3A_1766 = arith.constant 8 : i32
    %mul3A_1767 = arith.muli %add3A, %mul3A_1766 : i32
    %add3A_1768 = arith.constant 3 : i32
    %add3A_1769 = arith.addi %mul3A_1767, %add3A_1768 : i32
    %shift_right_logical3A_1770 = arith.constant 5 : i32
    %shift_right_logical3A_1771 = arith.shrui %add3A_1769, %shift_right_logical3A_1770 : i32
    %and3A_1772 = arith.constant 31 : i32
    %and3A_1773 = arith.andi %add3A_1769, %and3A_1772 : i32
    %get3A_1774 = arith.index_cast %and3A_1773 : i32 to index
    %get3A_1775 = tpu.vector_load %arg5[%get3A_1774] {strides = array<i32>} : memref<48xi32, #tpu.memory_space<vmem>>, vector<16xi32>,
    %get3A_1776 = vector.shape_cast %get3A_1775 : vector<16xi32> to vector<16xi32>
    %slice3A_1777 = vector.extract_strided_slice %get3A_1776 {offsets = [0], sizes = [1], strides = [1]} : vector<16xi32> to vector<1xi32>
    %squeeze3A_1778 = vector.extract %slice3A_1777[0] : i32 from vector<1xi32>
    %mul3A_1779 = arith.constant 32 : i32
    %mul3A_1780 = arith.muli %shift_right_logical3A_1771, %mul3A_1779 : i32
    %add3A_1781 = arith.addi %mul3A_1780, %squeeze3A_1778 : i32
    %mul3A_1782 = arith.constant 56 : i32
    %mul3A_1783 = arith.muli %add3A_1781, %mul3A_1782 : i32
    %add3A_1784 = arith.constant 8 : i32
    %add3A_1785 = arith.addi %mul3A_1783, %add3A_1784 : i32
    %dma_wait3A_1786 = arith.constant 0 : i32
    %dma_wait3A_1787 = arith.constant 0 : i32
    %dma_wait3A_1788 = tpu.memref_slice %arg2[%add3A_1785, %dma_wait3A_1786, %dma_wait3A_1787] : memref<14336x56x64xf32, #tpu.memory_space<hbm>> -> memref<8x56x64xf32, #tpu.memory_space<hbm>>
    %dma_wait3A_1789 = arith.constant 0 : i32
    %dma_wait3A_1790 = arith.constant 0 : i32
    %dma_wait3A_1791 = tpu.memref_slice %arg2[%add3A_1785, %dma_wait3A_1789, %dma_wait3A_1790] : memref<14336x56x64xf32, #tpu.memory_space<hbm>> -> memref<8x56x64xf32, #tpu.memory_space<hbm>>
    tpu.wait_dma2 semaphore(%arg8 : memref<!tpu.dma_semaphore, #tpu.memory_space<semaphore_mem>>) src(%dma_wait3A_1791 : memref<8x56x64xf32, #tpu.memory_space<hbm>>) dst(%arg6 : memref<8x56x64xf32, #tpu.memory_space<vmem>>)
    %mul3A_1792 = arith.constant 8 : i32
    %mul3A_1793 = arith.muli %add3A, %mul3A_1792 : i32
    %add3A_1794 = arith.constant 3 : i32
    %add3A_1795 = arith.addi %mul3A_1793, %add3A_1794 : i32
    %mul3A_1796 = arith.constant 56 : i32
    %mul3A_1797 = arith.muli %add3A_1795, %mul3A_1796 : i32
    %add3A_1798 = arith.constant 8 : i32
    %add3A_1799 = arith.addi %mul3A_1797, %add3A_1798 : i32
    %dma_start3A_1800 = arith.constant 0 : i32
    %dma_start3A_1801 = arith.constant 0 : i32
    %dma_start3A_1802 = tpu.memref_slice %arg4[%add3A_1799, %dma_start3A_1800, %dma_start3A_1801] : memref<14336x56x64xf32, #tpu.memory_space<hbm>> -> memref<8x56x64xf32, #tpu.memory_space<hbm>>
    %dma_start3A_1803 = arith.constant 0 : i32
    %dma_start3A_1804 = arith.constant 0 : i32
    %dma_start3A_1805 = tpu.memref_slice %arg4[%add3A_1799, %dma_start3A_1803, %dma_start3A_1804] : memref<14336x56x64xf32, #tpu.memory_space<hbm>> -> memref<8x56x64xf32, #tpu.memory_space<hbm>>
    tpu.enqueue_dma source(%arg6 : memref<8x56x64xf32, #tpu.memory_space<vmem>>) target(%dma_start3A_1805 : memref<8x56x64xf32, #tpu.memory_space<hbm>>) target_semaphore(%arg10 : memref<!tpu.dma_semaphore, #tpu.memory_space<semaphore_mem>>)
    %mul3A_1806 = arith.constant 8 : i32
    %mul3A_1807 = arith.muli %add3A, %mul3A_1806 : i32
    %add3A_1808 = arith.constant 3 : i32
    %add3A_1809 = arith.addi %mul3A_1807, %add3A_1808 : i32
    %mul3A_1810 = arith.constant 56 : i32
    %mul3A_1811 = arith.muli %add3A_1809, %mul3A_1810 : i32
    %add3A_1812 = arith.constant 0 : i32
    %add3A_1813 = arith.addi %mul3A_1811, %add3A_1812 : i32
    %dma_wait3A_1814 = arith.constant 0 : i32
    %dma_wait3A_1815 = arith.constant 0 : i32
    %dma_wait3A_1816 = tpu.memref_slice %arg4[%add3A_1813, %dma_wait3A_1814, %dma_wait3A_1815] : memref<14336x56x64xf32, #tpu.memory_space<hbm>> -> memref<8x56x64xf32, #tpu.memory_space<hbm>>
    %dma_wait3A_1817 = arith.constant 0 : i32
    %dma_wait3A_1818 = arith.constant 0 : i32
    %dma_wait3A_1819 = tpu.memref_slice %arg4[%add3A_1813, %dma_wait3A_1817, %dma_wait3A_1818] : memref<14336x56x64xf32, #tpu.memory_space<hbm>> -> memref<8x56x64xf32, #tpu.memory_space<hbm>>
    tpu.wait_dma2 semaphore(%arg11 : memref<!tpu.dma_semaphore, #tpu.memory_space<semaphore_mem>>) src(%arg7 : memref<8x56x64xf32, #tpu.memory_space<vmem>>) dst(%dma_wait3A_1819 : memref<8x56x64xf32, #tpu.memory_space<hbm>>)
    %mul3A_1820 = arith.constant 8 : i32
    %mul3A_1821 = arith.muli %add3A, %mul3A_1820 : i32
    %add3A_1822 = arith.constant 3 : i32
    %add3A_1823 = arith.addi %mul3A_1821, %add3A_1822 : i32
    %shift_right_logical3A_1824 = arith.constant 5 : i32
    %shift_right_logical3A_1825 = arith.shrui %add3A_1823, %shift_right_logical3A_1824 : i32
    %and3A_1826 = arith.constant 31 : i32
    %and3A_1827 = arith.andi %add3A_1823, %and3A_1826 : i32
    %get3A_1828 = arith.index_cast %and3A_1827 : i32 to index
    %get3A_1829 = tpu.vector_load %arg5[%get3A_1828] {strides = array<i32>} : memref<48xi32, #tpu.memory_space<vmem>>, vector<16xi32>,
    %get3A_1830 = vector.shape_cast %get3A_1829 : vector<16xi32> to vector<16xi32>
    %slice3A_1831 = vector.extract_strided_slice %get3A_1830 {offsets = [0], sizes = [1], strides = [1]} : vector<16xi32> to vector<1xi32>
    %squeeze3A_1832 = vector.extract %slice3A_1831[0] : i32 from vector<1xi32>
    %mul3A_1833 = arith.constant 32 : i32
    %mul3A_1834 = arith.muli %shift_right_logical3A_1825, %mul3A_1833 : i32
    %add3A_1835 = arith.addi %mul3A_1834, %squeeze3A_1832 : i32
    %mul3A_1836 = arith.constant 56 : i32
    %mul3A_1837 = arith.muli %add3A_1835, %mul3A_1836 : i32
    %add3A_1838 = arith.constant 16 : i32
    %add3A_1839 = arith.addi %mul3A_1837, %add3A_1838 : i32
    %dma_start3A_1840 = arith.constant 0 : i32
    %dma_start3A_1841 = arith.constant 0 : i32
    %dma_start3A_1842 = tpu.memref_slice %arg2[%add3A_1839, %dma_start3A_1840, %dma_start3A_1841] : memref<14336x56x64xf32, #tpu.memory_space<hbm>> -> memref<8x56x64xf32, #tpu.memory_space<hbm>>
    %dma_start3A_1843 = arith.constant 0 : i32
    %dma_start3A_1844 = arith.constant 0 : i32
    %dma_start3A_1845 = tpu.memref_slice %arg2[%add3A_1839, %dma_start3A_1843, %dma_start3A_1844] : memref<14336x56x64xf32, #tpu.memory_space<hbm>> -> memref<8x56x64xf32, #tpu.memory_space<hbm>>
    tpu.enqueue_dma source(%dma_start3A_1845 : memref<8x56x64xf32, #tpu.memory_space<hbm>>) target(%arg7 : memref<8x56x64xf32, #tpu.memory_space<vmem>>) target_semaphore(%arg9 : memref<!tpu.dma_semaphore, #tpu.memory_space<semaphore_mem>>)
    %mul3A_1846 = arith.constant 8 : i32
    %mul3A_1847 = arith.muli %add3A, %mul3A_1846 : i32
    %add3A_1848 = arith.constant 3 : i32
    %add3A_1849 = arith.addi %mul3A_1847, %add3A_1848 : i32
    %shift_right_logical3A_1850 = arith.constant 5 : i32
    %shift_right_logical3A_1851 = arith.shrui %add3A_1849, %shift_right_logical3A_1850 : i32
    %and3A_1852 = arith.constant 31 : i32
    %and3A_1853 = arith.andi %add3A_1849, %and3A_1852 : i32
    %get3A_1854 = arith.index_cast %and3A_1853 : i32 to index
    %get3A_1855 = tpu.vector_load %arg5[%get3A_1854] {strides = array<i32>} : memref<48xi32, #tpu.memory_space<vmem>>, vector<16xi32>,
    %get3A_1856 = vector.shape_cast %get3A_1855 : vector<16xi32> to vector<16xi32>
    %slice3A_1857 = vector.extract_strided_slice %get3A_1856 {offsets = [0], sizes = [1], strides = [1]} : vector<16xi32> to vector<1xi32>
    %squeeze3A_1858 = vector.extract %slice3A_1857[0] : i32 from vector<1xi32>
    %mul3A_1859 = arith.constant 32 : i32
    %mul3A_1860 = arith.muli %shift_right_logical3A_1851, %mul3A_1859 : i32
    %add3A_1861 = arith.addi %mul3A_1860, %squeeze3A_1858 : i32
    %mul3A_1862 = arith.constant 56 : i32
    %mul3A_1863 = arith.muli %add3A_1861, %mul3A_1862 : i32
    %add3A_1864 = arith.constant 16 : i32
    %add3A_1865 = arith.addi %mul3A_1863, %add3A_1864 : i32
    %dma_wait3A_1866 = arith.constant 0 : i32
    %dma_wait3A_1867 = arith.constant 0 : i32
    %dma_wait3A_1868 = tpu.memref_slice %arg2[%add3A_1865, %dma_wait3A_1866, %dma_wait3A_1867] : memref<14336x56x64xf32, #tpu.memory_space<hbm>> -> memref<8x56x64xf32, #tpu.memory_space<hbm>>
    %dma_wait3A_1869 = arith.constant 0 : i32
    %dma_wait3A_1870 = arith.constant 0 : i32
    %dma_wait3A_1871 = tpu.memref_slice %arg2[%add3A_1865, %dma_wait3A_1869, %dma_wait3A_1870] : memref<14336x56x64xf32, #tpu.memory_space<hbm>> -> memref<8x56x64xf32, #tpu.memory_space<hbm>>
    tpu.wait_dma2 semaphore(%arg9 : memref<!tpu.dma_semaphore, #tpu.memory_space<semaphore_mem>>) src(%dma_wait3A_1871 : memref<8x56x64xf32, #tpu.memory_space<hbm>>) dst(%arg7 : memref<8x56x64xf32, #tpu.memory_space<vmem>>)
    %mul3A_1872 = arith.constant 8 : i32
    %mul3A_1873 = arith.muli %add3A, %mul3A_1872 : i32
    %add3A_1874 = arith.constant 3 : i32
    %add3A_1875 = arith.addi %mul3A_1873, %add3A_1874 : i32
    %mul3A_1876 = arith.constant 56 : i32
    %mul3A_1877 = arith.muli %add3A_1875, %mul3A_1876 : i32
    %add3A_1878 = arith.constant 16 : i32
    %add3A_1879 = arith.addi %mul3A_1877, %add3A_1878 : i32
    %dma_start3A_1880 = arith.constant 0 : i32
    %dma_start3A_1881 = arith.constant 0 : i32
    %dma_start3A_1882 = tpu.memref_slice %arg4[%add3A_1879, %dma_start3A_1880, %dma_start3A_1881] : memref<14336x56x64xf32, #tpu.memory_space<hbm>> -> memref<8x56x64xf32, #tpu.memory_space<hbm>>
    %dma_start3A_1883 = arith.constant 0 : i32
    %dma_start3A_1884 = arith.constant 0 : i32
    %dma_start3A_1885 = tpu.memref_slice %arg4[%add3A_1879, %dma_start3A_1883, %dma_start3A_1884] : memref<14336x56x64xf32, #tpu.memory_space<hbm>> -> memref<8x56x64xf32, #tpu.memory_space<hbm>>
    tpu.enqueue_dma source(%arg7 : memref<8x56x64xf32, #tpu.memory_space<vmem>>) target(%dma_start3A_1885 : memref<8x56x64xf32, #tpu.memory_space<hbm>>) target_semaphore(%arg11 : memref<!tpu.dma_semaphore, #tpu.memory_space<semaphore_mem>>)
    %mul3A_1886 = arith.constant 8 : i32
    %mul3A_1887 = arith.muli %add3A, %mul3A_1886 : i32
    %add3A_1888 = arith.constant 3 : i32
    %add3A_1889 = arith.addi %mul3A_1887, %add3A_1888 : i32
    %mul3A_1890 = arith.constant 56 : i32
    %mul3A_1891 = arith.muli %add3A_1889, %mul3A_1890 : i32
    %add3A_1892 = arith.constant 8 : i32
    %add3A_1893 = arith.addi %mul3A_1891, %add3A_1892 : i32
    %dma_wait3A_1894 = arith.constant 0 : i32
    %dma_wait3A_1895 = arith.constant 0 : i32
    %dma_wait3A_1896 = tpu.memref_slice %arg4[%add3A_1893, %dma_wait3A_1894, %dma_wait3A_1895] : memref<14336x56x64xf32, #tpu.memory_space<hbm>> -> memref<8x56x64xf32, #tpu.memory_space<hbm>>
    %dma_wait3A_1897 = arith.constant 0 : i32
    %dma_wait3A_1898 = arith.constant 0 : i32
    %dma_wait3A_1899 = tpu.memref_slice %arg4[%add3A_1893, %dma_wait3A_1897, %dma_wait3A_1898] : memref<14336x56x64xf32, #tpu.memory_space<hbm>> -> memref<8x56x64xf32, #tpu.memory_space<hbm>>
    tpu.wait_dma2 semaphore(%arg10 : memref<!tpu.dma_semaphore, #tpu.memory_space<semaphore_mem>>) src(%arg6 : memref<8x56x64xf32, #tpu.memory_space<vmem>>) dst(%dma_wait3A_1899 : memref<8x56x64xf32, #tpu.memory_space<hbm>>)
    %mul3A_1900 = arith.constant 8 : i32
    %mul3A_1901 = arith.muli %add3A, %mul3A_1900 : i32
    %add3A_1902 = arith.constant 3 : i32
    %add3A_1903 = arith.addi %mul3A_1901, %add3A_1902 : i32
    %shift_right_logical3A_1904 = arith.constant 5 : i32
    %shift_right_logical3A_1905 = arith.shrui %add3A_1903, %shift_right_logical3A_1904 : i32
    %and3A_1906 = arith.constant 31 : i32
    %and3A_1907 = arith.andi %add3A_1903, %and3A_1906 : i32
    %get3A_1908 = arith.index_cast %and3A_1907 : i32 to index
    %get3A_1909 = tpu.vector_load %arg5[%get3A_1908] {strides = array<i32>} : memref<48xi32, #tpu.memory_space<vmem>>, vector<16xi32>,
    %get3A_1910 = vector.shape_cast %get3A_1909 : vector<16xi32> to vector<16xi32>
    %slice3A_1911 = vector.extract_strided_slice %get3A_1910 {offsets = [0], sizes = [1], strides = [1]} : vector<16xi32> to vector<1xi32>
    %squeeze3A_1912 = vector.extract %slice3A_1911[0] : i32 from vector<1xi32>
    %mul3A_1913 = arith.constant 32 : i32
    %mul3A_1914 = arith.muli %shift_right_logical3A_1905, %mul3A_1913 : i32
    %add3A_1915 = arith.addi %mul3A_1914, %squeeze3A_1912 : i32
    %mul3A_1916 = arith.constant 56 : i32
    %mul3A_1917 = arith.muli %add3A_1915, %mul3A_1916 : i32
    %add3A_1918 = arith.constant 24 : i32
    %add3A_1919 = arith.addi %mul3A_1917, %add3A_1918 : i32
    %dma_start3A_1920 = arith.constant 0 : i32
    %dma_start3A_1921 = arith.constant 0 : i32
    %dma_start3A_1922 = tpu.memref_slice %arg2[%add3A_1919, %dma_start3A_1920, %dma_start3A_1921] : memref<14336x56x64xf32, #tpu.memory_space<hbm>> -> memref<8x56x64xf32, #tpu.memory_space<hbm>>
    %dma_start3A_1923 = arith.constant 0 : i32
    %dma_start3A_1924 = arith.constant 0 : i32
    %dma_start3A_1925 = tpu.memref_slice %arg2[%add3A_1919, %dma_start3A_1923, %dma_start3A_1924] : memref<14336x56x64xf32, #tpu.memory_space<hbm>> -> memref<8x56x64xf32, #tpu.memory_space<hbm>>
    tpu.enqueue_dma source(%dma_start3A_1925 : memref<8x56x64xf32, #tpu.memory_space<hbm>>) target(%arg6 : memref<8x56x64xf32, #tpu.memory_space<vmem>>) target_semaphore(%arg8 : memref<!tpu.dma_semaphore, #tpu.memory_space<semaphore_mem>>)
    %mul3A_1926 = arith.constant 8 : i32
    %mul3A_1927 = arith.muli %add3A, %mul3A_1926 : i32
    %add3A_1928 = arith.constant 3 : i32
    %add3A_1929 = arith.addi %mul3A_1927, %add3A_1928 : i32
    %shift_right_logical3A_1930 = arith.constant 5 : i32
    %shift_right_logical3A_1931 = arith.shrui %add3A_1929, %shift_right_logical3A_1930 : i32
    %and3A_1932 = arith.constant 31 : i32
    %and3A_1933 = arith.andi %add3A_1929, %and3A_1932 : i32
    %get3A_1934 = arith.index_cast %and3A_1933 : i32 to index
    %get3A_1935 = tpu.vector_load %arg5[%get3A_1934] {strides = array<i32>} : memref<48xi32, #tpu.memory_space<vmem>>, vector<16xi32>,
    %get3A_1936 = vector.shape_cast %get3A_1935 : vector<16xi32> to vector<16xi32>
    %slice3A_1937 = vector.extract_strided_slice %get3A_1936 {offsets = [0], sizes = [1], strides = [1]} : vector<16xi32> to vector<1xi32>
    %squeeze3A_1938 = vector.extract %slice3A_1937[0] : i32 from vector<1xi32>
    %mul3A_1939 = arith.constant 32 : i32
    %mul3A_1940 = arith.muli %shift_right_logical3A_1931, %mul3A_1939 : i32
    %add3A_1941 = arith.addi %mul3A_1940, %squeeze3A_1938 : i32
    %mul3A_1942 = arith.constant 56 : i32
    %mul3A_1943 = arith.muli %add3A_1941, %mul3A_1942 : i32
    %add3A_1944 = arith.constant 24 : i32
    %add3A_1945 = arith.addi %mul3A_1943, %add3A_1944 : i32
    %dma_wait3A_1946 = arith.constant 0 : i32
    %dma_wait3A_1947 = arith.constant 0 : i32
    %dma_wait3A_1948 = tpu.memref_slice %arg2[%add3A_1945, %dma_wait3A_1946, %dma_wait3A_1947] : memref<14336x56x64xf32, #tpu.memory_space<hbm>> -> memref<8x56x64xf32, #tpu.memory_space<hbm>>
    %dma_wait3A_1949 = arith.constant 0 : i32
    %dma_wait3A_1950 = arith.constant 0 : i32
    %dma_wait3A_1951 = tpu.memref_slice %arg2[%add3A_1945, %dma_wait3A_1949, %dma_wait3A_1950] : memref<14336x56x64xf32, #tpu.memory_space<hbm>> -> memref<8x56x64xf32, #tpu.memory_space<hbm>>
    tpu.wait_dma2 semaphore(%arg8 : memref<!tpu.dma_semaphore, #tpu.memory_space<semaphore_mem>>) src(%dma_wait3A_1951 : memref<8x56x64xf32, #tpu.memory_space<hbm>>) dst(%arg6 : memref<8x56x64xf32, #tpu.memory_space<vmem>>)
    %mul3A_1952 = arith.constant 8 : i32
    %mul3A_1953 = arith.muli %add3A, %mul3A_1952 : i32
    %add3A_1954 = arith.constant 3 : i32
    %add3A_1955 = arith.addi %mul3A_1953, %add3A_1954 : i32
    %mul3A_1956 = arith.constant 56 : i32
    %mul3A_1957 = arith.muli %add3A_1955, %mul3A_1956 : i32
    %add3A_1958 = arith.constant 24 : i32
    %add3A_1959 = arith.addi %mul3A_1957, %add3A_1958 : i32
    %dma_start3A_1960 = arith.constant 0 : i32
    %dma_start3A_1961 = arith.constant 0 : i32
    %dma_start3A_1962 = tpu.memref_slice %arg4[%add3A_1959, %dma_start3A_1960, %dma_start3A_1961] : memref<14336x56x64xf32, #tpu.memory_space<hbm>> -> memref<8x56x64xf32, #tpu.memory_space<hbm>>
    %dma_start3A_1963 = arith.constant 0 : i32
    %dma_start3A_1964 = arith.constant 0 : i32
    %dma_start3A_1965 = tpu.memref_slice %arg4[%add3A_1959, %dma_start3A_1963, %dma_start3A_1964] : memref<14336x56x64xf32, #tpu.memory_space<hbm>> -> memref<8x56x64xf32, #tpu.memory_space<hbm>>
    tpu.enqueue_dma source(%arg6 : memref<8x56x64xf32, #tpu.memory_space<vmem>>) target(%dma_start3A_1965 : memref<8x56x64xf32, #tpu.memory_space<hbm>>) target_semaphore(%arg10 : memref<!tpu.dma_semaphore, #tpu.memory_space<semaphore_mem>>)
    %mul3A_1966 = arith.constant 8 : i32
    %mul3A_1967 = arith.muli %add3A, %mul3A_1966 : i32
    %add3A_1968 = arith.constant 3 : i32
    %add3A_1969 = arith.addi %mul3A_1967, %add3A_1968 : i32
    %mul3A_1970 = arith.constant 56 : i32
    %mul3A_1971 = arith.muli %add3A_1969, %mul3A_1970 : i32
    %add3A_1972 = arith.constant 16 : i32
    %add3A_1973 = arith.addi %mul3A_1971, %add3A_1972 : i32
    %dma_wait3A_1974 = arith.constant 0 : i32
    %dma_wait3A_1975 = arith.constant 0 : i32
    %dma_wait3A_1976 = tpu.memref_slice %arg4[%add3A_1973, %dma_wait3A_1974, %dma_wait3A_1975] : memref<14336x56x64xf32, #tpu.memory_space<hbm>> -> memref<8x56x64xf32, #tpu.memory_space<hbm>>
    %dma_wait3A_1977 = arith.constant 0 : i32
    %dma_wait3A_1978 = arith.constant 0 : i32
    %dma_wait3A_1979 = tpu.memref_slice %arg4[%add3A_1973, %dma_wait3A_1977, %dma_wait3A_1978] : memref<14336x56x64xf32, #tpu.memory_space<hbm>> -> memref<8x56x64xf32, #tpu.memory_space<hbm>>
    tpu.wait_dma2 semaphore(%arg11 : memref<!tpu.dma_semaphore, #tpu.memory_space<semaphore_mem>>) src(%arg7 : memref<8x56x64xf32, #tpu.memory_space<vmem>>) dst(%dma_wait3A_1979 : memref<8x56x64xf32, #tpu.memory_space<hbm>>)
    %mul3A_1980 = arith.constant 8 : i32
    %mul3A_1981 = arith.muli %add3A, %mul3A_1980 : i32
    %add3A_1982 = arith.constant 3 : i32
    %add3A_1983 = arith.addi %mul3A_1981, %add3A_1982 : i32
    %shift_right_logical3A_1984 = arith.constant 5 : i32
    %shift_right_logical3A_1985 = arith.shrui %add3A_1983, %shift_right_logical3A_1984 : i32
    %and3A_1986 = arith.constant 31 : i32
    %and3A_1987 = arith.andi %add3A_1983, %and3A_1986 : i32
    %get3A_1988 = arith.index_cast %and3A_1987 : i32 to index
    %get3A_1989 = tpu.vector_load %arg5[%get3A_1988] {strides = array<i32>} : memref<48xi32, #tpu.memory_space<vmem>>, vector<16xi32>,
    %get3A_1990 = vector.shape_cast %get3A_1989 : vector<16xi32> to vector<16xi32>
    %slice3A_1991 = vector.extract_strided_slice %get3A_1990 {offsets = [0], sizes = [1], strides = [1]} : vector<16xi32> to vector<1xi32>
    %squeeze3A_1992 = vector.extract %slice3A_1991[0] : i32 from vector<1xi32>
    %mul3A_1993 = arith.constant 32 : i32
    %mul3A_1994 = arith.muli %shift_right_logical3A_1985, %mul3A_1993 : i32
    %add3A_1995 = arith.addi %mul3A_1994, %squeeze3A_1992 : i32
    %mul3A_1996 = arith.constant 56 : i32
    %mul3A_1997 = arith.muli %add3A_1995, %mul3A_1996 : i32
    %add3A_1998 = arith.constant 32 : i32
    %add3A_1999 = arith.addi %mul3A_1997, %add3A_1998 : i32
    %dma_start3A_2000 = arith.constant 0 : i32
    %dma_start3A_2001 = arith.constant 0 : i32
    %dma_start3A_2002 = tpu.memref_slice %arg2[%add3A_1999, %dma_start3A_2000, %dma_start3A_2001] : memref<14336x56x64xf32, #tpu.memory_space<hbm>> -> memref<8x56x64xf32, #tpu.memory_space<hbm>>
    %dma_start3A_2003 = arith.constant 0 : i32
    %dma_start3A_2004 = arith.constant 0 : i32
    %dma_start3A_2005 = tpu.memref_slice %arg2[%add3A_1999, %dma_start3A_2003, %dma_start3A_2004] : memref<14336x56x64xf32, #tpu.memory_space<hbm>> -> memref<8x56x64xf32, #tpu.memory_space<hbm>>
    tpu.enqueue_dma source(%dma_start3A_2005 : memref<8x56x64xf32, #tpu.memory_space<hbm>>) target(%arg7 : memref<8x56x64xf32, #tpu.memory_space<vmem>>) target_semaphore(%arg9 : memref<!tpu.dma_semaphore, #tpu.memory_space<semaphore_mem>>)
    %mul3A_2006 = arith.constant 8 : i32
    %mul3A_2007 = arith.muli %add3A, %mul3A_2006 : i32
    %add3A_2008 = arith.constant 3 : i32
    %add3A_2009 = arith.addi %mul3A_2007, %add3A_2008 : i32
    %shift_right_logical3A_2010 = arith.constant 5 : i32
    %shift_right_logical3A_2011 = arith.shrui %add3A_2009, %shift_right_logical3A_2010 : i32
    %and3A_2012 = arith.constant 31 : i32
    %and3A_2013 = arith.andi %add3A_2009, %and3A_2012 : i32
    %get3A_2014 = arith.index_cast %and3A_2013 : i32 to index
    %get3A_2015 = tpu.vector_load %arg5[%get3A_2014] {strides = array<i32>} : memref<48xi32, #tpu.memory_space<vmem>>, vector<16xi32>,
    %get3A_2016 = vector.shape_cast %get3A_2015 : vector<16xi32> to vector<16xi32>
    %slice3A_2017 = vector.extract_strided_slice %get3A_2016 {offsets = [0], sizes = [1], strides = [1]} : vector<16xi32> to vector<1xi32>
    %squeeze3A_2018 = vector.extract %slice3A_2017[0] : i32 from vector<1xi32>
    %mul3A_2019 = arith.constant 32 : i32
    %mul3A_2020 = arith.muli %shift_right_logical3A_2011, %mul3A_2019 : i32
    %add3A_2021 = arith.addi %mul3A_2020, %squeeze3A_2018 : i32
    %mul3A_2022 = arith.constant 56 : i32
    %mul3A_2023 = arith.muli %add3A_2021, %mul3A_2022 : i32
    %add3A_2024 = arith.constant 32 : i32
    %add3A_2025 = arith.addi %mul3A_2023, %add3A_2024 : i32
    %dma_wait3A_2026 = arith.constant 0 : i32
    %dma_wait3A_2027 = arith.constant 0 : i32
    %dma_wait3A_2028 = tpu.memref_slice %arg2[%add3A_2025, %dma_wait3A_2026, %dma_wait3A_2027] : memref<14336x56x64xf32, #tpu.memory_space<hbm>> -> memref<8x56x64xf32, #tpu.memory_space<hbm>>
    %dma_wait3A_2029 = arith.constant 0 : i32
    %dma_wait3A_2030 = arith.constant 0 : i32
    %dma_wait3A_2031 = tpu.memref_slice %arg2[%add3A_2025, %dma_wait3A_2029, %dma_wait3A_2030] : memref<14336x56x64xf32, #tpu.memory_space<hbm>> -> memref<8x56x64xf32, #tpu.memory_space<hbm>>
    tpu.wait_dma2 semaphore(%arg9 : memref<!tpu.dma_semaphore, #tpu.memory_space<semaphore_mem>>) src(%dma_wait3A_2031 : memref<8x56x64xf32, #tpu.memory_space<hbm>>) dst(%arg7 : memref<8x56x64xf32, #tpu.memory_space<vmem>>)
    %mul3A_2032 = arith.constant 8 : i32
    %mul3A_2033 = arith.muli %add3A, %mul3A_2032 : i32
    %add3A_2034 = arith.constant 3 : i32
    %add3A_2035 = arith.addi %mul3A_2033, %add3A_2034 : i32
    %mul3A_2036 = arith.constant 56 : i32
    %mul3A_2037 = arith.muli %add3A_2035, %mul3A_2036 : i32
    %add3A_2038 = arith.constant 32 : i32
    %add3A_2039 = arith.addi %mul3A_2037, %add3A_2038 : i32
    %dma_start3A_2040 = arith.constant 0 : i32
    %dma_start3A_2041 = arith.constant 0 : i32
    %dma_start3A_2042 = tpu.memref_slice %arg4[%add3A_2039, %dma_start3A_2040, %dma_start3A_2041] : memref<14336x56x64xf32, #tpu.memory_space<hbm>> -> memref<8x56x64xf32, #tpu.memory_space<hbm>>
    %dma_start3A_2043 = arith.constant 0 : i32
    %dma_start3A_2044 = arith.constant 0 : i32
    %dma_start3A_2045 = tpu.memref_slice %arg4[%add3A_2039, %dma_start3A_2043, %dma_start3A_2044] : memref<14336x56x64xf32, #tpu.memory_space<hbm>> -> memref<8x56x64xf32, #tpu.memory_space<hbm>>
    tpu.enqueue_dma source(%arg7 : memref<8x56x64xf32, #tpu.memory_space<vmem>>) target(%dma_start3A_2045 : memref<8x56x64xf32, #tpu.memory_space<hbm>>) target_semaphore(%arg11 : memref<!tpu.dma_semaphore, #tpu.memory_space<semaphore_mem>>)
    %mul3A_2046 = arith.constant 8 : i32
    %mul3A_2047 = arith.muli %add3A, %mul3A_2046 : i32
    %add3A_2048 = arith.constant 3 : i32
    %add3A_2049 = arith.addi %mul3A_2047, %add3A_2048 : i32
    %mul3A_2050 = arith.constant 56 : i32
    %mul3A_2051 = arith.muli %add3A_2049, %mul3A_2050 : i32
    %add3A_2052 = arith.constant 24 : i32
    %add3A_2053 = arith.addi %mul3A_2051, %add3A_2052 : i32
    %dma_wait3A_2054 = arith.constant 0 : i32
    %dma_wait3A_2055 = arith.constant 0 : i32
    %dma_wait3A_2056 = tpu.memref_slice %arg4[%add3A_2053, %dma_wait3A_2054, %dma_wait3A_2055] : memref<14336x56x64xf32, #tpu.memory_space<hbm>> -> memref<8x56x64xf32, #tpu.memory_space<hbm>>
    %dma_wait3A_2057 = arith.constant 0 : i32
    %dma_wait3A_2058 = arith.constant 0 : i32
    %dma_wait3A_2059 = tpu.memref_slice %arg4[%add3A_2053, %dma_wait3A_2057, %dma_wait3A_2058] : memref<14336x56x64xf32, #tpu.memory_space<hbm>> -> memref<8x56x64xf32, #tpu.memory_space<hbm>>
    tpu.wait_dma2 semaphore(%arg10 : memref<!tpu.dma_semaphore, #tpu.memory_space<semaphore_mem>>) src(%arg6 : memref<8x56x64xf32, #tpu.memory_space<vmem>>) dst(%dma_wait3A_2059 : memref<8x56x64xf32, #tpu.memory_space<hbm>>)
    %mul3A_2060 = arith.constant 8 : i32
    %mul3A_2061 = arith.muli %add3A, %mul3A_2060 : i32
    %add3A_2062 = arith.constant 3 : i32
    %add3A_2063 = arith.addi %mul3A_2061, %add3A_2062 : i32
    %shift_right_logical3A_2064 = arith.constant 5 : i32
    %shift_right_logical3A_2065 = arith.shrui %add3A_2063, %shift_right_logical3A_2064 : i32
    %and3A_2066 = arith.constant 31 : i32
    %and3A_2067 = arith.andi %add3A_2063, %and3A_2066 : i32
    %get3A_2068 = arith.index_cast %and3A_2067 : i32 to index
    %get3A_2069 = tpu.vector_load %arg5[%get3A_2068] {strides = array<i32>} : memref<48xi32, #tpu.memory_space<vmem>>, vector<16xi32>,
    %get3A_2070 = vector.shape_cast %get3A_2069 : vector<16xi32> to vector<16xi32>
    %slice3A_2071 = vector.extract_strided_slice %get3A_2070 {offsets = [0], sizes = [1], strides = [1]} : vector<16xi32> to vector<1xi32>
    %squeeze3A_2072 = vector.extract %slice3A_2071[0] : i32 from vector<1xi32>
    %mul3A_2073 = arith.constant 32 : i32
    %mul3A_2074 = arith.muli %shift_right_logical3A_2065, %mul3A_2073 : i32
    %add3A_2075 = arith.addi %mul3A_2074, %squeeze3A_2072 : i32
    %mul3A_2076 = arith.constant 56 : i32
    %mul3A_2077 = arith.muli %add3A_2075, %mul3A_2076 : i32
    %add3A_2078 = arith.constant 40 : i32
    %add3A_2079 = arith.addi %mul3A_2077, %add3A_2078 : i32
    %dma_start3A_2080 = arith.constant 0 : i32
    %dma_start3A_2081 = arith.constant 0 : i32
    %dma_start3A_2082 = tpu.memref_slice %arg2[%add3A_2079, %dma_start3A_2080, %dma_start3A_2081] : memref<14336x56x64xf32, #tpu.memory_space<hbm>> -> memref<8x56x64xf32, #tpu.memory_space<hbm>>
    %dma_start3A_2083 = arith.constant 0 : i32
    %dma_start3A_2084 = arith.constant 0 : i32
    %dma_start3A_2085 = tpu.memref_slice %arg2[%add3A_2079, %dma_start3A_2083, %dma_start3A_2084] : memref<14336x56x64xf32, #tpu.memory_space<hbm>> -> memref<8x56x64xf32, #tpu.memory_space<hbm>>
    tpu.enqueue_dma source(%dma_start3A_2085 : memref<8x56x64xf32, #tpu.memory_space<hbm>>) target(%arg6 : memref<8x56x64xf32, #tpu.memory_space<vmem>>) target_semaphore(%arg8 : memref<!tpu.dma_semaphore, #tpu.memory_space<semaphore_mem>>)
    %mul3A_2086 = arith.constant 8 : i32
    %mul3A_2087 = arith.muli %add3A, %mul3A_2086 : i32
    %add3A_2088 = arith.constant 3 : i32
    %add3A_2089 = arith.addi %mul3A_2087, %add3A_2088 : i32
    %shift_right_logical3A_2090 = arith.constant 5 : i32
    %shift_right_logical3A_2091 = arith.shrui %add3A_2089, %shift_right_logical3A_2090 : i32
    %and3A_2092 = arith.constant 31 : i32
    %and3A_2093 = arith.andi %add3A_2089, %and3A_2092 : i32
    %get3A_2094 = arith.index_cast %and3A_2093 : i32 to index
    %get3A_2095 = tpu.vector_load %arg5[%get3A_2094] {strides = array<i32>} : memref<48xi32, #tpu.memory_space<vmem>>, vector<16xi32>,
    %get3A_2096 = vector.shape_cast %get3A_2095 : vector<16xi32> to vector<16xi32>
    %slice3A_2097 = vector.extract_strided_slice %get3A_2096 {offsets = [0], sizes = [1], strides = [1]} : vector<16xi32> to vector<1xi32>
    %squeeze3A_2098 = vector.extract %slice3A_2097[0] : i32 from vector<1xi32>
    %mul3A_2099 = arith.constant 32 : i32
    %mul3A_2100 = arith.muli %shift_right_logical3A_2091, %mul3A_2099 : i32
    %add3A_2101 = arith.addi %mul3A_2100, %squeeze3A_2098 : i32
    %mul3A_2102 = arith.constant 56 : i32
    %mul3A_2103 = arith.muli %add3A_2101, %mul3A_2102 : i32
    %add3A_2104 = arith.constant 40 : i32
    %add3A_2105 = arith.addi %mul3A_2103, %add3A_2104 : i32
    %dma_wait3A_2106 = arith.constant 0 : i32
    %dma_wait3A_2107 = arith.constant 0 : i32
    %dma_wait3A_2108 = tpu.memref_slice %arg2[%add3A_2105, %dma_wait3A_2106, %dma_wait3A_2107] : memref<14336x56x64xf32, #tpu.memory_space<hbm>> -> memref<8x56x64xf32, #tpu.memory_space<hbm>>
    %dma_wait3A_2109 = arith.constant 0 : i32
    %dma_wait3A_2110 = arith.constant 0 : i32
    %dma_wait3A_2111 = tpu.memref_slice %arg2[%add3A_2105, %dma_wait3A_2109, %dma_wait3A_2110] : memref<14336x56x64xf32, #tpu.memory_space<hbm>> -> memref<8x56x64xf32, #tpu.memory_space<hbm>>
    tpu.wait_dma2 semaphore(%arg8 : memref<!tpu.dma_semaphore, #tpu.memory_space<semaphore_mem>>) src(%dma_wait3A_2111 : memref<8x56x64xf32, #tpu.memory_space<hbm>>) dst(%arg6 : memref<8x56x64xf32, #tpu.memory_space<vmem>>)
    %mul3A_2112 = arith.constant 8 : i32
    %mul3A_2113 = arith.muli %add3A, %mul3A_2112 : i32
    %add3A_2114 = arith.constant 3 : i32
    %add3A_2115 = arith.addi %mul3A_2113, %add3A_2114 : i32
    %mul3A_2116 = arith.constant 56 : i32
    %mul3A_2117 = arith.muli %add3A_2115, %mul3A_2116 : i32
    %add3A_2118 = arith.constant 40 : i32
    %add3A_2119 = arith.addi %mul3A_2117, %add3A_2118 : i32
    %dma_start3A_2120 = arith.constant 0 : i32
    %dma_start3A_2121 = arith.constant 0 : i32
    %dma_start3A_2122 = tpu.memref_slice %arg4[%add3A_2119, %dma_start3A_2120, %dma_start3A_2121] : memref<14336x56x64xf32, #tpu.memory_space<hbm>> -> memref<8x56x64xf32, #tpu.memory_space<hbm>>
    %dma_start3A_2123 = arith.constant 0 : i32
    %dma_start3A_2124 = arith.constant 0 : i32
    %dma_start3A_2125 = tpu.memref_slice %arg4[%add3A_2119, %dma_start3A_2123, %dma_start3A_2124] : memref<14336x56x64xf32, #tpu.memory_space<hbm>> -> memref<8x56x64xf32, #tpu.memory_space<hbm>>
    tpu.enqueue_dma source(%arg6 : memref<8x56x64xf32, #tpu.memory_space<vmem>>) target(%dma_start3A_2125 : memref<8x56x64xf32, #tpu.memory_space<hbm>>) target_semaphore(%arg10 : memref<!tpu.dma_semaphore, #tpu.memory_space<semaphore_mem>>)
    %mul3A_2126 = arith.constant 8 : i32
    %mul3A_2127 = arith.muli %add3A, %mul3A_2126 : i32
    %add3A_2128 = arith.constant 3 : i32
    %add3A_2129 = arith.addi %mul3A_2127, %add3A_2128 : i32
    %mul3A_2130 = arith.constant 56 : i32
    %mul3A_2131 = arith.muli %add3A_2129, %mul3A_2130 : i32
    %add3A_2132 = arith.constant 32 : i32
    %add3A_2133 = arith.addi %mul3A_2131, %add3A_2132 : i32
    %dma_wait3A_2134 = arith.constant 0 : i32
    %dma_wait3A_2135 = arith.constant 0 : i32
    %dma_wait3A_2136 = tpu.memref_slice %arg4[%add3A_2133, %dma_wait3A_2134, %dma_wait3A_2135] : memref<14336x56x64xf32, #tpu.memory_space<hbm>> -> memref<8x56x64xf32, #tpu.memory_space<hbm>>
    %dma_wait3A_2137 = arith.constant 0 : i32
    %dma_wait3A_2138 = arith.constant 0 : i32
    %dma_wait3A_2139 = tpu.memref_slice %arg4[%add3A_2133, %dma_wait3A_2137, %dma_wait3A_2138] : memref<14336x56x64xf32, #tpu.memory_space<hbm>> -> memref<8x56x64xf32, #tpu.memory_space<hbm>>
    tpu.wait_dma2 semaphore(%arg11 : memref<!tpu.dma_semaphore, #tpu.memory_space<semaphore_mem>>) src(%arg7 : memref<8x56x64xf32, #tpu.memory_space<vmem>>) dst(%dma_wait3A_2139 : memref<8x56x64xf32, #tpu.memory_space<hbm>>)
    %mul3A_2140 = arith.constant 8 : i32
    %mul3A_2141 = arith.muli %add3A, %mul3A_2140 : i32
    %add3A_2142 = arith.constant 3 : i32
    %add3A_2143 = arith.addi %mul3A_2141, %add3A_2142 : i32
    %shift_right_logical3A_2144 = arith.constant 5 : i32
    %shift_right_logical3A_2145 = arith.shrui %add3A_2143, %shift_right_logical3A_2144 : i32
    %and3A_2146 = arith.constant 31 : i32
    %and3A_2147 = arith.andi %add3A_2143, %and3A_2146 : i32
    %get3A_2148 = arith.index_cast %and3A_2147 : i32 to index
    %get3A_2149 = tpu.vector_load %arg5[%get3A_2148] {strides = array<i32>} : memref<48xi32, #tpu.memory_space<vmem>>, vector<16xi32>,
    %get3A_2150 = vector.shape_cast %get3A_2149 : vector<16xi32> to vector<16xi32>
    %slice3A_2151 = vector.extract_strided_slice %get3A_2150 {offsets = [0], sizes = [1], strides = [1]} : vector<16xi32> to vector<1xi32>
    %squeeze3A_2152 = vector.extract %slice3A_2151[0] : i32 from vector<1xi32>
    %mul3A_2153 = arith.constant 32 : i32
    %mul3A_2154 = arith.muli %shift_right_logical3A_2145, %mul3A_2153 : i32
    %add3A_2155 = arith.addi %mul3A_2154, %squeeze3A_2152 : i32
    %mul3A_2156 = arith.constant 56 : i32
    %mul3A_2157 = arith.muli %add3A_2155, %mul3A_2156 : i32
    %add3A_2158 = arith.constant 48 : i32
    %add3A_2159 = arith.addi %mul3A_2157, %add3A_2158 : i32
    %dma_start3A_2160 = arith.constant 0 : i32
    %dma_start3A_2161 = arith.constant 0 : i32
    %dma_start3A_2162 = tpu.memref_slice %arg2[%add3A_2159, %dma_start3A_2160, %dma_start3A_2161] : memref<14336x56x64xf32, #tpu.memory_space<hbm>> -> memref<8x56x64xf32, #tpu.memory_space<hbm>>
    %dma_start3A_2163 = arith.constant 0 : i32
    %dma_start3A_2164 = arith.constant 0 : i32
    %dma_start3A_2165 = tpu.memref_slice %arg2[%add3A_2159, %dma_start3A_2163, %dma_start3A_2164] : memref<14336x56x64xf32, #tpu.memory_space<hbm>> -> memref<8x56x64xf32, #tpu.memory_space<hbm>>
    tpu.enqueue_dma source(%dma_start3A_2165 : memref<8x56x64xf32, #tpu.memory_space<hbm>>) target(%arg7 : memref<8x56x64xf32, #tpu.memory_space<vmem>>) target_semaphore(%arg9 : memref<!tpu.dma_semaphore, #tpu.memory_space<semaphore_mem>>)
    %mul3A_2166 = arith.constant 8 : i32
    %mul3A_2167 = arith.muli %add3A, %mul3A_2166 : i32
    %add3A_2168 = arith.constant 3 : i32
    %add3A_2169 = arith.addi %mul3A_2167, %add3A_2168 : i32
    %shift_right_logical3A_2170 = arith.constant 5 : i32
    %shift_right_logical3A_2171 = arith.shrui %add3A_2169, %shift_right_logical3A_2170 : i32
    %and3A_2172 = arith.constant 31 : i32
    %and3A_2173 = arith.andi %add3A_2169, %and3A_2172 : i32
    %get3A_2174 = arith.index_cast %and3A_2173 : i32 to index
    %get3A_2175 = tpu.vector_load %arg5[%get3A_2174] {strides = array<i32>} : memref<48xi32, #tpu.memory_space<vmem>>, vector<16xi32>,
    %get3A_2176 = vector.shape_cast %get3A_2175 : vector<16xi32> to vector<16xi32>
    %slice3A_2177 = vector.extract_strided_slice %get3A_2176 {offsets = [0], sizes = [1], strides = [1]} : vector<16xi32> to vector<1xi32>
    %squeeze3A_2178 = vector.extract %slice3A_2177[0] : i32 from vector<1xi32>
    %mul3A_2179 = arith.constant 32 : i32
    %mul3A_2180 = arith.muli %shift_right_logical3A_2171, %mul3A_2179 : i32
    %add3A_2181 = arith.addi %mul3A_2180, %squeeze3A_2178 : i32
    %mul3A_2182 = arith.constant 56 : i32
    %mul3A_2183 = arith.muli %add3A_2181, %mul3A_2182 : i32
    %add3A_2184 = arith.constant 48 : i32
    %add3A_2185 = arith.addi %mul3A_2183, %add3A_2184 : i32
    %dma_wait3A_2186 = arith.constant 0 : i32
    %dma_wait3A_2187 = arith.constant 0 : i32
    %dma_wait3A_2188 = tpu.memref_slice %arg2[%add3A_2185, %dma_wait3A_2186, %dma_wait3A_2187] : memref<14336x56x64xf32, #tpu.memory_space<hbm>> -> memref<8x56x64xf32, #tpu.memory_space<hbm>>
    %dma_wait3A_2189 = arith.constant 0 : i32
    %dma_wait3A_2190 = arith.constant 0 : i32
    %dma_wait3A_2191 = tpu.memref_slice %arg2[%add3A_2185, %dma_wait3A_2189, %dma_wait3A_2190] : memref<14336x56x64xf32, #tpu.memory_space<hbm>> -> memref<8x56x64xf32, #tpu.memory_space<hbm>>
    tpu.wait_dma2 semaphore(%arg9 : memref<!tpu.dma_semaphore, #tpu.memory_space<semaphore_mem>>) src(%dma_wait3A_2191 : memref<8x56x64xf32, #tpu.memory_space<hbm>>) dst(%arg7 : memref<8x56x64xf32, #tpu.memory_space<vmem>>)
    %mul3A_2192 = arith.constant 8 : i32
    %mul3A_2193 = arith.muli %add3A, %mul3A_2192 : i32
    %add3A_2194 = arith.constant 3 : i32
    %add3A_2195 = arith.addi %mul3A_2193, %add3A_2194 : i32
    %mul3A_2196 = arith.constant 56 : i32
    %mul3A_2197 = arith.muli %add3A_2195, %mul3A_2196 : i32
    %add3A_2198 = arith.constant 48 : i32
    %add3A_2199 = arith.addi %mul3A_2197, %add3A_2198 : i32
    %dma_start3A_2200 = arith.constant 0 : i32
    %dma_start3A_2201 = arith.constant 0 : i32
    %dma_start3A_2202 = tpu.memref_slice %arg4[%add3A_2199, %dma_start3A_2200, %dma_start3A_2201] : memref<14336x56x64xf32, #tpu.memory_space<hbm>> -> memref<8x56x64xf32, #tpu.memory_space<hbm>>
    %dma_start3A_2203 = arith.constant 0 : i32
    %dma_start3A_2204 = arith.constant 0 : i32
    %dma_start3A_2205 = tpu.memref_slice %arg4[%add3A_2199, %dma_start3A_2203, %dma_start3A_2204] : memref<14336x56x64xf32, #tpu.memory_space<hbm>> -> memref<8x56x64xf32, #tpu.memory_space<hbm>>
    tpu.enqueue_dma source(%arg7 : memref<8x56x64xf32, #tpu.memory_space<vmem>>) target(%dma_start3A_2205 : memref<8x56x64xf32, #tpu.memory_space<hbm>>) target_semaphore(%arg11 : memref<!tpu.dma_semaphore, #tpu.memory_space<semaphore_mem>>)
    %mul3A_2206 = arith.constant 8 : i32
    %mul3A_2207 = arith.muli %add3A, %mul3A_2206 : i32
    %add3A_2208 = arith.constant 3 : i32
    %add3A_2209 = arith.addi %mul3A_2207, %add3A_2208 : i32
    %mul3A_2210 = arith.constant 56 : i32
    %mul3A_2211 = arith.muli %add3A_2209, %mul3A_2210 : i32
    %add3A_2212 = arith.constant 40 : i32
    %add3A_2213 = arith.addi %mul3A_2211, %add3A_2212 : i32
    %dma_wait3A_2214 = arith.constant 0 : i32
    %dma_wait3A_2215 = arith.constant 0 : i32
    %dma_wait3A_2216 = tpu.memref_slice %arg4[%add3A_2213, %dma_wait3A_2214, %dma_wait3A_2215] : memref<14336x56x64xf32, #tpu.memory_space<hbm>> -> memref<8x56x64xf32, #tpu.memory_space<hbm>>
    %dma_wait3A_2217 = arith.constant 0 : i32
    %dma_wait3A_2218 = arith.constant 0 : i32
    %dma_wait3A_2219 = tpu.memref_slice %arg4[%add3A_2213, %dma_wait3A_2217, %dma_wait3A_2218] : memref<14336x56x64xf32, #tpu.memory_space<hbm>> -> memref<8x56x64xf32, #tpu.memory_space<hbm>>
    tpu.wait_dma2 semaphore(%arg10 : memref<!tpu.dma_semaphore, #tpu.memory_space<semaphore_mem>>) src(%arg6 : memref<8x56x64xf32, #tpu.memory_space<vmem>>) dst(%dma_wait3A_2219 : memref<8x56x64xf32, #tpu.memory_space<hbm>>)
    %mul3A_2220 = arith.constant 8 : i32
    %mul3A_2221 = arith.muli %add3A, %mul3A_2220 : i32
    %add3A_2222 = arith.constant 4 : i32
    %add3A_2223 = arith.addi %mul3A_2221, %add3A_2222 : i32
    %shift_right_logical3A_2224 = arith.constant 5 : i32
    %shift_right_logical3A_2225 = arith.shrui %add3A_2223, %shift_right_logical3A_2224 : i32
    %and3A_2226 = arith.constant 31 : i32
    %and3A_2227 = arith.andi %add3A_2223, %and3A_2226 : i32
    %get3A_2228 = arith.index_cast %and3A_2227 : i32 to index
    %get3A_2229 = tpu.vector_load %arg5[%get3A_2228] {strides = array<i32>} : memref<48xi32, #tpu.memory_space<vmem>>, vector<16xi32>,
    %get3A_2230 = vector.shape_cast %get3A_2229 : vector<16xi32> to vector<16xi32>
    %slice3A_2231 = vector.extract_strided_slice %get3A_2230 {offsets = [0], sizes = [1], strides = [1]} : vector<16xi32> to vector<1xi32>
    %squeeze3A_2232 = vector.extract %slice3A_2231[0] : i32 from vector<1xi32>
    %mul3A_2233 = arith.constant 32 : i32
    %mul3A_2234 = arith.muli %shift_right_logical3A_2225, %mul3A_2233 : i32
    %add3A_2235 = arith.addi %mul3A_2234, %squeeze3A_2232 : i32
    %mul3A_2236 = arith.constant 56 : i32
    %mul3A_2237 = arith.muli %add3A_2235, %mul3A_2236 : i32
    %add3A_2238 = arith.constant 0 : i32
    %add3A_2239 = arith.addi %mul3A_2237, %add3A_2238 : i32
    %dma_start3A_2240 = arith.constant 0 : i32
    %dma_start3A_2241 = arith.constant 0 : i32
    %dma_start3A_2242 = tpu.memref_slice %arg2[%add3A_2239, %dma_start3A_2240, %dma_start3A_2241] : memref<14336x56x64xf32, #tpu.memory_space<hbm>> -> memref<8x56x64xf32, #tpu.memory_space<hbm>>
    %dma_start3A_2243 = arith.constant 0 : i32
    %dma_start3A_2244 = arith.constant 0 : i32
    %dma_start3A_2245 = tpu.memref_slice %arg2[%add3A_2239, %dma_start3A_2243, %dma_start3A_2244] : memref<14336x56x64xf32, #tpu.memory_space<hbm>> -> memref<8x56x64xf32, #tpu.memory_space<hbm>>
    tpu.enqueue_dma source(%dma_start3A_2245 : memref<8x56x64xf32, #tpu.memory_space<hbm>>) target(%arg6 : memref<8x56x64xf32, #tpu.memory_space<vmem>>) target_semaphore(%arg8 : memref<!tpu.dma_semaphore, #tpu.memory_space<semaphore_mem>>)
    %mul3A_2246 = arith.constant 8 : i32
    %mul3A_2247 = arith.muli %add3A, %mul3A_2246 : i32
    %add3A_2248 = arith.constant 4 : i32
    %add3A_2249 = arith.addi %mul3A_2247, %add3A_2248 : i32
    %shift_right_logical3A_2250 = arith.constant 5 : i32
    %shift_right_logical3A_2251 = arith.shrui %add3A_2249, %shift_right_logical3A_2250 : i32
    %and3A_2252 = arith.constant 31 : i32
    %and3A_2253 = arith.andi %add3A_2249, %and3A_2252 : i32
    %get3A_2254 = arith.index_cast %and3A_2253 : i32 to index
    %get3A_2255 = tpu.vector_load %arg5[%get3A_2254] {strides = array<i32>} : memref<48xi32, #tpu.memory_space<vmem>>, vector<16xi32>,
    %get3A_2256 = vector.shape_cast %get3A_2255 : vector<16xi32> to vector<16xi32>
    %slice3A_2257 = vector.extract_strided_slice %get3A_2256 {offsets = [0], sizes = [1], strides = [1]} : vector<16xi32> to vector<1xi32>
    %squeeze3A_2258 = vector.extract %slice3A_2257[0] : i32 from vector<1xi32>
    %mul3A_2259 = arith.constant 32 : i32
    %mul3A_2260 = arith.muli %shift_right_logical3A_2251, %mul3A_2259 : i32
    %add3A_2261 = arith.addi %mul3A_2260, %squeeze3A_2258 : i32
    %mul3A_2262 = arith.constant 56 : i32
    %mul3A_2263 = arith.muli %add3A_2261, %mul3A_2262 : i32
    %add3A_2264 = arith.constant 0 : i32
    %add3A_2265 = arith.addi %mul3A_2263, %add3A_2264 : i32
    %dma_wait3A_2266 = arith.constant 0 : i32
    %dma_wait3A_2267 = arith.constant 0 : i32
    %dma_wait3A_2268 = tpu.memref_slice %arg2[%add3A_2265, %dma_wait3A_2266, %dma_wait3A_2267] : memref<14336x56x64xf32, #tpu.memory_space<hbm>> -> memref<8x56x64xf32, #tpu.memory_space<hbm>>
    %dma_wait3A_2269 = arith.constant 0 : i32
    %dma_wait3A_2270 = arith.constant 0 : i32
    %dma_wait3A_2271 = tpu.memref_slice %arg2[%add3A_2265, %dma_wait3A_2269, %dma_wait3A_2270] : memref<14336x56x64xf32, #tpu.memory_space<hbm>> -> memref<8x56x64xf32, #tpu.memory_space<hbm>>
    tpu.wait_dma2 semaphore(%arg8 : memref<!tpu.dma_semaphore, #tpu.memory_space<semaphore_mem>>) src(%dma_wait3A_2271 : memref<8x56x64xf32, #tpu.memory_space<hbm>>) dst(%arg6 : memref<8x56x64xf32, #tpu.memory_space<vmem>>)
    %mul3A_2272 = arith.constant 8 : i32
    %mul3A_2273 = arith.muli %add3A, %mul3A_2272 : i32
    %add3A_2274 = arith.constant 4 : i32
    %add3A_2275 = arith.addi %mul3A_2273, %add3A_2274 : i32
    %mul3A_2276 = arith.constant 56 : i32
    %mul3A_2277 = arith.muli %add3A_2275, %mul3A_2276 : i32
    %add3A_2278 = arith.constant 0 : i32
    %add3A_2279 = arith.addi %mul3A_2277, %add3A_2278 : i32
    %dma_start3A_2280 = arith.constant 0 : i32
    %dma_start3A_2281 = arith.constant 0 : i32
    %dma_start3A_2282 = tpu.memref_slice %arg4[%add3A_2279, %dma_start3A_2280, %dma_start3A_2281] : memref<14336x56x64xf32, #tpu.memory_space<hbm>> -> memref<8x56x64xf32, #tpu.memory_space<hbm>>
    %dma_start3A_2283 = arith.constant 0 : i32
    %dma_start3A_2284 = arith.constant 0 : i32
    %dma_start3A_2285 = tpu.memref_slice %arg4[%add3A_2279, %dma_start3A_2283, %dma_start3A_2284] : memref<14336x56x64xf32, #tpu.memory_space<hbm>> -> memref<8x56x64xf32, #tpu.memory_space<hbm>>
    tpu.enqueue_dma source(%arg6 : memref<8x56x64xf32, #tpu.memory_space<vmem>>) target(%dma_start3A_2285 : memref<8x56x64xf32, #tpu.memory_space<hbm>>) target_semaphore(%arg10 : memref<!tpu.dma_semaphore, #tpu.memory_space<semaphore_mem>>)
    %mul3A_2286 = arith.constant 8 : i32
    %mul3A_2287 = arith.muli %add3A, %mul3A_2286 : i32
    %add3A_2288 = arith.constant 3 : i32
    %add3A_2289 = arith.addi %mul3A_2287, %add3A_2288 : i32
    %mul3A_2290 = arith.constant 56 : i32
    %mul3A_2291 = arith.muli %add3A_2289, %mul3A_2290 : i32
    %add3A_2292 = arith.constant 48 : i32
    %add3A_2293 = arith.addi %mul3A_2291, %add3A_2292 : i32
    %dma_wait3A_2294 = arith.constant 0 : i32
    %dma_wait3A_2295 = arith.constant 0 : i32
    %dma_wait3A_2296 = tpu.memref_slice %arg4[%add3A_2293, %dma_wait3A_2294, %dma_wait3A_2295] : memref<14336x56x64xf32, #tpu.memory_space<hbm>> -> memref<8x56x64xf32, #tpu.memory_space<hbm>>
    %dma_wait3A_2297 = arith.constant 0 : i32
    %dma_wait3A_2298 = arith.constant 0 : i32
    %dma_wait3A_2299 = tpu.memref_slice %arg4[%add3A_2293, %dma_wait3A_2297, %dma_wait3A_2298] : memref<14336x56x64xf32, #tpu.memory_space<hbm>> -> memref<8x56x64xf32, #tpu.memory_space<hbm>>
    tpu.wait_dma2 semaphore(%arg11 : memref<!tpu.dma_semaphore, #tpu.memory_space<semaphore_mem>>) src(%arg7 : memref<8x56x64xf32, #tpu.memory_space<vmem>>) dst(%dma_wait3A_2299 : memref<8x56x64xf32, #tpu.memory_space<hbm>>)
    %mul3A_2300 = arith.constant 8 : i32
    %mul3A_2301 = arith.muli %add3A, %mul3A_2300 : i32
    %add3A_2302 = arith.constant 4 : i32
    %add3A_2303 = arith.addi %mul3A_2301, %add3A_2302 : i32
    %shift_right_logical3A_2304 = arith.constant 5 : i32
    %shift_right_logical3A_2305 = arith.shrui %add3A_2303, %shift_right_logical3A_2304 : i32
    %and3A_2306 = arith.constant 31 : i32
    %and3A_2307 = arith.andi %add3A_2303, %and3A_2306 : i32
    %get3A_2308 = arith.index_cast %and3A_2307 : i32 to index
    %get3A_2309 = tpu.vector_load %arg5[%get3A_2308] {strides = array<i32>} : memref<48xi32, #tpu.memory_space<vmem>>, vector<16xi32>,
    %get3A_2310 = vector.shape_cast %get3A_2309 : vector<16xi32> to vector<16xi32>
    %slice3A_2311 = vector.extract_strided_slice %get3A_2310 {offsets = [0], sizes = [1], strides = [1]} : vector<16xi32> to vector<1xi32>
    %squeeze3A_2312 = vector.extract %slice3A_2311[0] : i32 from vector<1xi32>
    %mul3A_2313 = arith.constant 32 : i32
    %mul3A_2314 = arith.muli %shift_right_logical3A_2305, %mul3A_2313 : i32
    %add3A_2315 = arith.addi %mul3A_2314, %squeeze3A_2312 : i32
    %mul3A_2316 = arith.constant 56 : i32
    %mul3A_2317 = arith.muli %add3A_2315, %mul3A_2316 : i32
    %add3A_2318 = arith.constant 8 : i32
    %add3A_2319 = arith.addi %mul3A_2317, %add3A_2318 : i32
    %dma_start3A_2320 = arith.constant 0 : i32
    %dma_start3A_2321 = arith.constant 0 : i32
    %dma_start3A_2322 = tpu.memref_slice %arg2[%add3A_2319, %dma_start3A_2320, %dma_start3A_2321] : memref<14336x56x64xf32, #tpu.memory_space<hbm>> -> memref<8x56x64xf32, #tpu.memory_space<hbm>>
    %dma_start3A_2323 = arith.constant 0 : i32
    %dma_start3A_2324 = arith.constant 0 : i32
    %dma_start3A_2325 = tpu.memref_slice %arg2[%add3A_2319, %dma_start3A_2323, %dma_start3A_2324] : memref<14336x56x64xf32, #tpu.memory_space<hbm>> -> memref<8x56x64xf32, #tpu.memory_space<hbm>>
    tpu.enqueue_dma source(%dma_start3A_2325 : memref<8x56x64xf32, #tpu.memory_space<hbm>>) target(%arg7 : memref<8x56x64xf32, #tpu.memory_space<vmem>>) target_semaphore(%arg9 : memref<!tpu.dma_semaphore, #tpu.memory_space<semaphore_mem>>)
    %mul3A_2326 = arith.constant 8 : i32
    %mul3A_2327 = arith.muli %add3A, %mul3A_2326 : i32
    %add3A_2328 = arith.constant 4 : i32
    %add3A_2329 = arith.addi %mul3A_2327, %add3A_2328 : i32
    %shift_right_logical3A_2330 = arith.constant 5 : i32
    %shift_right_logical3A_2331 = arith.shrui %add3A_2329, %shift_right_logical3A_2330 : i32
    %and3A_2332 = arith.constant 31 : i32
    %and3A_2333 = arith.andi %add3A_2329, %and3A_2332 : i32
    %get3A_2334 = arith.index_cast %and3A_2333 : i32 to index
    %get3A_2335 = tpu.vector_load %arg5[%get3A_2334] {strides = array<i32>} : memref<48xi32, #tpu.memory_space<vmem>>, vector<16xi32>,
    %get3A_2336 = vector.shape_cast %get3A_2335 : vector<16xi32> to vector<16xi32>
    %slice3A_2337 = vector.extract_strided_slice %get3A_2336 {offsets = [0], sizes = [1], strides = [1]} : vector<16xi32> to vector<1xi32>
    %squeeze3A_2338 = vector.extract %slice3A_2337[0] : i32 from vector<1xi32>
    %mul3A_2339 = arith.constant 32 : i32
    %mul3A_2340 = arith.muli %shift_right_logical3A_2331, %mul3A_2339 : i32
    %add3A_2341 = arith.addi %mul3A_2340, %squeeze3A_2338 : i32
    %mul3A_2342 = arith.constant 56 : i32
    %mul3A_2343 = arith.muli %add3A_2341, %mul3A_2342 : i32
    %add3A_2344 = arith.constant 8 : i32
    %add3A_2345 = arith.addi %mul3A_2343, %add3A_2344 : i32
    %dma_wait3A_2346 = arith.constant 0 : i32
    %dma_wait3A_2347 = arith.constant 0 : i32
    %dma_wait3A_2348 = tpu.memref_slice %arg2[%add3A_2345, %dma_wait3A_2346, %dma_wait3A_2347] : memref<14336x56x64xf32, #tpu.memory_space<hbm>> -> memref<8x56x64xf32, #tpu.memory_space<hbm>>
    %dma_wait3A_2349 = arith.constant 0 : i32
    %dma_wait3A_2350 = arith.constant 0 : i32
    %dma_wait3A_2351 = tpu.memref_slice %arg2[%add3A_2345, %dma_wait3A_2349, %dma_wait3A_2350] : memref<14336x56x64xf32, #tpu.memory_space<hbm>> -> memref<8x56x64xf32, #tpu.memory_space<hbm>>
    tpu.wait_dma2 semaphore(%arg9 : memref<!tpu.dma_semaphore, #tpu.memory_space<semaphore_mem>>) src(%dma_wait3A_2351 : memref<8x56x64xf32, #tpu.memory_space<hbm>>) dst(%arg7 : memref<8x56x64xf32, #tpu.memory_space<vmem>>)
    %mul3A_2352 = arith.constant 8 : i32
    %mul3A_2353 = arith.muli %add3A, %mul3A_2352 : i32
    %add3A_2354 = arith.constant 4 : i32
    %add3A_2355 = arith.addi %mul3A_2353, %add3A_2354 : i32
    %mul3A_2356 = arith.constant 56 : i32
    %mul3A_2357 = arith.muli %add3A_2355, %mul3A_2356 : i32
    %add3A_2358 = arith.constant 8 : i32
    %add3A_2359 = arith.addi %mul3A_2357, %add3A_2358 : i32
    %dma_start3A_2360 = arith.constant 0 : i32
    %dma_start3A_2361 = arith.constant 0 : i32
    %dma_start3A_2362 = tpu.memref_slice %arg4[%add3A_2359, %dma_start3A_2360, %dma_start3A_2361] : memref<14336x56x64xf32, #tpu.memory_space<hbm>> -> memref<8x56x64xf32, #tpu.memory_space<hbm>>
    %dma_start3A_2363 = arith.constant 0 : i32
    %dma_start3A_2364 = arith.constant 0 : i32
    %dma_start3A_2365 = tpu.memref_slice %arg4[%add3A_2359, %dma_start3A_2363, %dma_start3A_2364] : memref<14336x56x64xf32, #tpu.memory_space<hbm>> -> memref<8x56x64xf32, #tpu.memory_space<hbm>>
    tpu.enqueue_dma source(%arg7 : memref<8x56x64xf32, #tpu.memory_space<vmem>>) target(%dma_start3A_2365 : memref<8x56x64xf32, #tpu.memory_space<hbm>>) target_semaphore(%arg11 : memref<!tpu.dma_semaphore, #tpu.memory_space<semaphore_mem>>)
    %mul3A_2366 = arith.constant 8 : i32
    %mul3A_2367 = arith.muli %add3A, %mul3A_2366 : i32
    %add3A_2368 = arith.constant 4 : i32
    %add3A_2369 = arith.addi %mul3A_2367, %add3A_2368 : i32
    %mul3A_2370 = arith.constant 56 : i32
    %mul3A_2371 = arith.muli %add3A_2369, %mul3A_2370 : i32
    %add3A_2372 = arith.constant 0 : i32
    %add3A_2373 = arith.addi %mul3A_2371, %add3A_2372 : i32
    %dma_wait3A_2374 = arith.constant 0 : i32
    %dma_wait3A_2375 = arith.constant 0 : i32
    %dma_wait3A_2376 = tpu.memref_slice %arg4[%add3A_2373, %dma_wait3A_2374, %dma_wait3A_2375] : memref<14336x56x64xf32, #tpu.memory_space<hbm>> -> memref<8x56x64xf32, #tpu.memory_space<hbm>>
    %dma_wait3A_2377 = arith.constant 0 : i32
    %dma_wait3A_2378 = arith.constant 0 : i32
    %dma_wait3A_2379 = tpu.memref_slice %arg4[%add3A_2373, %dma_wait3A_2377, %dma_wait3A_2378] : memref<14336x56x64xf32, #tpu.memory_space<hbm>> -> memref<8x56x64xf32, #tpu.memory_space<hbm>>
    tpu.wait_dma2 semaphore(%arg10 : memref<!tpu.dma_semaphore, #tpu.memory_space<semaphore_mem>>) src(%arg6 : memref<8x56x64xf32, #tpu.memory_space<vmem>>) dst(%dma_wait3A_2379 : memref<8x56x64xf32, #tpu.memory_space<hbm>>)
    %mul3A_2380 = arith.constant 8 : i32
    %mul3A_2381 = arith.muli %add3A, %mul3A_2380 : i32
    %add3A_2382 = arith.constant 4 : i32
    %add3A_2383 = arith.addi %mul3A_2381, %add3A_2382 : i32
    %shift_right_logical3A_2384 = arith.constant 5 : i32
    %shift_right_logical3A_2385 = arith.shrui %add3A_2383, %shift_right_logical3A_2384 : i32
    %and3A_2386 = arith.constant 31 : i32
    %and3A_2387 = arith.andi %add3A_2383, %and3A_2386 : i32
    %get3A_2388 = arith.index_cast %and3A_2387 : i32 to index
    %get3A_2389 = tpu.vector_load %arg5[%get3A_2388] {strides = array<i32>} : memref<48xi32, #tpu.memory_space<vmem>>, vector<16xi32>,
    %get3A_2390 = vector.shape_cast %get3A_2389 : vector<16xi32> to vector<16xi32>
    %slice3A_2391 = vector.extract_strided_slice %get3A_2390 {offsets = [0], sizes = [1], strides = [1]} : vector<16xi32> to vector<1xi32>
    %squeeze3A_2392 = vector.extract %slice3A_2391[0] : i32 from vector<1xi32>
    %mul3A_2393 = arith.constant 32 : i32
    %mul3A_2394 = arith.muli %shift_right_logical3A_2385, %mul3A_2393 : i32
    %add3A_2395 = arith.addi %mul3A_2394, %squeeze3A_2392 : i32
    %mul3A_2396 = arith.constant 56 : i32
    %mul3A_2397 = arith.muli %add3A_2395, %mul3A_2396 : i32
    %add3A_2398 = arith.constant 16 : i32
    %add3A_2399 = arith.addi %mul3A_2397, %add3A_2398 : i32
    %dma_start3A_2400 = arith.constant 0 : i32
    %dma_start3A_2401 = arith.constant 0 : i32
    %dma_start3A_2402 = tpu.memref_slice %arg2[%add3A_2399, %dma_start3A_2400, %dma_start3A_2401] : memref<14336x56x64xf32, #tpu.memory_space<hbm>> -> memref<8x56x64xf32, #tpu.memory_space<hbm>>
    %dma_start3A_2403 = arith.constant 0 : i32
    %dma_start3A_2404 = arith.constant 0 : i32
    %dma_start3A_2405 = tpu.memref_slice %arg2[%add3A_2399, %dma_start3A_2403, %dma_start3A_2404] : memref<14336x56x64xf32, #tpu.memory_space<hbm>> -> memref<8x56x64xf32, #tpu.memory_space<hbm>>
    tpu.enqueue_dma source(%dma_start3A_2405 : memref<8x56x64xf32, #tpu.memory_space<hbm>>) target(%arg6 : memref<8x56x64xf32, #tpu.memory_space<vmem>>) target_semaphore(%arg8 : memref<!tpu.dma_semaphore, #tpu.memory_space<semaphore_mem>>)
    %mul3A_2406 = arith.constant 8 : i32
    %mul3A_2407 = arith.muli %add3A, %mul3A_2406 : i32
    %add3A_2408 = arith.constant 4 : i32
    %add3A_2409 = arith.addi %mul3A_2407, %add3A_2408 : i32
    %shift_right_logical3A_2410 = arith.constant 5 : i32
    %shift_right_logical3A_2411 = arith.shrui %add3A_2409, %shift_right_logical3A_2410 : i32
    %and3A_2412 = arith.constant 31 : i32
    %and3A_2413 = arith.andi %add3A_2409, %and3A_2412 : i32
    %get3A_2414 = arith.index_cast %and3A_2413 : i32 to index
    %get3A_2415 = tpu.vector_load %arg5[%get3A_2414] {strides = array<i32>} : memref<48xi32, #tpu.memory_space<vmem>>, vector<16xi32>,
    %get3A_2416 = vector.shape_cast %get3A_2415 : vector<16xi32> to vector<16xi32>
    %slice3A_2417 = vector.extract_strided_slice %get3A_2416 {offsets = [0], sizes = [1], strides = [1]} : vector<16xi32> to vector<1xi32>
    %squeeze3A_2418 = vector.extract %slice3A_2417[0] : i32 from vector<1xi32>
    %mul3A_2419 = arith.constant 32 : i32
    %mul3A_2420 = arith.muli %shift_right_logical3A_2411, %mul3A_2419 : i32
    %add3A_2421 = arith.addi %mul3A_2420, %squeeze3A_2418 : i32
    %mul3A_2422 = arith.constant 56 : i32
    %mul3A_2423 = arith.muli %add3A_2421, %mul3A_2422 : i32
    %add3A_2424 = arith.constant 16 : i32
    %add3A_2425 = arith.addi %mul3A_2423, %add3A_2424 : i32
    %dma_wait3A_2426 = arith.constant 0 : i32
    %dma_wait3A_2427 = arith.constant 0 : i32
    %dma_wait3A_2428 = tpu.memref_slice %arg2[%add3A_2425, %dma_wait3A_2426, %dma_wait3A_2427] : memref<14336x56x64xf32, #tpu.memory_space<hbm>> -> memref<8x56x64xf32, #tpu.memory_space<hbm>>
    %dma_wait3A_2429 = arith.constant 0 : i32
    %dma_wait3A_2430 = arith.constant 0 : i32
    %dma_wait3A_2431 = tpu.memref_slice %arg2[%add3A_2425, %dma_wait3A_2429, %dma_wait3A_2430] : memref<14336x56x64xf32, #tpu.memory_space<hbm>> -> memref<8x56x64xf32, #tpu.memory_space<hbm>>
    tpu.wait_dma2 semaphore(%arg8 : memref<!tpu.dma_semaphore, #tpu.memory_space<semaphore_mem>>) src(%dma_wait3A_2431 : memref<8x56x64xf32, #tpu.memory_space<hbm>>) dst(%arg6 : memref<8x56x64xf32, #tpu.memory_space<vmem>>)
    %mul3A_2432 = arith.constant 8 : i32
    %mul3A_2433 = arith.muli %add3A, %mul3A_2432 : i32
    %add3A_2434 = arith.constant 4 : i32
    %add3A_2435 = arith.addi %mul3A_2433, %add3A_2434 : i32
    %mul3A_2436 = arith.constant 56 : i32
    %mul3A_2437 = arith.muli %add3A_2435, %mul3A_2436 : i32
    %add3A_2438 = arith.constant 16 : i32
    %add3A_2439 = arith.addi %mul3A_2437, %add3A_2438 : i32
    %dma_start3A_2440 = arith.constant 0 : i32
    %dma_start3A_2441 = arith.constant 0 : i32
    %dma_start3A_2442 = tpu.memref_slice %arg4[%add3A_2439, %dma_start3A_2440, %dma_start3A_2441] : memref<14336x56x64xf32, #tpu.memory_space<hbm>> -> memref<8x56x64xf32, #tpu.memory_space<hbm>>
    %dma_start3A_2443 = arith.constant 0 : i32
    %dma_start3A_2444 = arith.constant 0 : i32
    %dma_start3A_2445 = tpu.memref_slice %arg4[%add3A_2439, %dma_start3A_2443, %dma_start3A_2444] : memref<14336x56x64xf32, #tpu.memory_space<hbm>> -> memref<8x56x64xf32, #tpu.memory_space<hbm>>
    tpu.enqueue_dma source(%arg6 : memref<8x56x64xf32, #tpu.memory_space<vmem>>) target(%dma_start3A_2445 : memref<8x56x64xf32, #tpu.memory_space<hbm>>) target_semaphore(%arg10 : memref<!tpu.dma_semaphore, #tpu.memory_space<semaphore_mem>>)
    %mul3A_2446 = arith.constant 8 : i32
    %mul3A_2447 = arith.muli %add3A, %mul3A_2446 : i32
    %add3A_2448 = arith.constant 4 : i32
    %add3A_2449 = arith.addi %mul3A_2447, %add3A_2448 : i32
    %mul3A_2450 = arith.constant 56 : i32
    %mul3A_2451 = arith.muli %add3A_2449, %mul3A_2450 : i32
    %add3A_2452 = arith.constant 8 : i32
    %add3A_2453 = arith.addi %mul3A_2451, %add3A_2452 : i32
    %dma_wait3A_2454 = arith.constant 0 : i32
    %dma_wait3A_2455 = arith.constant 0 : i32
    %dma_wait3A_2456 = tpu.memref_slice %arg4[%add3A_2453, %dma_wait3A_2454, %dma_wait3A_2455] : memref<14336x56x64xf32, #tpu.memory_space<hbm>> -> memref<8x56x64xf32, #tpu.memory_space<hbm>>
    %dma_wait3A_2457 = arith.constant 0 : i32
    %dma_wait3A_2458 = arith.constant 0 : i32
    %dma_wait3A_2459 = tpu.memref_slice %arg4[%add3A_2453, %dma_wait3A_2457, %dma_wait3A_2458] : memref<14336x56x64xf32, #tpu.memory_space<hbm>> -> memref<8x56x64xf32, #tpu.memory_space<hbm>>
    tpu.wait_dma2 semaphore(%arg11 : memref<!tpu.dma_semaphore, #tpu.memory_space<semaphore_mem>>) src(%arg7 : memref<8x56x64xf32, #tpu.memory_space<vmem>>) dst(%dma_wait3A_2459 : memref<8x56x64xf32, #tpu.memory_space<hbm>>)
    %mul3A_2460 = arith.constant 8 : i32
    %mul3A_2461 = arith.muli %add3A, %mul3A_2460 : i32
    %add3A_2462 = arith.constant 4 : i32
    %add3A_2463 = arith.addi %mul3A_2461, %add3A_2462 : i32
    %shift_right_logical3A_2464 = arith.constant 5 : i32
    %shift_right_logical3A_2465 = arith.shrui %add3A_2463, %shift_right_logical3A_2464 : i32
    %and3A_2466 = arith.constant 31 : i32
    %and3A_2467 = arith.andi %add3A_2463, %and3A_2466 : i32
    %get3A_2468 = arith.index_cast %and3A_2467 : i32 to index
    %get3A_2469 = tpu.vector_load %arg5[%get3A_2468] {strides = array<i32>} : memref<48xi32, #tpu.memory_space<vmem>>, vector<16xi32>,
    %get3A_2470 = vector.shape_cast %get3A_2469 : vector<16xi32> to vector<16xi32>
    %slice3A_2471 = vector.extract_strided_slice %get3A_2470 {offsets = [0], sizes = [1], strides = [1]} : vector<16xi32> to vector<1xi32>
    %squeeze3A_2472 = vector.extract %slice3A_2471[0] : i32 from vector<1xi32>
    %mul3A_2473 = arith.constant 32 : i32
    %mul3A_2474 = arith.muli %shift_right_logical3A_2465, %mul3A_2473 : i32
    %add3A_2475 = arith.addi %mul3A_2474, %squeeze3A_2472 : i32
    %mul3A_2476 = arith.constant 56 : i32
    %mul3A_2477 = arith.muli %add3A_2475, %mul3A_2476 : i32
    %add3A_2478 = arith.constant 24 : i32
    %add3A_2479 = arith.addi %mul3A_2477, %add3A_2478 : i32
    %dma_start3A_2480 = arith.constant 0 : i32
    %dma_start3A_2481 = arith.constant 0 : i32
    %dma_start3A_2482 = tpu.memref_slice %arg2[%add3A_2479, %dma_start3A_2480, %dma_start3A_2481] : memref<14336x56x64xf32, #tpu.memory_space<hbm>> -> memref<8x56x64xf32, #tpu.memory_space<hbm>>
    %dma_start3A_2483 = arith.constant 0 : i32
    %dma_start3A_2484 = arith.constant 0 : i32
    %dma_start3A_2485 = tpu.memref_slice %arg2[%add3A_2479, %dma_start3A_2483, %dma_start3A_2484] : memref<14336x56x64xf32, #tpu.memory_space<hbm>> -> memref<8x56x64xf32, #tpu.memory_space<hbm>>
    tpu.enqueue_dma source(%dma_start3A_2485 : memref<8x56x64xf32, #tpu.memory_space<hbm>>) target(%arg7 : memref<8x56x64xf32, #tpu.memory_space<vmem>>) target_semaphore(%arg9 : memref<!tpu.dma_semaphore, #tpu.memory_space<semaphore_mem>>)
    %mul3A_2486 = arith.constant 8 : i32
    %mul3A_2487 = arith.muli %add3A, %mul3A_2486 : i32
    %add3A_2488 = arith.constant 4 : i32
    %add3A_2489 = arith.addi %mul3A_2487, %add3A_2488 : i32
    %shift_right_logical3A_2490 = arith.constant 5 : i32
    %shift_right_logical3A_2491 = arith.shrui %add3A_2489, %shift_right_logical3A_2490 : i32
    %and3A_2492 = arith.constant 31 : i32
    %and3A_2493 = arith.andi %add3A_2489, %and3A_2492 : i32
    %get3A_2494 = arith.index_cast %and3A_2493 : i32 to index
    %get3A_2495 = tpu.vector_load %arg5[%get3A_2494] {strides = array<i32>} : memref<48xi32, #tpu.memory_space<vmem>>, vector<16xi32>,
    %get3A_2496 = vector.shape_cast %get3A_2495 : vector<16xi32> to vector<16xi32>
    %slice3A_2497 = vector.extract_strided_slice %get3A_2496 {offsets = [0], sizes = [1], strides = [1]} : vector<16xi32> to vector<1xi32>
    %squeeze3A_2498 = vector.extract %slice3A_2497[0] : i32 from vector<1xi32>
    %mul3A_2499 = arith.constant 32 : i32
    %mul3A_2500 = arith.muli %shift_right_logical3A_2491, %mul3A_2499 : i32
    %add3A_2501 = arith.addi %mul3A_2500, %squeeze3A_2498 : i32
    %mul3A_2502 = arith.constant 56 : i32
    %mul3A_2503 = arith.muli %add3A_2501, %mul3A_2502 : i32
    %add3A_2504 = arith.constant 24 : i32
    %add3A_2505 = arith.addi %mul3A_2503, %add3A_2504 : i32
    %dma_wait3A_2506 = arith.constant 0 : i32
    %dma_wait3A_2507 = arith.constant 0 : i32
    %dma_wait3A_2508 = tpu.memref_slice %arg2[%add3A_2505, %dma_wait3A_2506, %dma_wait3A_2507] : memref<14336x56x64xf32, #tpu.memory_space<hbm>> -> memref<8x56x64xf32, #tpu.memory_space<hbm>>
    %dma_wait3A_2509 = arith.constant 0 : i32
    %dma_wait3A_2510 = arith.constant 0 : i32
    %dma_wait3A_2511 = tpu.memref_slice %arg2[%add3A_2505, %dma_wait3A_2509, %dma_wait3A_2510] : memref<14336x56x64xf32, #tpu.memory_space<hbm>> -> memref<8x56x64xf32, #tpu.memory_space<hbm>>
    tpu.wait_dma2 semaphore(%arg9 : memref<!tpu.dma_semaphore, #tpu.memory_space<semaphore_mem>>) src(%dma_wait3A_2511 : memref<8x56x64xf32, #tpu.memory_space<hbm>>) dst(%arg7 : memref<8x56x64xf32, #tpu.memory_space<vmem>>)
    %mul3A_2512 = arith.constant 8 : i32
    %mul3A_2513 = arith.muli %add3A, %mul3A_2512 : i32
    %add3A_2514 = arith.constant 4 : i32
    %add3A_2515 = arith.addi %mul3A_2513, %add3A_2514 : i32
    %mul3A_2516 = arith.constant 56 : i32
    %mul3A_2517 = arith.muli %add3A_2515, %mul3A_2516 : i32
    %add3A_2518 = arith.constant 24 : i32
    %add3A_2519 = arith.addi %mul3A_2517, %add3A_2518 : i32
    %dma_start3A_2520 = arith.constant 0 : i32
    %dma_start3A_2521 = arith.constant 0 : i32
    %dma_start3A_2522 = tpu.memref_slice %arg4[%add3A_2519, %dma_start3A_2520, %dma_start3A_2521] : memref<14336x56x64xf32, #tpu.memory_space<hbm>> -> memref<8x56x64xf32, #tpu.memory_space<hbm>>
    %dma_start3A_2523 = arith.constant 0 : i32
    %dma_start3A_2524 = arith.constant 0 : i32
    %dma_start3A_2525 = tpu.memref_slice %arg4[%add3A_2519, %dma_start3A_2523, %dma_start3A_2524] : memref<14336x56x64xf32, #tpu.memory_space<hbm>> -> memref<8x56x64xf32, #tpu.memory_space<hbm>>
    tpu.enqueue_dma source(%arg7 : memref<8x56x64xf32, #tpu.memory_space<vmem>>) target(%dma_start3A_2525 : memref<8x56x64xf32, #tpu.memory_space<hbm>>) target_semaphore(%arg11 : memref<!tpu.dma_semaphore, #tpu.memory_space<semaphore_mem>>)
    %mul3A_2526 = arith.constant 8 : i32
    %mul3A_2527 = arith.muli %add3A, %mul3A_2526 : i32
    %add3A_2528 = arith.constant 4 : i32
    %add3A_2529 = arith.addi %mul3A_2527, %add3A_2528 : i32
    %mul3A_2530 = arith.constant 56 : i32
    %mul3A_2531 = arith.muli %add3A_2529, %mul3A_2530 : i32
    %add3A_2532 = arith.constant 16 : i32
    %add3A_2533 = arith.addi %mul3A_2531, %add3A_2532 : i32
    %dma_wait3A_2534 = arith.constant 0 : i32
    %dma_wait3A_2535 = arith.constant 0 : i32
    %dma_wait3A_2536 = tpu.memref_slice %arg4[%add3A_2533, %dma_wait3A_2534, %dma_wait3A_2535] : memref<14336x56x64xf32, #tpu.memory_space<hbm>> -> memref<8x56x64xf32, #tpu.memory_space<hbm>>
    %dma_wait3A_2537 = arith.constant 0 : i32
    %dma_wait3A_2538 = arith.constant 0 : i32
    %dma_wait3A_2539 = tpu.memref_slice %arg4[%add3A_2533, %dma_wait3A_2537, %dma_wait3A_2538] : memref<14336x56x64xf32, #tpu.memory_space<hbm>> -> memref<8x56x64xf32, #tpu.memory_space<hbm>>
    tpu.wait_dma2 semaphore(%arg10 : memref<!tpu.dma_semaphore, #tpu.memory_space<semaphore_mem>>) src(%arg6 : memref<8x56x64xf32, #tpu.memory_space<vmem>>) dst(%dma_wait3A_2539 : memref<8x56x64xf32, #tpu.memory_space<hbm>>)
    %mul3A_2540 = arith.constant 8 : i32
    %mul3A_2541 = arith.muli %add3A, %mul3A_2540 : i32
    %add3A_2542 = arith.constant 4 : i32
    %add3A_2543 = arith.addi %mul3A_2541, %add3A_2542 : i32
    %shift_right_logical3A_2544 = arith.constant 5 : i32
    %shift_right_logical3A_2545 = arith.shrui %add3A_2543, %shift_right_logical3A_2544 : i32
    %and3A_2546 = arith.constant 31 : i32
    %and3A_2547 = arith.andi %add3A_2543, %and3A_2546 : i32
    %get3A_2548 = arith.index_cast %and3A_2547 : i32 to index
    %get3A_2549 = tpu.vector_load %arg5[%get3A_2548] {strides = array<i32>} : memref<48xi32, #tpu.memory_space<vmem>>, vector<16xi32>,
    %get3A_2550 = vector.shape_cast %get3A_2549 : vector<16xi32> to vector<16xi32>
    %slice3A_2551 = vector.extract_strided_slice %get3A_2550 {offsets = [0], sizes = [1], strides = [1]} : vector<16xi32> to vector<1xi32>
    %squeeze3A_2552 = vector.extract %slice3A_2551[0] : i32 from vector<1xi32>
    %mul3A_2553 = arith.constant 32 : i32
    %mul3A_2554 = arith.muli %shift_right_logical3A_2545, %mul3A_2553 : i32
    %add3A_2555 = arith.addi %mul3A_2554, %squeeze3A_2552 : i32
    %mul3A_2556 = arith.constant 56 : i32
    %mul3A_2557 = arith.muli %add3A_2555, %mul3A_2556 : i32
    %add3A_2558 = arith.constant 32 : i32
    %add3A_2559 = arith.addi %mul3A_2557, %add3A_2558 : i32
    %dma_start3A_2560 = arith.constant 0 : i32
    %dma_start3A_2561 = arith.constant 0 : i32
    %dma_start3A_2562 = tpu.memref_slice %arg2[%add3A_2559, %dma_start3A_2560, %dma_start3A_2561] : memref<14336x56x64xf32, #tpu.memory_space<hbm>> -> memref<8x56x64xf32, #tpu.memory_space<hbm>>
    %dma_start3A_2563 = arith.constant 0 : i32
    %dma_start3A_2564 = arith.constant 0 : i32
    %dma_start3A_2565 = tpu.memref_slice %arg2[%add3A_2559, %dma_start3A_2563, %dma_start3A_2564] : memref<14336x56x64xf32, #tpu.memory_space<hbm>> -> memref<8x56x64xf32, #tpu.memory_space<hbm>>
    tpu.enqueue_dma source(%dma_start3A_2565 : memref<8x56x64xf32, #tpu.memory_space<hbm>>) target(%arg6 : memref<8x56x64xf32, #tpu.memory_space<vmem>>) target_semaphore(%arg8 : memref<!tpu.dma_semaphore, #tpu.memory_space<semaphore_mem>>)
    %mul3A_2566 = arith.constant 8 : i32
    %mul3A_2567 = arith.muli %add3A, %mul3A_2566 : i32
    %add3A_2568 = arith.constant 4 : i32
    %add3A_2569 = arith.addi %mul3A_2567, %add3A_2568 : i32
    %shift_right_logical3A_2570 = arith.constant 5 : i32
    %shift_right_logical3A_2571 = arith.shrui %add3A_2569, %shift_right_logical3A_2570 : i32
    %and3A_2572 = arith.constant 31 : i32
    %and3A_2573 = arith.andi %add3A_2569, %and3A_2572 : i32
    %get3A_2574 = arith.index_cast %and3A_2573 : i32 to index
    %get3A_2575 = tpu.vector_load %arg5[%get3A_2574] {strides = array<i32>} : memref<48xi32, #tpu.memory_space<vmem>>, vector<16xi32>,
    %get3A_2576 = vector.shape_cast %get3A_2575 : vector<16xi32> to vector<16xi32>
    %slice3A_2577 = vector.extract_strided_slice %get3A_2576 {offsets = [0], sizes = [1], strides = [1]} : vector<16xi32> to vector<1xi32>
    %squeeze3A_2578 = vector.extract %slice3A_2577[0] : i32 from vector<1xi32>
    %mul3A_2579 = arith.constant 32 : i32
    %mul3A_2580 = arith.muli %shift_right_logical3A_2571, %mul3A_2579 : i32
    %add3A_2581 = arith.addi %mul3A_2580, %squeeze3A_2578 : i32
    %mul3A_2582 = arith.constant 56 : i32
    %mul3A_2583 = arith.muli %add3A_2581, %mul3A_2582 : i32
    %add3A_2584 = arith.constant 32 : i32
    %add3A_2585 = arith.addi %mul3A_2583, %add3A_2584 : i32
    %dma_wait3A_2586 = arith.constant 0 : i32
    %dma_wait3A_2587 = arith.constant 0 : i32
    %dma_wait3A_2588 = tpu.memref_slice %arg2[%add3A_2585, %dma_wait3A_2586, %dma_wait3A_2587] : memref<14336x56x64xf32, #tpu.memory_space<hbm>> -> memref<8x56x64xf32, #tpu.memory_space<hbm>>
    %dma_wait3A_2589 = arith.constant 0 : i32
    %dma_wait3A_2590 = arith.constant 0 : i32
    %dma_wait3A_2591 = tpu.memref_slice %arg2[%add3A_2585, %dma_wait3A_2589, %dma_wait3A_2590] : memref<14336x56x64xf32, #tpu.memory_space<hbm>> -> memref<8x56x64xf32, #tpu.memory_space<hbm>>
    tpu.wait_dma2 semaphore(%arg8 : memref<!tpu.dma_semaphore, #tpu.memory_space<semaphore_mem>>) src(%dma_wait3A_2591 : memref<8x56x64xf32, #tpu.memory_space<hbm>>) dst(%arg6 : memref<8x56x64xf32, #tpu.memory_space<vmem>>)
    %mul3A_2592 = arith.constant 8 : i32
    %mul3A_2593 = arith.muli %add3A, %mul3A_2592 : i32
    %add3A_2594 = arith.constant 4 : i32
    %add3A_2595 = arith.addi %mul3A_2593, %add3A_2594 : i32
    %mul3A_2596 = arith.constant 56 : i32
    %mul3A_2597 = arith.muli %add3A_2595, %mul3A_2596 : i32
    %add3A_2598 = arith.constant 32 : i32
    %add3A_2599 = arith.addi %mul3A_2597, %add3A_2598 : i32
    %dma_start3A_2600 = arith.constant 0 : i32
    %dma_start3A_2601 = arith.constant 0 : i32
    %dma_start3A_2602 = tpu.memref_slice %arg4[%add3A_2599, %dma_start3A_2600, %dma_start3A_2601] : memref<14336x56x64xf32, #tpu.memory_space<hbm>> -> memref<8x56x64xf32, #tpu.memory_space<hbm>>
    %dma_start3A_2603 = arith.constant 0 : i32
    %dma_start3A_2604 = arith.constant 0 : i32
    %dma_start3A_2605 = tpu.memref_slice %arg4[%add3A_2599, %dma_start3A_2603, %dma_start3A_2604] : memref<14336x56x64xf32, #tpu.memory_space<hbm>> -> memref<8x56x64xf32, #tpu.memory_space<hbm>>
    tpu.enqueue_dma source(%arg6 : memref<8x56x64xf32, #tpu.memory_space<vmem>>) target(%dma_start3A_2605 : memref<8x56x64xf32, #tpu.memory_space<hbm>>) target_semaphore(%arg10 : memref<!tpu.dma_semaphore, #tpu.memory_space<semaphore_mem>>)
    %mul3A_2606 = arith.constant 8 : i32
    %mul3A_2607 = arith.muli %add3A, %mul3A_2606 : i32
    %add3A_2608 = arith.constant 4 : i32
    %add3A_2609 = arith.addi %mul3A_2607, %add3A_2608 : i32
    %mul3A_2610 = arith.constant 56 : i32
    %mul3A_2611 = arith.muli %add3A_2609, %mul3A_2610 : i32
    %add3A_2612 = arith.constant 24 : i32
    %add3A_2613 = arith.addi %mul3A_2611, %add3A_2612 : i32
    %dma_wait3A_2614 = arith.constant 0 : i32
    %dma_wait3A_2615 = arith.constant 0 : i32
    %dma_wait3A_2616 = tpu.memref_slice %arg4[%add3A_2613, %dma_wait3A_2614, %dma_wait3A_2615] : memref<14336x56x64xf32, #tpu.memory_space<hbm>> -> memref<8x56x64xf32, #tpu.memory_space<hbm>>
    %dma_wait3A_2617 = arith.constant 0 : i32
    %dma_wait3A_2618 = arith.constant 0 : i32
    %dma_wait3A_2619 = tpu.memref_slice %arg4[%add3A_2613, %dma_wait3A_2617, %dma_wait3A_2618] : memref<14336x56x64xf32, #tpu.memory_space<hbm>> -> memref<8x56x64xf32, #tpu.memory_space<hbm>>
    tpu.wait_dma2 semaphore(%arg11 : memref<!tpu.dma_semaphore, #tpu.memory_space<semaphore_mem>>) src(%arg7 : memref<8x56x64xf32, #tpu.memory_space<vmem>>) dst(%dma_wait3A_2619 : memref<8x56x64xf32, #tpu.memory_space<hbm>>)
    %mul3A_2620 = arith.constant 8 : i32
    %mul3A_2621 = arith.muli %add3A, %mul3A_2620 : i32
    %add3A_2622 = arith.constant 4 : i32
    %add3A_2623 = arith.addi %mul3A_2621, %add3A_2622 : i32
    %shift_right_logical3A_2624 = arith.constant 5 : i32
    %shift_right_logical3A_2625 = arith.shrui %add3A_2623, %shift_right_logical3A_2624 : i32
    %and3A_2626 = arith.constant 31 : i32
    %and3A_2627 = arith.andi %add3A_2623, %and3A_2626 : i32
    %get3A_2628 = arith.index_cast %and3A_2627 : i32 to index
    %get3A_2629 = tpu.vector_load %arg5[%get3A_2628] {strides = array<i32>} : memref<48xi32, #tpu.memory_space<vmem>>, vector<16xi32>,
    %get3A_2630 = vector.shape_cast %get3A_2629 : vector<16xi32> to vector<16xi32>
    %slice3A_2631 = vector.extract_strided_slice %get3A_2630 {offsets = [0], sizes = [1], strides = [1]} : vector<16xi32> to vector<1xi32>
    %squeeze3A_2632 = vector.extract %slice3A_2631[0] : i32 from vector<1xi32>
    %mul3A_2633 = arith.constant 32 : i32
    %mul3A_2634 = arith.muli %shift_right_logical3A_2625, %mul3A_2633 : i32
    %add3A_2635 = arith.addi %mul3A_2634, %squeeze3A_2632 : i32
    %mul3A_2636 = arith.constant 56 : i32
    %mul3A_2637 = arith.muli %add3A_2635, %mul3A_2636 : i32
    %add3A_2638 = arith.constant 40 : i32
    %add3A_2639 = arith.addi %mul3A_2637, %add3A_2638 : i32
    %dma_start3A_2640 = arith.constant 0 : i32
    %dma_start3A_2641 = arith.constant 0 : i32
    %dma_start3A_2642 = tpu.memref_slice %arg2[%add3A_2639, %dma_start3A_2640, %dma_start3A_2641] : memref<14336x56x64xf32, #tpu.memory_space<hbm>> -> memref<8x56x64xf32, #tpu.memory_space<hbm>>
    %dma_start3A_2643 = arith.constant 0 : i32
    %dma_start3A_2644 = arith.constant 0 : i32
    %dma_start3A_2645 = tpu.memref_slice %arg2[%add3A_2639, %dma_start3A_2643, %dma_start3A_2644] : memref<14336x56x64xf32, #tpu.memory_space<hbm>> -> memref<8x56x64xf32, #tpu.memory_space<hbm>>
    tpu.enqueue_dma source(%dma_start3A_2645 : memref<8x56x64xf32, #tpu.memory_space<hbm>>) target(%arg7 : memref<8x56x64xf32, #tpu.memory_space<vmem>>) target_semaphore(%arg9 : memref<!tpu.dma_semaphore, #tpu.memory_space<semaphore_mem>>)
    %mul3A_2646 = arith.constant 8 : i32
    %mul3A_2647 = arith.muli %add3A, %mul3A_2646 : i32
    %add3A_2648 = arith.constant 4 : i32
    %add3A_2649 = arith.addi %mul3A_2647, %add3A_2648 : i32
    %shift_right_logical3A_2650 = arith.constant 5 : i32
    %shift_right_logical3A_2651 = arith.shrui %add3A_2649, %shift_right_logical3A_2650 : i32
    %and3A_2652 = arith.constant 31 : i32
    %and3A_2653 = arith.andi %add3A_2649, %and3A_2652 : i32
    %get3A_2654 = arith.index_cast %and3A_2653 : i32 to index
    %get3A_2655 = tpu.vector_load %arg5[%get3A_2654] {strides = array<i32>} : memref<48xi32, #tpu.memory_space<vmem>>, vector<16xi32>,
    %get3A_2656 = vector.shape_cast %get3A_2655 : vector<16xi32> to vector<16xi32>
    %slice3A_2657 = vector.extract_strided_slice %get3A_2656 {offsets = [0], sizes = [1], strides = [1]} : vector<16xi32> to vector<1xi32>
    %squeeze3A_2658 = vector.extract %slice3A_2657[0] : i32 from vector<1xi32>
    %mul3A_2659 = arith.constant 32 : i32
    %mul3A_2660 = arith.muli %shift_right_logical3A_2651, %mul3A_2659 : i32
    %add3A_2661 = arith.addi %mul3A_2660, %squeeze3A_2658 : i32
    %mul3A_2662 = arith.constant 56 : i32
    %mul3A_2663 = arith.muli %add3A_2661, %mul3A_2662 : i32
    %add3A_2664 = arith.constant 40 : i32
    %add3A_2665 = arith.addi %mul3A_2663, %add3A_2664 : i32
    %dma_wait3A_2666 = arith.constant 0 : i32
    %dma_wait3A_2667 = arith.constant 0 : i32
    %dma_wait3A_2668 = tpu.memref_slice %arg2[%add3A_2665, %dma_wait3A_2666, %dma_wait3A_2667] : memref<14336x56x64xf32, #tpu.memory_space<hbm>> -> memref<8x56x64xf32, #tpu.memory_space<hbm>>
    %dma_wait3A_2669 = arith.constant 0 : i32
    %dma_wait3A_2670 = arith.constant 0 : i32
    %dma_wait3A_2671 = tpu.memref_slice %arg2[%add3A_2665, %dma_wait3A_2669, %dma_wait3A_2670] : memref<14336x56x64xf32, #tpu.memory_space<hbm>> -> memref<8x56x64xf32, #tpu.memory_space<hbm>>
    tpu.wait_dma2 semaphore(%arg9 : memref<!tpu.dma_semaphore, #tpu.memory_space<semaphore_mem>>) src(%dma_wait3A_2671 : memref<8x56x64xf32, #tpu.memory_space<hbm>>) dst(%arg7 : memref<8x56x64xf32, #tpu.memory_space<vmem>>)
    %mul3A_2672 = arith.constant 8 : i32
    %mul3A_2673 = arith.muli %add3A, %mul3A_2672 : i32
    %add3A_2674 = arith.constant 4 : i32
    %add3A_2675 = arith.addi %mul3A_2673, %add3A_2674 : i32
    %mul3A_2676 = arith.constant 56 : i32
    %mul3A_2677 = arith.muli %add3A_2675, %mul3A_2676 : i32
    %add3A_2678 = arith.constant 40 : i32
    %add3A_2679 = arith.addi %mul3A_2677, %add3A_2678 : i32
    %dma_start3A_2680 = arith.constant 0 : i32
    %dma_start3A_2681 = arith.constant 0 : i32
    %dma_start3A_2682 = tpu.memref_slice %arg4[%add3A_2679, %dma_start3A_2680, %dma_start3A_2681] : memref<14336x56x64xf32, #tpu.memory_space<hbm>> -> memref<8x56x64xf32, #tpu.memory_space<hbm>>
    %dma_start3A_2683 = arith.constant 0 : i32
    %dma_start3A_2684 = arith.constant 0 : i32
    %dma_start3A_2685 = tpu.memref_slice %arg4[%add3A_2679, %dma_start3A_2683, %dma_start3A_2684] : memref<14336x56x64xf32, #tpu.memory_space<hbm>> -> memref<8x56x64xf32, #tpu.memory_space<hbm>>
    tpu.enqueue_dma source(%arg7 : memref<8x56x64xf32, #tpu.memory_space<vmem>>) target(%dma_start3A_2685 : memref<8x56x64xf32, #tpu.memory_space<hbm>>) target_semaphore(%arg11 : memref<!tpu.dma_semaphore, #tpu.memory_space<semaphore_mem>>)
    %mul3A_2686 = arith.constant 8 : i32
    %mul3A_2687 = arith.muli %add3A, %mul3A_2686 : i32
    %add3A_2688 = arith.constant 4 : i32
    %add3A_2689 = arith.addi %mul3A_2687, %add3A_2688 : i32
    %mul3A_2690 = arith.constant 56 : i32
    %mul3A_2691 = arith.muli %add3A_2689, %mul3A_2690 : i32
    %add3A_2692 = arith.constant 32 : i32
    %add3A_2693 = arith.addi %mul3A_2691, %add3A_2692 : i32
    %dma_wait3A_2694 = arith.constant 0 : i32
    %dma_wait3A_2695 = arith.constant 0 : i32
    %dma_wait3A_2696 = tpu.memref_slice %arg4[%add3A_2693, %dma_wait3A_2694, %dma_wait3A_2695] : memref<14336x56x64xf32, #tpu.memory_space<hbm>> -> memref<8x56x64xf32, #tpu.memory_space<hbm>>
    %dma_wait3A_2697 = arith.constant 0 : i32
    %dma_wait3A_2698 = arith.constant 0 : i32
    %dma_wait3A_2699 = tpu.memref_slice %arg4[%add3A_2693, %dma_wait3A_2697, %dma_wait3A_2698] : memref<14336x56x64xf32, #tpu.memory_space<hbm>> -> memref<8x56x64xf32, #tpu.memory_space<hbm>>
    tpu.wait_dma2 semaphore(%arg10 : memref<!tpu.dma_semaphore, #tpu.memory_space<semaphore_mem>>) src(%arg6 : memref<8x56x64xf32, #tpu.memory_space<vmem>>) dst(%dma_wait3A_2699 : memref<8x56x64xf32, #tpu.memory_space<hbm>>)
    %mul3A_2700 = arith.constant 8 : i32
    %mul3A_2701 = arith.muli %add3A, %mul3A_2700 : i32
    %add3A_2702 = arith.constant 4 : i32
    %add3A_2703 = arith.addi %mul3A_2701, %add3A_2702 : i32
    %shift_right_logical3A_2704 = arith.constant 5 : i32
    %shift_right_logical3A_2705 = arith.shrui %add3A_2703, %shift_right_logical3A_2704 : i32
    %and3A_2706 = arith.constant 31 : i32
    %and3A_2707 = arith.andi %add3A_2703, %and3A_2706 : i32
    %get3A_2708 = arith.index_cast %and3A_2707 : i32 to index
    %get3A_2709 = tpu.vector_load %arg5[%get3A_2708] {strides = array<i32>} : memref<48xi32, #tpu.memory_space<vmem>>, vector<16xi32>,
    %get3A_2710 = vector.shape_cast %get3A_2709 : vector<16xi32> to vector<16xi32>
    %slice3A_2711 = vector.extract_strided_slice %get3A_2710 {offsets = [0], sizes = [1], strides = [1]} : vector<16xi32> to vector<1xi32>
    %squeeze3A_2712 = vector.extract %slice3A_2711[0] : i32 from vector<1xi32>
    %mul3A_2713 = arith.constant 32 : i32
    %mul3A_2714 = arith.muli %shift_right_logical3A_2705, %mul3A_2713 : i32
    %add3A_2715 = arith.addi %mul3A_2714, %squeeze3A_2712 : i32
    %mul3A_2716 = arith.constant 56 : i32
    %mul3A_2717 = arith.muli %add3A_2715, %mul3A_2716 : i32
    %add3A_2718 = arith.constant 48 : i32
    %add3A_2719 = arith.addi %mul3A_2717, %add3A_2718 : i32
    %dma_start3A_2720 = arith.constant 0 : i32
    %dma_start3A_2721 = arith.constant 0 : i32
    %dma_start3A_2722 = tpu.memref_slice %arg2[%add3A_2719, %dma_start3A_2720, %dma_start3A_2721] : memref<14336x56x64xf32, #tpu.memory_space<hbm>> -> memref<8x56x64xf32, #tpu.memory_space<hbm>>
    %dma_start3A_2723 = arith.constant 0 : i32
    %dma_start3A_2724 = arith.constant 0 : i32
    %dma_start3A_2725 = tpu.memref_slice %arg2[%add3A_2719, %dma_start3A_2723, %dma_start3A_2724] : memref<14336x56x64xf32, #tpu.memory_space<hbm>> -> memref<8x56x64xf32, #tpu.memory_space<hbm>>
    tpu.enqueue_dma source(%dma_start3A_2725 : memref<8x56x64xf32, #tpu.memory_space<hbm>>) target(%arg6 : memref<8x56x64xf32, #tpu.memory_space<vmem>>) target_semaphore(%arg8 : memref<!tpu.dma_semaphore, #tpu.memory_space<semaphore_mem>>)
    %mul3A_2726 = arith.constant 8 : i32
    %mul3A_2727 = arith.muli %add3A, %mul3A_2726 : i32
    %add3A_2728 = arith.constant 4 : i32
    %add3A_2729 = arith.addi %mul3A_2727, %add3A_2728 : i32
    %shift_right_logical3A_2730 = arith.constant 5 : i32
    %shift_right_logical3A_2731 = arith.shrui %add3A_2729, %shift_right_logical3A_2730 : i32
    %and3A_2732 = arith.constant 31 : i32
    %and3A_2733 = arith.andi %add3A_2729, %and3A_2732 : i32
    %get3A_2734 = arith.index_cast %and3A_2733 : i32 to index
    %get3A_2735 = tpu.vector_load %arg5[%get3A_2734] {strides = array<i32>} : memref<48xi32, #tpu.memory_space<vmem>>, vector<16xi32>,
    %get3A_2736 = vector.shape_cast %get3A_2735 : vector<16xi32> to vector<16xi32>
    %slice3A_2737 = vector.extract_strided_slice %get3A_2736 {offsets = [0], sizes = [1], strides = [1]} : vector<16xi32> to vector<1xi32>
    %squeeze3A_2738 = vector.extract %slice3A_2737[0] : i32 from vector<1xi32>
    %mul3A_2739 = arith.constant 32 : i32
    %mul3A_2740 = arith.muli %shift_right_logical3A_2731, %mul3A_2739 : i32
    %add3A_2741 = arith.addi %mul3A_2740, %squeeze3A_2738 : i32
    %mul3A_2742 = arith.constant 56 : i32
    %mul3A_2743 = arith.muli %add3A_2741, %mul3A_2742 : i32
    %add3A_2744 = arith.constant 48 : i32
    %add3A_2745 = arith.addi %mul3A_2743, %add3A_2744 : i32
    %dma_wait3A_2746 = arith.constant 0 : i32
    %dma_wait3A_2747 = arith.constant 0 : i32
    %dma_wait3A_2748 = tpu.memref_slice %arg2[%add3A_2745, %dma_wait3A_2746, %dma_wait3A_2747] : memref<14336x56x64xf32, #tpu.memory_space<hbm>> -> memref<8x56x64xf32, #tpu.memory_space<hbm>>
    %dma_wait3A_2749 = arith.constant 0 : i32
    %dma_wait3A_2750 = arith.constant 0 : i32
    %dma_wait3A_2751 = tpu.memref_slice %arg2[%add3A_2745, %dma_wait3A_2749, %dma_wait3A_2750] : memref<14336x56x64xf32, #tpu.memory_space<hbm>> -> memref<8x56x64xf32, #tpu.memory_space<hbm>>
    tpu.wait_dma2 semaphore(%arg8 : memref<!tpu.dma_semaphore, #tpu.memory_space<semaphore_mem>>) src(%dma_wait3A_2751 : memref<8x56x64xf32, #tpu.memory_space<hbm>>) dst(%arg6 : memref<8x56x64xf32, #tpu.memory_space<vmem>>)
    %mul3A_2752 = arith.constant 8 : i32
    %mul3A_2753 = arith.muli %add3A, %mul3A_2752 : i32
    %add3A_2754 = arith.constant 4 : i32
    %add3A_2755 = arith.addi %mul3A_2753, %add3A_2754 : i32
    %mul3A_2756 = arith.constant 56 : i32
    %mul3A_2757 = arith.muli %add3A_2755, %mul3A_2756 : i32
    %add3A_2758 = arith.constant 48 : i32
    %add3A_2759 = arith.addi %mul3A_2757, %add3A_2758 : i32
    %dma_start3A_2760 = arith.constant 0 : i32
    %dma_start3A_2761 = arith.constant 0 : i32
    %dma_start3A_2762 = tpu.memref_slice %arg4[%add3A_2759, %dma_start3A_2760, %dma_start3A_2761] : memref<14336x56x64xf32, #tpu.memory_space<hbm>> -> memref<8x56x64xf32, #tpu.memory_space<hbm>>
    %dma_start3A_2763 = arith.constant 0 : i32
    %dma_start3A_2764 = arith.constant 0 : i32
    %dma_start3A_2765 = tpu.memref_slice %arg4[%add3A_2759, %dma_start3A_2763, %dma_start3A_2764] : memref<14336x56x64xf32, #tpu.memory_space<hbm>> -> memref<8x56x64xf32, #tpu.memory_space<hbm>>
    tpu.enqueue_dma source(%arg6 : memref<8x56x64xf32, #tpu.memory_space<vmem>>) target(%dma_start3A_2765 : memref<8x56x64xf32, #tpu.memory_space<hbm>>) target_semaphore(%arg10 : memref<!tpu.dma_semaphore, #tpu.memory_space<semaphore_mem>>)
    %mul3A_2766 = arith.constant 8 : i32
    %mul3A_2767 = arith.muli %add3A, %mul3A_2766 : i32
    %add3A_2768 = arith.constant 4 : i32
    %add3A_2769 = arith.addi %mul3A_2767, %add3A_2768 : i32
    %mul3A_2770 = arith.constant 56 : i32
    %mul3A_2771 = arith.muli %add3A_2769, %mul3A_2770 : i32
    %add3A_2772 = arith.constant 40 : i32
    %add3A_2773 = arith.addi %mul3A_2771, %add3A_2772 : i32
    %dma_wait3A_2774 = arith.constant 0 : i32
    %dma_wait3A_2775 = arith.constant 0 : i32
    %dma_wait3A_2776 = tpu.memref_slice %arg4[%add3A_2773, %dma_wait3A_2774, %dma_wait3A_2775] : memref<14336x56x64xf32, #tpu.memory_space<hbm>> -> memref<8x56x64xf32, #tpu.memory_space<hbm>>
    %dma_wait3A_2777 = arith.constant 0 : i32
    %dma_wait3A_2778 = arith.constant 0 : i32
    %dma_wait3A_2779 = tpu.memref_slice %arg4[%add3A_2773, %dma_wait3A_2777, %dma_wait3A_2778] : memref<14336x56x64xf32, #tpu.memory_space<hbm>> -> memref<8x56x64xf32, #tpu.memory_space<hbm>>
    tpu.wait_dma2 semaphore(%arg11 : memref<!tpu.dma_semaphore, #tpu.memory_space<semaphore_mem>>) src(%arg7 : memref<8x56x64xf32, #tpu.memory_space<vmem>>) dst(%dma_wait3A_2779 : memref<8x56x64xf32, #tpu.memory_space<hbm>>)
    %mul3A_2780 = arith.constant 8 : i32
    %mul3A_2781 = arith.muli %add3A, %mul3A_2780 : i32
    %add3A_2782 = arith.constant 5 : i32
    %add3A_2783 = arith.addi %mul3A_2781, %add3A_2782 : i32
    %shift_right_logical3A_2784 = arith.constant 5 : i32
    %shift_right_logical3A_2785 = arith.shrui %add3A_2783, %shift_right_logical3A_2784 : i32
    %and3A_2786 = arith.constant 31 : i32
    %and3A_2787 = arith.andi %add3A_2783, %and3A_2786 : i32
    %get3A_2788 = arith.index_cast %and3A_2787 : i32 to index
    %get3A_2789 = tpu.vector_load %arg5[%get3A_2788] {strides = array<i32>} : memref<48xi32, #tpu.memory_space<vmem>>, vector<16xi32>,
    %get3A_2790 = vector.shape_cast %get3A_2789 : vector<16xi32> to vector<16xi32>
    %slice3A_2791 = vector.extract_strided_slice %get3A_2790 {offsets = [0], sizes = [1], strides = [1]} : vector<16xi32> to vector<1xi32>
    %squeeze3A_2792 = vector.extract %slice3A_2791[0] : i32 from vector<1xi32>
    %mul3A_2793 = arith.constant 32 : i32
    %mul3A_2794 = arith.muli %shift_right_logical3A_2785, %mul3A_2793 : i32
    %add3A_2795 = arith.addi %mul3A_2794, %squeeze3A_2792 : i32
    %mul3A_2796 = arith.constant 56 : i32
    %mul3A_2797 = arith.muli %add3A_2795, %mul3A_2796 : i32
    %add3A_2798 = arith.constant 0 : i32
    %add3A_2799 = arith.addi %mul3A_2797, %add3A_2798 : i32
    %dma_start3A_2800 = arith.constant 0 : i32
    %dma_start3A_2801 = arith.constant 0 : i32
    %dma_start3A_2802 = tpu.memref_slice %arg2[%add3A_2799, %dma_start3A_2800, %dma_start3A_2801] : memref<14336x56x64xf32, #tpu.memory_space<hbm>> -> memref<8x56x64xf32, #tpu.memory_space<hbm>>
    %dma_start3A_2803 = arith.constant 0 : i32
    %dma_start3A_2804 = arith.constant 0 : i32
    %dma_start3A_2805 = tpu.memref_slice %arg2[%add3A_2799, %dma_start3A_2803, %dma_start3A_2804] : memref<14336x56x64xf32, #tpu.memory_space<hbm>> -> memref<8x56x64xf32, #tpu.memory_space<hbm>>
    tpu.enqueue_dma source(%dma_start3A_2805 : memref<8x56x64xf32, #tpu.memory_space<hbm>>) target(%arg7 : memref<8x56x64xf32, #tpu.memory_space<vmem>>) target_semaphore(%arg9 : memref<!tpu.dma_semaphore, #tpu.memory_space<semaphore_mem>>)
    %mul3A_2806 = arith.constant 8 : i32
    %mul3A_2807 = arith.muli %add3A, %mul3A_2806 : i32
    %add3A_2808 = arith.constant 5 : i32
    %add3A_2809 = arith.addi %mul3A_2807, %add3A_2808 : i32
    %shift_right_logical3A_2810 = arith.constant 5 : i32
    %shift_right_logical3A_2811 = arith.shrui %add3A_2809, %shift_right_logical3A_2810 : i32
    %and3A_2812 = arith.constant 31 : i32
    %and3A_2813 = arith.andi %add3A_2809, %and3A_2812 : i32
    %get3A_2814 = arith.index_cast %and3A_2813 : i32 to index
    %get3A_2815 = tpu.vector_load %arg5[%get3A_2814] {strides = array<i32>} : memref<48xi32, #tpu.memory_space<vmem>>, vector<16xi32>,
    %get3A_2816 = vector.shape_cast %get3A_2815 : vector<16xi32> to vector<16xi32>
    %slice3A_2817 = vector.extract_strided_slice %get3A_2816 {offsets = [0], sizes = [1], strides = [1]} : vector<16xi32> to vector<1xi32>
    %squeeze3A_2818 = vector.extract %slice3A_2817[0] : i32 from vector<1xi32>
    %mul3A_2819 = arith.constant 32 : i32
    %mul3A_2820 = arith.muli %shift_right_logical3A_2811, %mul3A_2819 : i32
    %add3A_2821 = arith.addi %mul3A_2820, %squeeze3A_2818 : i32
    %mul3A_2822 = arith.constant 56 : i32
    %mul3A_2823 = arith.muli %add3A_2821, %mul3A_2822 : i32
    %add3A_2824 = arith.constant 0 : i32
    %add3A_2825 = arith.addi %mul3A_2823, %add3A_2824 : i32
    %dma_wait3A_2826 = arith.constant 0 : i32
    %dma_wait3A_2827 = arith.constant 0 : i32
    %dma_wait3A_2828 = tpu.memref_slice %arg2[%add3A_2825, %dma_wait3A_2826, %dma_wait3A_2827] : memref<14336x56x64xf32, #tpu.memory_space<hbm>> -> memref<8x56x64xf32, #tpu.memory_space<hbm>>
    %dma_wait3A_2829 = arith.constant 0 : i32
    %dma_wait3A_2830 = arith.constant 0 : i32
    %dma_wait3A_2831 = tpu.memref_slice %arg2[%add3A_2825, %dma_wait3A_2829, %dma_wait3A_2830] : memref<14336x56x64xf32, #tpu.memory_space<hbm>> -> memref<8x56x64xf32, #tpu.memory_space<hbm>>
    tpu.wait_dma2 semaphore(%arg9 : memref<!tpu.dma_semaphore, #tpu.memory_space<semaphore_mem>>) src(%dma_wait3A_2831 : memref<8x56x64xf32, #tpu.memory_space<hbm>>) dst(%arg7 : memref<8x56x64xf32, #tpu.memory_space<vmem>>)
    %mul3A_2832 = arith.constant 8 : i32
    %mul3A_2833 = arith.muli %add3A, %mul3A_2832 : i32
    %add3A_2834 = arith.constant 5 : i32
    %add3A_2835 = arith.addi %mul3A_2833, %add3A_2834 : i32
    %mul3A_2836 = arith.constant 56 : i32
    %mul3A_2837 = arith.muli %add3A_2835, %mul3A_2836 : i32
    %add3A_2838 = arith.constant 0 : i32
    %add3A_2839 = arith.addi %mul3A_2837, %add3A_2838 : i32
    %dma_start3A_2840 = arith.constant 0 : i32
    %dma_start3A_2841 = arith.constant 0 : i32
    %dma_start3A_2842 = tpu.memref_slice %arg4[%add3A_2839, %dma_start3A_2840, %dma_start3A_2841] : memref<14336x56x64xf32, #tpu.memory_space<hbm>> -> memref<8x56x64xf32, #tpu.memory_space<hbm>>
    %dma_start3A_2843 = arith.constant 0 : i32
    %dma_start3A_2844 = arith.constant 0 : i32
    %dma_start3A_2845 = tpu.memref_slice %arg4[%add3A_2839, %dma_start3A_2843, %dma_start3A_2844] : memref<14336x56x64xf32, #tpu.memory_space<hbm>> -> memref<8x56x64xf32, #tpu.memory_space<hbm>>
    tpu.enqueue_dma source(%arg7 : memref<8x56x64xf32, #tpu.memory_space<vmem>>) target(%dma_start3A_2845 : memref<8x56x64xf32, #tpu.memory_space<hbm>>) target_semaphore(%arg11 : memref<!tpu.dma_semaphore, #tpu.memory_space<semaphore_mem>>)
    %mul3A_2846 = arith.constant 8 : i32
    %mul3A_2847 = arith.muli %add3A, %mul3A_2846 : i32
    %add3A_2848 = arith.constant 4 : i32
    %add3A_2849 = arith.addi %mul3A_2847, %add3A_2848 : i32
    %mul3A_2850 = arith.constant 56 : i32
    %mul3A_2851 = arith.muli %add3A_2849, %mul3A_2850 : i32
    %add3A_2852 = arith.constant 48 : i32
    %add3A_2853 = arith.addi %mul3A_2851, %add3A_2852 : i32
    %dma_wait3A_2854 = arith.constant 0 : i32
    %dma_wait3A_2855 = arith.constant 0 : i32
    %dma_wait3A_2856 = tpu.memref_slice %arg4[%add3A_2853, %dma_wait3A_2854, %dma_wait3A_2855] : memref<14336x56x64xf32, #tpu.memory_space<hbm>> -> memref<8x56x64xf32, #tpu.memory_space<hbm>>
    %dma_wait3A_2857 = arith.constant 0 : i32
    %dma_wait3A_2858 = arith.constant 0 : i32
    %dma_wait3A_2859 = tpu.memref_slice %arg4[%add3A_2853, %dma_wait3A_2857, %dma_wait3A_2858] : memref<14336x56x64xf32, #tpu.memory_space<hbm>> -> memref<8x56x64xf32, #tpu.memory_space<hbm>>
    tpu.wait_dma2 semaphore(%arg10 : memref<!tpu.dma_semaphore, #tpu.memory_space<semaphore_mem>>) src(%arg6 : memref<8x56x64xf32, #tpu.memory_space<vmem>>) dst(%dma_wait3A_2859 : memref<8x56x64xf32, #tpu.memory_space<hbm>>)
    %mul3A_2860 = arith.constant 8 : i32
    %mul3A_2861 = arith.muli %add3A, %mul3A_2860 : i32
    %add3A_2862 = arith.constant 5 : i32
    %add3A_2863 = arith.addi %mul3A_2861, %add3A_2862 : i32
    %shift_right_logical3A_2864 = arith.constant 5 : i32
    %shift_right_logical3A_2865 = arith.shrui %add3A_2863, %shift_right_logical3A_2864 : i32
    %and3A_2866 = arith.constant 31 : i32
    %and3A_2867 = arith.andi %add3A_2863, %and3A_2866 : i32
    %get3A_2868 = arith.index_cast %and3A_2867 : i32 to index
    %get3A_2869 = tpu.vector_load %arg5[%get3A_2868] {strides = array<i32>} : memref<48xi32, #tpu.memory_space<vmem>>, vector<16xi32>,
    %get3A_2870 = vector.shape_cast %get3A_2869 : vector<16xi32> to vector<16xi32>
    %slice3A_2871 = vector.extract_strided_slice %get3A_2870 {offsets = [0], sizes = [1], strides = [1]} : vector<16xi32> to vector<1xi32>
    %squeeze3A_2872 = vector.extract %slice3A_2871[0] : i32 from vector<1xi32>
    %mul3A_2873 = arith.constant 32 : i32
    %mul3A_2874 = arith.muli %shift_right_logical3A_2865, %mul3A_2873 : i32
    %add3A_2875 = arith.addi %mul3A_2874, %squeeze3A_2872 : i32
    %mul3A_2876 = arith.constant 56 : i32
    %mul3A_2877 = arith.muli %add3A_2875, %mul3A_2876 : i32
    %add3A_2878 = arith.constant 8 : i32
    %add3A_2879 = arith.addi %mul3A_2877, %add3A_2878 : i32
    %dma_start3A_2880 = arith.constant 0 : i32
    %dma_start3A_2881 = arith.constant 0 : i32
    %dma_start3A_2882 = tpu.memref_slice %arg2[%add3A_2879, %dma_start3A_2880, %dma_start3A_2881] : memref<14336x56x64xf32, #tpu.memory_space<hbm>> -> memref<8x56x64xf32, #tpu.memory_space<hbm>>
    %dma_start3A_2883 = arith.constant 0 : i32
    %dma_start3A_2884 = arith.constant 0 : i32
    %dma_start3A_2885 = tpu.memref_slice %arg2[%add3A_2879, %dma_start3A_2883, %dma_start3A_2884] : memref<14336x56x64xf32, #tpu.memory_space<hbm>> -> memref<8x56x64xf32, #tpu.memory_space<hbm>>
    tpu.enqueue_dma source(%dma_start3A_2885 : memref<8x56x64xf32, #tpu.memory_space<hbm>>) target(%arg6 : memref<8x56x64xf32, #tpu.memory_space<vmem>>) target_semaphore(%arg8 : memref<!tpu.dma_semaphore, #tpu.memory_space<semaphore_mem>>)
    %mul3A_2886 = arith.constant 8 : i32
    %mul3A_2887 = arith.muli %add3A, %mul3A_2886 : i32
    %add3A_2888 = arith.constant 5 : i32
    %add3A_2889 = arith.addi %mul3A_2887, %add3A_2888 : i32
    %shift_right_logical3A_2890 = arith.constant 5 : i32
    %shift_right_logical3A_2891 = arith.shrui %add3A_2889, %shift_right_logical3A_2890 : i32
    %and3A_2892 = arith.constant 31 : i32
    %and3A_2893 = arith.andi %add3A_2889, %and3A_2892 : i32
    %get3A_2894 = arith.index_cast %and3A_2893 : i32 to index
    %get3A_2895 = tpu.vector_load %arg5[%get3A_2894] {strides = array<i32>} : memref<48xi32, #tpu.memory_space<vmem>>, vector<16xi32>,
    %get3A_2896 = vector.shape_cast %get3A_2895 : vector<16xi32> to vector<16xi32>
    %slice3A_2897 = vector.extract_strided_slice %get3A_2896 {offsets = [0], sizes = [1], strides = [1]} : vector<16xi32> to vector<1xi32>
    %squeeze3A_2898 = vector.extract %slice3A_2897[0] : i32 from vector<1xi32>
    %mul3A_2899 = arith.constant 32 : i32
    %mul3A_2900 = arith.muli %shift_right_logical3A_2891, %mul3A_2899 : i32
    %add3A_2901 = arith.addi %mul3A_2900, %squeeze3A_2898 : i32
    %mul3A_2902 = arith.constant 56 : i32
    %mul3A_2903 = arith.muli %add3A_2901, %mul3A_2902 : i32
    %add3A_2904 = arith.constant 8 : i32
    %add3A_2905 = arith.addi %mul3A_2903, %add3A_2904 : i32
    %dma_wait3A_2906 = arith.constant 0 : i32
    %dma_wait3A_2907 = arith.constant 0 : i32
    %dma_wait3A_2908 = tpu.memref_slice %arg2[%add3A_2905, %dma_wait3A_2906, %dma_wait3A_2907] : memref<14336x56x64xf32, #tpu.memory_space<hbm>> -> memref<8x56x64xf32, #tpu.memory_space<hbm>>
    %dma_wait3A_2909 = arith.constant 0 : i32
    %dma_wait3A_2910 = arith.constant 0 : i32
    %dma_wait3A_2911 = tpu.memref_slice %arg2[%add3A_2905, %dma_wait3A_2909, %dma_wait3A_2910] : memref<14336x56x64xf32, #tpu.memory_space<hbm>> -> memref<8x56x64xf32, #tpu.memory_space<hbm>>
    tpu.wait_dma2 semaphore(%arg8 : memref<!tpu.dma_semaphore, #tpu.memory_space<semaphore_mem>>) src(%dma_wait3A_2911 : memref<8x56x64xf32, #tpu.memory_space<hbm>>) dst(%arg6 : memref<8x56x64xf32, #tpu.memory_space<vmem>>)
    %mul3A_2912 = arith.constant 8 : i32
    %mul3A_2913 = arith.muli %add3A, %mul3A_2912 : i32
    %add3A_2914 = arith.constant 5 : i32
    %add3A_2915 = arith.addi %mul3A_2913, %add3A_2914 : i32
    %mul3A_2916 = arith.constant 56 : i32
    %mul3A_2917 = arith.muli %add3A_2915, %mul3A_2916 : i32
    %add3A_2918 = arith.constant 8 : i32
    %add3A_2919 = arith.addi %mul3A_2917, %add3A_2918 : i32
    %dma_start3A_2920 = arith.constant 0 : i32
    %dma_start3A_2921 = arith.constant 0 : i32
    %dma_start3A_2922 = tpu.memref_slice %arg4[%add3A_2919, %dma_start3A_2920, %dma_start3A_2921] : memref<14336x56x64xf32, #tpu.memory_space<hbm>> -> memref<8x56x64xf32, #tpu.memory_space<hbm>>
    %dma_start3A_2923 = arith.constant 0 : i32
    %dma_start3A_2924 = arith.constant 0 : i32
    %dma_start3A_2925 = tpu.memref_slice %arg4[%add3A_2919, %dma_start3A_2923, %dma_start3A_2924] : memref<14336x56x64xf32, #tpu.memory_space<hbm>> -> memref<8x56x64xf32, #tpu.memory_space<hbm>>
    tpu.enqueue_dma source(%arg6 : memref<8x56x64xf32, #tpu.memory_space<vmem>>) target(%dma_start3A_2925 : memref<8x56x64xf32, #tpu.memory_space<hbm>>) target_semaphore(%arg10 : memref<!tpu.dma_semaphore, #tpu.memory_space<semaphore_mem>>)
    %mul3A_2926 = arith.constant 8 : i32
    %mul3A_2927 = arith.muli %add3A, %mul3A_2926 : i32
    %add3A_2928 = arith.constant 5 : i32
    %add3A_2929 = arith.addi %mul3A_2927, %add3A_2928 : i32
    %mul3A_2930 = arith.constant 56 : i32
    %mul3A_2931 = arith.muli %add3A_2929, %mul3A_2930 : i32
    %add3A_2932 = arith.constant 0 : i32
    %add3A_2933 = arith.addi %mul3A_2931, %add3A_2932 : i32
    %dma_wait3A_2934 = arith.constant 0 : i32
    %dma_wait3A_2935 = arith.constant 0 : i32
    %dma_wait3A_2936 = tpu.memref_slice %arg4[%add3A_2933, %dma_wait3A_2934, %dma_wait3A_2935] : memref<14336x56x64xf32, #tpu.memory_space<hbm>> -> memref<8x56x64xf32, #tpu.memory_space<hbm>>
    %dma_wait3A_2937 = arith.constant 0 : i32
    %dma_wait3A_2938 = arith.constant 0 : i32
    %dma_wait3A_2939 = tpu.memref_slice %arg4[%add3A_2933, %dma_wait3A_2937, %dma_wait3A_2938] : memref<14336x56x64xf32, #tpu.memory_space<hbm>> -> memref<8x56x64xf32, #tpu.memory_space<hbm>>
    tpu.wait_dma2 semaphore(%arg11 : memref<!tpu.dma_semaphore, #tpu.memory_space<semaphore_mem>>) src(%arg7 : memref<8x56x64xf32, #tpu.memory_space<vmem>>) dst(%dma_wait3A_2939 : memref<8x56x64xf32, #tpu.memory_space<hbm>>)
    %mul3A_2940 = arith.constant 8 : i32
    %mul3A_2941 = arith.muli %add3A, %mul3A_2940 : i32
    %add3A_2942 = arith.constant 5 : i32
    %add3A_2943 = arith.addi %mul3A_2941, %add3A_2942 : i32
    %shift_right_logical3A_2944 = arith.constant 5 : i32
    %shift_right_logical3A_2945 = arith.shrui %add3A_2943, %shift_right_logical3A_2944 : i32
    %and3A_2946 = arith.constant 31 : i32
    %and3A_2947 = arith.andi %add3A_2943, %and3A_2946 : i32
    %get3A_2948 = arith.index_cast %and3A_2947 : i32 to index
    %get3A_2949 = tpu.vector_load %arg5[%get3A_2948] {strides = array<i32>} : memref<48xi32, #tpu.memory_space<vmem>>, vector<16xi32>,
    %get3A_2950 = vector.shape_cast %get3A_2949 : vector<16xi32> to vector<16xi32>
    %slice3A_2951 = vector.extract_strided_slice %get3A_2950 {offsets = [0], sizes = [1], strides = [1]} : vector<16xi32> to vector<1xi32>
    %squeeze3A_2952 = vector.extract %slice3A_2951[0] : i32 from vector<1xi32>
    %mul3A_2953 = arith.constant 32 : i32
    %mul3A_2954 = arith.muli %shift_right_logical3A_2945, %mul3A_2953 : i32
    %add3A_2955 = arith.addi %mul3A_2954, %squeeze3A_2952 : i32
    %mul3A_2956 = arith.constant 56 : i32
    %mul3A_2957 = arith.muli %add3A_2955, %mul3A_2956 : i32
    %add3A_2958 = arith.constant 16 : i32
    %add3A_2959 = arith.addi %mul3A_2957, %add3A_2958 : i32
    %dma_start3A_2960 = arith.constant 0 : i32
    %dma_start3A_2961 = arith.constant 0 : i32
    %dma_start3A_2962 = tpu.memref_slice %arg2[%add3A_2959, %dma_start3A_2960, %dma_start3A_2961] : memref<14336x56x64xf32, #tpu.memory_space<hbm>> -> memref<8x56x64xf32, #tpu.memory_space<hbm>>
    %dma_start3A_2963 = arith.constant 0 : i32
    %dma_start3A_2964 = arith.constant 0 : i32
    %dma_start3A_2965 = tpu.memref_slice %arg2[%add3A_2959, %dma_start3A_2963, %dma_start3A_2964] : memref<14336x56x64xf32, #tpu.memory_space<hbm>> -> memref<8x56x64xf32, #tpu.memory_space<hbm>>
    tpu.enqueue_dma source(%dma_start3A_2965 : memref<8x56x64xf32, #tpu.memory_space<hbm>>) target(%arg7 : memref<8x56x64xf32, #tpu.memory_space<vmem>>) target_semaphore(%arg9 : memref<!tpu.dma_semaphore, #tpu.memory_space<semaphore_mem>>)
    %mul3A_2966 = arith.constant 8 : i32
    %mul3A_2967 = arith.muli %add3A, %mul3A_2966 : i32
    %add3A_2968 = arith.constant 5 : i32
    %add3A_2969 = arith.addi %mul3A_2967, %add3A_2968 : i32
    %shift_right_logical3A_2970 = arith.constant 5 : i32
    %shift_right_logical3A_2971 = arith.shrui %add3A_2969, %shift_right_logical3A_2970 : i32
    %and3A_2972 = arith.constant 31 : i32
    %and3A_2973 = arith.andi %add3A_2969, %and3A_2972 : i32
    %get3A_2974 = arith.index_cast %and3A_2973 : i32 to index
    %get3A_2975 = tpu.vector_load %arg5[%get3A_2974] {strides = array<i32>} : memref<48xi32, #tpu.memory_space<vmem>>, vector<16xi32>,
    %get3A_2976 = vector.shape_cast %get3A_2975 : vector<16xi32> to vector<16xi32>
    %slice3A_2977 = vector.extract_strided_slice %get3A_2976 {offsets = [0], sizes = [1], strides = [1]} : vector<16xi32> to vector<1xi32>
    %squeeze3A_2978 = vector.extract %slice3A_2977[0] : i32 from vector<1xi32>
    %mul3A_2979 = arith.constant 32 : i32
    %mul3A_2980 = arith.muli %shift_right_logical3A_2971, %mul3A_2979 : i32
    %add3A_2981 = arith.addi %mul3A_2980, %squeeze3A_2978 : i32
    %mul3A_2982 = arith.constant 56 : i32
    %mul3A_2983 = arith.muli %add3A_2981, %mul3A_2982 : i32
    %add3A_2984 = arith.constant 16 : i32
    %add3A_2985 = arith.addi %mul3A_2983, %add3A_2984 : i32
    %dma_wait3A_2986 = arith.constant 0 : i32
    %dma_wait3A_2987 = arith.constant 0 : i32
    %dma_wait3A_2988 = tpu.memref_slice %arg2[%add3A_2985, %dma_wait3A_2986, %dma_wait3A_2987] : memref<14336x56x64xf32, #tpu.memory_space<hbm>> -> memref<8x56x64xf32, #tpu.memory_space<hbm>>
    %dma_wait3A_2989 = arith.constant 0 : i32
    %dma_wait3A_2990 = arith.constant 0 : i32
    %dma_wait3A_2991 = tpu.memref_slice %arg2[%add3A_2985, %dma_wait3A_2989, %dma_wait3A_2990] : memref<14336x56x64xf32, #tpu.memory_space<hbm>> -> memref<8x56x64xf32, #tpu.memory_space<hbm>>
    tpu.wait_dma2 semaphore(%arg9 : memref<!tpu.dma_semaphore, #tpu.memory_space<semaphore_mem>>) src(%dma_wait3A_2991 : memref<8x56x64xf32, #tpu.memory_space<hbm>>) dst(%arg7 : memref<8x56x64xf32, #tpu.memory_space<vmem>>)
    %mul3A_2992 = arith.constant 8 : i32
    %mul3A_2993 = arith.muli %add3A, %mul3A_2992 : i32
    %add3A_2994 = arith.constant 5 : i32
    %add3A_2995 = arith.addi %mul3A_2993, %add3A_2994 : i32
    %mul3A_2996 = arith.constant 56 : i32
    %mul3A_2997 = arith.muli %add3A_2995, %mul3A_2996 : i32
    %add3A_2998 = arith.constant 16 : i32
    %add3A_2999 = arith.addi %mul3A_2997, %add3A_2998 : i32
    %dma_start3A_3000 = arith.constant 0 : i32
    %dma_start3A_3001 = arith.constant 0 : i32
    %dma_start3A_3002 = tpu.memref_slice %arg4[%add3A_2999, %dma_start3A_3000, %dma_start3A_3001] : memref<14336x56x64xf32, #tpu.memory_space<hbm>> -> memref<8x56x64xf32, #tpu.memory_space<hbm>>
    %dma_start3A_3003 = arith.constant 0 : i32
    %dma_start3A_3004 = arith.constant 0 : i32
    %dma_start3A_3005 = tpu.memref_slice %arg4[%add3A_2999, %dma_start3A_3003, %dma_start3A_3004] : memref<14336x56x64xf32, #tpu.memory_space<hbm>> -> memref<8x56x64xf32, #tpu.memory_space<hbm>>
    tpu.enqueue_dma source(%arg7 : memref<8x56x64xf32, #tpu.memory_space<vmem>>) target(%dma_start3A_3005 : memref<8x56x64xf32, #tpu.memory_space<hbm>>) target_semaphore(%arg11 : memref<!tpu.dma_semaphore, #tpu.memory_space<semaphore_mem>>)
    %mul3A_3006 = arith.constant 8 : i32
    %mul3A_3007 = arith.muli %add3A, %mul3A_3006 : i32
    %add3A_3008 = arith.constant 5 : i32
    %add3A_3009 = arith.addi %mul3A_3007, %add3A_3008 : i32
    %mul3A_3010 = arith.constant 56 : i32
    %mul3A_3011 = arith.muli %add3A_3009, %mul3A_3010 : i32
    %add3A_3012 = arith.constant 8 : i32
    %add3A_3013 = arith.addi %mul3A_3011, %add3A_3012 : i32
    %dma_wait3A_3014 = arith.constant 0 : i32
    %dma_wait3A_3015 = arith.constant 0 : i32
    %dma_wait3A_3016 = tpu.memref_slice %arg4[%add3A_3013, %dma_wait3A_3014, %dma_wait3A_3015] : memref<14336x56x64xf32, #tpu.memory_space<hbm>> -> memref<8x56x64xf32, #tpu.memory_space<hbm>>
    %dma_wait3A_3017 = arith.constant 0 : i32
    %dma_wait3A_3018 = arith.constant 0 : i32
    %dma_wait3A_3019 = tpu.memref_slice %arg4[%add3A_3013, %dma_wait3A_3017, %dma_wait3A_3018] : memref<14336x56x64xf32, #tpu.memory_space<hbm>> -> memref<8x56x64xf32, #tpu.memory_space<hbm>>
    tpu.wait_dma2 semaphore(%arg10 : memref<!tpu.dma_semaphore, #tpu.memory_space<semaphore_mem>>) src(%arg6 : memref<8x56x64xf32, #tpu.memory_space<vmem>>) dst(%dma_wait3A_3019 : memref<8x56x64xf32, #tpu.memory_space<hbm>>)
    %mul3A_3020 = arith.constant 8 : i32
    %mul3A_3021 = arith.muli %add3A, %mul3A_3020 : i32
    %add3A_3022 = arith.constant 5 : i32
    %add3A_3023 = arith.addi %mul3A_3021, %add3A_3022 : i32
    %shift_right_logical3A_3024 = arith.constant 5 : i32
    %shift_right_logical3A_3025 = arith.shrui %add3A_3023, %shift_right_logical3A_3024 : i32
    %and3A_3026 = arith.constant 31 : i32
    %and3A_3027 = arith.andi %add3A_3023, %and3A_3026 : i32
    %get3A_3028 = arith.index_cast %and3A_3027 : i32 to index
    %get3A_3029 = tpu.vector_load %arg5[%get3A_3028] {strides = array<i32>} : memref<48xi32, #tpu.memory_space<vmem>>, vector<16xi32>,
    %get3A_3030 = vector.shape_cast %get3A_3029 : vector<16xi32> to vector<16xi32>
    %slice3A_3031 = vector.extract_strided_slice %get3A_3030 {offsets = [0], sizes = [1], strides = [1]} : vector<16xi32> to vector<1xi32>
    %squeeze3A_3032 = vector.extract %slice3A_3031[0] : i32 from vector<1xi32>
    %mul3A_3033 = arith.constant 32 : i32
    %mul3A_3034 = arith.muli %shift_right_logical3A_3025, %mul3A_3033 : i32
    %add3A_3035 = arith.addi %mul3A_3034, %squeeze3A_3032 : i32
    %mul3A_3036 = arith.constant 56 : i32
    %mul3A_3037 = arith.muli %add3A_3035, %mul3A_3036 : i32
    %add3A_3038 = arith.constant 24 : i32
    %add3A_3039 = arith.addi %mul3A_3037, %add3A_3038 : i32
    %dma_start3A_3040 = arith.constant 0 : i32
    %dma_start3A_3041 = arith.constant 0 : i32
    %dma_start3A_3042 = tpu.memref_slice %arg2[%add3A_3039, %dma_start3A_3040, %dma_start3A_3041] : memref<14336x56x64xf32, #tpu.memory_space<hbm>> -> memref<8x56x64xf32, #tpu.memory_space<hbm>>
    %dma_start3A_3043 = arith.constant 0 : i32
    %dma_start3A_3044 = arith.constant 0 : i32
    %dma_start3A_3045 = tpu.memref_slice %arg2[%add3A_3039, %dma_start3A_3043, %dma_start3A_3044] : memref<14336x56x64xf32, #tpu.memory_space<hbm>> -> memref<8x56x64xf32, #tpu.memory_space<hbm>>
    tpu.enqueue_dma source(%dma_start3A_3045 : memref<8x56x64xf32, #tpu.memory_space<hbm>>) target(%arg6 : memref<8x56x64xf32, #tpu.memory_space<vmem>>) target_semaphore(%arg8 : memref<!tpu.dma_semaphore, #tpu.memory_space<semaphore_mem>>)
    %mul3A_3046 = arith.constant 8 : i32
    %mul3A_3047 = arith.muli %add3A, %mul3A_3046 : i32
    %add3A_3048 = arith.constant 5 : i32
    %add3A_3049 = arith.addi %mul3A_3047, %add3A_3048 : i32
    %shift_right_logical3A_3050 = arith.constant 5 : i32
    %shift_right_logical3A_3051 = arith.shrui %add3A_3049, %shift_right_logical3A_3050 : i32
    %and3A_3052 = arith.constant 31 : i32
    %and3A_3053 = arith.andi %add3A_3049, %and3A_3052 : i32
    %get3A_3054 = arith.index_cast %and3A_3053 : i32 to index
    %get3A_3055 = tpu.vector_load %arg5[%get3A_3054] {strides = array<i32>} : memref<48xi32, #tpu.memory_space<vmem>>, vector<16xi32>,
    %get3A_3056 = vector.shape_cast %get3A_3055 : vector<16xi32> to vector<16xi32>
    %slice3A_3057 = vector.extract_strided_slice %get3A_3056 {offsets = [0], sizes = [1], strides = [1]} : vector<16xi32> to vector<1xi32>
    %squeeze3A_3058 = vector.extract %slice3A_3057[0] : i32 from vector<1xi32>
    %mul3A_3059 = arith.constant 32 : i32
    %mul3A_3060 = arith.muli %shift_right_logical3A_3051, %mul3A_3059 : i32
    %add3A_3061 = arith.addi %mul3A_3060, %squeeze3A_3058 : i32
    %mul3A_3062 = arith.constant 56 : i32
    %mul3A_3063 = arith.muli %add3A_3061, %mul3A_3062 : i32
    %add3A_3064 = arith.constant 24 : i32
    %add3A_3065 = arith.addi %mul3A_3063, %add3A_3064 : i32
    %dma_wait3A_3066 = arith.constant 0 : i32
    %dma_wait3A_3067 = arith.constant 0 : i32
    %dma_wait3A_3068 = tpu.memref_slice %arg2[%add3A_3065, %dma_wait3A_3066, %dma_wait3A_3067] : memref<14336x56x64xf32, #tpu.memory_space<hbm>> -> memref<8x56x64xf32, #tpu.memory_space<hbm>>
    %dma_wait3A_3069 = arith.constant 0 : i32
    %dma_wait3A_3070 = arith.constant 0 : i32
    %dma_wait3A_3071 = tpu.memref_slice %arg2[%add3A_3065, %dma_wait3A_3069, %dma_wait3A_3070] : memref<14336x56x64xf32, #tpu.memory_space<hbm>> -> memref<8x56x64xf32, #tpu.memory_space<hbm>>
    tpu.wait_dma2 semaphore(%arg8 : memref<!tpu.dma_semaphore, #tpu.memory_space<semaphore_mem>>) src(%dma_wait3A_3071 : memref<8x56x64xf32, #tpu.memory_space<hbm>>) dst(%arg6 : memref<8x56x64xf32, #tpu.memory_space<vmem>>)
    %mul3A_3072 = arith.constant 8 : i32
    %mul3A_3073 = arith.muli %add3A, %mul3A_3072 : i32
    %add3A_3074 = arith.constant 5 : i32
    %add3A_3075 = arith.addi %mul3A_3073, %add3A_3074 : i32
    %mul3A_3076 = arith.constant 56 : i32
    %mul3A_3077 = arith.muli %add3A_3075, %mul3A_3076 : i32
    %add3A_3078 = arith.constant 24 : i32
    %add3A_3079 = arith.addi %mul3A_3077, %add3A_3078 : i32
    %dma_start3A_3080 = arith.constant 0 : i32
    %dma_start3A_3081 = arith.constant 0 : i32
    %dma_start3A_3082 = tpu.memref_slice %arg4[%add3A_3079, %dma_start3A_3080, %dma_start3A_3081] : memref<14336x56x64xf32, #tpu.memory_space<hbm>> -> memref<8x56x64xf32, #tpu.memory_space<hbm>>
    %dma_start3A_3083 = arith.constant 0 : i32
    %dma_start3A_3084 = arith.constant 0 : i32
    %dma_start3A_3085 = tpu.memref_slice %arg4[%add3A_3079, %dma_start3A_3083, %dma_start3A_3084] : memref<14336x56x64xf32, #tpu.memory_space<hbm>> -> memref<8x56x64xf32, #tpu.memory_space<hbm>>
    tpu.enqueue_dma source(%arg6 : memref<8x56x64xf32, #tpu.memory_space<vmem>>) target(%dma_start3A_3085 : memref<8x56x64xf32, #tpu.memory_space<hbm>>) target_semaphore(%arg10 : memref<!tpu.dma_semaphore, #tpu.memory_space<semaphore_mem>>)
    %mul3A_3086 = arith.constant 8 : i32
    %mul3A_3087 = arith.muli %add3A, %mul3A_3086 : i32
    %add3A_3088 = arith.constant 5 : i32
    %add3A_3089 = arith.addi %mul3A_3087, %add3A_3088 : i32
    %mul3A_3090 = arith.constant 56 : i32
    %mul3A_3091 = arith.muli %add3A_3089, %mul3A_3090 : i32
    %add3A_3092 = arith.constant 16 : i32
    %add3A_3093 = arith.addi %mul3A_3091, %add3A_3092 : i32
    %dma_wait3A_3094 = arith.constant 0 : i32
    %dma_wait3A_3095 = arith.constant 0 : i32
    %dma_wait3A_3096 = tpu.memref_slice %arg4[%add3A_3093, %dma_wait3A_3094, %dma_wait3A_3095] : memref<14336x56x64xf32, #tpu.memory_space<hbm>> -> memref<8x56x64xf32, #tpu.memory_space<hbm>>
    %dma_wait3A_3097 = arith.constant 0 : i32
    %dma_wait3A_3098 = arith.constant 0 : i32
    %dma_wait3A_3099 = tpu.memref_slice %arg4[%add3A_3093, %dma_wait3A_3097, %dma_wait3A_3098] : memref<14336x56x64xf32, #tpu.memory_space<hbm>> -> memref<8x56x64xf32, #tpu.memory_space<hbm>>
    tpu.wait_dma2 semaphore(%arg11 : memref<!tpu.dma_semaphore, #tpu.memory_space<semaphore_mem>>) src(%arg7 : memref<8x56x64xf32, #tpu.memory_space<vmem>>) dst(%dma_wait3A_3099 : memref<8x56x64xf32, #tpu.memory_space<hbm>>)
    %mul3A_3100 = arith.constant 8 : i32
    %mul3A_3101 = arith.muli %add3A, %mul3A_3100 : i32
    %add3A_3102 = arith.constant 5 : i32
    %add3A_3103 = arith.addi %mul3A_3101, %add3A_3102 : i32
    %shift_right_logical3A_3104 = arith.constant 5 : i32
    %shift_right_logical3A_3105 = arith.shrui %add3A_3103, %shift_right_logical3A_3104 : i32
    %and3A_3106 = arith.constant 31 : i32
    %and3A_3107 = arith.andi %add3A_3103, %and3A_3106 : i32
    %get3A_3108 = arith.index_cast %and3A_3107 : i32 to index
    %get3A_3109 = tpu.vector_load %arg5[%get3A_3108] {strides = array<i32>} : memref<48xi32, #tpu.memory_space<vmem>>, vector<16xi32>,
    %get3A_3110 = vector.shape_cast %get3A_3109 : vector<16xi32> to vector<16xi32>
    %slice3A_3111 = vector.extract_strided_slice %get3A_3110 {offsets = [0], sizes = [1], strides = [1]} : vector<16xi32> to vector<1xi32>
    %squeeze3A_3112 = vector.extract %slice3A_3111[0] : i32 from vector<1xi32>
    %mul3A_3113 = arith.constant 32 : i32
    %mul3A_3114 = arith.muli %shift_right_logical3A_3105, %mul3A_3113 : i32
    %add3A_3115 = arith.addi %mul3A_3114, %squeeze3A_3112 : i32
    %mul3A_3116 = arith.constant 56 : i32
    %mul3A_3117 = arith.muli %add3A_3115, %mul3A_3116 : i32
    %add3A_3118 = arith.constant 32 : i32
    %add3A_3119 = arith.addi %mul3A_3117, %add3A_3118 : i32
    %dma_start3A_3120 = arith.constant 0 : i32
    %dma_start3A_3121 = arith.constant 0 : i32
    %dma_start3A_3122 = tpu.memref_slice %arg2[%add3A_3119, %dma_start3A_3120, %dma_start3A_3121] : memref<14336x56x64xf32, #tpu.memory_space<hbm>> -> memref<8x56x64xf32, #tpu.memory_space<hbm>>
    %dma_start3A_3123 = arith.constant 0 : i32
    %dma_start3A_3124 = arith.constant 0 : i32
    %dma_start3A_3125 = tpu.memref_slice %arg2[%add3A_3119, %dma_start3A_3123, %dma_start3A_3124] : memref<14336x56x64xf32, #tpu.memory_space<hbm>> -> memref<8x56x64xf32, #tpu.memory_space<hbm>>
    tpu.enqueue_dma source(%dma_start3A_3125 : memref<8x56x64xf32, #tpu.memory_space<hbm>>) target(%arg7 : memref<8x56x64xf32, #tpu.memory_space<vmem>>) target_semaphore(%arg9 : memref<!tpu.dma_semaphore, #tpu.memory_space<semaphore_mem>>)
    %mul3A_3126 = arith.constant 8 : i32
    %mul3A_3127 = arith.muli %add3A, %mul3A_3126 : i32
    %add3A_3128 = arith.constant 5 : i32
    %add3A_3129 = arith.addi %mul3A_3127, %add3A_3128 : i32
    %shift_right_logical3A_3130 = arith.constant 5 : i32
    %shift_right_logical3A_3131 = arith.shrui %add3A_3129, %shift_right_logical3A_3130 : i32
    %and3A_3132 = arith.constant 31 : i32
    %and3A_3133 = arith.andi %add3A_3129, %and3A_3132 : i32
    %get3A_3134 = arith.index_cast %and3A_3133 : i32 to index
    %get3A_3135 = tpu.vector_load %arg5[%get3A_3134] {strides = array<i32>} : memref<48xi32, #tpu.memory_space<vmem>>, vector<16xi32>,
    %get3A_3136 = vector.shape_cast %get3A_3135 : vector<16xi32> to vector<16xi32>
    %slice3A_3137 = vector.extract_strided_slice %get3A_3136 {offsets = [0], sizes = [1], strides = [1]} : vector<16xi32> to vector<1xi32>
    %squeeze3A_3138 = vector.extract %slice3A_3137[0] : i32 from vector<1xi32>
    %mul3A_3139 = arith.constant 32 : i32
    %mul3A_3140 = arith.muli %shift_right_logical3A_3131, %mul3A_3139 : i32
    %add3A_3141 = arith.addi %mul3A_3140, %squeeze3A_3138 : i32
    %mul3A_3142 = arith.constant 56 : i32
    %mul3A_3143 = arith.muli %add3A_3141, %mul3A_3142 : i32
    %add3A_3144 = arith.constant 32 : i32
    %add3A_3145 = arith.addi %mul3A_3143, %add3A_3144 : i32
    %dma_wait3A_3146 = arith.constant 0 : i32
    %dma_wait3A_3147 = arith.constant 0 : i32
    %dma_wait3A_3148 = tpu.memref_slice %arg2[%add3A_3145, %dma_wait3A_3146, %dma_wait3A_3147] : memref<14336x56x64xf32, #tpu.memory_space<hbm>> -> memref<8x56x64xf32, #tpu.memory_space<hbm>>
    %dma_wait3A_3149 = arith.constant 0 : i32
    %dma_wait3A_3150 = arith.constant 0 : i32
    %dma_wait3A_3151 = tpu.memref_slice %arg2[%add3A_3145, %dma_wait3A_3149, %dma_wait3A_3150] : memref<14336x56x64xf32, #tpu.memory_space<hbm>> -> memref<8x56x64xf32, #tpu.memory_space<hbm>>
    tpu.wait_dma2 semaphore(%arg9 : memref<!tpu.dma_semaphore, #tpu.memory_space<semaphore_mem>>) src(%dma_wait3A_3151 : memref<8x56x64xf32, #tpu.memory_space<hbm>>) dst(%arg7 : memref<8x56x64xf32, #tpu.memory_space<vmem>>)
    %mul3A_3152 = arith.constant 8 : i32
    %mul3A_3153 = arith.muli %add3A, %mul3A_3152 : i32
    %add3A_3154 = arith.constant 5 : i32
    %add3A_3155 = arith.addi %mul3A_3153, %add3A_3154 : i32
    %mul3A_3156 = arith.constant 56 : i32
    %mul3A_3157 = arith.muli %add3A_3155, %mul3A_3156 : i32
    %add3A_3158 = arith.constant 32 : i32
    %add3A_3159 = arith.addi %mul3A_3157, %add3A_3158 : i32
    %dma_start3A_3160 = arith.constant 0 : i32
    %dma_start3A_3161 = arith.constant 0 : i32
    %dma_start3A_3162 = tpu.memref_slice %arg4[%add3A_3159, %dma_start3A_3160, %dma_start3A_3161] : memref<14336x56x64xf32, #tpu.memory_space<hbm>> -> memref<8x56x64xf32, #tpu.memory_space<hbm>>
    %dma_start3A_3163 = arith.constant 0 : i32
    %dma_start3A_3164 = arith.constant 0 : i32
    %dma_start3A_3165 = tpu.memref_slice %arg4[%add3A_3159, %dma_start3A_3163, %dma_start3A_3164] : memref<14336x56x64xf32, #tpu.memory_space<hbm>> -> memref<8x56x64xf32, #tpu.memory_space<hbm>>
    tpu.enqueue_dma source(%arg7 : memref<8x56x64xf32, #tpu.memory_space<vmem>>) target(%dma_start3A_3165 : memref<8x56x64xf32, #tpu.memory_space<hbm>>) target_semaphore(%arg11 : memref<!tpu.dma_semaphore, #tpu.memory_space<semaphore_mem>>)
    %mul3A_3166 = arith.constant 8 : i32
    %mul3A_3167 = arith.muli %add3A, %mul3A_3166 : i32
    %add3A_3168 = arith.constant 5 : i32
    %add3A_3169 = arith.addi %mul3A_3167, %add3A_3168 : i32
    %mul3A_3170 = arith.constant 56 : i32
    %mul3A_3171 = arith.muli %add3A_3169, %mul3A_3170 : i32
    %add3A_3172 = arith.constant 24 : i32
    %add3A_3173 = arith.addi %mul3A_3171, %add3A_3172 : i32
    %dma_wait3A_3174 = arith.constant 0 : i32
    %dma_wait3A_3175 = arith.constant 0 : i32
    %dma_wait3A_3176 = tpu.memref_slice %arg4[%add3A_3173, %dma_wait3A_3174, %dma_wait3A_3175] : memref<14336x56x64xf32, #tpu.memory_space<hbm>> -> memref<8x56x64xf32, #tpu.memory_space<hbm>>
    %dma_wait3A_3177 = arith.constant 0 : i32
    %dma_wait3A_3178 = arith.constant 0 : i32
    %dma_wait3A_3179 = tpu.memref_slice %arg4[%add3A_3173, %dma_wait3A_3177, %dma_wait3A_3178] : memref<14336x56x64xf32, #tpu.memory_space<hbm>> -> memref<8x56x64xf32, #tpu.memory_space<hbm>>
    tpu.wait_dma2 semaphore(%arg10 : memref<!tpu.dma_semaphore, #tpu.memory_space<semaphore_mem>>) src(%arg6 : memref<8x56x64xf32, #tpu.memory_space<vmem>>) dst(%dma_wait3A_3179 : memref<8x56x64xf32, #tpu.memory_space<hbm>>)
    %mul3A_3180 = arith.constant 8 : i32
    %mul3A_3181 = arith.muli %add3A, %mul3A_3180 : i32
    %add3A_3182 = arith.constant 5 : i32
    %add3A_3183 = arith.addi %mul3A_3181, %add3A_3182 : i32
    %shift_right_logical3A_3184 = arith.constant 5 : i32
    %shift_right_logical3A_3185 = arith.shrui %add3A_3183, %shift_right_logical3A_3184 : i32
    %and3A_3186 = arith.constant 31 : i32
    %and3A_3187 = arith.andi %add3A_3183, %and3A_3186 : i32
    %get3A_3188 = arith.index_cast %and3A_3187 : i32 to index
    %get3A_3189 = tpu.vector_load %arg5[%get3A_3188] {strides = array<i32>} : memref<48xi32, #tpu.memory_space<vmem>>, vector<16xi32>,
    %get3A_3190 = vector.shape_cast %get3A_3189 : vector<16xi32> to vector<16xi32>
    %slice3A_3191 = vector.extract_strided_slice %get3A_3190 {offsets = [0], sizes = [1], strides = [1]} : vector<16xi32> to vector<1xi32>
    %squeeze3A_3192 = vector.extract %slice3A_3191[0] : i32 from vector<1xi32>
    %mul3A_3193 = arith.constant 32 : i32
    %mul3A_3194 = arith.muli %shift_right_logical3A_3185, %mul3A_3193 : i32
    %add3A_3195 = arith.addi %mul3A_3194, %squeeze3A_3192 : i32
    %mul3A_3196 = arith.constant 56 : i32
    %mul3A_3197 = arith.muli %add3A_3195, %mul3A_3196 : i32
    %add3A_3198 = arith.constant 40 : i32
    %add3A_3199 = arith.addi %mul3A_3197, %add3A_3198 : i32
    %dma_start3A_3200 = arith.constant 0 : i32
    %dma_start3A_3201 = arith.constant 0 : i32
    %dma_start3A_3202 = tpu.memref_slice %arg2[%add3A_3199, %dma_start3A_3200, %dma_start3A_3201] : memref<14336x56x64xf32, #tpu.memory_space<hbm>> -> memref<8x56x64xf32, #tpu.memory_space<hbm>>
    %dma_start3A_3203 = arith.constant 0 : i32
    %dma_start3A_3204 = arith.constant 0 : i32
    %dma_start3A_3205 = tpu.memref_slice %arg2[%add3A_3199, %dma_start3A_3203, %dma_start3A_3204] : memref<14336x56x64xf32, #tpu.memory_space<hbm>> -> memref<8x56x64xf32, #tpu.memory_space<hbm>>
    tpu.enqueue_dma source(%dma_start3A_3205 : memref<8x56x64xf32, #tpu.memory_space<hbm>>) target(%arg6 : memref<8x56x64xf32, #tpu.memory_space<vmem>>) target_semaphore(%arg8 : memref<!tpu.dma_semaphore, #tpu.memory_space<semaphore_mem>>)
    %mul3A_3206 = arith.constant 8 : i32
    %mul3A_3207 = arith.muli %add3A, %mul3A_3206 : i32
    %add3A_3208 = arith.constant 5 : i32
    %add3A_3209 = arith.addi %mul3A_3207, %add3A_3208 : i32
    %shift_right_logical3A_3210 = arith.constant 5 : i32
    %shift_right_logical3A_3211 = arith.shrui %add3A_3209, %shift_right_logical3A_3210 : i32
    %and3A_3212 = arith.constant 31 : i32
    %and3A_3213 = arith.andi %add3A_3209, %and3A_3212 : i32
    %get3A_3214 = arith.index_cast %and3A_3213 : i32 to index
    %get3A_3215 = tpu.vector_load %arg5[%get3A_3214] {strides = array<i32>} : memref<48xi32, #tpu.memory_space<vmem>>, vector<16xi32>,
    %get3A_3216 = vector.shape_cast %get3A_3215 : vector<16xi32> to vector<16xi32>
    %slice3A_3217 = vector.extract_strided_slice %get3A_3216 {offsets = [0], sizes = [1], strides = [1]} : vector<16xi32> to vector<1xi32>
    %squeeze3A_3218 = vector.extract %slice3A_3217[0] : i32 from vector<1xi32>
    %mul3A_3219 = arith.constant 32 : i32
    %mul3A_3220 = arith.muli %shift_right_logical3A_3211, %mul3A_3219 : i32
    %add3A_3221 = arith.addi %mul3A_3220, %squeeze3A_3218 : i32
    %mul3A_3222 = arith.constant 56 : i32
    %mul3A_3223 = arith.muli %add3A_3221, %mul3A_3222 : i32
    %add3A_3224 = arith.constant 40 : i32
    %add3A_3225 = arith.addi %mul3A_3223, %add3A_3224 : i32
    %dma_wait3A_3226 = arith.constant 0 : i32
    %dma_wait3A_3227 = arith.constant 0 : i32
    %dma_wait3A_3228 = tpu.memref_slice %arg2[%add3A_3225, %dma_wait3A_3226, %dma_wait3A_3227] : memref<14336x56x64xf32, #tpu.memory_space<hbm>> -> memref<8x56x64xf32, #tpu.memory_space<hbm>>
    %dma_wait3A_3229 = arith.constant 0 : i32
    %dma_wait3A_3230 = arith.constant 0 : i32
    %dma_wait3A_3231 = tpu.memref_slice %arg2[%add3A_3225, %dma_wait3A_3229, %dma_wait3A_3230] : memref<14336x56x64xf32, #tpu.memory_space<hbm>> -> memref<8x56x64xf32, #tpu.memory_space<hbm>>
    tpu.wait_dma2 semaphore(%arg8 : memref<!tpu.dma_semaphore, #tpu.memory_space<semaphore_mem>>) src(%dma_wait3A_3231 : memref<8x56x64xf32, #tpu.memory_space<hbm>>) dst(%arg6 : memref<8x56x64xf32, #tpu.memory_space<vmem>>)
    %mul3A_3232 = arith.constant 8 : i32
    %mul3A_3233 = arith.muli %add3A, %mul3A_3232 : i32
    %add3A_3234 = arith.constant 5 : i32
    %add3A_3235 = arith.addi %mul3A_3233, %add3A_3234 : i32
    %mul3A_3236 = arith.constant 56 : i32
    %mul3A_3237 = arith.muli %add3A_3235, %mul3A_3236 : i32
    %add3A_3238 = arith.constant 40 : i32
    %add3A_3239 = arith.addi %mul3A_3237, %add3A_3238 : i32
    %dma_start3A_3240 = arith.constant 0 : i32
    %dma_start3A_3241 = arith.constant 0 : i32
    %dma_start3A_3242 = tpu.memref_slice %arg4[%add3A_3239, %dma_start3A_3240, %dma_start3A_3241] : memref<14336x56x64xf32, #tpu.memory_space<hbm>> -> memref<8x56x64xf32, #tpu.memory_space<hbm>>
    %dma_start3A_3243 = arith.constant 0 : i32
    %dma_start3A_3244 = arith.constant 0 : i32
    %dma_start3A_3245 = tpu.memref_slice %arg4[%add3A_3239, %dma_start3A_3243, %dma_start3A_3244] : memref<14336x56x64xf32, #tpu.memory_space<hbm>> -> memref<8x56x64xf32, #tpu.memory_space<hbm>>
    tpu.enqueue_dma source(%arg6 : memref<8x56x64xf32, #tpu.memory_space<vmem>>) target(%dma_start3A_3245 : memref<8x56x64xf32, #tpu.memory_space<hbm>>) target_semaphore(%arg10 : memref<!tpu.dma_semaphore, #tpu.memory_space<semaphore_mem>>)
    %mul3A_3246 = arith.constant 8 : i32
    %mul3A_3247 = arith.muli %add3A, %mul3A_3246 : i32
    %add3A_3248 = arith.constant 5 : i32
    %add3A_3249 = arith.addi %mul3A_3247, %add3A_3248 : i32
    %mul3A_3250 = arith.constant 56 : i32
    %mul3A_3251 = arith.muli %add3A_3249, %mul3A_3250 : i32
    %add3A_3252 = arith.constant 32 : i32
    %add3A_3253 = arith.addi %mul3A_3251, %add3A_3252 : i32
    %dma_wait3A_3254 = arith.constant 0 : i32
    %dma_wait3A_3255 = arith.constant 0 : i32
    %dma_wait3A_3256 = tpu.memref_slice %arg4[%add3A_3253, %dma_wait3A_3254, %dma_wait3A_3255] : memref<14336x56x64xf32, #tpu.memory_space<hbm>> -> memref<8x56x64xf32, #tpu.memory_space<hbm>>
    %dma_wait3A_3257 = arith.constant 0 : i32
    %dma_wait3A_3258 = arith.constant 0 : i32
    %dma_wait3A_3259 = tpu.memref_slice %arg4[%add3A_3253, %dma_wait3A_3257, %dma_wait3A_3258] : memref<14336x56x64xf32, #tpu.memory_space<hbm>> -> memref<8x56x64xf32, #tpu.memory_space<hbm>>
    tpu.wait_dma2 semaphore(%arg11 : memref<!tpu.dma_semaphore, #tpu.memory_space<semaphore_mem>>) src(%arg7 : memref<8x56x64xf32, #tpu.memory_space<vmem>>) dst(%dma_wait3A_3259 : memref<8x56x64xf32, #tpu.memory_space<hbm>>)
    %mul3A_3260 = arith.constant 8 : i32
    %mul3A_3261 = arith.muli %add3A, %mul3A_3260 : i32
    %add3A_3262 = arith.constant 5 : i32
    %add3A_3263 = arith.addi %mul3A_3261, %add3A_3262 : i32
    %shift_right_logical3A_3264 = arith.constant 5 : i32
    %shift_right_logical3A_3265 = arith.shrui %add3A_3263, %shift_right_logical3A_3264 : i32
    %and3A_3266 = arith.constant 31 : i32
    %and3A_3267 = arith.andi %add3A_3263, %and3A_3266 : i32
    %get3A_3268 = arith.index_cast %and3A_3267 : i32 to index
    %get3A_3269 = tpu.vector_load %arg5[%get3A_3268] {strides = array<i32>} : memref<48xi32, #tpu.memory_space<vmem>>, vector<16xi32>,
    %get3A_3270 = vector.shape_cast %get3A_3269 : vector<16xi32> to vector<16xi32>
    %slice3A_3271 = vector.extract_strided_slice %get3A_3270 {offsets = [0], sizes = [1], strides = [1]} : vector<16xi32> to vector<1xi32>
    %squeeze3A_3272 = vector.extract %slice3A_3271[0] : i32 from vector<1xi32>
    %mul3A_3273 = arith.constant 32 : i32
    %mul3A_3274 = arith.muli %shift_right_logical3A_3265, %mul3A_3273 : i32
    %add3A_3275 = arith.addi %mul3A_3274, %squeeze3A_3272 : i32
    %mul3A_3276 = arith.constant 56 : i32
    %mul3A_3277 = arith.muli %add3A_3275, %mul3A_3276 : i32
    %add3A_3278 = arith.constant 48 : i32
    %add3A_3279 = arith.addi %mul3A_3277, %add3A_3278 : i32
    %dma_start3A_3280 = arith.constant 0 : i32
    %dma_start3A_3281 = arith.constant 0 : i32
    %dma_start3A_3282 = tpu.memref_slice %arg2[%add3A_3279, %dma_start3A_3280, %dma_start3A_3281] : memref<14336x56x64xf32, #tpu.memory_space<hbm>> -> memref<8x56x64xf32, #tpu.memory_space<hbm>>
    %dma_start3A_3283 = arith.constant 0 : i32
    %dma_start3A_3284 = arith.constant 0 : i32
    %dma_start3A_3285 = tpu.memref_slice %arg2[%add3A_3279, %dma_start3A_3283, %dma_start3A_3284] : memref<14336x56x64xf32, #tpu.memory_space<hbm>> -> memref<8x56x64xf32, #tpu.memory_space<hbm>>
    tpu.enqueue_dma source(%dma_start3A_3285 : memref<8x56x64xf32, #tpu.memory_space<hbm>>) target(%arg7 : memref<8x56x64xf32, #tpu.memory_space<vmem>>) target_semaphore(%arg9 : memref<!tpu.dma_semaphore, #tpu.memory_space<semaphore_mem>>)
    %mul3A_3286 = arith.constant 8 : i32
    %mul3A_3287 = arith.muli %add3A, %mul3A_3286 : i32
    %add3A_3288 = arith.constant 5 : i32
    %add3A_3289 = arith.addi %mul3A_3287, %add3A_3288 : i32
    %shift_right_logical3A_3290 = arith.constant 5 : i32
    %shift_right_logical3A_3291 = arith.shrui %add3A_3289, %shift_right_logical3A_3290 : i32
    %and3A_3292 = arith.constant 31 : i32
    %and3A_3293 = arith.andi %add3A_3289, %and3A_3292 : i32
    %get3A_3294 = arith.index_cast %and3A_3293 : i32 to index
    %get3A_3295 = tpu.vector_load %arg5[%get3A_3294] {strides = array<i32>} : memref<48xi32, #tpu.memory_space<vmem>>, vector<16xi32>,
    %get3A_3296 = vector.shape_cast %get3A_3295 : vector<16xi32> to vector<16xi32>
    %slice3A_3297 = vector.extract_strided_slice %get3A_3296 {offsets = [0], sizes = [1], strides = [1]} : vector<16xi32> to vector<1xi32>
    %squeeze3A_3298 = vector.extract %slice3A_3297[0] : i32 from vector<1xi32>
    %mul3A_3299 = arith.constant 32 : i32
    %mul3A_3300 = arith.muli %shift_right_logical3A_3291, %mul3A_3299 : i32
    %add3A_3301 = arith.addi %mul3A_3300, %squeeze3A_3298 : i32
    %mul3A_3302 = arith.constant 56 : i32
    %mul3A_3303 = arith.muli %add3A_3301, %mul3A_3302 : i32
    %add3A_3304 = arith.constant 48 : i32
    %add3A_3305 = arith.addi %mul3A_3303, %add3A_3304 : i32
    %dma_wait3A_3306 = arith.constant 0 : i32
    %dma_wait3A_3307 = arith.constant 0 : i32
    %dma_wait3A_3308 = tpu.memref_slice %arg2[%add3A_3305, %dma_wait3A_3306, %dma_wait3A_3307] : memref<14336x56x64xf32, #tpu.memory_space<hbm>> -> memref<8x56x64xf32, #tpu.memory_space<hbm>>
    %dma_wait3A_3309 = arith.constant 0 : i32
    %dma_wait3A_3310 = arith.constant 0 : i32
    %dma_wait3A_3311 = tpu.memref_slice %arg2[%add3A_3305, %dma_wait3A_3309, %dma_wait3A_3310] : memref<14336x56x64xf32, #tpu.memory_space<hbm>> -> memref<8x56x64xf32, #tpu.memory_space<hbm>>
    tpu.wait_dma2 semaphore(%arg9 : memref<!tpu.dma_semaphore, #tpu.memory_space<semaphore_mem>>) src(%dma_wait3A_3311 : memref<8x56x64xf32, #tpu.memory_space<hbm>>) dst(%arg7 : memref<8x56x64xf32, #tpu.memory_space<vmem>>)
    %mul3A_3312 = arith.constant 8 : i32
    %mul3A_3313 = arith.muli %add3A, %mul3A_3312 : i32
    %add3A_3314 = arith.constant 5 : i32
    %add3A_3315 = arith.addi %mul3A_3313, %add3A_3314 : i32
    %mul3A_3316 = arith.constant 56 : i32
    %mul3A_3317 = arith.muli %add3A_3315, %mul3A_3316 : i32
    %add3A_3318 = arith.constant 48 : i32
    %add3A_3319 = arith.addi %mul3A_3317, %add3A_3318 : i32
    %dma_start3A_3320 = arith.constant 0 : i32
    %dma_start3A_3321 = arith.constant 0 : i32
    %dma_start3A_3322 = tpu.memref_slice %arg4[%add3A_3319, %dma_start3A_3320, %dma_start3A_3321] : memref<14336x56x64xf32, #tpu.memory_space<hbm>> -> memref<8x56x64xf32, #tpu.memory_space<hbm>>
    %dma_start3A_3323 = arith.constant 0 : i32
    %dma_start3A_3324 = arith.constant 0 : i32
    %dma_start3A_3325 = tpu.memref_slice %arg4[%add3A_3319, %dma_start3A_3323, %dma_start3A_3324] : memref<14336x56x64xf32, #tpu.memory_space<hbm>> -> memref<8x56x64xf32, #tpu.memory_space<hbm>>
    tpu.enqueue_dma source(%arg7 : memref<8x56x64xf32, #tpu.memory_space<vmem>>) target(%dma_start3A_3325 : memref<8x56x64xf32, #tpu.memory_space<hbm>>) target_semaphore(%arg11 : memref<!tpu.dma_semaphore, #tpu.memory_space<semaphore_mem>>)
    %mul3A_3326 = arith.constant 8 : i32
    %mul3A_3327 = arith.muli %add3A, %mul3A_3326 : i32
    %add3A_3328 = arith.constant 5 : i32
    %add3A_3329 = arith.addi %mul3A_3327, %add3A_3328 : i32
    %mul3A_3330 = arith.constant 56 : i32
    %mul3A_3331 = arith.muli %add3A_3329, %mul3A_3330 : i32
    %add3A_3332 = arith.constant 40 : i32
    %add3A_3333 = arith.addi %mul3A_3331, %add3A_3332 : i32
    %dma_wait3A_3334 = arith.constant 0 : i32
    %dma_wait3A_3335 = arith.constant 0 : i32
    %dma_wait3A_3336 = tpu.memref_slice %arg4[%add3A_3333, %dma_wait3A_3334, %dma_wait3A_3335] : memref<14336x56x64xf32, #tpu.memory_space<hbm>> -> memref<8x56x64xf32, #tpu.memory_space<hbm>>
    %dma_wait3A_3337 = arith.constant 0 : i32
    %dma_wait3A_3338 = arith.constant 0 : i32
    %dma_wait3A_3339 = tpu.memref_slice %arg4[%add3A_3333, %dma_wait3A_3337, %dma_wait3A_3338] : memref<14336x56x64xf32, #tpu.memory_space<hbm>> -> memref<8x56x64xf32, #tpu.memory_space<hbm>>
    tpu.wait_dma2 semaphore(%arg10 : memref<!tpu.dma_semaphore, #tpu.memory_space<semaphore_mem>>) src(%arg6 : memref<8x56x64xf32, #tpu.memory_space<vmem>>) dst(%dma_wait3A_3339 : memref<8x56x64xf32, #tpu.memory_space<hbm>>)
    %mul3A_3340 = arith.constant 8 : i32
    %mul3A_3341 = arith.muli %add3A, %mul3A_3340 : i32
    %add3A_3342 = arith.constant 6 : i32
    %add3A_3343 = arith.addi %mul3A_3341, %add3A_3342 : i32
    %shift_right_logical3A_3344 = arith.constant 5 : i32
    %shift_right_logical3A_3345 = arith.shrui %add3A_3343, %shift_right_logical3A_3344 : i32
    %and3A_3346 = arith.constant 31 : i32
    %and3A_3347 = arith.andi %add3A_3343, %and3A_3346 : i32
    %get3A_3348 = arith.index_cast %and3A_3347 : i32 to index
    %get3A_3349 = tpu.vector_load %arg5[%get3A_3348] {strides = array<i32>} : memref<48xi32, #tpu.memory_space<vmem>>, vector<16xi32>,
    %get3A_3350 = vector.shape_cast %get3A_3349 : vector<16xi32> to vector<16xi32>
    %slice3A_3351 = vector.extract_strided_slice %get3A_3350 {offsets = [0], sizes = [1], strides = [1]} : vector<16xi32> to vector<1xi32>
    %squeeze3A_3352 = vector.extract %slice3A_3351[0] : i32 from vector<1xi32>
    %mul3A_3353 = arith.constant 32 : i32
    %mul3A_3354 = arith.muli %shift_right_logical3A_3345, %mul3A_3353 : i32
    %add3A_3355 = arith.addi %mul3A_3354, %squeeze3A_3352 : i32
    %mul3A_3356 = arith.constant 56 : i32
    %mul3A_3357 = arith.muli %add3A_3355, %mul3A_3356 : i32
    %add3A_3358 = arith.constant 0 : i32
    %add3A_3359 = arith.addi %mul3A_3357, %add3A_3358 : i32
    %dma_start3A_3360 = arith.constant 0 : i32
    %dma_start3A_3361 = arith.constant 0 : i32
    %dma_start3A_3362 = tpu.memref_slice %arg2[%add3A_3359, %dma_start3A_3360, %dma_start3A_3361] : memref<14336x56x64xf32, #tpu.memory_space<hbm>> -> memref<8x56x64xf32, #tpu.memory_space<hbm>>
    %dma_start3A_3363 = arith.constant 0 : i32
    %dma_start3A_3364 = arith.constant 0 : i32
    %dma_start3A_3365 = tpu.memref_slice %arg2[%add3A_3359, %dma_start3A_3363, %dma_start3A_3364] : memref<14336x56x64xf32, #tpu.memory_space<hbm>> -> memref<8x56x64xf32, #tpu.memory_space<hbm>>
    tpu.enqueue_dma source(%dma_start3A_3365 : memref<8x56x64xf32, #tpu.memory_space<hbm>>) target(%arg6 : memref<8x56x64xf32, #tpu.memory_space<vmem>>) target_semaphore(%arg8 : memref<!tpu.dma_semaphore, #tpu.memory_space<semaphore_mem>>)
    %mul3A_3366 = arith.constant 8 : i32
    %mul3A_3367 = arith.muli %add3A, %mul3A_3366 : i32
    %add3A_3368 = arith.constant 6 : i32
    %add3A_3369 = arith.addi %mul3A_3367, %add3A_3368 : i32
    %shift_right_logical3A_3370 = arith.constant 5 : i32
    %shift_right_logical3A_3371 = arith.shrui %add3A_3369, %shift_right_logical3A_3370 : i32
    %and3A_3372 = arith.constant 31 : i32
    %and3A_3373 = arith.andi %add3A_3369, %and3A_3372 : i32
    %get3A_3374 = arith.index_cast %and3A_3373 : i32 to index
    %get3A_3375 = tpu.vector_load %arg5[%get3A_3374] {strides = array<i32>} : memref<48xi32, #tpu.memory_space<vmem>>, vector<16xi32>,
    %get3A_3376 = vector.shape_cast %get3A_3375 : vector<16xi32> to vector<16xi32>
    %slice3A_3377 = vector.extract_strided_slice %get3A_3376 {offsets = [0], sizes = [1], strides = [1]} : vector<16xi32> to vector<1xi32>
    %squeeze3A_3378 = vector.extract %slice3A_3377[0] : i32 from vector<1xi32>
    %mul3A_3379 = arith.constant 32 : i32
    %mul3A_3380 = arith.muli %shift_right_logical3A_3371, %mul3A_3379 : i32
    %add3A_3381 = arith.addi %mul3A_3380, %squeeze3A_3378 : i32
    %mul3A_3382 = arith.constant 56 : i32
    %mul3A_3383 = arith.muli %add3A_3381, %mul3A_3382 : i32
    %add3A_3384 = arith.constant 0 : i32
    %add3A_3385 = arith.addi %mul3A_3383, %add3A_3384 : i32
    %dma_wait3A_3386 = arith.constant 0 : i32
    %dma_wait3A_3387 = arith.constant 0 : i32
    %dma_wait3A_3388 = tpu.memref_slice %arg2[%add3A_3385, %dma_wait3A_3386, %dma_wait3A_3387] : memref<14336x56x64xf32, #tpu.memory_space<hbm>> -> memref<8x56x64xf32, #tpu.memory_space<hbm>>
    %dma_wait3A_3389 = arith.constant 0 : i32
    %dma_wait3A_3390 = arith.constant 0 : i32
    %dma_wait3A_3391 = tpu.memref_slice %arg2[%add3A_3385, %dma_wait3A_3389, %dma_wait3A_3390] : memref<14336x56x64xf32, #tpu.memory_space<hbm>> -> memref<8x56x64xf32, #tpu.memory_space<hbm>>
    tpu.wait_dma2 semaphore(%arg8 : memref<!tpu.dma_semaphore, #tpu.memory_space<semaphore_mem>>) src(%dma_wait3A_3391 : memref<8x56x64xf32, #tpu.memory_space<hbm>>) dst(%arg6 : memref<8x56x64xf32, #tpu.memory_space<vmem>>)
    %mul3A_3392 = arith.constant 8 : i32
    %mul3A_3393 = arith.muli %add3A, %mul3A_3392 : i32
    %add3A_3394 = arith.constant 6 : i32
    %add3A_3395 = arith.addi %mul3A_3393, %add3A_3394 : i32
    %mul3A_3396 = arith.constant 56 : i32
    %mul3A_3397 = arith.muli %add3A_3395, %mul3A_3396 : i32
    %add3A_3398 = arith.constant 0 : i32
    %add3A_3399 = arith.addi %mul3A_3397, %add3A_3398 : i32
    %dma_start3A_3400 = arith.constant 0 : i32
    %dma_start3A_3401 = arith.constant 0 : i32
    %dma_start3A_3402 = tpu.memref_slice %arg4[%add3A_3399, %dma_start3A_3400, %dma_start3A_3401] : memref<14336x56x64xf32, #tpu.memory_space<hbm>> -> memref<8x56x64xf32, #tpu.memory_space<hbm>>
    %dma_start3A_3403 = arith.constant 0 : i32
    %dma_start3A_3404 = arith.constant 0 : i32
    %dma_start3A_3405 = tpu.memref_slice %arg4[%add3A_3399, %dma_start3A_3403, %dma_start3A_3404] : memref<14336x56x64xf32, #tpu.memory_space<hbm>> -> memref<8x56x64xf32, #tpu.memory_space<hbm>>
    tpu.enqueue_dma source(%arg6 : memref<8x56x64xf32, #tpu.memory_space<vmem>>) target(%dma_start3A_3405 : memref<8x56x64xf32, #tpu.memory_space<hbm>>) target_semaphore(%arg10 : memref<!tpu.dma_semaphore, #tpu.memory_space<semaphore_mem>>)
    %mul3A_3406 = arith.constant 8 : i32
    %mul3A_3407 = arith.muli %add3A, %mul3A_3406 : i32
    %add3A_3408 = arith.constant 5 : i32
    %add3A_3409 = arith.addi %mul3A_3407, %add3A_3408 : i32
    %mul3A_3410 = arith.constant 56 : i32
    %mul3A_3411 = arith.muli %add3A_3409, %mul3A_3410 : i32
    %add3A_3412 = arith.constant 48 : i32
    %add3A_3413 = arith.addi %mul3A_3411, %add3A_3412 : i32
    %dma_wait3A_3414 = arith.constant 0 : i32
    %dma_wait3A_3415 = arith.constant 0 : i32
    %dma_wait3A_3416 = tpu.memref_slice %arg4[%add3A_3413, %dma_wait3A_3414, %dma_wait3A_3415] : memref<14336x56x64xf32, #tpu.memory_space<hbm>> -> memref<8x56x64xf32, #tpu.memory_space<hbm>>
    %dma_wait3A_3417 = arith.constant 0 : i32
    %dma_wait3A_3418 = arith.constant 0 : i32
    %dma_wait3A_3419 = tpu.memref_slice %arg4[%add3A_3413, %dma_wait3A_3417, %dma_wait3A_3418] : memref<14336x56x64xf32, #tpu.memory_space<hbm>> -> memref<8x56x64xf32, #tpu.memory_space<hbm>>
    tpu.wait_dma2 semaphore(%arg11 : memref<!tpu.dma_semaphore, #tpu.memory_space<semaphore_mem>>) src(%arg7 : memref<8x56x64xf32, #tpu.memory_space<vmem>>) dst(%dma_wait3A_3419 : memref<8x56x64xf32, #tpu.memory_space<hbm>>)
    %mul3A_3420 = arith.constant 8 : i32
    %mul3A_3421 = arith.muli %add3A, %mul3A_3420 : i32
    %add3A_3422 = arith.constant 6 : i32
    %add3A_3423 = arith.addi %mul3A_3421, %add3A_3422 : i32
    %shift_right_logical3A_3424 = arith.constant 5 : i32
    %shift_right_logical3A_3425 = arith.shrui %add3A_3423, %shift_right_logical3A_3424 : i32
    %and3A_3426 = arith.constant 31 : i32
    %and3A_3427 = arith.andi %add3A_3423, %and3A_3426 : i32
    %get3A_3428 = arith.index_cast %and3A_3427 : i32 to index
    %get3A_3429 = tpu.vector_load %arg5[%get3A_3428] {strides = array<i32>} : memref<48xi32, #tpu.memory_space<vmem>>, vector<16xi32>,
    %get3A_3430 = vector.shape_cast %get3A_3429 : vector<16xi32> to vector<16xi32>
    %slice3A_3431 = vector.extract_strided_slice %get3A_3430 {offsets = [0], sizes = [1], strides = [1]} : vector<16xi32> to vector<1xi32>
    %squeeze3A_3432 = vector.extract %slice3A_3431[0] : i32 from vector<1xi32>
    %mul3A_3433 = arith.constant 32 : i32
    %mul3A_3434 = arith.muli %shift_right_logical3A_3425, %mul3A_3433 : i32
    %add3A_3435 = arith.addi %mul3A_3434, %squeeze3A_3432 : i32
    %mul3A_3436 = arith.constant 56 : i32
    %mul3A_3437 = arith.muli %add3A_3435, %mul3A_3436 : i32
    %add3A_3438 = arith.constant 8 : i32
    %add3A_3439 = arith.addi %mul3A_3437, %add3A_3438 : i32
    %dma_start3A_3440 = arith.constant 0 : i32
    %dma_start3A_3441 = arith.constant 0 : i32
    %dma_start3A_3442 = tpu.memref_slice %arg2[%add3A_3439, %dma_start3A_3440, %dma_start3A_3441] : memref<14336x56x64xf32, #tpu.memory_space<hbm>> -> memref<8x56x64xf32, #tpu.memory_space<hbm>>
    %dma_start3A_3443 = arith.constant 0 : i32
    %dma_start3A_3444 = arith.constant 0 : i32
    %dma_start3A_3445 = tpu.memref_slice %arg2[%add3A_3439, %dma_start3A_3443, %dma_start3A_3444] : memref<14336x56x64xf32, #tpu.memory_space<hbm>> -> memref<8x56x64xf32, #tpu.memory_space<hbm>>
    tpu.enqueue_dma source(%dma_start3A_3445 : memref<8x56x64xf32, #tpu.memory_space<hbm>>) target(%arg7 : memref<8x56x64xf32, #tpu.memory_space<vmem>>) target_semaphore(%arg9 : memref<!tpu.dma_semaphore, #tpu.memory_space<semaphore_mem>>)
    %mul3A_3446 = arith.constant 8 : i32
    %mul3A_3447 = arith.muli %add3A, %mul3A_3446 : i32
    %add3A_3448 = arith.constant 6 : i32
    %add3A_3449 = arith.addi %mul3A_3447, %add3A_3448 : i32
    %shift_right_logical3A_3450 = arith.constant 5 : i32
    %shift_right_logical3A_3451 = arith.shrui %add3A_3449, %shift_right_logical3A_3450 : i32
    %and3A_3452 = arith.constant 31 : i32
    %and3A_3453 = arith.andi %add3A_3449, %and3A_3452 : i32
    %get3A_3454 = arith.index_cast %and3A_3453 : i32 to index
    %get3A_3455 = tpu.vector_load %arg5[%get3A_3454] {strides = array<i32>} : memref<48xi32, #tpu.memory_space<vmem>>, vector<16xi32>,
    %get3A_3456 = vector.shape_cast %get3A_3455 : vector<16xi32> to vector<16xi32>
    %slice3A_3457 = vector.extract_strided_slice %get3A_3456 {offsets = [0], sizes = [1], strides = [1]} : vector<16xi32> to vector<1xi32>
    %squeeze3A_3458 = vector.extract %slice3A_3457[0] : i32 from vector<1xi32>
    %mul3A_3459 = arith.constant 32 : i32
    %mul3A_3460 = arith.muli %shift_right_logical3A_3451, %mul3A_3459 : i32
    %add3A_3461 = arith.addi %mul3A_3460, %squeeze3A_3458 : i32
    %mul3A_3462 = arith.constant 56 : i32
    %mul3A_3463 = arith.muli %add3A_3461, %mul3A_3462 : i32
    %add3A_3464 = arith.constant 8 : i32
    %add3A_3465 = arith.addi %mul3A_3463, %add3A_3464 : i32
    %dma_wait3A_3466 = arith.constant 0 : i32
    %dma_wait3A_3467 = arith.constant 0 : i32
    %dma_wait3A_3468 = tpu.memref_slice %arg2[%add3A_3465, %dma_wait3A_3466, %dma_wait3A_3467] : memref<14336x56x64xf32, #tpu.memory_space<hbm>> -> memref<8x56x64xf32, #tpu.memory_space<hbm>>
    %dma_wait3A_3469 = arith.constant 0 : i32
    %dma_wait3A_3470 = arith.constant 0 : i32
    %dma_wait3A_3471 = tpu.memref_slice %arg2[%add3A_3465, %dma_wait3A_3469, %dma_wait3A_3470] : memref<14336x56x64xf32, #tpu.memory_space<hbm>> -> memref<8x56x64xf32, #tpu.memory_space<hbm>>
    tpu.wait_dma2 semaphore(%arg9 : memref<!tpu.dma_semaphore, #tpu.memory_space<semaphore_mem>>) src(%dma_wait3A_3471 : memref<8x56x64xf32, #tpu.memory_space<hbm>>) dst(%arg7 : memref<8x56x64xf32, #tpu.memory_space<vmem>>)
    %mul3A_3472 = arith.constant 8 : i32
    %mul3A_3473 = arith.muli %add3A, %mul3A_3472 : i32
    %add3A_3474 = arith.constant 6 : i32
    %add3A_3475 = arith.addi %mul3A_3473, %add3A_3474 : i32
    %mul3A_3476 = arith.constant 56 : i32
    %mul3A_3477 = arith.muli %add3A_3475, %mul3A_3476 : i32
    %add3A_3478 = arith.constant 8 : i32
    %add3A_3479 = arith.addi %mul3A_3477, %add3A_3478 : i32
    %dma_start3A_3480 = arith.constant 0 : i32
    %dma_start3A_3481 = arith.constant 0 : i32
    %dma_start3A_3482 = tpu.memref_slice %arg4[%add3A_3479, %dma_start3A_3480, %dma_start3A_3481] : memref<14336x56x64xf32, #tpu.memory_space<hbm>> -> memref<8x56x64xf32, #tpu.memory_space<hbm>>
    %dma_start3A_3483 = arith.constant 0 : i32
    %dma_start3A_3484 = arith.constant 0 : i32
    %dma_start3A_3485 = tpu.memref_slice %arg4[%add3A_3479, %dma_start3A_3483, %dma_start3A_3484] : memref<14336x56x64xf32, #tpu.memory_space<hbm>> -> memref<8x56x64xf32, #tpu.memory_space<hbm>>
    tpu.enqueue_dma source(%arg7 : memref<8x56x64xf32, #tpu.memory_space<vmem>>) target(%dma_start3A_3485 : memref<8x56x64xf32, #tpu.memory_space<hbm>>) target_semaphore(%arg11 : memref<!tpu.dma_semaphore, #tpu.memory_space<semaphore_mem>>)
    %mul3A_3486 = arith.constant 8 : i32
    %mul3A_3487 = arith.muli %add3A, %mul3A_3486 : i32
    %add3A_3488 = arith.constant 6 : i32
    %add3A_3489 = arith.addi %mul3A_3487, %add3A_3488 : i32
    %mul3A_3490 = arith.constant 56 : i32
    %mul3A_3491 = arith.muli %add3A_3489, %mul3A_3490 : i32
    %add3A_3492 = arith.constant 0 : i32
    %add3A_3493 = arith.addi %mul3A_3491, %add3A_3492 : i32
    %dma_wait3A_3494 = arith.constant 0 : i32
    %dma_wait3A_3495 = arith.constant 0 : i32
    %dma_wait3A_3496 = tpu.memref_slice %arg4[%add3A_3493, %dma_wait3A_3494, %dma_wait3A_3495] : memref<14336x56x64xf32, #tpu.memory_space<hbm>> -> memref<8x56x64xf32, #tpu.memory_space<hbm>>
    %dma_wait3A_3497 = arith.constant 0 : i32
    %dma_wait3A_3498 = arith.constant 0 : i32
    %dma_wait3A_3499 = tpu.memref_slice %arg4[%add3A_3493, %dma_wait3A_3497, %dma_wait3A_3498] : memref<14336x56x64xf32, #tpu.memory_space<hbm>> -> memref<8x56x64xf32, #tpu.memory_space<hbm>>
    tpu.wait_dma2 semaphore(%arg10 : memref<!tpu.dma_semaphore, #tpu.memory_space<semaphore_mem>>) src(%arg6 : memref<8x56x64xf32, #tpu.memory_space<vmem>>) dst(%dma_wait3A_3499 : memref<8x56x64xf32, #tpu.memory_space<hbm>>)
    %mul3A_3500 = arith.constant 8 : i32
    %mul3A_3501 = arith.muli %add3A, %mul3A_3500 : i32
    %add3A_3502 = arith.constant 6 : i32
    %add3A_3503 = arith.addi %mul3A_3501, %add3A_3502 : i32
    %shift_right_logical3A_3504 = arith.constant 5 : i32
    %shift_right_logical3A_3505 = arith.shrui %add3A_3503, %shift_right_logical3A_3504 : i32
    %and3A_3506 = arith.constant 31 : i32
    %and3A_3507 = arith.andi %add3A_3503, %and3A_3506 : i32
    %get3A_3508 = arith.index_cast %and3A_3507 : i32 to index
    %get3A_3509 = tpu.vector_load %arg5[%get3A_3508] {strides = array<i32>} : memref<48xi32, #tpu.memory_space<vmem>>, vector<16xi32>,
    %get3A_3510 = vector.shape_cast %get3A_3509 : vector<16xi32> to vector<16xi32>
    %slice3A_3511 = vector.extract_strided_slice %get3A_3510 {offsets = [0], sizes = [1], strides = [1]} : vector<16xi32> to vector<1xi32>
    %squeeze3A_3512 = vector.extract %slice3A_3511[0] : i32 from vector<1xi32>
    %mul3A_3513 = arith.constant 32 : i32
    %mul3A_3514 = arith.muli %shift_right_logical3A_3505, %mul3A_3513 : i32
    %add3A_3515 = arith.addi %mul3A_3514, %squeeze3A_3512 : i32
    %mul3A_3516 = arith.constant 56 : i32
    %mul3A_3517 = arith.muli %add3A_3515, %mul3A_3516 : i32
    %add3A_3518 = arith.constant 16 : i32
    %add3A_3519 = arith.addi %mul3A_3517, %add3A_3518 : i32
    %dma_start3A_3520 = arith.constant 0 : i32
    %dma_start3A_3521 = arith.constant 0 : i32
    %dma_start3A_3522 = tpu.memref_slice %arg2[%add3A_3519, %dma_start3A_3520, %dma_start3A_3521] : memref<14336x56x64xf32, #tpu.memory_space<hbm>> -> memref<8x56x64xf32, #tpu.memory_space<hbm>>
    %dma_start3A_3523 = arith.constant 0 : i32
    %dma_start3A_3524 = arith.constant 0 : i32
    %dma_start3A_3525 = tpu.memref_slice %arg2[%add3A_3519, %dma_start3A_3523, %dma_start3A_3524] : memref<14336x56x64xf32, #tpu.memory_space<hbm>> -> memref<8x56x64xf32, #tpu.memory_space<hbm>>
    tpu.enqueue_dma source(%dma_start3A_3525 : memref<8x56x64xf32, #tpu.memory_space<hbm>>) target(%arg6 : memref<8x56x64xf32, #tpu.memory_space<vmem>>) target_semaphore(%arg8 : memref<!tpu.dma_semaphore, #tpu.memory_space<semaphore_mem>>)
    %mul3A_3526 = arith.constant 8 : i32
    %mul3A_3527 = arith.muli %add3A, %mul3A_3526 : i32
    %add3A_3528 = arith.constant 6 : i32
    %add3A_3529 = arith.addi %mul3A_3527, %add3A_3528 : i32
    %shift_right_logical3A_3530 = arith.constant 5 : i32
    %shift_right_logical3A_3531 = arith.shrui %add3A_3529, %shift_right_logical3A_3530 : i32
    %and3A_3532 = arith.constant 31 : i32
    %and3A_3533 = arith.andi %add3A_3529, %and3A_3532 : i32
    %get3A_3534 = arith.index_cast %and3A_3533 : i32 to index
    %get3A_3535 = tpu.vector_load %arg5[%get3A_3534] {strides = array<i32>} : memref<48xi32, #tpu.memory_space<vmem>>, vector<16xi32>,
    %get3A_3536 = vector.shape_cast %get3A_3535 : vector<16xi32> to vector<16xi32>
    %slice3A_3537 = vector.extract_strided_slice %get3A_3536 {offsets = [0], sizes = [1], strides = [1]} : vector<16xi32> to vector<1xi32>
    %squeeze3A_3538 = vector.extract %slice3A_3537[0] : i32 from vector<1xi32>
    %mul3A_3539 = arith.constant 32 : i32
    %mul3A_3540 = arith.muli %shift_right_logical3A_3531, %mul3A_3539 : i32
    %add3A_3541 = arith.addi %mul3A_3540, %squeeze3A_3538 : i32
    %mul3A_3542 = arith.constant 56 : i32
    %mul3A_3543 = arith.muli %add3A_3541, %mul3A_3542 : i32
    %add3A_3544 = arith.constant 16 : i32
    %add3A_3545 = arith.addi %mul3A_3543, %add3A_3544 : i32
    %dma_wait3A_3546 = arith.constant 0 : i32
    %dma_wait3A_3547 = arith.constant 0 : i32
    %dma_wait3A_3548 = tpu.memref_slice %arg2[%add3A_3545, %dma_wait3A_3546, %dma_wait3A_3547] : memref<14336x56x64xf32, #tpu.memory_space<hbm>> -> memref<8x56x64xf32, #tpu.memory_space<hbm>>
    %dma_wait3A_3549 = arith.constant 0 : i32
    %dma_wait3A_3550 = arith.constant 0 : i32
    %dma_wait3A_3551 = tpu.memref_slice %arg2[%add3A_3545, %dma_wait3A_3549, %dma_wait3A_3550] : memref<14336x56x64xf32, #tpu.memory_space<hbm>> -> memref<8x56x64xf32, #tpu.memory_space<hbm>>
    tpu.wait_dma2 semaphore(%arg8 : memref<!tpu.dma_semaphore, #tpu.memory_space<semaphore_mem>>) src(%dma_wait3A_3551 : memref<8x56x64xf32, #tpu.memory_space<hbm>>) dst(%arg6 : memref<8x56x64xf32, #tpu.memory_space<vmem>>)
    %mul3A_3552 = arith.constant 8 : i32
    %mul3A_3553 = arith.muli %add3A, %mul3A_3552 : i32
    %add3A_3554 = arith.constant 6 : i32
    %add3A_3555 = arith.addi %mul3A_3553, %add3A_3554 : i32
    %mul3A_3556 = arith.constant 56 : i32
    %mul3A_3557 = arith.muli %add3A_3555, %mul3A_3556 : i32
    %add3A_3558 = arith.constant 16 : i32
    %add3A_3559 = arith.addi %mul3A_3557, %add3A_3558 : i32
    %dma_start3A_3560 = arith.constant 0 : i32
    %dma_start3A_3561 = arith.constant 0 : i32
    %dma_start3A_3562 = tpu.memref_slice %arg4[%add3A_3559, %dma_start3A_3560, %dma_start3A_3561] : memref<14336x56x64xf32, #tpu.memory_space<hbm>> -> memref<8x56x64xf32, #tpu.memory_space<hbm>>
    %dma_start3A_3563 = arith.constant 0 : i32
    %dma_start3A_3564 = arith.constant 0 : i32
    %dma_start3A_3565 = tpu.memref_slice %arg4[%add3A_3559, %dma_start3A_3563, %dma_start3A_3564] : memref<14336x56x64xf32, #tpu.memory_space<hbm>> -> memref<8x56x64xf32, #tpu.memory_space<hbm>>
    tpu.enqueue_dma source(%arg6 : memref<8x56x64xf32, #tpu.memory_space<vmem>>) target(%dma_start3A_3565 : memref<8x56x64xf32, #tpu.memory_space<hbm>>) target_semaphore(%arg10 : memref<!tpu.dma_semaphore, #tpu.memory_space<semaphore_mem>>)
    %mul3A_3566 = arith.constant 8 : i32
    %mul3A_3567 = arith.muli %add3A, %mul3A_3566 : i32
    %add3A_3568 = arith.constant 6 : i32
    %add3A_3569 = arith.addi %mul3A_3567, %add3A_3568 : i32
    %mul3A_3570 = arith.constant 56 : i32
    %mul3A_3571 = arith.muli %add3A_3569, %mul3A_3570 : i32
    %add3A_3572 = arith.constant 8 : i32
    %add3A_3573 = arith.addi %mul3A_3571, %add3A_3572 : i32
    %dma_wait3A_3574 = arith.constant 0 : i32
    %dma_wait3A_3575 = arith.constant 0 : i32
    %dma_wait3A_3576 = tpu.memref_slice %arg4[%add3A_3573, %dma_wait3A_3574, %dma_wait3A_3575] : memref<14336x56x64xf32, #tpu.memory_space<hbm>> -> memref<8x56x64xf32, #tpu.memory_space<hbm>>
    %dma_wait3A_3577 = arith.constant 0 : i32
    %dma_wait3A_3578 = arith.constant 0 : i32
    %dma_wait3A_3579 = tpu.memref_slice %arg4[%add3A_3573, %dma_wait3A_3577, %dma_wait3A_3578] : memref<14336x56x64xf32, #tpu.memory_space<hbm>> -> memref<8x56x64xf32, #tpu.memory_space<hbm>>
    tpu.wait_dma2 semaphore(%arg11 : memref<!tpu.dma_semaphore, #tpu.memory_space<semaphore_mem>>) src(%arg7 : memref<8x56x64xf32, #tpu.memory_space<vmem>>) dst(%dma_wait3A_3579 : memref<8x56x64xf32, #tpu.memory_space<hbm>>)
    %mul3A_3580 = arith.constant 8 : i32
    %mul3A_3581 = arith.muli %add3A, %mul3A_3580 : i32
    %add3A_3582 = arith.constant 6 : i32
    %add3A_3583 = arith.addi %mul3A_3581, %add3A_3582 : i32
    %shift_right_logical3A_3584 = arith.constant 5 : i32
    %shift_right_logical3A_3585 = arith.shrui %add3A_3583, %shift_right_logical3A_3584 : i32
    %and3A_3586 = arith.constant 31 : i32
    %and3A_3587 = arith.andi %add3A_3583, %and3A_3586 : i32
    %get3A_3588 = arith.index_cast %and3A_3587 : i32 to index
    %get3A_3589 = tpu.vector_load %arg5[%get3A_3588] {strides = array<i32>} : memref<48xi32, #tpu.memory_space<vmem>>, vector<16xi32>,
    %get3A_3590 = vector.shape_cast %get3A_3589 : vector<16xi32> to vector<16xi32>
    %slice3A_3591 = vector.extract_strided_slice %get3A_3590 {offsets = [0], sizes = [1], strides = [1]} : vector<16xi32> to vector<1xi32>
    %squeeze3A_3592 = vector.extract %slice3A_3591[0] : i32 from vector<1xi32>
    %mul3A_3593 = arith.constant 32 : i32
    %mul3A_3594 = arith.muli %shift_right_logical3A_3585, %mul3A_3593 : i32
    %add3A_3595 = arith.addi %mul3A_3594, %squeeze3A_3592 : i32
    %mul3A_3596 = arith.constant 56 : i32
    %mul3A_3597 = arith.muli %add3A_3595, %mul3A_3596 : i32
    %add3A_3598 = arith.constant 24 : i32
    %add3A_3599 = arith.addi %mul3A_3597, %add3A_3598 : i32
    %dma_start3A_3600 = arith.constant 0 : i32
    %dma_start3A_3601 = arith.constant 0 : i32
    %dma_start3A_3602 = tpu.memref_slice %arg2[%add3A_3599, %dma_start3A_3600, %dma_start3A_3601] : memref<14336x56x64xf32, #tpu.memory_space<hbm>> -> memref<8x56x64xf32, #tpu.memory_space<hbm>>
    %dma_start3A_3603 = arith.constant 0 : i32
    %dma_start3A_3604 = arith.constant 0 : i32
    %dma_start3A_3605 = tpu.memref_slice %arg2[%add3A_3599, %dma_start3A_3603, %dma_start3A_3604] : memref<14336x56x64xf32, #tpu.memory_space<hbm>> -> memref<8x56x64xf32, #tpu.memory_space<hbm>>
    tpu.enqueue_dma source(%dma_start3A_3605 : memref<8x56x64xf32, #tpu.memory_space<hbm>>) target(%arg7 : memref<8x56x64xf32, #tpu.memory_space<vmem>>) target_semaphore(%arg9 : memref<!tpu.dma_semaphore, #tpu.memory_space<semaphore_mem>>)
    %mul3A_3606 = arith.constant 8 : i32
    %mul3A_3607 = arith.muli %add3A, %mul3A_3606 : i32
    %add3A_3608 = arith.constant 6 : i32
    %add3A_3609 = arith.addi %mul3A_3607, %add3A_3608 : i32
    %shift_right_logical3A_3610 = arith.constant 5 : i32
    %shift_right_logical3A_3611 = arith.shrui %add3A_3609, %shift_right_logical3A_3610 : i32
    %and3A_3612 = arith.constant 31 : i32
    %and3A_3613 = arith.andi %add3A_3609, %and3A_3612 : i32
    %get3A_3614 = arith.index_cast %and3A_3613 : i32 to index
    %get3A_3615 = tpu.vector_load %arg5[%get3A_3614] {strides = array<i32>} : memref<48xi32, #tpu.memory_space<vmem>>, vector<16xi32>,
    %get3A_3616 = vector.shape_cast %get3A_3615 : vector<16xi32> to vector<16xi32>
    %slice3A_3617 = vector.extract_strided_slice %get3A_3616 {offsets = [0], sizes = [1], strides = [1]} : vector<16xi32> to vector<1xi32>
    %squeeze3A_3618 = vector.extract %slice3A_3617[0] : i32 from vector<1xi32>
    %mul3A_3619 = arith.constant 32 : i32
    %mul3A_3620 = arith.muli %shift_right_logical3A_3611, %mul3A_3619 : i32
    %add3A_3621 = arith.addi %mul3A_3620, %squeeze3A_3618 : i32
    %mul3A_3622 = arith.constant 56 : i32
    %mul3A_3623 = arith.muli %add3A_3621, %mul3A_3622 : i32
    %add3A_3624 = arith.constant 24 : i32
    %add3A_3625 = arith.addi %mul3A_3623, %add3A_3624 : i32
    %dma_wait3A_3626 = arith.constant 0 : i32
    %dma_wait3A_3627 = arith.constant 0 : i32
    %dma_wait3A_3628 = tpu.memref_slice %arg2[%add3A_3625, %dma_wait3A_3626, %dma_wait3A_3627] : memref<14336x56x64xf32, #tpu.memory_space<hbm>> -> memref<8x56x64xf32, #tpu.memory_space<hbm>>
    %dma_wait3A_3629 = arith.constant 0 : i32
    %dma_wait3A_3630 = arith.constant 0 : i32
    %dma_wait3A_3631 = tpu.memref_slice %arg2[%add3A_3625, %dma_wait3A_3629, %dma_wait3A_3630] : memref<14336x56x64xf32, #tpu.memory_space<hbm>> -> memref<8x56x64xf32, #tpu.memory_space<hbm>>
    tpu.wait_dma2 semaphore(%arg9 : memref<!tpu.dma_semaphore, #tpu.memory_space<semaphore_mem>>) src(%dma_wait3A_3631 : memref<8x56x64xf32, #tpu.memory_space<hbm>>) dst(%arg7 : memref<8x56x64xf32, #tpu.memory_space<vmem>>)
    %mul3A_3632 = arith.constant 8 : i32
    %mul3A_3633 = arith.muli %add3A, %mul3A_3632 : i32
    %add3A_3634 = arith.constant 6 : i32
    %add3A_3635 = arith.addi %mul3A_3633, %add3A_3634 : i32
    %mul3A_3636 = arith.constant 56 : i32
    %mul3A_3637 = arith.muli %add3A_3635, %mul3A_3636 : i32
    %add3A_3638 = arith.constant 24 : i32
    %add3A_3639 = arith.addi %mul3A_3637, %add3A_3638 : i32
    %dma_start3A_3640 = arith.constant 0 : i32
    %dma_start3A_3641 = arith.constant 0 : i32
    %dma_start3A_3642 = tpu.memref_slice %arg4[%add3A_3639, %dma_start3A_3640, %dma_start3A_3641] : memref<14336x56x64xf32, #tpu.memory_space<hbm>> -> memref<8x56x64xf32, #tpu.memory_space<hbm>>
    %dma_start3A_3643 = arith.constant 0 : i32
    %dma_start3A_3644 = arith.constant 0 : i32
    %dma_start3A_3645 = tpu.memref_slice %arg4[%add3A_3639, %dma_start3A_3643, %dma_start3A_3644] : memref<14336x56x64xf32, #tpu.memory_space<hbm>> -> memref<8x56x64xf32, #tpu.memory_space<hbm>>
    tpu.enqueue_dma source(%arg7 : memref<8x56x64xf32, #tpu.memory_space<vmem>>) target(%dma_start3A_3645 : memref<8x56x64xf32, #tpu.memory_space<hbm>>) target_semaphore(%arg11 : memref<!tpu.dma_semaphore, #tpu.memory_space<semaphore_mem>>)
    %mul3A_3646 = arith.constant 8 : i32
    %mul3A_3647 = arith.muli %add3A, %mul3A_3646 : i32
    %add3A_3648 = arith.constant 6 : i32
    %add3A_3649 = arith.addi %mul3A_3647, %add3A_3648 : i32
    %mul3A_3650 = arith.constant 56 : i32
    %mul3A_3651 = arith.muli %add3A_3649, %mul3A_3650 : i32
    %add3A_3652 = arith.constant 16 : i32
    %add3A_3653 = arith.addi %mul3A_3651, %add3A_3652 : i32
    %dma_wait3A_3654 = arith.constant 0 : i32
    %dma_wait3A_3655 = arith.constant 0 : i32
    %dma_wait3A_3656 = tpu.memref_slice %arg4[%add3A_3653, %dma_wait3A_3654, %dma_wait3A_3655] : memref<14336x56x64xf32, #tpu.memory_space<hbm>> -> memref<8x56x64xf32, #tpu.memory_space<hbm>>
    %dma_wait3A_3657 = arith.constant 0 : i32
    %dma_wait3A_3658 = arith.constant 0 : i32
    %dma_wait3A_3659 = tpu.memref_slice %arg4[%add3A_3653, %dma_wait3A_3657, %dma_wait3A_3658] : memref<14336x56x64xf32, #tpu.memory_space<hbm>> -> memref<8x56x64xf32, #tpu.memory_space<hbm>>
    tpu.wait_dma2 semaphore(%arg10 : memref<!tpu.dma_semaphore, #tpu.memory_space<semaphore_mem>>) src(%arg6 : memref<8x56x64xf32, #tpu.memory_space<vmem>>) dst(%dma_wait3A_3659 : memref<8x56x64xf32, #tpu.memory_space<hbm>>)
    %mul3A_3660 = arith.constant 8 : i32
    %mul3A_3661 = arith.muli %add3A, %mul3A_3660 : i32
    %add3A_3662 = arith.constant 6 : i32
    %add3A_3663 = arith.addi %mul3A_3661, %add3A_3662 : i32
    %shift_right_logical3A_3664 = arith.constant 5 : i32
    %shift_right_logical3A_3665 = arith.shrui %add3A_3663, %shift_right_logical3A_3664 : i32
    %and3A_3666 = arith.constant 31 : i32
    %and3A_3667 = arith.andi %add3A_3663, %and3A_3666 : i32
    %get3A_3668 = arith.index_cast %and3A_3667 : i32 to index
    %get3A_3669 = tpu.vector_load %arg5[%get3A_3668] {strides = array<i32>} : memref<48xi32, #tpu.memory_space<vmem>>, vector<16xi32>,
    %get3A_3670 = vector.shape_cast %get3A_3669 : vector<16xi32> to vector<16xi32>
    %slice3A_3671 = vector.extract_strided_slice %get3A_3670 {offsets = [0], sizes = [1], strides = [1]} : vector<16xi32> to vector<1xi32>
    %squeeze3A_3672 = vector.extract %slice3A_3671[0] : i32 from vector<1xi32>
    %mul3A_3673 = arith.constant 32 : i32
    %mul3A_3674 = arith.muli %shift_right_logical3A_3665, %mul3A_3673 : i32
    %add3A_3675 = arith.addi %mul3A_3674, %squeeze3A_3672 : i32
    %mul3A_3676 = arith.constant 56 : i32
    %mul3A_3677 = arith.muli %add3A_3675, %mul3A_3676 : i32
    %add3A_3678 = arith.constant 32 : i32
    %add3A_3679 = arith.addi %mul3A_3677, %add3A_3678 : i32
    %dma_start3A_3680 = arith.constant 0 : i32
    %dma_start3A_3681 = arith.constant 0 : i32
    %dma_start3A_3682 = tpu.memref_slice %arg2[%add3A_3679, %dma_start3A_3680, %dma_start3A_3681] : memref<14336x56x64xf32, #tpu.memory_space<hbm>> -> memref<8x56x64xf32, #tpu.memory_space<hbm>>
    %dma_start3A_3683 = arith.constant 0 : i32
    %dma_start3A_3684 = arith.constant 0 : i32
    %dma_start3A_3685 = tpu.memref_slice %arg2[%add3A_3679, %dma_start3A_3683, %dma_start3A_3684] : memref<14336x56x64xf32, #tpu.memory_space<hbm>> -> memref<8x56x64xf32, #tpu.memory_space<hbm>>
    tpu.enqueue_dma source(%dma_start3A_3685 : memref<8x56x64xf32, #tpu.memory_space<hbm>>) target(%arg6 : memref<8x56x64xf32, #tpu.memory_space<vmem>>) target_semaphore(%arg8 : memref<!tpu.dma_semaphore, #tpu.memory_space<semaphore_mem>>)
    %mul3A_3686 = arith.constant 8 : i32
    %mul3A_3687 = arith.muli %add3A, %mul3A_3686 : i32
    %add3A_3688 = arith.constant 6 : i32
    %add3A_3689 = arith.addi %mul3A_3687, %add3A_3688 : i32
    %shift_right_logical3A_3690 = arith.constant 5 : i32
    %shift_right_logical3A_3691 = arith.shrui %add3A_3689, %shift_right_logical3A_3690 : i32
    %and3A_3692 = arith.constant 31 : i32
    %and3A_3693 = arith.andi %add3A_3689, %and3A_3692 : i32
    %get3A_3694 = arith.index_cast %and3A_3693 : i32 to index
    %get3A_3695 = tpu.vector_load %arg5[%get3A_3694] {strides = array<i32>} : memref<48xi32, #tpu.memory_space<vmem>>, vector<16xi32>,
    %get3A_3696 = vector.shape_cast %get3A_3695 : vector<16xi32> to vector<16xi32>
    %slice3A_3697 = vector.extract_strided_slice %get3A_3696 {offsets = [0], sizes = [1], strides = [1]} : vector<16xi32> to vector<1xi32>
    %squeeze3A_3698 = vector.extract %slice3A_3697[0] : i32 from vector<1xi32>
    %mul3A_3699 = arith.constant 32 : i32
    %mul3A_3700 = arith.muli %shift_right_logical3A_3691, %mul3A_3699 : i32
    %add3A_3701 = arith.addi %mul3A_3700, %squeeze3A_3698 : i32
    %mul3A_3702 = arith.constant 56 : i32
    %mul3A_3703 = arith.muli %add3A_3701, %mul3A_3702 : i32
    %add3A_3704 = arith.constant 32 : i32
    %add3A_3705 = arith.addi %mul3A_3703, %add3A_3704 : i32
    %dma_wait3A_3706 = arith.constant 0 : i32
    %dma_wait3A_3707 = arith.constant 0 : i32
    %dma_wait3A_3708 = tpu.memref_slice %arg2[%add3A_3705, %dma_wait3A_3706, %dma_wait3A_3707] : memref<14336x56x64xf32, #tpu.memory_space<hbm>> -> memref<8x56x64xf32, #tpu.memory_space<hbm>>
    %dma_wait3A_3709 = arith.constant 0 : i32
    %dma_wait3A_3710 = arith.constant 0 : i32
    %dma_wait3A_3711 = tpu.memref_slice %arg2[%add3A_3705, %dma_wait3A_3709, %dma_wait3A_3710] : memref<14336x56x64xf32, #tpu.memory_space<hbm>> -> memref<8x56x64xf32, #tpu.memory_space<hbm>>
    tpu.wait_dma2 semaphore(%arg8 : memref<!tpu.dma_semaphore, #tpu.memory_space<semaphore_mem>>) src(%dma_wait3A_3711 : memref<8x56x64xf32, #tpu.memory_space<hbm>>) dst(%arg6 : memref<8x56x64xf32, #tpu.memory_space<vmem>>)
    %mul3A_3712 = arith.constant 8 : i32
    %mul3A_3713 = arith.muli %add3A, %mul3A_3712 : i32
    %add3A_3714 = arith.constant 6 : i32
    %add3A_3715 = arith.addi %mul3A_3713, %add3A_3714 : i32
    %mul3A_3716 = arith.constant 56 : i32
    %mul3A_3717 = arith.muli %add3A_3715, %mul3A_3716 : i32
    %add3A_3718 = arith.constant 32 : i32
    %add3A_3719 = arith.addi %mul3A_3717, %add3A_3718 : i32
    %dma_start3A_3720 = arith.constant 0 : i32
    %dma_start3A_3721 = arith.constant 0 : i32
    %dma_start3A_3722 = tpu.memref_slice %arg4[%add3A_3719, %dma_start3A_3720, %dma_start3A_3721] : memref<14336x56x64xf32, #tpu.memory_space<hbm>> -> memref<8x56x64xf32, #tpu.memory_space<hbm>>
    %dma_start3A_3723 = arith.constant 0 : i32
    %dma_start3A_3724 = arith.constant 0 : i32
    %dma_start3A_3725 = tpu.memref_slice %arg4[%add3A_3719, %dma_start3A_3723, %dma_start3A_3724] : memref<14336x56x64xf32, #tpu.memory_space<hbm>> -> memref<8x56x64xf32, #tpu.memory_space<hbm>>
    tpu.enqueue_dma source(%arg6 : memref<8x56x64xf32, #tpu.memory_space<vmem>>) target(%dma_start3A_3725 : memref<8x56x64xf32, #tpu.memory_space<hbm>>) target_semaphore(%arg10 : memref<!tpu.dma_semaphore, #tpu.memory_space<semaphore_mem>>)
    %mul3A_3726 = arith.constant 8 : i32
    %mul3A_3727 = arith.muli %add3A, %mul3A_3726 : i32
    %add3A_3728 = arith.constant 6 : i32
    %add3A_3729 = arith.addi %mul3A_3727, %add3A_3728 : i32
    %mul3A_3730 = arith.constant 56 : i32
    %mul3A_3731 = arith.muli %add3A_3729, %mul3A_3730 : i32
    %add3A_3732 = arith.constant 24 : i32
    %add3A_3733 = arith.addi %mul3A_3731, %add3A_3732 : i32
    %dma_wait3A_3734 = arith.constant 0 : i32
    %dma_wait3A_3735 = arith.constant 0 : i32
    %dma_wait3A_3736 = tpu.memref_slice %arg4[%add3A_3733, %dma_wait3A_3734, %dma_wait3A_3735] : memref<14336x56x64xf32, #tpu.memory_space<hbm>> -> memref<8x56x64xf32, #tpu.memory_space<hbm>>
    %dma_wait3A_3737 = arith.constant 0 : i32
    %dma_wait3A_3738 = arith.constant 0 : i32
    %dma_wait3A_3739 = tpu.memref_slice %arg4[%add3A_3733, %dma_wait3A_3737, %dma_wait3A_3738] : memref<14336x56x64xf32, #tpu.memory_space<hbm>> -> memref<8x56x64xf32, #tpu.memory_space<hbm>>
    tpu.wait_dma2 semaphore(%arg11 : memref<!tpu.dma_semaphore, #tpu.memory_space<semaphore_mem>>) src(%arg7 : memref<8x56x64xf32, #tpu.memory_space<vmem>>) dst(%dma_wait3A_3739 : memref<8x56x64xf32, #tpu.memory_space<hbm>>)
    %mul3A_3740 = arith.constant 8 : i32
    %mul3A_3741 = arith.muli %add3A, %mul3A_3740 : i32
    %add3A_3742 = arith.constant 6 : i32
    %add3A_3743 = arith.addi %mul3A_3741, %add3A_3742 : i32
    %shift_right_logical3A_3744 = arith.constant 5 : i32
    %shift_right_logical3A_3745 = arith.shrui %add3A_3743, %shift_right_logical3A_3744 : i32
    %and3A_3746 = arith.constant 31 : i32
    %and3A_3747 = arith.andi %add3A_3743, %and3A_3746 : i32
    %get3A_3748 = arith.index_cast %and3A_3747 : i32 to index
    %get3A_3749 = tpu.vector_load %arg5[%get3A_3748] {strides = array<i32>} : memref<48xi32, #tpu.memory_space<vmem>>, vector<16xi32>,
    %get3A_3750 = vector.shape_cast %get3A_3749 : vector<16xi32> to vector<16xi32>
    %slice3A_3751 = vector.extract_strided_slice %get3A_3750 {offsets = [0], sizes = [1], strides = [1]} : vector<16xi32> to vector<1xi32>
    %squeeze3A_3752 = vector.extract %slice3A_3751[0] : i32 from vector<1xi32>
    %mul3A_3753 = arith.constant 32 : i32
    %mul3A_3754 = arith.muli %shift_right_logical3A_3745, %mul3A_3753 : i32
    %add3A_3755 = arith.addi %mul3A_3754, %squeeze3A_3752 : i32
    %mul3A_3756 = arith.constant 56 : i32
    %mul3A_3757 = arith.muli %add3A_3755, %mul3A_3756 : i32
    %add3A_3758 = arith.constant 40 : i32
    %add3A_3759 = arith.addi %mul3A_3757, %add3A_3758 : i32
    %dma_start3A_3760 = arith.constant 0 : i32
    %dma_start3A_3761 = arith.constant 0 : i32
    %dma_start3A_3762 = tpu.memref_slice %arg2[%add3A_3759, %dma_start3A_3760, %dma_start3A_3761] : memref<14336x56x64xf32, #tpu.memory_space<hbm>> -> memref<8x56x64xf32, #tpu.memory_space<hbm>>
    %dma_start3A_3763 = arith.constant 0 : i32
    %dma_start3A_3764 = arith.constant 0 : i32
    %dma_start3A_3765 = tpu.memref_slice %arg2[%add3A_3759, %dma_start3A_3763, %dma_start3A_3764] : memref<14336x56x64xf32, #tpu.memory_space<hbm>> -> memref<8x56x64xf32, #tpu.memory_space<hbm>>
    tpu.enqueue_dma source(%dma_start3A_3765 : memref<8x56x64xf32, #tpu.memory_space<hbm>>) target(%arg7 : memref<8x56x64xf32, #tpu.memory_space<vmem>>) target_semaphore(%arg9 : memref<!tpu.dma_semaphore, #tpu.memory_space<semaphore_mem>>)
    %mul3A_3766 = arith.constant 8 : i32
    %mul3A_3767 = arith.muli %add3A, %mul3A_3766 : i32
    %add3A_3768 = arith.constant 6 : i32
    %add3A_3769 = arith.addi %mul3A_3767, %add3A_3768 : i32
    %shift_right_logical3A_3770 = arith.constant 5 : i32
    %shift_right_logical3A_3771 = arith.shrui %add3A_3769, %shift_right_logical3A_3770 : i32
    %and3A_3772 = arith.constant 31 : i32
    %and3A_3773 = arith.andi %add3A_3769, %and3A_3772 : i32
    %get3A_3774 = arith.index_cast %and3A_3773 : i32 to index
    %get3A_3775 = tpu.vector_load %arg5[%get3A_3774] {strides = array<i32>} : memref<48xi32, #tpu.memory_space<vmem>>, vector<16xi32>,
    %get3A_3776 = vector.shape_cast %get3A_3775 : vector<16xi32> to vector<16xi32>
    %slice3A_3777 = vector.extract_strided_slice %get3A_3776 {offsets = [0], sizes = [1], strides = [1]} : vector<16xi32> to vector<1xi32>
    %squeeze3A_3778 = vector.extract %slice3A_3777[0] : i32 from vector<1xi32>
    %mul3A_3779 = arith.constant 32 : i32
    %mul3A_3780 = arith.muli %shift_right_logical3A_3771, %mul3A_3779 : i32
    %add3A_3781 = arith.addi %mul3A_3780, %squeeze3A_3778 : i32
    %mul3A_3782 = arith.constant 56 : i32
    %mul3A_3783 = arith.muli %add3A_3781, %mul3A_3782 : i32
    %add3A_3784 = arith.constant 40 : i32
    %add3A_3785 = arith.addi %mul3A_3783, %add3A_3784 : i32
    %dma_wait3A_3786 = arith.constant 0 : i32
    %dma_wait3A_3787 = arith.constant 0 : i32
    %dma_wait3A_3788 = tpu.memref_slice %arg2[%add3A_3785, %dma_wait3A_3786, %dma_wait3A_3787] : memref<14336x56x64xf32, #tpu.memory_space<hbm>> -> memref<8x56x64xf32, #tpu.memory_space<hbm>>
    %dma_wait3A_3789 = arith.constant 0 : i32
    %dma_wait3A_3790 = arith.constant 0 : i32
    %dma_wait3A_3791 = tpu.memref_slice %arg2[%add3A_3785, %dma_wait3A_3789, %dma_wait3A_3790] : memref<14336x56x64xf32, #tpu.memory_space<hbm>> -> memref<8x56x64xf32, #tpu.memory_space<hbm>>
    tpu.wait_dma2 semaphore(%arg9 : memref<!tpu.dma_semaphore, #tpu.memory_space<semaphore_mem>>) src(%dma_wait3A_3791 : memref<8x56x64xf32, #tpu.memory_space<hbm>>) dst(%arg7 : memref<8x56x64xf32, #tpu.memory_space<vmem>>)
    %mul3A_3792 = arith.constant 8 : i32
    %mul3A_3793 = arith.muli %add3A, %mul3A_3792 : i32
    %add3A_3794 = arith.constant 6 : i32
    %add3A_3795 = arith.addi %mul3A_3793, %add3A_3794 : i32
    %mul3A_3796 = arith.constant 56 : i32
    %mul3A_3797 = arith.muli %add3A_3795, %mul3A_3796 : i32
    %add3A_3798 = arith.constant 40 : i32
    %add3A_3799 = arith.addi %mul3A_3797, %add3A_3798 : i32
    %dma_start3A_3800 = arith.constant 0 : i32
    %dma_start3A_3801 = arith.constant 0 : i32
    %dma_start3A_3802 = tpu.memref_slice %arg4[%add3A_3799, %dma_start3A_3800, %dma_start3A_3801] : memref<14336x56x64xf32, #tpu.memory_space<hbm>> -> memref<8x56x64xf32, #tpu.memory_space<hbm>>
    %dma_start3A_3803 = arith.constant 0 : i32
    %dma_start3A_3804 = arith.constant 0 : i32
    %dma_start3A_3805 = tpu.memref_slice %arg4[%add3A_3799, %dma_start3A_3803, %dma_start3A_3804] : memref<14336x56x64xf32, #tpu.memory_space<hbm>> -> memref<8x56x64xf32, #tpu.memory_space<hbm>>
    tpu.enqueue_dma source(%arg7 : memref<8x56x64xf32, #tpu.memory_space<vmem>>) target(%dma_start3A_3805 : memref<8x56x64xf32, #tpu.memory_space<hbm>>) target_semaphore(%arg11 : memref<!tpu.dma_semaphore, #tpu.memory_space<semaphore_mem>>)
    %mul3A_3806 = arith.constant 8 : i32
    %mul3A_3807 = arith.muli %add3A, %mul3A_3806 : i32
    %add3A_3808 = arith.constant 6 : i32
    %add3A_3809 = arith.addi %mul3A_3807, %add3A_3808 : i32
    %mul3A_3810 = arith.constant 56 : i32
    %mul3A_3811 = arith.muli %add3A_3809, %mul3A_3810 : i32
    %add3A_3812 = arith.constant 32 : i32
    %add3A_3813 = arith.addi %mul3A_3811, %add3A_3812 : i32
    %dma_wait3A_3814 = arith.constant 0 : i32
    %dma_wait3A_3815 = arith.constant 0 : i32
    %dma_wait3A_3816 = tpu.memref_slice %arg4[%add3A_3813, %dma_wait3A_3814, %dma_wait3A_3815] : memref<14336x56x64xf32, #tpu.memory_space<hbm>> -> memref<8x56x64xf32, #tpu.memory_space<hbm>>
    %dma_wait3A_3817 = arith.constant 0 : i32
    %dma_wait3A_3818 = arith.constant 0 : i32
    %dma_wait3A_3819 = tpu.memref_slice %arg4[%add3A_3813, %dma_wait3A_3817, %dma_wait3A_3818] : memref<14336x56x64xf32, #tpu.memory_space<hbm>> -> memref<8x56x64xf32, #tpu.memory_space<hbm>>
    tpu.wait_dma2 semaphore(%arg10 : memref<!tpu.dma_semaphore, #tpu.memory_space<semaphore_mem>>) src(%arg6 : memref<8x56x64xf32, #tpu.memory_space<vmem>>) dst(%dma_wait3A_3819 : memref<8x56x64xf32, #tpu.memory_space<hbm>>)
    %mul3A_3820 = arith.constant 8 : i32
    %mul3A_3821 = arith.muli %add3A, %mul3A_3820 : i32
    %add3A_3822 = arith.constant 6 : i32
    %add3A_3823 = arith.addi %mul3A_3821, %add3A_3822 : i32
    %shift_right_logical3A_3824 = arith.constant 5 : i32
    %shift_right_logical3A_3825 = arith.shrui %add3A_3823, %shift_right_logical3A_3824 : i32
    %and3A_3826 = arith.constant 31 : i32
    %and3A_3827 = arith.andi %add3A_3823, %and3A_3826 : i32
    %get3A_3828 = arith.index_cast %and3A_3827 : i32 to index
    %get3A_3829 = tpu.vector_load %arg5[%get3A_3828] {strides = array<i32>} : memref<48xi32, #tpu.memory_space<vmem>>, vector<16xi32>,
    %get3A_3830 = vector.shape_cast %get3A_3829 : vector<16xi32> to vector<16xi32>
    %slice3A_3831 = vector.extract_strided_slice %get3A_3830 {offsets = [0], sizes = [1], strides = [1]} : vector<16xi32> to vector<1xi32>
    %squeeze3A_3832 = vector.extract %slice3A_3831[0] : i32 from vector<1xi32>
    %mul3A_3833 = arith.constant 32 : i32
    %mul3A_3834 = arith.muli %shift_right_logical3A_3825, %mul3A_3833 : i32
    %add3A_3835 = arith.addi %mul3A_3834, %squeeze3A_3832 : i32
    %mul3A_3836 = arith.constant 56 : i32
    %mul3A_3837 = arith.muli %add3A_3835, %mul3A_3836 : i32
    %add3A_3838 = arith.constant 48 : i32
    %add3A_3839 = arith.addi %mul3A_3837, %add3A_3838 : i32
    %dma_start3A_3840 = arith.constant 0 : i32
    %dma_start3A_3841 = arith.constant 0 : i32
    %dma_start3A_3842 = tpu.memref_slice %arg2[%add3A_3839, %dma_start3A_3840, %dma_start3A_3841] : memref<14336x56x64xf32, #tpu.memory_space<hbm>> -> memref<8x56x64xf32, #tpu.memory_space<hbm>>
    %dma_start3A_3843 = arith.constant 0 : i32
    %dma_start3A_3844 = arith.constant 0 : i32
    %dma_start3A_3845 = tpu.memref_slice %arg2[%add3A_3839, %dma_start3A_3843, %dma_start3A_3844] : memref<14336x56x64xf32, #tpu.memory_space<hbm>> -> memref<8x56x64xf32, #tpu.memory_space<hbm>>
    tpu.enqueue_dma source(%dma_start3A_3845 : memref<8x56x64xf32, #tpu.memory_space<hbm>>) target(%arg6 : memref<8x56x64xf32, #tpu.memory_space<vmem>>) target_semaphore(%arg8 : memref<!tpu.dma_semaphore, #tpu.memory_space<semaphore_mem>>)
    %mul3A_3846 = arith.constant 8 : i32
    %mul3A_3847 = arith.muli %add3A, %mul3A_3846 : i32
    %add3A_3848 = arith.constant 6 : i32
    %add3A_3849 = arith.addi %mul3A_3847, %add3A_3848 : i32
    %shift_right_logical3A_3850 = arith.constant 5 : i32
    %shift_right_logical3A_3851 = arith.shrui %add3A_3849, %shift_right_logical3A_3850 : i32
    %and3A_3852 = arith.constant 31 : i32
    %and3A_3853 = arith.andi %add3A_3849, %and3A_3852 : i32
    %get3A_3854 = arith.index_cast %and3A_3853 : i32 to index
    %get3A_3855 = tpu.vector_load %arg5[%get3A_3854] {strides = array<i32>} : memref<48xi32, #tpu.memory_space<vmem>>, vector<16xi32>,
    %get3A_3856 = vector.shape_cast %get3A_3855 : vector<16xi32> to vector<16xi32>
    %slice3A_3857 = vector.extract_strided_slice %get3A_3856 {offsets = [0], sizes = [1], strides = [1]} : vector<16xi32> to vector<1xi32>
    %squeeze3A_3858 = vector.extract %slice3A_3857[0] : i32 from vector<1xi32>
    %mul3A_3859 = arith.constant 32 : i32
    %mul3A_3860 = arith.muli %shift_right_logical3A_3851, %mul3A_3859 : i32
    %add3A_3861 = arith.addi %mul3A_3860, %squeeze3A_3858 : i32
    %mul3A_3862 = arith.constant 56 : i32
    %mul3A_3863 = arith.muli %add3A_3861, %mul3A_3862 : i32
    %add3A_3864 = arith.constant 48 : i32
    %add3A_3865 = arith.addi %mul3A_3863, %add3A_3864 : i32
    %dma_wait3A_3866 = arith.constant 0 : i32
    %dma_wait3A_3867 = arith.constant 0 : i32
    %dma_wait3A_3868 = tpu.memref_slice %arg2[%add3A_3865, %dma_wait3A_3866, %dma_wait3A_3867] : memref<14336x56x64xf32, #tpu.memory_space<hbm>> -> memref<8x56x64xf32, #tpu.memory_space<hbm>>
    %dma_wait3A_3869 = arith.constant 0 : i32
    %dma_wait3A_3870 = arith.constant 0 : i32
    %dma_wait3A_3871 = tpu.memref_slice %arg2[%add3A_3865, %dma_wait3A_3869, %dma_wait3A_3870] : memref<14336x56x64xf32, #tpu.memory_space<hbm>> -> memref<8x56x64xf32, #tpu.memory_space<hbm>>
    tpu.wait_dma2 semaphore(%arg8 : memref<!tpu.dma_semaphore, #tpu.memory_space<semaphore_mem>>) src(%dma_wait3A_3871 : memref<8x56x64xf32, #tpu.memory_space<hbm>>) dst(%arg6 : memref<8x56x64xf32, #tpu.memory_space<vmem>>)
    %mul3A_3872 = arith.constant 8 : i32
    %mul3A_3873 = arith.muli %add3A, %mul3A_3872 : i32
    %add3A_3874 = arith.constant 6 : i32
    %add3A_3875 = arith.addi %mul3A_3873, %add3A_3874 : i32
    %mul3A_3876 = arith.constant 56 : i32
    %mul3A_3877 = arith.muli %add3A_3875, %mul3A_3876 : i32
    %add3A_3878 = arith.constant 48 : i32
    %add3A_3879 = arith.addi %mul3A_3877, %add3A_3878 : i32
    %dma_start3A_3880 = arith.constant 0 : i32
    %dma_start3A_3881 = arith.constant 0 : i32
    %dma_start3A_3882 = tpu.memref_slice %arg4[%add3A_3879, %dma_start3A_3880, %dma_start3A_3881] : memref<14336x56x64xf32, #tpu.memory_space<hbm>> -> memref<8x56x64xf32, #tpu.memory_space<hbm>>
    %dma_start3A_3883 = arith.constant 0 : i32
    %dma_start3A_3884 = arith.constant 0 : i32
    %dma_start3A_3885 = tpu.memref_slice %arg4[%add3A_3879, %dma_start3A_3883, %dma_start3A_3884] : memref<14336x56x64xf32, #tpu.memory_space<hbm>> -> memref<8x56x64xf32, #tpu.memory_space<hbm>>
    tpu.enqueue_dma source(%arg6 : memref<8x56x64xf32, #tpu.memory_space<vmem>>) target(%dma_start3A_3885 : memref<8x56x64xf32, #tpu.memory_space<hbm>>) target_semaphore(%arg10 : memref<!tpu.dma_semaphore, #tpu.memory_space<semaphore_mem>>)
    %mul3A_3886 = arith.constant 8 : i32
    %mul3A_3887 = arith.muli %add3A, %mul3A_3886 : i32
    %add3A_3888 = arith.constant 6 : i32
    %add3A_3889 = arith.addi %mul3A_3887, %add3A_3888 : i32
    %mul3A_3890 = arith.constant 56 : i32
    %mul3A_3891 = arith.muli %add3A_3889, %mul3A_3890 : i32
    %add3A_3892 = arith.constant 40 : i32
    %add3A_3893 = arith.addi %mul3A_3891, %add3A_3892 : i32
    %dma_wait3A_3894 = arith.constant 0 : i32
    %dma_wait3A_3895 = arith.constant 0 : i32
    %dma_wait3A_3896 = tpu.memref_slice %arg4[%add3A_3893, %dma_wait3A_3894, %dma_wait3A_3895] : memref<14336x56x64xf32, #tpu.memory_space<hbm>> -> memref<8x56x64xf32, #tpu.memory_space<hbm>>
    %dma_wait3A_3897 = arith.constant 0 : i32
    %dma_wait3A_3898 = arith.constant 0 : i32
    %dma_wait3A_3899 = tpu.memref_slice %arg4[%add3A_3893, %dma_wait3A_3897, %dma_wait3A_3898] : memref<14336x56x64xf32, #tpu.memory_space<hbm>> -> memref<8x56x64xf32, #tpu.memory_space<hbm>>
    tpu.wait_dma2 semaphore(%arg11 : memref<!tpu.dma_semaphore, #tpu.memory_space<semaphore_mem>>) src(%arg7 : memref<8x56x64xf32, #tpu.memory_space<vmem>>) dst(%dma_wait3A_3899 : memref<8x56x64xf32, #tpu.memory_space<hbm>>)
    %mul3A_3900 = arith.constant 8 : i32
    %mul3A_3901 = arith.muli %add3A, %mul3A_3900 : i32
    %add3A_3902 = arith.constant 7 : i32
    %add3A_3903 = arith.addi %mul3A_3901, %add3A_3902 : i32
    %shift_right_logical3A_3904 = arith.constant 5 : i32
    %shift_right_logical3A_3905 = arith.shrui %add3A_3903, %shift_right_logical3A_3904 : i32
    %and3A_3906 = arith.constant 31 : i32
    %and3A_3907 = arith.andi %add3A_3903, %and3A_3906 : i32
    %get3A_3908 = arith.index_cast %and3A_3907 : i32 to index
    %get3A_3909 = tpu.vector_load %arg5[%get3A_3908] {strides = array<i32>} : memref<48xi32, #tpu.memory_space<vmem>>, vector<16xi32>,
    %get3A_3910 = vector.shape_cast %get3A_3909 : vector<16xi32> to vector<16xi32>
    %slice3A_3911 = vector.extract_strided_slice %get3A_3910 {offsets = [0], sizes = [1], strides = [1]} : vector<16xi32> to vector<1xi32>
    %squeeze3A_3912 = vector.extract %slice3A_3911[0] : i32 from vector<1xi32>
    %mul3A_3913 = arith.constant 32 : i32
    %mul3A_3914 = arith.muli %shift_right_logical3A_3905, %mul3A_3913 : i32
    %add3A_3915 = arith.addi %mul3A_3914, %squeeze3A_3912 : i32
    %mul3A_3916 = arith.constant 56 : i32
    %mul3A_3917 = arith.muli %add3A_3915, %mul3A_3916 : i32
    %add3A_3918 = arith.constant 0 : i32
    %add3A_3919 = arith.addi %mul3A_3917, %add3A_3918 : i32
    %dma_start3A_3920 = arith.constant 0 : i32
    %dma_start3A_3921 = arith.constant 0 : i32
    %dma_start3A_3922 = tpu.memref_slice %arg2[%add3A_3919, %dma_start3A_3920, %dma_start3A_3921] : memref<14336x56x64xf32, #tpu.memory_space<hbm>> -> memref<8x56x64xf32, #tpu.memory_space<hbm>>
    %dma_start3A_3923 = arith.constant 0 : i32
    %dma_start3A_3924 = arith.constant 0 : i32
    %dma_start3A_3925 = tpu.memref_slice %arg2[%add3A_3919, %dma_start3A_3923, %dma_start3A_3924] : memref<14336x56x64xf32, #tpu.memory_space<hbm>> -> memref<8x56x64xf32, #tpu.memory_space<hbm>>
    tpu.enqueue_dma source(%dma_start3A_3925 : memref<8x56x64xf32, #tpu.memory_space<hbm>>) target(%arg7 : memref<8x56x64xf32, #tpu.memory_space<vmem>>) target_semaphore(%arg9 : memref<!tpu.dma_semaphore, #tpu.memory_space<semaphore_mem>>)
    %mul3A_3926 = arith.constant 8 : i32
    %mul3A_3927 = arith.muli %add3A, %mul3A_3926 : i32
    %add3A_3928 = arith.constant 7 : i32
    %add3A_3929 = arith.addi %mul3A_3927, %add3A_3928 : i32
    %shift_right_logical3A_3930 = arith.constant 5 : i32
    %shift_right_logical3A_3931 = arith.shrui %add3A_3929, %shift_right_logical3A_3930 : i32
    %and3A_3932 = arith.constant 31 : i32
    %and3A_3933 = arith.andi %add3A_3929, %and3A_3932 : i32
    %get3A_3934 = arith.index_cast %and3A_3933 : i32 to index
    %get3A_3935 = tpu.vector_load %arg5[%get3A_3934] {strides = array<i32>} : memref<48xi32, #tpu.memory_space<vmem>>, vector<16xi32>,
    %get3A_3936 = vector.shape_cast %get3A_3935 : vector<16xi32> to vector<16xi32>
    %slice3A_3937 = vector.extract_strided_slice %get3A_3936 {offsets = [0], sizes = [1], strides = [1]} : vector<16xi32> to vector<1xi32>
    %squeeze3A_3938 = vector.extract %slice3A_3937[0] : i32 from vector<1xi32>
    %mul3A_3939 = arith.constant 32 : i32
    %mul3A_3940 = arith.muli %shift_right_logical3A_3931, %mul3A_3939 : i32
    %add3A_3941 = arith.addi %mul3A_3940, %squeeze3A_3938 : i32
    %mul3A_3942 = arith.constant 56 : i32
    %mul3A_3943 = arith.muli %add3A_3941, %mul3A_3942 : i32
    %add3A_3944 = arith.constant 0 : i32
    %add3A_3945 = arith.addi %mul3A_3943, %add3A_3944 : i32
    %dma_wait3A_3946 = arith.constant 0 : i32
    %dma_wait3A_3947 = arith.constant 0 : i32
    %dma_wait3A_3948 = tpu.memref_slice %arg2[%add3A_3945, %dma_wait3A_3946, %dma_wait3A_3947] : memref<14336x56x64xf32, #tpu.memory_space<hbm>> -> memref<8x56x64xf32, #tpu.memory_space<hbm>>
    %dma_wait3A_3949 = arith.constant 0 : i32
    %dma_wait3A_3950 = arith.constant 0 : i32
    %dma_wait3A_3951 = tpu.memref_slice %arg2[%add3A_3945, %dma_wait3A_3949, %dma_wait3A_3950] : memref<14336x56x64xf32, #tpu.memory_space<hbm>> -> memref<8x56x64xf32, #tpu.memory_space<hbm>>
    tpu.wait_dma2 semaphore(%arg9 : memref<!tpu.dma_semaphore, #tpu.memory_space<semaphore_mem>>) src(%dma_wait3A_3951 : memref<8x56x64xf32, #tpu.memory_space<hbm>>) dst(%arg7 : memref<8x56x64xf32, #tpu.memory_space<vmem>>)
    %mul3A_3952 = arith.constant 8 : i32
    %mul3A_3953 = arith.muli %add3A, %mul3A_3952 : i32
    %add3A_3954 = arith.constant 7 : i32
    %add3A_3955 = arith.addi %mul3A_3953, %add3A_3954 : i32
    %mul3A_3956 = arith.constant 56 : i32
    %mul3A_3957 = arith.muli %add3A_3955, %mul3A_3956 : i32
    %add3A_3958 = arith.constant 0 : i32
    %add3A_3959 = arith.addi %mul3A_3957, %add3A_3958 : i32
    %dma_start3A_3960 = arith.constant 0 : i32
    %dma_start3A_3961 = arith.constant 0 : i32
    %dma_start3A_3962 = tpu.memref_slice %arg4[%add3A_3959, %dma_start3A_3960, %dma_start3A_3961] : memref<14336x56x64xf32, #tpu.memory_space<hbm>> -> memref<8x56x64xf32, #tpu.memory_space<hbm>>
    %dma_start3A_3963 = arith.constant 0 : i32
    %dma_start3A_3964 = arith.constant 0 : i32
    %dma_start3A_3965 = tpu.memref_slice %arg4[%add3A_3959, %dma_start3A_3963, %dma_start3A_3964] : memref<14336x56x64xf32, #tpu.memory_space<hbm>> -> memref<8x56x64xf32, #tpu.memory_space<hbm>>
    tpu.enqueue_dma source(%arg7 : memref<8x56x64xf32, #tpu.memory_space<vmem>>) target(%dma_start3A_3965 : memref<8x56x64xf32, #tpu.memory_space<hbm>>) target_semaphore(%arg11 : memref<!tpu.dma_semaphore, #tpu.memory_space<semaphore_mem>>)
    %mul3A_3966 = arith.constant 8 : i32
    %mul3A_3967 = arith.muli %add3A, %mul3A_3966 : i32
    %add3A_3968 = arith.constant 6 : i32
    %add3A_3969 = arith.addi %mul3A_3967, %add3A_3968 : i32
    %mul3A_3970 = arith.constant 56 : i32
    %mul3A_3971 = arith.muli %add3A_3969, %mul3A_3970 : i32
    %add3A_3972 = arith.constant 48 : i32
    %add3A_3973 = arith.addi %mul3A_3971, %add3A_3972 : i32
    %dma_wait3A_3974 = arith.constant 0 : i32
    %dma_wait3A_3975 = arith.constant 0 : i32
    %dma_wait3A_3976 = tpu.memref_slice %arg4[%add3A_3973, %dma_wait3A_3974, %dma_wait3A_3975] : memref<14336x56x64xf32, #tpu.memory_space<hbm>> -> memref<8x56x64xf32, #tpu.memory_space<hbm>>
    %dma_wait3A_3977 = arith.constant 0 : i32
    %dma_wait3A_3978 = arith.constant 0 : i32
    %dma_wait3A_3979 = tpu.memref_slice %arg4[%add3A_3973, %dma_wait3A_3977, %dma_wait3A_3978] : memref<14336x56x64xf32, #tpu.memory_space<hbm>> -> memref<8x56x64xf32, #tpu.memory_space<hbm>>
    tpu.wait_dma2 semaphore(%arg10 : memref<!tpu.dma_semaphore, #tpu.memory_space<semaphore_mem>>) src(%arg6 : memref<8x56x64xf32, #tpu.memory_space<vmem>>) dst(%dma_wait3A_3979 : memref<8x56x64xf32, #tpu.memory_space<hbm>>)
    %mul3A_3980 = arith.constant 8 : i32
    %mul3A_3981 = arith.muli %add3A, %mul3A_3980 : i32
    %add3A_3982 = arith.constant 7 : i32
    %add3A_3983 = arith.addi %mul3A_3981, %add3A_3982 : i32
    %shift_right_logical3A_3984 = arith.constant 5 : i32
    %shift_right_logical3A_3985 = arith.shrui %add3A_3983, %shift_right_logical3A_3984 : i32
    %and3A_3986 = arith.constant 31 : i32
    %and3A_3987 = arith.andi %add3A_3983, %and3A_3986 : i32
    %get3A_3988 = arith.index_cast %and3A_3987 : i32 to index
    %get3A_3989 = tpu.vector_load %arg5[%get3A_3988] {strides = array<i32>} : memref<48xi32, #tpu.memory_space<vmem>>, vector<16xi32>,
    %get3A_3990 = vector.shape_cast %get3A_3989 : vector<16xi32> to vector<16xi32>
    %slice3A_3991 = vector.extract_strided_slice %get3A_3990 {offsets = [0], sizes = [1], strides = [1]} : vector<16xi32> to vector<1xi32>
    %squeeze3A_3992 = vector.extract %slice3A_3991[0] : i32 from vector<1xi32>
    %mul3A_3993 = arith.constant 32 : i32
    %mul3A_3994 = arith.muli %shift_right_logical3A_3985, %mul3A_3993 : i32
    %add3A_3995 = arith.addi %mul3A_3994, %squeeze3A_3992 : i32
    %mul3A_3996 = arith.constant 56 : i32
    %mul3A_3997 = arith.muli %add3A_3995, %mul3A_3996 : i32
    %add3A_3998 = arith.constant 8 : i32
    %add3A_3999 = arith.addi %mul3A_3997, %add3A_3998 : i32
    %dma_start3A_4000 = arith.constant 0 : i32
    %dma_start3A_4001 = arith.constant 0 : i32
    %dma_start3A_4002 = tpu.memref_slice %arg2[%add3A_3999, %dma_start3A_4000, %dma_start3A_4001] : memref<14336x56x64xf32, #tpu.memory_space<hbm>> -> memref<8x56x64xf32, #tpu.memory_space<hbm>>
    %dma_start3A_4003 = arith.constant 0 : i32
    %dma_start3A_4004 = arith.constant 0 : i32
    %dma_start3A_4005 = tpu.memref_slice %arg2[%add3A_3999, %dma_start3A_4003, %dma_start3A_4004] : memref<14336x56x64xf32, #tpu.memory_space<hbm>> -> memref<8x56x64xf32, #tpu.memory_space<hbm>>
    tpu.enqueue_dma source(%dma_start3A_4005 : memref<8x56x64xf32, #tpu.memory_space<hbm>>) target(%arg6 : memref<8x56x64xf32, #tpu.memory_space<vmem>>) target_semaphore(%arg8 : memref<!tpu.dma_semaphore, #tpu.memory_space<semaphore_mem>>)
    %mul3A_4006 = arith.constant 8 : i32
    %mul3A_4007 = arith.muli %add3A, %mul3A_4006 : i32
    %add3A_4008 = arith.constant 7 : i32
    %add3A_4009 = arith.addi %mul3A_4007, %add3A_4008 : i32
    %shift_right_logical3A_4010 = arith.constant 5 : i32
    %shift_right_logical3A_4011 = arith.shrui %add3A_4009, %shift_right_logical3A_4010 : i32
    %and3A_4012 = arith.constant 31 : i32
    %and3A_4013 = arith.andi %add3A_4009, %and3A_4012 : i32
    %get3A_4014 = arith.index_cast %and3A_4013 : i32 to index
    %get3A_4015 = tpu.vector_load %arg5[%get3A_4014] {strides = array<i32>} : memref<48xi32, #tpu.memory_space<vmem>>, vector<16xi32>,
    %get3A_4016 = vector.shape_cast %get3A_4015 : vector<16xi32> to vector<16xi32>
    %slice3A_4017 = vector.extract_strided_slice %get3A_4016 {offsets = [0], sizes = [1], strides = [1]} : vector<16xi32> to vector<1xi32>
    %squeeze3A_4018 = vector.extract %slice3A_4017[0] : i32 from vector<1xi32>
    %mul3A_4019 = arith.constant 32 : i32
    %mul3A_4020 = arith.muli %shift_right_logical3A_4011, %mul3A_4019 : i32
    %add3A_4021 = arith.addi %mul3A_4020, %squeeze3A_4018 : i32
    %mul3A_4022 = arith.constant 56 : i32
    %mul3A_4023 = arith.muli %add3A_4021, %mul3A_4022 : i32
    %add3A_4024 = arith.constant 8 : i32
    %add3A_4025 = arith.addi %mul3A_4023, %add3A_4024 : i32
    %dma_wait3A_4026 = arith.constant 0 : i32
    %dma_wait3A_4027 = arith.constant 0 : i32
    %dma_wait3A_4028 = tpu.memref_slice %arg2[%add3A_4025, %dma_wait3A_4026, %dma_wait3A_4027] : memref<14336x56x64xf32, #tpu.memory_space<hbm>> -> memref<8x56x64xf32, #tpu.memory_space<hbm>>
    %dma_wait3A_4029 = arith.constant 0 : i32
    %dma_wait3A_4030 = arith.constant 0 : i32
    %dma_wait3A_4031 = tpu.memref_slice %arg2[%add3A_4025, %dma_wait3A_4029, %dma_wait3A_4030] : memref<14336x56x64xf32, #tpu.memory_space<hbm>> -> memref<8x56x64xf32, #tpu.memory_space<hbm>>
    tpu.wait_dma2 semaphore(%arg8 : memref<!tpu.dma_semaphore, #tpu.memory_space<semaphore_mem>>) src(%dma_wait3A_4031 : memref<8x56x64xf32, #tpu.memory_space<hbm>>) dst(%arg6 : memref<8x56x64xf32, #tpu.memory_space<vmem>>)
    %mul3A_4032 = arith.constant 8 : i32
    %mul3A_4033 = arith.muli %add3A, %mul3A_4032 : i32
    %add3A_4034 = arith.constant 7 : i32
    %add3A_4035 = arith.addi %mul3A_4033, %add3A_4034 : i32
    %mul3A_4036 = arith.constant 56 : i32
    %mul3A_4037 = arith.muli %add3A_4035, %mul3A_4036 : i32
    %add3A_4038 = arith.constant 8 : i32
    %add3A_4039 = arith.addi %mul3A_4037, %add3A_4038 : i32
    %dma_start3A_4040 = arith.constant 0 : i32
    %dma_start3A_4041 = arith.constant 0 : i32
    %dma_start3A_4042 = tpu.memref_slice %arg4[%add3A_4039, %dma_start3A_4040, %dma_start3A_4041] : memref<14336x56x64xf32, #tpu.memory_space<hbm>> -> memref<8x56x64xf32, #tpu.memory_space<hbm>>
    %dma_start3A_4043 = arith.constant 0 : i32
    %dma_start3A_4044 = arith.constant 0 : i32
    %dma_start3A_4045 = tpu.memref_slice %arg4[%add3A_4039, %dma_start3A_4043, %dma_start3A_4044] : memref<14336x56x64xf32, #tpu.memory_space<hbm>> -> memref<8x56x64xf32, #tpu.memory_space<hbm>>
    tpu.enqueue_dma source(%arg6 : memref<8x56x64xf32, #tpu.memory_space<vmem>>) target(%dma_start3A_4045 : memref<8x56x64xf32, #tpu.memory_space<hbm>>) target_semaphore(%arg10 : memref<!tpu.dma_semaphore, #tpu.memory_space<semaphore_mem>>)
    %mul3A_4046 = arith.constant 8 : i32
    %mul3A_4047 = arith.muli %add3A, %mul3A_4046 : i32
    %add3A_4048 = arith.constant 7 : i32
    %add3A_4049 = arith.addi %mul3A_4047, %add3A_4048 : i32
    %mul3A_4050 = arith.constant 56 : i32
    %mul3A_4051 = arith.muli %add3A_4049, %mul3A_4050 : i32
    %add3A_4052 = arith.constant 0 : i32
    %add3A_4053 = arith.addi %mul3A_4051, %add3A_4052 : i32
    %dma_wait3A_4054 = arith.constant 0 : i32
    %dma_wait3A_4055 = arith.constant 0 : i32
    %dma_wait3A_4056 = tpu.memref_slice %arg4[%add3A_4053, %dma_wait3A_4054, %dma_wait3A_4055] : memref<14336x56x64xf32, #tpu.memory_space<hbm>> -> memref<8x56x64xf32, #tpu.memory_space<hbm>>
    %dma_wait3A_4057 = arith.constant 0 : i32
    %dma_wait3A_4058 = arith.constant 0 : i32
    %dma_wait3A_4059 = tpu.memref_slice %arg4[%add3A_4053, %dma_wait3A_4057, %dma_wait3A_4058] : memref<14336x56x64xf32, #tpu.memory_space<hbm>> -> memref<8x56x64xf32, #tpu.memory_space<hbm>>
    tpu.wait_dma2 semaphore(%arg11 : memref<!tpu.dma_semaphore, #tpu.memory_space<semaphore_mem>>) src(%arg7 : memref<8x56x64xf32, #tpu.memory_space<vmem>>) dst(%dma_wait3A_4059 : memref<8x56x64xf32, #tpu.memory_space<hbm>>)
    %mul3A_4060 = arith.constant 8 : i32
    %mul3A_4061 = arith.muli %add3A, %mul3A_4060 : i32
    %add3A_4062 = arith.constant 7 : i32
    %add3A_4063 = arith.addi %mul3A_4061, %add3A_4062 : i32
    %shift_right_logical3A_4064 = arith.constant 5 : i32
    %shift_right_logical3A_4065 = arith.shrui %add3A_4063, %shift_right_logical3A_4064 : i32
    %and3A_4066 = arith.constant 31 : i32
    %and3A_4067 = arith.andi %add3A_4063, %and3A_4066 : i32
    %get3A_4068 = arith.index_cast %and3A_4067 : i32 to index
    %get3A_4069 = tpu.vector_load %arg5[%get3A_4068] {strides = array<i32>} : memref<48xi32, #tpu.memory_space<vmem>>, vector<16xi32>,
    %get3A_4070 = vector.shape_cast %get3A_4069 : vector<16xi32> to vector<16xi32>
    %slice3A_4071 = vector.extract_strided_slice %get3A_4070 {offsets = [0], sizes = [1], strides = [1]} : vector<16xi32> to vector<1xi32>
    %squeeze3A_4072 = vector.extract %slice3A_4071[0] : i32 from vector<1xi32>
    %mul3A_4073 = arith.constant 32 : i32
    %mul3A_4074 = arith.muli %shift_right_logical3A_4065, %mul3A_4073 : i32
    %add3A_4075 = arith.addi %mul3A_4074, %squeeze3A_4072 : i32
    %mul3A_4076 = arith.constant 56 : i32
    %mul3A_4077 = arith.muli %add3A_4075, %mul3A_4076 : i32
    %add3A_4078 = arith.constant 16 : i32
    %add3A_4079 = arith.addi %mul3A_4077, %add3A_4078 : i32
    %dma_start3A_4080 = arith.constant 0 : i32
    %dma_start3A_4081 = arith.constant 0 : i32
    %dma_start3A_4082 = tpu.memref_slice %arg2[%add3A_4079, %dma_start3A_4080, %dma_start3A_4081] : memref<14336x56x64xf32, #tpu.memory_space<hbm>> -> memref<8x56x64xf32, #tpu.memory_space<hbm>>
    %dma_start3A_4083 = arith.constant 0 : i32
    %dma_start3A_4084 = arith.constant 0 : i32
    %dma_start3A_4085 = tpu.memref_slice %arg2[%add3A_4079, %dma_start3A_4083, %dma_start3A_4084] : memref<14336x56x64xf32, #tpu.memory_space<hbm>> -> memref<8x56x64xf32, #tpu.memory_space<hbm>>
    tpu.enqueue_dma source(%dma_start3A_4085 : memref<8x56x64xf32, #tpu.memory_space<hbm>>) target(%arg7 : memref<8x56x64xf32, #tpu.memory_space<vmem>>) target_semaphore(%arg9 : memref<!tpu.dma_semaphore, #tpu.memory_space<semaphore_mem>>)
    %mul3A_4086 = arith.constant 8 : i32
    %mul3A_4087 = arith.muli %add3A, %mul3A_4086 : i32
    %add3A_4088 = arith.constant 7 : i32
    %add3A_4089 = arith.addi %mul3A_4087, %add3A_4088 : i32
    %shift_right_logical3A_4090 = arith.constant 5 : i32
    %shift_right_logical3A_4091 = arith.shrui %add3A_4089, %shift_right_logical3A_4090 : i32
    %and3A_4092 = arith.constant 31 : i32
    %and3A_4093 = arith.andi %add3A_4089, %and3A_4092 : i32
    %get3A_4094 = arith.index_cast %and3A_4093 : i32 to index
    %get3A_4095 = tpu.vector_load %arg5[%get3A_4094] {strides = array<i32>} : memref<48xi32, #tpu.memory_space<vmem>>, vector<16xi32>,
    %get3A_4096 = vector.shape_cast %get3A_4095 : vector<16xi32> to vector<16xi32>
    %slice3A_4097 = vector.extract_strided_slice %get3A_4096 {offsets = [0], sizes = [1], strides = [1]} : vector<16xi32> to vector<1xi32>
    %squeeze3A_4098 = vector.extract %slice3A_4097[0] : i32 from vector<1xi32>
    %mul3A_4099 = arith.constant 32 : i32
    %mul3A_4100 = arith.muli %shift_right_logical3A_4091, %mul3A_4099 : i32
    %add3A_4101 = arith.addi %mul3A_4100, %squeeze3A_4098 : i32
    %mul3A_4102 = arith.constant 56 : i32
    %mul3A_4103 = arith.muli %add3A_4101, %mul3A_4102 : i32
    %add3A_4104 = arith.constant 16 : i32
    %add3A_4105 = arith.addi %mul3A_4103, %add3A_4104 : i32
    %dma_wait3A_4106 = arith.constant 0 : i32
    %dma_wait3A_4107 = arith.constant 0 : i32
    %dma_wait3A_4108 = tpu.memref_slice %arg2[%add3A_4105, %dma_wait3A_4106, %dma_wait3A_4107] : memref<14336x56x64xf32, #tpu.memory_space<hbm>> -> memref<8x56x64xf32, #tpu.memory_space<hbm>>
    %dma_wait3A_4109 = arith.constant 0 : i32
    %dma_wait3A_4110 = arith.constant 0 : i32
    %dma_wait3A_4111 = tpu.memref_slice %arg2[%add3A_4105, %dma_wait3A_4109, %dma_wait3A_4110] : memref<14336x56x64xf32, #tpu.memory_space<hbm>> -> memref<8x56x64xf32, #tpu.memory_space<hbm>>
    tpu.wait_dma2 semaphore(%arg9 : memref<!tpu.dma_semaphore, #tpu.memory_space<semaphore_mem>>) src(%dma_wait3A_4111 : memref<8x56x64xf32, #tpu.memory_space<hbm>>) dst(%arg7 : memref<8x56x64xf32, #tpu.memory_space<vmem>>)
    %mul3A_4112 = arith.constant 8 : i32
    %mul3A_4113 = arith.muli %add3A, %mul3A_4112 : i32
    %add3A_4114 = arith.constant 7 : i32
    %add3A_4115 = arith.addi %mul3A_4113, %add3A_4114 : i32
    %mul3A_4116 = arith.constant 56 : i32
    %mul3A_4117 = arith.muli %add3A_4115, %mul3A_4116 : i32
    %add3A_4118 = arith.constant 16 : i32
    %add3A_4119 = arith.addi %mul3A_4117, %add3A_4118 : i32
    %dma_start3A_4120 = arith.constant 0 : i32
    %dma_start3A_4121 = arith.constant 0 : i32
    %dma_start3A_4122 = tpu.memref_slice %arg4[%add3A_4119, %dma_start3A_4120, %dma_start3A_4121] : memref<14336x56x64xf32, #tpu.memory_space<hbm>> -> memref<8x56x64xf32, #tpu.memory_space<hbm>>
    %dma_start3A_4123 = arith.constant 0 : i32
    %dma_start3A_4124 = arith.constant 0 : i32
    %dma_start3A_4125 = tpu.memref_slice %arg4[%add3A_4119, %dma_start3A_4123, %dma_start3A_4124] : memref<14336x56x64xf32, #tpu.memory_space<hbm>> -> memref<8x56x64xf32, #tpu.memory_space<hbm>>
    tpu.enqueue_dma source(%arg7 : memref<8x56x64xf32, #tpu.memory_space<vmem>>) target(%dma_start3A_4125 : memref<8x56x64xf32, #tpu.memory_space<hbm>>) target_semaphore(%arg11 : memref<!tpu.dma_semaphore, #tpu.memory_space<semaphore_mem>>)
    %mul3A_4126 = arith.constant 8 : i32
    %mul3A_4127 = arith.muli %add3A, %mul3A_4126 : i32
    %add3A_4128 = arith.constant 7 : i32
    %add3A_4129 = arith.addi %mul3A_4127, %add3A_4128 : i32
    %mul3A_4130 = arith.constant 56 : i32
    %mul3A_4131 = arith.muli %add3A_4129, %mul3A_4130 : i32
    %add3A_4132 = arith.constant 8 : i32
    %add3A_4133 = arith.addi %mul3A_4131, %add3A_4132 : i32
    %dma_wait3A_4134 = arith.constant 0 : i32
    %dma_wait3A_4135 = arith.constant 0 : i32
    %dma_wait3A_4136 = tpu.memref_slice %arg4[%add3A_4133, %dma_wait3A_4134, %dma_wait3A_4135] : memref<14336x56x64xf32, #tpu.memory_space<hbm>> -> memref<8x56x64xf32, #tpu.memory_space<hbm>>
    %dma_wait3A_4137 = arith.constant 0 : i32
    %dma_wait3A_4138 = arith.constant 0 : i32
    %dma_wait3A_4139 = tpu.memref_slice %arg4[%add3A_4133, %dma_wait3A_4137, %dma_wait3A_4138] : memref<14336x56x64xf32, #tpu.memory_space<hbm>> -> memref<8x56x64xf32, #tpu.memory_space<hbm>>
    tpu.wait_dma2 semaphore(%arg10 : memref<!tpu.dma_semaphore, #tpu.memory_space<semaphore_mem>>) src(%arg6 : memref<8x56x64xf32, #tpu.memory_space<vmem>>) dst(%dma_wait3A_4139 : memref<8x56x64xf32, #tpu.memory_space<hbm>>)
    %mul3A_4140 = arith.constant 8 : i32
    %mul3A_4141 = arith.muli %add3A, %mul3A_4140 : i32
    %add3A_4142 = arith.constant 7 : i32
    %add3A_4143 = arith.addi %mul3A_4141, %add3A_4142 : i32
    %shift_right_logical3A_4144 = arith.constant 5 : i32
    %shift_right_logical3A_4145 = arith.shrui %add3A_4143, %shift_right_logical3A_4144 : i32
    %and3A_4146 = arith.constant 31 : i32
    %and3A_4147 = arith.andi %add3A_4143, %and3A_4146 : i32
    %get3A_4148 = arith.index_cast %and3A_4147 : i32 to index
    %get3A_4149 = tpu.vector_load %arg5[%get3A_4148] {strides = array<i32>} : memref<48xi32, #tpu.memory_space<vmem>>, vector<16xi32>,
    %get3A_4150 = vector.shape_cast %get3A_4149 : vector<16xi32> to vector<16xi32>
    %slice3A_4151 = vector.extract_strided_slice %get3A_4150 {offsets = [0], sizes = [1], strides = [1]} : vector<16xi32> to vector<1xi32>
    %squeeze3A_4152 = vector.extract %slice3A_4151[0] : i32 from vector<1xi32>
    %mul3A_4153 = arith.constant 32 : i32
    %mul3A_4154 = arith.muli %shift_right_logical3A_4145, %mul3A_4153 : i32
    %add3A_4155 = arith.addi %mul3A_4154, %squeeze3A_4152 : i32
    %mul3A_4156 = arith.constant 56 : i32
    %mul3A_4157 = arith.muli %add3A_4155, %mul3A_4156 : i32
    %add3A_4158 = arith.constant 24 : i32
    %add3A_4159 = arith.addi %mul3A_4157, %add3A_4158 : i32
    %dma_start3A_4160 = arith.constant 0 : i32
    %dma_start3A_4161 = arith.constant 0 : i32
    %dma_start3A_4162 = tpu.memref_slice %arg2[%add3A_4159, %dma_start3A_4160, %dma_start3A_4161] : memref<14336x56x64xf32, #tpu.memory_space<hbm>> -> memref<8x56x64xf32, #tpu.memory_space<hbm>>
    %dma_start3A_4163 = arith.constant 0 : i32
    %dma_start3A_4164 = arith.constant 0 : i32
    %dma_start3A_4165 = tpu.memref_slice %arg2[%add3A_4159, %dma_start3A_4163, %dma_start3A_4164] : memref<14336x56x64xf32, #tpu.memory_space<hbm>> -> memref<8x56x64xf32, #tpu.memory_space<hbm>>
    tpu.enqueue_dma source(%dma_start3A_4165 : memref<8x56x64xf32, #tpu.memory_space<hbm>>) target(%arg6 : memref<8x56x64xf32, #tpu.memory_space<vmem>>) target_semaphore(%arg8 : memref<!tpu.dma_semaphore, #tpu.memory_space<semaphore_mem>>)
    %mul3A_4166 = arith.constant 8 : i32
    %mul3A_4167 = arith.muli %add3A, %mul3A_4166 : i32
    %add3A_4168 = arith.constant 7 : i32
    %add3A_4169 = arith.addi %mul3A_4167, %add3A_4168 : i32
    %shift_right_logical3A_4170 = arith.constant 5 : i32
    %shift_right_logical3A_4171 = arith.shrui %add3A_4169, %shift_right_logical3A_4170 : i32
    %and3A_4172 = arith.constant 31 : i32
    %and3A_4173 = arith.andi %add3A_4169, %and3A_4172 : i32
    %get3A_4174 = arith.index_cast %and3A_4173 : i32 to index
    %get3A_4175 = tpu.vector_load %arg5[%get3A_4174] {strides = array<i32>} : memref<48xi32, #tpu.memory_space<vmem>>, vector<16xi32>,
    %get3A_4176 = vector.shape_cast %get3A_4175 : vector<16xi32> to vector<16xi32>
    %slice3A_4177 = vector.extract_strided_slice %get3A_4176 {offsets = [0], sizes = [1], strides = [1]} : vector<16xi32> to vector<1xi32>
    %squeeze3A_4178 = vector.extract %slice3A_4177[0] : i32 from vector<1xi32>
    %mul3A_4179 = arith.constant 32 : i32
    %mul3A_4180 = arith.muli %shift_right_logical3A_4171, %mul3A_4179 : i32
    %add3A_4181 = arith.addi %mul3A_4180, %squeeze3A_4178 : i32
    %mul3A_4182 = arith.constant 56 : i32
    %mul3A_4183 = arith.muli %add3A_4181, %mul3A_4182 : i32
    %add3A_4184 = arith.constant 24 : i32
    %add3A_4185 = arith.addi %mul3A_4183, %add3A_4184 : i32
    %dma_wait3A_4186 = arith.constant 0 : i32
    %dma_wait3A_4187 = arith.constant 0 : i32
    %dma_wait3A_4188 = tpu.memref_slice %arg2[%add3A_4185, %dma_wait3A_4186, %dma_wait3A_4187] : memref<14336x56x64xf32, #tpu.memory_space<hbm>> -> memref<8x56x64xf32, #tpu.memory_space<hbm>>
    %dma_wait3A_4189 = arith.constant 0 : i32
    %dma_wait3A_4190 = arith.constant 0 : i32
    %dma_wait3A_4191 = tpu.memref_slice %arg2[%add3A_4185, %dma_wait3A_4189, %dma_wait3A_4190] : memref<14336x56x64xf32, #tpu.memory_space<hbm>> -> memref<8x56x64xf32, #tpu.memory_space<hbm>>
    tpu.wait_dma2 semaphore(%arg8 : memref<!tpu.dma_semaphore, #tpu.memory_space<semaphore_mem>>) src(%dma_wait3A_4191 : memref<8x56x64xf32, #tpu.memory_space<hbm>>) dst(%arg6 : memref<8x56x64xf32, #tpu.memory_space<vmem>>)
    %mul3A_4192 = arith.constant 8 : i32
    %mul3A_4193 = arith.muli %add3A, %mul3A_4192 : i32
    %add3A_4194 = arith.constant 7 : i32
    %add3A_4195 = arith.addi %mul3A_4193, %add3A_4194 : i32
    %mul3A_4196 = arith.constant 56 : i32
    %mul3A_4197 = arith.muli %add3A_4195, %mul3A_4196 : i32
    %add3A_4198 = arith.constant 24 : i32
    %add3A_4199 = arith.addi %mul3A_4197, %add3A_4198 : i32
    %dma_start3A_4200 = arith.constant 0 : i32
    %dma_start3A_4201 = arith.constant 0 : i32
    %dma_start3A_4202 = tpu.memref_slice %arg4[%add3A_4199, %dma_start3A_4200, %dma_start3A_4201] : memref<14336x56x64xf32, #tpu.memory_space<hbm>> -> memref<8x56x64xf32, #tpu.memory_space<hbm>>
    %dma_start3A_4203 = arith.constant 0 : i32
    %dma_start3A_4204 = arith.constant 0 : i32
    %dma_start3A_4205 = tpu.memref_slice %arg4[%add3A_4199, %dma_start3A_4203, %dma_start3A_4204] : memref<14336x56x64xf32, #tpu.memory_space<hbm>> -> memref<8x56x64xf32, #tpu.memory_space<hbm>>
    tpu.enqueue_dma source(%arg6 : memref<8x56x64xf32, #tpu.memory_space<vmem>>) target(%dma_start3A_4205 : memref<8x56x64xf32, #tpu.memory_space<hbm>>) target_semaphore(%arg10 : memref<!tpu.dma_semaphore, #tpu.memory_space<semaphore_mem>>)
    %mul3A_4206 = arith.constant 8 : i32
    %mul3A_4207 = arith.muli %add3A, %mul3A_4206 : i32
    %add3A_4208 = arith.constant 7 : i32
    %add3A_4209 = arith.addi %mul3A_4207, %add3A_4208 : i32
    %mul3A_4210 = arith.constant 56 : i32
    %mul3A_4211 = arith.muli %add3A_4209, %mul3A_4210 : i32
    %add3A_4212 = arith.constant 16 : i32
    %add3A_4213 = arith.addi %mul3A_4211, %add3A_4212 : i32
    %dma_wait3A_4214 = arith.constant 0 : i32
    %dma_wait3A_4215 = arith.constant 0 : i32
    %dma_wait3A_4216 = tpu.memref_slice %arg4[%add3A_4213, %dma_wait3A_4214, %dma_wait3A_4215] : memref<14336x56x64xf32, #tpu.memory_space<hbm>> -> memref<8x56x64xf32, #tpu.memory_space<hbm>>
    %dma_wait3A_4217 = arith.constant 0 : i32
    %dma_wait3A_4218 = arith.constant 0 : i32
    %dma_wait3A_4219 = tpu.memref_slice %arg4[%add3A_4213, %dma_wait3A_4217, %dma_wait3A_4218] : memref<14336x56x64xf32, #tpu.memory_space<hbm>> -> memref<8x56x64xf32, #tpu.memory_space<hbm>>
    tpu.wait_dma2 semaphore(%arg11 : memref<!tpu.dma_semaphore, #tpu.memory_space<semaphore_mem>>) src(%arg7 : memref<8x56x64xf32, #tpu.memory_space<vmem>>) dst(%dma_wait3A_4219 : memref<8x56x64xf32, #tpu.memory_space<hbm>>)
    %mul3A_4220 = arith.constant 8 : i32
    %mul3A_4221 = arith.muli %add3A, %mul3A_4220 : i32
    %add3A_4222 = arith.constant 7 : i32
    %add3A_4223 = arith.addi %mul3A_4221, %add3A_4222 : i32
    %shift_right_logical3A_4224 = arith.constant 5 : i32
    %shift_right_logical3A_4225 = arith.shrui %add3A_4223, %shift_right_logical3A_4224 : i32
    %and3A_4226 = arith.constant 31 : i32
    %and3A_4227 = arith.andi %add3A_4223, %and3A_4226 : i32
    %get3A_4228 = arith.index_cast %and3A_4227 : i32 to index
    %get3A_4229 = tpu.vector_load %arg5[%get3A_4228] {strides = array<i32>} : memref<48xi32, #tpu.memory_space<vmem>>, vector<16xi32>,
    %get3A_4230 = vector.shape_cast %get3A_4229 : vector<16xi32> to vector<16xi32>
    %slice3A_4231 = vector.extract_strided_slice %get3A_4230 {offsets = [0], sizes = [1], strides = [1]} : vector<16xi32> to vector<1xi32>
    %squeeze3A_4232 = vector.extract %slice3A_4231[0] : i32 from vector<1xi32>
    %mul3A_4233 = arith.constant 32 : i32
    %mul3A_4234 = arith.muli %shift_right_logical3A_4225, %mul3A_4233 : i32
    %add3A_4235 = arith.addi %mul3A_4234, %squeeze3A_4232 : i32
    %mul3A_4236 = arith.constant 56 : i32
    %mul3A_4237 = arith.muli %add3A_4235, %mul3A_4236 : i32
    %add3A_4238 = arith.constant 32 : i32
    %add3A_4239 = arith.addi %mul3A_4237, %add3A_4238 : i32
    %dma_start3A_4240 = arith.constant 0 : i32
    %dma_start3A_4241 = arith.constant 0 : i32
    %dma_start3A_4242 = tpu.memref_slice %arg2[%add3A_4239, %dma_start3A_4240, %dma_start3A_4241] : memref<14336x56x64xf32, #tpu.memory_space<hbm>> -> memref<8x56x64xf32, #tpu.memory_space<hbm>>
    %dma_start3A_4243 = arith.constant 0 : i32
    %dma_start3A_4244 = arith.constant 0 : i32
    %dma_start3A_4245 = tpu.memref_slice %arg2[%add3A_4239, %dma_start3A_4243, %dma_start3A_4244] : memref<14336x56x64xf32, #tpu.memory_space<hbm>> -> memref<8x56x64xf32, #tpu.memory_space<hbm>>
    tpu.enqueue_dma source(%dma_start3A_4245 : memref<8x56x64xf32, #tpu.memory_space<hbm>>) target(%arg7 : memref<8x56x64xf32, #tpu.memory_space<vmem>>) target_semaphore(%arg9 : memref<!tpu.dma_semaphore, #tpu.memory_space<semaphore_mem>>)
    %mul3A_4246 = arith.constant 8 : i32
    %mul3A_4247 = arith.muli %add3A, %mul3A_4246 : i32
    %add3A_4248 = arith.constant 7 : i32
    %add3A_4249 = arith.addi %mul3A_4247, %add3A_4248 : i32
    %shift_right_logical3A_4250 = arith.constant 5 : i32
    %shift_right_logical3A_4251 = arith.shrui %add3A_4249, %shift_right_logical3A_4250 : i32
    %and3A_4252 = arith.constant 31 : i32
    %and3A_4253 = arith.andi %add3A_4249, %and3A_4252 : i32
    %get3A_4254 = arith.index_cast %and3A_4253 : i32 to index
    %get3A_4255 = tpu.vector_load %arg5[%get3A_4254] {strides = array<i32>} : memref<48xi32, #tpu.memory_space<vmem>>, vector<16xi32>,
    %get3A_4256 = vector.shape_cast %get3A_4255 : vector<16xi32> to vector<16xi32>
    %slice3A_4257 = vector.extract_strided_slice %get3A_4256 {offsets = [0], sizes = [1], strides = [1]} : vector<16xi32> to vector<1xi32>
    %squeeze3A_4258 = vector.extract %slice3A_4257[0] : i32 from vector<1xi32>
    %mul3A_4259 = arith.constant 32 : i32
    %mul3A_4260 = arith.muli %shift_right_logical3A_4251, %mul3A_4259 : i32
    %add3A_4261 = arith.addi %mul3A_4260, %squeeze3A_4258 : i32
    %mul3A_4262 = arith.constant 56 : i32
    %mul3A_4263 = arith.muli %add3A_4261, %mul3A_4262 : i32
    %add3A_4264 = arith.constant 32 : i32
    %add3A_4265 = arith.addi %mul3A_4263, %add3A_4264 : i32
    %dma_wait3A_4266 = arith.constant 0 : i32
    %dma_wait3A_4267 = arith.constant 0 : i32
    %dma_wait3A_4268 = tpu.memref_slice %arg2[%add3A_4265, %dma_wait3A_4266, %dma_wait3A_4267] : memref<14336x56x64xf32, #tpu.memory_space<hbm>> -> memref<8x56x64xf32, #tpu.memory_space<hbm>>
    %dma_wait3A_4269 = arith.constant 0 : i32
    %dma_wait3A_4270 = arith.constant 0 : i32
    %dma_wait3A_4271 = tpu.memref_slice %arg2[%add3A_4265, %dma_wait3A_4269, %dma_wait3A_4270] : memref<14336x56x64xf32, #tpu.memory_space<hbm>> -> memref<8x56x64xf32, #tpu.memory_space<hbm>>
    tpu.wait_dma2 semaphore(%arg9 : memref<!tpu.dma_semaphore, #tpu.memory_space<semaphore_mem>>) src(%dma_wait3A_4271 : memref<8x56x64xf32, #tpu.memory_space<hbm>>) dst(%arg7 : memref<8x56x64xf32, #tpu.memory_space<vmem>>)
    %mul3A_4272 = arith.constant 8 : i32
    %mul3A_4273 = arith.muli %add3A, %mul3A_4272 : i32
    %add3A_4274 = arith.constant 7 : i32
    %add3A_4275 = arith.addi %mul3A_4273, %add3A_4274 : i32
    %mul3A_4276 = arith.constant 56 : i32
    %mul3A_4277 = arith.muli %add3A_4275, %mul3A_4276 : i32
    %add3A_4278 = arith.constant 32 : i32
    %add3A_4279 = arith.addi %mul3A_4277, %add3A_4278 : i32
    %dma_start3A_4280 = arith.constant 0 : i32
    %dma_start3A_4281 = arith.constant 0 : i32
    %dma_start3A_4282 = tpu.memref_slice %arg4[%add3A_4279, %dma_start3A_4280, %dma_start3A_4281] : memref<14336x56x64xf32, #tpu.memory_space<hbm>> -> memref<8x56x64xf32, #tpu.memory_space<hbm>>
    %dma_start3A_4283 = arith.constant 0 : i32
    %dma_start3A_4284 = arith.constant 0 : i32
    %dma_start3A_4285 = tpu.memref_slice %arg4[%add3A_4279, %dma_start3A_4283, %dma_start3A_4284] : memref<14336x56x64xf32, #tpu.memory_space<hbm>> -> memref<8x56x64xf32, #tpu.memory_space<hbm>>
    tpu.enqueue_dma source(%arg7 : memref<8x56x64xf32, #tpu.memory_space<vmem>>) target(%dma_start3A_4285 : memref<8x56x64xf32, #tpu.memory_space<hbm>>) target_semaphore(%arg11 : memref<!tpu.dma_semaphore, #tpu.memory_space<semaphore_mem>>)
    %mul3A_4286 = arith.constant 8 : i32
    %mul3A_4287 = arith.muli %add3A, %mul3A_4286 : i32
    %add3A_4288 = arith.constant 7 : i32
    %add3A_4289 = arith.addi %mul3A_4287, %add3A_4288 : i32
    %mul3A_4290 = arith.constant 56 : i32
    %mul3A_4291 = arith.muli %add3A_4289, %mul3A_4290 : i32
    %add3A_4292 = arith.constant 24 : i32
    %add3A_4293 = arith.addi %mul3A_4291, %add3A_4292 : i32
    %dma_wait3A_4294 = arith.constant 0 : i32
    %dma_wait3A_4295 = arith.constant 0 : i32
    %dma_wait3A_4296 = tpu.memref_slice %arg4[%add3A_4293, %dma_wait3A_4294, %dma_wait3A_4295] : memref<14336x56x64xf32, #tpu.memory_space<hbm>> -> memref<8x56x64xf32, #tpu.memory_space<hbm>>
    %dma_wait3A_4297 = arith.constant 0 : i32
    %dma_wait3A_4298 = arith.constant 0 : i32
    %dma_wait3A_4299 = tpu.memref_slice %arg4[%add3A_4293, %dma_wait3A_4297, %dma_wait3A_4298] : memref<14336x56x64xf32, #tpu.memory_space<hbm>> -> memref<8x56x64xf32, #tpu.memory_space<hbm>>
    tpu.wait_dma2 semaphore(%arg10 : memref<!tpu.dma_semaphore, #tpu.memory_space<semaphore_mem>>) src(%arg6 : memref<8x56x64xf32, #tpu.memory_space<vmem>>) dst(%dma_wait3A_4299 : memref<8x56x64xf32, #tpu.memory_space<hbm>>)
    %mul3A_4300 = arith.constant 8 : i32
    %mul3A_4301 = arith.muli %add3A, %mul3A_4300 : i32
    %add3A_4302 = arith.constant 7 : i32
    %add3A_4303 = arith.addi %mul3A_4301, %add3A_4302 : i32
    %shift_right_logical3A_4304 = arith.constant 5 : i32
    %shift_right_logical3A_4305 = arith.shrui %add3A_4303, %shift_right_logical3A_4304 : i32
    %and3A_4306 = arith.constant 31 : i32
    %and3A_4307 = arith.andi %add3A_4303, %and3A_4306 : i32
    %get3A_4308 = arith.index_cast %and3A_4307 : i32 to index
    %get3A_4309 = tpu.vector_load %arg5[%get3A_4308] {strides = array<i32>} : memref<48xi32, #tpu.memory_space<vmem>>, vector<16xi32>,
    %get3A_4310 = vector.shape_cast %get3A_4309 : vector<16xi32> to vector<16xi32>
    %slice3A_4311 = vector.extract_strided_slice %get3A_4310 {offsets = [0], sizes = [1], strides = [1]} : vector<16xi32> to vector<1xi32>
    %squeeze3A_4312 = vector.extract %slice3A_4311[0] : i32 from vector<1xi32>
    %mul3A_4313 = arith.constant 32 : i32
    %mul3A_4314 = arith.muli %shift_right_logical3A_4305, %mul3A_4313 : i32
    %add3A_4315 = arith.addi %mul3A_4314, %squeeze3A_4312 : i32
    %mul3A_4316 = arith.constant 56 : i32
    %mul3A_4317 = arith.muli %add3A_4315, %mul3A_4316 : i32
    %add3A_4318 = arith.constant 40 : i32
    %add3A_4319 = arith.addi %mul3A_4317, %add3A_4318 : i32
    %dma_start3A_4320 = arith.constant 0 : i32
    %dma_start3A_4321 = arith.constant 0 : i32
    %dma_start3A_4322 = tpu.memref_slice %arg2[%add3A_4319, %dma_start3A_4320, %dma_start3A_4321] : memref<14336x56x64xf32, #tpu.memory_space<hbm>> -> memref<8x56x64xf32, #tpu.memory_space<hbm>>
    %dma_start3A_4323 = arith.constant 0 : i32
    %dma_start3A_4324 = arith.constant 0 : i32
    %dma_start3A_4325 = tpu.memref_slice %arg2[%add3A_4319, %dma_start3A_4323, %dma_start3A_4324] : memref<14336x56x64xf32, #tpu.memory_space<hbm>> -> memref<8x56x64xf32, #tpu.memory_space<hbm>>
    tpu.enqueue_dma source(%dma_start3A_4325 : memref<8x56x64xf32, #tpu.memory_space<hbm>>) target(%arg6 : memref<8x56x64xf32, #tpu.memory_space<vmem>>) target_semaphore(%arg8 : memref<!tpu.dma_semaphore, #tpu.memory_space<semaphore_mem>>)
    %mul3A_4326 = arith.constant 8 : i32
    %mul3A_4327 = arith.muli %add3A, %mul3A_4326 : i32
    %add3A_4328 = arith.constant 7 : i32
    %add3A_4329 = arith.addi %mul3A_4327, %add3A_4328 : i32
    %shift_right_logical3A_4330 = arith.constant 5 : i32
    %shift_right_logical3A_4331 = arith.shrui %add3A_4329, %shift_right_logical3A_4330 : i32
    %and3A_4332 = arith.constant 31 : i32
    %and3A_4333 = arith.andi %add3A_4329, %and3A_4332 : i32
    %get3A_4334 = arith.index_cast %and3A_4333 : i32 to index
    %get3A_4335 = tpu.vector_load %arg5[%get3A_4334] {strides = array<i32>} : memref<48xi32, #tpu.memory_space<vmem>>, vector<16xi32>,
    %get3A_4336 = vector.shape_cast %get3A_4335 : vector<16xi32> to vector<16xi32>
    %slice3A_4337 = vector.extract_strided_slice %get3A_4336 {offsets = [0], sizes = [1], strides = [1]} : vector<16xi32> to vector<1xi32>
    %squeeze3A_4338 = vector.extract %slice3A_4337[0] : i32 from vector<1xi32>
    %mul3A_4339 = arith.constant 32 : i32
    %mul3A_4340 = arith.muli %shift_right_logical3A_4331, %mul3A_4339 : i32
    %add3A_4341 = arith.addi %mul3A_4340, %squeeze3A_4338 : i32
    %mul3A_4342 = arith.constant 56 : i32
    %mul3A_4343 = arith.muli %add3A_4341, %mul3A_4342 : i32
    %add3A_4344 = arith.constant 40 : i32
    %add3A_4345 = arith.addi %mul3A_4343, %add3A_4344 : i32
    %dma_wait3A_4346 = arith.constant 0 : i32
    %dma_wait3A_4347 = arith.constant 0 : i32
    %dma_wait3A_4348 = tpu.memref_slice %arg2[%add3A_4345, %dma_wait3A_4346, %dma_wait3A_4347] : memref<14336x56x64xf32, #tpu.memory_space<hbm>> -> memref<8x56x64xf32, #tpu.memory_space<hbm>>
    %dma_wait3A_4349 = arith.constant 0 : i32
    %dma_wait3A_4350 = arith.constant 0 : i32
    %dma_wait3A_4351 = tpu.memref_slice %arg2[%add3A_4345, %dma_wait3A_4349, %dma_wait3A_4350] : memref<14336x56x64xf32, #tpu.memory_space<hbm>> -> memref<8x56x64xf32, #tpu.memory_space<hbm>>
    tpu.wait_dma2 semaphore(%arg8 : memref<!tpu.dma_semaphore, #tpu.memory_space<semaphore_mem>>) src(%dma_wait3A_4351 : memref<8x56x64xf32, #tpu.memory_space<hbm>>) dst(%arg6 : memref<8x56x64xf32, #tpu.memory_space<vmem>>)
    %mul3A_4352 = arith.constant 8 : i32
    %mul3A_4353 = arith.muli %add3A, %mul3A_4352 : i32
    %add3A_4354 = arith.constant 7 : i32
    %add3A_4355 = arith.addi %mul3A_4353, %add3A_4354 : i32
    %mul3A_4356 = arith.constant 56 : i32
    %mul3A_4357 = arith.muli %add3A_4355, %mul3A_4356 : i32
    %add3A_4358 = arith.constant 40 : i32
    %add3A_4359 = arith.addi %mul3A_4357, %add3A_4358 : i32
    %dma_start3A_4360 = arith.constant 0 : i32
    %dma_start3A_4361 = arith.constant 0 : i32
    %dma_start3A_4362 = tpu.memref_slice %arg4[%add3A_4359, %dma_start3A_4360, %dma_start3A_4361] : memref<14336x56x64xf32, #tpu.memory_space<hbm>> -> memref<8x56x64xf32, #tpu.memory_space<hbm>>
    %dma_start3A_4363 = arith.constant 0 : i32
    %dma_start3A_4364 = arith.constant 0 : i32
    %dma_start3A_4365 = tpu.memref_slice %arg4[%add3A_4359, %dma_start3A_4363, %dma_start3A_4364] : memref<14336x56x64xf32, #tpu.memory_space<hbm>> -> memref<8x56x64xf32, #tpu.memory_space<hbm>>
    tpu.enqueue_dma source(%arg6 : memref<8x56x64xf32, #tpu.memory_space<vmem>>) target(%dma_start3A_4365 : memref<8x56x64xf32, #tpu.memory_space<hbm>>) target_semaphore(%arg10 : memref<!tpu.dma_semaphore, #tpu.memory_space<semaphore_mem>>)
    %mul3A_4366 = arith.constant 8 : i32
    %mul3A_4367 = arith.muli %add3A, %mul3A_4366 : i32
    %add3A_4368 = arith.constant 7 : i32
    %add3A_4369 = arith.addi %mul3A_4367, %add3A_4368 : i32
    %mul3A_4370 = arith.constant 56 : i32
    %mul3A_4371 = arith.muli %add3A_4369, %mul3A_4370 : i32
    %add3A_4372 = arith.constant 32 : i32
    %add3A_4373 = arith.addi %mul3A_4371, %add3A_4372 : i32
    %dma_wait3A_4374 = arith.constant 0 : i32
    %dma_wait3A_4375 = arith.constant 0 : i32
    %dma_wait3A_4376 = tpu.memref_slice %arg4[%add3A_4373, %dma_wait3A_4374, %dma_wait3A_4375] : memref<14336x56x64xf32, #tpu.memory_space<hbm>> -> memref<8x56x64xf32, #tpu.memory_space<hbm>>
    %dma_wait3A_4377 = arith.constant 0 : i32
    %dma_wait3A_4378 = arith.constant 0 : i32
    %dma_wait3A_4379 = tpu.memref_slice %arg4[%add3A_4373, %dma_wait3A_4377, %dma_wait3A_4378] : memref<14336x56x64xf32, #tpu.memory_space<hbm>> -> memref<8x56x64xf32, #tpu.memory_space<hbm>>
    tpu.wait_dma2 semaphore(%arg11 : memref<!tpu.dma_semaphore, #tpu.memory_space<semaphore_mem>>) src(%arg7 : memref<8x56x64xf32, #tpu.memory_space<vmem>>) dst(%dma_wait3A_4379 : memref<8x56x64xf32, #tpu.memory_space<hbm>>)
    %mul3A_4380 = arith.constant 8 : i32
    %mul3A_4381 = arith.muli %add3A, %mul3A_4380 : i32
    %add3A_4382 = arith.constant 7 : i32
    %add3A_4383 = arith.addi %mul3A_4381, %add3A_4382 : i32
    %shift_right_logical3A_4384 = arith.constant 5 : i32
    %shift_right_logical3A_4385 = arith.shrui %add3A_4383, %shift_right_logical3A_4384 : i32
    %and3A_4386 = arith.constant 31 : i32
    %and3A_4387 = arith.andi %add3A_4383, %and3A_4386 : i32
    %get3A_4388 = arith.index_cast %and3A_4387 : i32 to index
    %get3A_4389 = tpu.vector_load %arg5[%get3A_4388] {strides = array<i32>} : memref<48xi32, #tpu.memory_space<vmem>>, vector<16xi32>,
    %get3A_4390 = vector.shape_cast %get3A_4389 : vector<16xi32> to vector<16xi32>
    %slice3A_4391 = vector.extract_strided_slice %get3A_4390 {offsets = [0], sizes = [1], strides = [1]} : vector<16xi32> to vector<1xi32>
    %squeeze3A_4392 = vector.extract %slice3A_4391[0] : i32 from vector<1xi32>
    %mul3A_4393 = arith.constant 32 : i32
    %mul3A_4394 = arith.muli %shift_right_logical3A_4385, %mul3A_4393 : i32
    %add3A_4395 = arith.addi %mul3A_4394, %squeeze3A_4392 : i32
    %mul3A_4396 = arith.constant 56 : i32
    %mul3A_4397 = arith.muli %add3A_4395, %mul3A_4396 : i32
    %add3A_4398 = arith.constant 48 : i32
    %add3A_4399 = arith.addi %mul3A_4397, %add3A_4398 : i32
    %dma_start3A_4400 = arith.constant 0 : i32
    %dma_start3A_4401 = arith.constant 0 : i32
    %dma_start3A_4402 = tpu.memref_slice %arg2[%add3A_4399, %dma_start3A_4400, %dma_start3A_4401] : memref<14336x56x64xf32, #tpu.memory_space<hbm>> -> memref<8x56x64xf32, #tpu.memory_space<hbm>>
    %dma_start3A_4403 = arith.constant 0 : i32
    %dma_start3A_4404 = arith.constant 0 : i32
    %dma_start3A_4405 = tpu.memref_slice %arg2[%add3A_4399, %dma_start3A_4403, %dma_start3A_4404] : memref<14336x56x64xf32, #tpu.memory_space<hbm>> -> memref<8x56x64xf32, #tpu.memory_space<hbm>>
    tpu.enqueue_dma source(%dma_start3A_4405 : memref<8x56x64xf32, #tpu.memory_space<hbm>>) target(%arg7 : memref<8x56x64xf32, #tpu.memory_space<vmem>>) target_semaphore(%arg9 : memref<!tpu.dma_semaphore, #tpu.memory_space<semaphore_mem>>)
    %mul3A_4406 = arith.constant 8 : i32
    %mul3A_4407 = arith.muli %add3A, %mul3A_4406 : i32
    %add3A_4408 = arith.constant 7 : i32
    %add3A_4409 = arith.addi %mul3A_4407, %add3A_4408 : i32
    %shift_right_logical3A_4410 = arith.constant 5 : i32
    %shift_right_logical3A_4411 = arith.shrui %add3A_4409, %shift_right_logical3A_4410 : i32
    %and3A_4412 = arith.constant 31 : i32
    %and3A_4413 = arith.andi %add3A_4409, %and3A_4412 : i32
    %get3A_4414 = arith.index_cast %and3A_4413 : i32 to index
    %get3A_4415 = tpu.vector_load %arg5[%get3A_4414] {strides = array<i32>} : memref<48xi32, #tpu.memory_space<vmem>>, vector<16xi32>,
    %get3A_4416 = vector.shape_cast %get3A_4415 : vector<16xi32> to vector<16xi32>
    %slice3A_4417 = vector.extract_strided_slice %get3A_4416 {offsets = [0], sizes = [1], strides = [1]} : vector<16xi32> to vector<1xi32>
    %squeeze3A_4418 = vector.extract %slice3A_4417[0] : i32 from vector<1xi32>
    %mul3A_4419 = arith.constant 32 : i32
    %mul3A_4420 = arith.muli %shift_right_logical3A_4411, %mul3A_4419 : i32
    %add3A_4421 = arith.addi %mul3A_4420, %squeeze3A_4418 : i32
    %mul3A_4422 = arith.constant 56 : i32
    %mul3A_4423 = arith.muli %add3A_4421, %mul3A_4422 : i32
    %add3A_4424 = arith.constant 48 : i32
    %add3A_4425 = arith.addi %mul3A_4423, %add3A_4424 : i32
    %dma_wait3A_4426 = arith.constant 0 : i32
    %dma_wait3A_4427 = arith.constant 0 : i32
    %dma_wait3A_4428 = tpu.memref_slice %arg2[%add3A_4425, %dma_wait3A_4426, %dma_wait3A_4427] : memref<14336x56x64xf32, #tpu.memory_space<hbm>> -> memref<8x56x64xf32, #tpu.memory_space<hbm>>
    %dma_wait3A_4429 = arith.constant 0 : i32
    %dma_wait3A_4430 = arith.constant 0 : i32
    %dma_wait3A_4431 = tpu.memref_slice %arg2[%add3A_4425, %dma_wait3A_4429, %dma_wait3A_4430] : memref<14336x56x64xf32, #tpu.memory_space<hbm>> -> memref<8x56x64xf32, #tpu.memory_space<hbm>>
    tpu.wait_dma2 semaphore(%arg9 : memref<!tpu.dma_semaphore, #tpu.memory_space<semaphore_mem>>) src(%dma_wait3A_4431 : memref<8x56x64xf32, #tpu.memory_space<hbm>>) dst(%arg7 : memref<8x56x64xf32, #tpu.memory_space<vmem>>)
    %mul3A_4432 = arith.constant 8 : i32
    %mul3A_4433 = arith.muli %add3A, %mul3A_4432 : i32
    %add3A_4434 = arith.constant 7 : i32
    %add3A_4435 = arith.addi %mul3A_4433, %add3A_4434 : i32
    %mul3A_4436 = arith.constant 56 : i32
    %mul3A_4437 = arith.muli %add3A_4435, %mul3A_4436 : i32
    %add3A_4438 = arith.constant 48 : i32
    %add3A_4439 = arith.addi %mul3A_4437, %add3A_4438 : i32
    %dma_start3A_4440 = arith.constant 0 : i32
    %dma_start3A_4441 = arith.constant 0 : i32
    %dma_start3A_4442 = tpu.memref_slice %arg4[%add3A_4439, %dma_start3A_4440, %dma_start3A_4441] : memref<14336x56x64xf32, #tpu.memory_space<hbm>> -> memref<8x56x64xf32, #tpu.memory_space<hbm>>
    %dma_start3A_4443 = arith.constant 0 : i32
    %dma_start3A_4444 = arith.constant 0 : i32
    %dma_start3A_4445 = tpu.memref_slice %arg4[%add3A_4439, %dma_start3A_4443, %dma_start3A_4444] : memref<14336x56x64xf32, #tpu.memory_space<hbm>> -> memref<8x56x64xf32, #tpu.memory_space<hbm>>
    tpu.enqueue_dma source(%arg7 : memref<8x56x64xf32, #tpu.memory_space<vmem>>) target(%dma_start3A_4445 : memref<8x56x64xf32, #tpu.memory_space<hbm>>) target_semaphore(%arg11 : memref<!tpu.dma_semaphore, #tpu.memory_space<semaphore_mem>>)
    %mul3A_4446 = arith.constant 8 : i32
    %mul3A_4447 = arith.muli %add3A, %mul3A_4446 : i32
    %add3A_4448 = arith.constant 7 : i32
    %add3A_4449 = arith.addi %mul3A_4447, %add3A_4448 : i32
    %mul3A_4450 = arith.constant 56 : i32
    %mul3A_4451 = arith.muli %add3A_4449, %mul3A_4450 : i32
    %add3A_4452 = arith.constant 40 : i32
    %add3A_4453 = arith.addi %mul3A_4451, %add3A_4452 : i32
    %dma_wait3A_4454 = arith.constant 0 : i32
    %dma_wait3A_4455 = arith.constant 0 : i32
    %dma_wait3A_4456 = tpu.memref_slice %arg4[%add3A_4453, %dma_wait3A_4454, %dma_wait3A_4455] : memref<14336x56x64xf32, #tpu.memory_space<hbm>> -> memref<8x56x64xf32, #tpu.memory_space<hbm>>
    %dma_wait3A_4457 = arith.constant 0 : i32
    %dma_wait3A_4458 = arith.constant 0 : i32
    %dma_wait3A_4459 = tpu.memref_slice %arg4[%add3A_4453, %dma_wait3A_4457, %dma_wait3A_4458] : memref<14336x56x64xf32, #tpu.memory_space<hbm>> -> memref<8x56x64xf32, #tpu.memory_space<hbm>>
    tpu.wait_dma2 semaphore(%arg10 : memref<!tpu.dma_semaphore, #tpu.memory_space<semaphore_mem>>) src(%arg6 : memref<8x56x64xf32, #tpu.memory_space<vmem>>) dst(%dma_wait3A_4459 : memref<8x56x64xf32, #tpu.memory_space<hbm>>)
    %mul3A_4460 = arith.constant 8 : i32
    %mul3A_4461 = arith.muli %add3A, %mul3A_4460 : i32
    %add3A_4462 = arith.constant 7 : i32
    %add3A_4463 = arith.addi %mul3A_4461, %add3A_4462 : i32
    %mul3A_4464 = arith.constant 56 : i32
    %mul3A_4465 = arith.muli %add3A_4463, %mul3A_4464 : i32
    %add3A_4466 = arith.constant 48 : i32
    %add3A_4467 = arith.addi %mul3A_4465, %add3A_4466 : i32
    %dma_wait3A_4468 = arith.constant 0 : i32
    %dma_wait3A_4469 = arith.constant 0 : i32
    %dma_wait3A_4470 = tpu.memref_slice %arg4[%add3A_4467, %dma_wait3A_4468, %dma_wait3A_4469] : memref<14336x56x64xf32, #tpu.memory_space<hbm>> -> memref<8x56x64xf32, #tpu.memory_space<hbm>>
    %dma_wait3A_4471 = arith.constant 0 : i32
    %dma_wait3A_4472 = arith.constant 0 : i32
    %dma_wait3A_4473 = tpu.memref_slice %arg4[%add3A_4467, %dma_wait3A_4471, %dma_wait3A_4472] : memref<14336x56x64xf32, #tpu.memory_space<hbm>> -> memref<8x56x64xf32, #tpu.memory_space<hbm>>
    tpu.wait_dma2 semaphore(%arg11 : memref<!tpu.dma_semaphore, #tpu.memory_space<semaphore_mem>>) src(%arg7 : memref<8x56x64xf32, #tpu.memory_space<vmem>>) dst(%dma_wait3A_4473 : memref<8x56x64xf32, #tpu.memory_space<hbm>>)
    return
  }
}

</mosaic_0001>

<sc_bundles>
// kernel: kernel.3.cloned.1.call-start
scs
__scs_entry_jumppad:
0x0: {  	(pc) =	sbr.rel $0x88, $3  }
0x1: {  	(tag) =	ssettag $0x0;
	lr =	simm.s32 $0x1  }
0x2: {  	[smem:$0x3F9F] =	sst lr;
	_ =	strace $0xD0000000  }
0x3: {  	_ = 	snop  }
0x4: {  	_ = 	snop  }
0x5: {  	_ = 	snop  }
0x6: {  	_ = 	snop  }
0x7: {  	_ = 	snop  }
__scs_overlays_trampoline_lowered:
0x8: {  	[smem:$0x3FAE] =	sst s0  }
0x9: {  	[smem:$0x3FAF] =	sst s1  }
0xa: {  	[smem:$0x3FB0] =	sst s2  }
0xb: {  	[smem:$0x3FB1] =	sst s3  }
0xc: {  	[smem:$0x3FB2] =	sst s4  }
0xd: {  	[smem:$0x3FB3] =	sst s5  }
0xe: {  	[smem:$0x3FB4] =	sst s6  }
0xf: {  	[smem:$0x3FB5] =	sst s7  }
0x10: {  	[smem:$0x3FB6] =	sst s8  }
0x11: {  	[smem:$0x3FB7] =	sst s9;
	s0 =	simm.s32 @!p0 $0x0  }
0x12: {  	s1 =	sld [smem:$0x3F9D];
	s0 =	simm.s32 @p0 $0x1  }
0x13: {  	[smem:$0x3FB8] =	sst s0;
	s0 =	simm.s32 @!p1 $0x0  }
0x14: {  	s2 =	sld [smem:$0x3F9C];
	s0 =	simm.s32 @p1 $0x1  }
0x15: {  	[smem:$0x3FB9] =	sst s0;
	s0 =	simm.s32 @!p2 $0x0  }
0x16: {  	s3 =	sld [smem:$0x3FDB];
	s0 =	simm.s32 @p2 $0x1  }
0x17: {  	s4 =	simm.s32 $0x1BF5;
	[smem:$0x3FBB] =	sst s0  }
0x18: {  	s0 =	sld [smem:$0x3F9E];
	_ =	swait.ge [sflag:s4], $0x0  }
0x19: {  	s7 =	sld [smem:$0x3F9F]  }
0x1a: {  	s8 =	sadd.s32 $0xFFFFE003, lr  }
0x1b: {  	s9 =	sadd.s32 $0xFFFFFEF7, lr;
	s5 =	simm.s32 $0xFFFFFFFF;
	p2 =	slt.u32 s8, $0xFFFFF086  }
0x1c: {  	p1 =	slt.u32 s9, $0xF7A;
	s5 =	simm.s32 @!p2 $0x0  }
0x1d: {  	s5 =	simm.s32 @p1 $0x1;
	p0 =	seq.s32 s7, s2  }
0x1e: {  	s7 =	smul.u32 @!p0 $0xF7A, s2;
	p2 =	seq.s32 @!p0 s5, $0x0  }
0x1f: {  	s9 =	smul.u32 $0xF7A, s1;
	s8 =	simm.s32 @!p0 $0x1BF5;
	p2 =	por !p2, p0  }
0x20: {  	[sflag:s8] =	ssyncset.s32 @!p0 $0xFFFFF086;
	s6 =	sadd.s32 @!p0 s3, s7;
	s7 =	simm.s32 @!p0 $0x108  }
0x21: {  	s3 =	sadd.s32 s3, s9;
	s6 =	sadd.s32 @!p0 $0x88, s6;
	s7 =	simm.s32 @p2 $0x1082  }
0x22: {  	[simem:s7], [sflag:s8] =	dma.local @!p0 [hbm:s6], $0xF7A  }
0x23: {  	s9 =	sor.u32 $0xD0000000, s2;
	s6 =	simm.s32 $0x108;
	_ =	swait.ge @!p0 [sflag:s8], $0x0  }
0x24: {  	s3 =	sadd.s32 $0x88, s3;
	s6 =	simm.s32 @!p1 $0x1082;
	[sflag:s4] =	ssyncset.s32 $0xFFFFF086  }
0x25: {  	[simem:s6], [sflag:s4] =	dma.local [hbm:s3], $0xF7A  }
0x26: {  	[smem:$0x3F9F] =	sst s1;
	(tag) =	ssettag s2;
	_ =	strace s9  }
0x27: {  	s1 =	sld [smem:$0x3FAF]  }
0x28: {  	s2 =	sld [smem:$0x3FB0]  }
0x29: {  	s4 =	sld [smem:$0x3FB2]  }
0x2a: {  	p0 =	seq.s32 s5, $0x0;
	s5 =	sld [smem:$0x3FB3]  }
0x2b: {  	s6 =	sld [smem:$0x3FB4]  }
0x2c: {  	s7 =	sld [smem:$0x3FB5]  }
0x2d: {  	s3 =	simm.s32 $0x108;
	s8 =	sld [smem:$0x3FB6]  }
0x2e: {  	s3 =	simm.s32 @!p0 $0x1082;
	s9 =	sld [smem:$0x3FB7]  }
0x2f: {  	lr =	sadd.s32 s0, s3;
	s0 =	sld [smem:$0x3FAE]  }
0x30: {  	s3 =	sld [smem:$0x3FB1]  }
0x31: {  	[smem:$0x3FBA] =	sst s10  }
0x32: {  	s10 =	sld [smem:$0x3FB8];
	_ =	sdelay $0x3  }
0x33: {  	p0 =	seq.s32 s10, $0x1;
	s10 =	sld [smem:$0x3FBA];
	_ =	sdelay $0x3  }
0x34: {  	[smem:$0x3FBA] =	sst s10  }
0x35: {  	s10 =	sld [smem:$0x3FB9];
	_ =	sdelay $0x3  }
0x36: {  	p1 =	seq.s32 s10, $0x1;
	s10 =	sld [smem:$0x3FBA];
	_ =	sdelay $0x3  }
0x37: {  	[smem:$0x3FBA] =	sst s10  }
0x38: {  	s10 =	sld [smem:$0x3FBB]  }
0x39: {  	_ = 	snop;
	(pc) =	sbr.ind lr, $3  }
0x3a: {  	_ = 	snop  }
0x3b: {  	_ = 	snop  }
0x3c: {  	p2 =	seq.s32 s10, $0x1;
	s10 =	sld [smem:$0x3FBA]  }
0x3d: {  	_ =	shalt  }
0x3e: {  	_ =	shalt  }
0x3f: {  	_ =	shalt  }
0x40: {  	_ =	shalt  }
0x41: {  	_ =	shalt  }
0x42: {  	_ =	shalt  }
0x43: {  	_ =	shalt  }
0x44: {  	_ =	shalt  }
0x45: {  	_ =	shalt  }
0x46: {  	_ =	shalt  }
0x47: {  	_ =	shalt  }
0x48: {  	_ =	shalt  }
0x49: {  	_ =	shalt  }
0x4a: {  	_ =	shalt  }
0x4b: {  	_ =	shalt  }
0x4c: {  	_ =	shalt  }
0x4d: {  	_ =	shalt  }
0x4e: {  	_ =	shalt  }
0x4f: {  	_ =	shalt  }
0x50: {  	_ =	shalt  }
0x51: {  	_ =	shalt  }
0x52: {  	_ =	shalt  }
0x53: {  	_ =	shalt  }
0x54: {  	_ =	shalt  }
0x55: {  	_ =	shalt  }
0x56: {  	_ =	shalt  }
0x57: {  	_ =	shalt  }
0x58: {  	_ =	shalt  }
0x59: {  	_ =	shalt  }
0x5a: {  	_ =	shalt  }
0x5b: {  	_ =	shalt  }
0x5c: {  	_ =	shalt  }
0x5d: {  	_ =	shalt  }
0x5e: {  	_ =	shalt  }
0x5f: {  	_ =	shalt  }
0x60: {  	_ =	shalt  }
0x61: {  	_ =	shalt  }
0x62: {  	_ =	shalt  }
0x63: {  	_ =	shalt  }
0x64: {  	_ =	shalt  }
0x65: {  	_ =	shalt  }
0x66: {  	_ =	shalt  }
0x67: {  	_ =	shalt  }
0x68: {  	_ =	shalt  }
0x69: {  	_ =	shalt  }
0x6a: {  	_ =	shalt  }
0x6b: {  	_ =	shalt  }
0x6c: {  	_ =	shalt  }
0x6d: {  	_ =	shalt  }
0x6e: {  	_ =	shalt  }
0x6f: {  	_ =	shalt  }
0x70: {  	_ =	shalt  }
0x71: {  	_ =	shalt  }
0x72: {  	_ =	shalt  }
0x73: {  	_ =	shalt  }
0x74: {  	_ =	shalt  }
0x75: {  	_ =	shalt  }
0x76: {  	_ =	shalt  }
0x77: {  	_ =	shalt  }
0x78: {  	_ =	shalt  }
0x79: {  	_ =	shalt  }
0x7a: {  	_ =	shalt  }
0x7b: {  	_ =	shalt  }
0x7c: {  	_ =	shalt  }
0x7d: {  	_ =	shalt  }
0x7e: {  	_ =	shalt  }
0x7f: {  	_ =	shalt  }
0x80: {  	_ =	shalt  }
0x81: {  	_ =	shalt  }
0x82: {  	_ =	shalt  }
0x83: {  	_ =	shalt  }
0x84: {  	_ =	shalt  }
0x85: {  	_ =	shalt  }
0x86: {  	_ =	shalt  }
0x87: {  	_ =	shalt  }
.Lfunc_end0:
.L_simem_size_0:
called_computation_lowered:
.L_overlay_start_0:
0x88: {  	s2 =	sld [smem:$0x3FD9]  }
0x89: {  	s3 =	sld [smem:$0x3FFE];
	_ =	sdelay $0x1  }
0x8a: {  	s1 =	srdreg.scid  }
0x8b: {  	s0 =	sand.u32 $0x1, s1  }
0x8c: {  	s18 =	sshll.u32 s0, $0xA;
	s2 =	sadd.s32 s3, s2  }
0x8d: {  	s2 =	sadd.s32 s2, s18  }
0x8e: {  	[smem:$0x3FC6] =	sst s2  }
0x8f: {  	_ = 	snop  }
0x90: {  	s2 =	sld [smem:$0x3FC9]  }
0x91: {  	s19 =	sld [smem:$0x3FC8]  }
0x92: {  	s4 =	sld [smem:$0x3FD0];
	(tm) =	ssettm $0x1  }
0x93: {  	s5 =	sld [smem:$0x3FFB];
	_ =	sdelay $0x3  }
0x94: {  	_ =	strace s5  }
0x95: {  	s5 =	sld [smem:$0x3FFC];
	_ =	sdelay $0x3  }
0x96: {  	_ =	strace s5  }
0x97: {  	s5 =	sld [smem:$0x3FFD];
	_ =	sdelay $0x3  }
0x98: {  	_ =	strace s5  }
0x99: {  	_ =	strace $0x8FFFFFFF  }
0x9a: {  	s20 =	sld [smem:$0x3FDB];
	_ =	sdelay $0x1  }
0x9b: {  	s6 =	simm.s32 $_scs_section_size  }
0x9c: {  	s7 =	simm.s32 $_size__tile_overlayer_lowered;
	s8 =	simm.s32 $_tile_overlayer_lowered  }
0x9d: {  	s23 =	simm.s32 $0x1BFF;
	s22 =	sshll.u32 s8, $0x1;
	s5 =	sadd.s32 s6, s20  }
0x9e: {  	s9 =	simm.s32 $0x0;
	s21 =	sshll.u32 s7, $0x1;
	s7 =	sadd.s32 s22, s5  }
0x9f: {  	[timem:s9], [sflag:s23] =	dma.local [hbm:s7], s21  }
0xa0: {  	_ =	swait.ge [sflag:s23], s21  }
0xa1: {  	s6 =	ssub.s32 $0x0, s21;
	[sflag:s23] =	ssyncset.done $0x0  }
0xa2: {  	[sflag:s23] =	ssyncadd.s32 s6;
	_ =	sdelay $0x1  }
0xa3: {  	s24 =	simm.s32 $0x1B8B  }
0xa4: {  	_ =	swait.ge [sflag:s24], $0x1  }
0xa5: {  	[sflag:s24] =	ssyncset.done $0x0  }
0xa6: {  	s25 =	simm.s32 $0x1B8E;
	[sflag:s24] =	ssyncadd.s32 $0xFFFFFFFF  }
0xa7: {  	s26 =	simm.s32 $execute0_lowered;
	[smem:$0x3FD2] =	sst s25  }
0xa8: {  	s6 =	sshll.u32 s26, $0x1;
	_ =	strace $0x80000046;
	[dreg:$0x1] =	wrdreg $0xFFFFFFFF  }
0xa9: {  	s28 =	simm.s32 $_size_execute0_lowered;
	s5 =	sadd.s32 s5, s6;
	[dreg:$0x0] =	wrdreg $0x0  }
0xaa: {  	s6 =	sshll.u32 s28, $0x1;
	[dreg:$0x2] =	wrdreg s5  }
0xab: {  	[dreg:$0x3] =	wrdreg s6  }
0xac: {  	[dreg:$0x4] =	wrdreg $0xC0  }
0xad: {  	_ =	task [dreg:s9], $0x5FFFF  }
0xae: {  	[dreg:$0x1] =	wrdreg $0xFFFFFFFF  }
0xaf: {  	[dreg:$0x0] =	wrdreg $0x60  }
0xb0: {  	[dreg:$0x2] =	wrdreg s2  }
0xb1: {  	[dreg:$0x3] =	wrdreg s19  }
0xb2: {  	[dreg:$0x4] =	wrdreg s4  }
0xb3: {  	[dreg:$0x5] =	wrdreg $0x9  }
0xb4: {  	_ =	task.clear_ibuf [dreg:s9], $0x6FFFF;
	_ =	strace $0x90000046  }
0xb5: {  	s29 =	simm.s32 $0x9;
	_ =	strace $0x80000048  }
0xb6: {  	_ =	swait.ge [sflag:s29], $0x1  }
0xb7: {  	[sflag:s29] =	ssyncadd.s32 $0xFFFFFFFF  }
0xb8: {  	_ =	strace $0x90000048  }
0xb9: {  	_ =	sfence  }
0xba: {  	s30 =	sld [smem:$0x0];
	_ =	sdelay $0x2  }
0xbb: {  	s31 =	sshll.u32 s1, $0xD;
	s1 =	sshrl.u32 s1, $0x2  }
0xbc: {  	s3 =	sand.u32 $0x4000, s31;
	s1 =	sadd.s32 s1, s30  }
0xbd: {  	s0 =	sor.u32 s3, s0;
	s1 =	sshll.u32 s1, $0x11  }
0xbe: {  	s0 =	sor.u32 s1, s0  }
0xbf: {  	s0 =	sadd.s32 $0x8F2B, s0  }
0xc0: {  	[sflag:s0] =	ssyncadd.remote.s32 $0x1  }
0xc1: {  	_ =	sfence.sel $0xFFFF  }
0xc2: {  	[dreg:$0x0] =	wrdreg $0xFFFFFFFF;
	(pc) =	sbr.abs _section_cstart, $3  }
0xc3: {  	[dreg:$0x1] =	wrdreg $0xFFFFFFFF  }
0xc4: {  	_ =	task.clear_ibuf [dreg:s9], $0x2FFFF;
	_ =	strace $0x9FFFFFFF  }
0xc5: {  	(tm) =	ssettm $0x7FFFFFFF  }
tec
execute0_lowered:
.L_overlay_start_1:
0x0: {  	(tag) =	ssettag $0x1  }
0x1: {  	s2 =	srdreg.scid  }
0x2: {  	s0 =	stileid.u32;
	s1 =	rddreg [dreg:$0x0]  }
0x3: {  	s3 =	rddreg [dreg:$0x1];
	s5 =	sand.u32 $0x1, s2;
	s11 =	sshll.u32 s0, $0x1  }
0x4: {  	s8 =	rddreg [dreg:$0x2];
	s9 =	sor.u32 s5, s11  }
0x5: {  	[dreg:$0x4] =	wrdreg s3;
	s4 =	smul.u32 $0x62000, s9  }
0x6: {  	s2 =	rddreg [dreg:$0x3];
	s3 =	simm.s32 $0x0;
	s6 =	smul.u32 $0x310000, s9  }
0x7: {  	[smem:$0x7FF] =	sst s3;
	s4 =	sadd.s32 s8, s4  }
0x8: {  	_ =	strace $0x80000047;
	s6 =	sshrl.u32 s6, $0x3;
	s7 =	sadd.s32 $0x1C00, s4  }
0x9: {  	s10 =	sadd.s32 s8, s6;
	s6 =	sshll.u32 s9, $0x3;
	[dreg:$0x5] =	wrdreg s7  }
0xa: {  	s12 =	sadd.s32 $0x3800, s10;
	s11 =	sadd.s32 $0x5400, s10;
	s7 =	sor.u32 $0x1, s6  }
0xb: {  	s13 =	sadd.s32 $0x7000, s10;
	s14 =	sadd.s32 $0x8C00, s10;
	[dreg:$0x6] =	wrdreg s12  }
0xc: {  	s10 =	sadd.s32 $0xA800, s10;
	s12 =	smul.u32 $0x62000, s7;
	[dreg:$0x8] =	wrdreg s13  }
0xd: {  	s13 =	smul.u32 $0xC400, s7;
	[dreg:$0xa] =	wrdreg s10;
	s10 =	sor.u32 $0x2, s6  }
0xe: {  	[dreg:$0x9] =	wrdreg s14;
	s14 =	smul.u32 $0xC400, s10  }
0xf: {  	[dreg:$0x7] =	wrdreg s11;
	s15 =	sshrl.u32 s12, $0x3;
	s16 =	sadd.s32 s8, s13  }
0x10: {  	s11 =	sadd.s32 s8, s15;
	[dreg:$0xb] =	wrdreg s16;
	s24 =	sadd.s32 s8, s14  }
0x11: {  	s17 =	sadd.s32 $0x1C00, s11;
	[dreg:$0x12] =	wrdreg s24  }
0x12: {  	s18 =	sadd.s32 $0x3800, s11;
	[dreg:$0xc] =	wrdreg s17  }
0x13: {  	s21 =	smul.u32 $0x62000, s10;
	s19 =	sadd.s32 $0x5400, s11;
	[dreg:$0xd] =	wrdreg s18  }
0x14: {  	s20 =	sadd.s32 $0x7000, s11;
	[dreg:$0xe] =	wrdreg s19  }
0x15: {  	s23 =	sshrl.u32 s21, $0x3;
	s22 =	sadd.s32 $0x8C00, s11;
	[dreg:$0xf] =	wrdreg s20  }
0x16: {  	s11 =	sadd.s32 $0xA800, s11;
	s12 =	sadd.s32 s8, s23;
	[dreg:$0x10] =	wrdreg s22  }
0x17: {  	[dreg:$0x11] =	wrdreg s11;
	s25 =	sadd.s32 $0x1C00, s12  }
0x18: {  	s26 =	sadd.s32 $0x3800, s12;
	[dreg:$0x13] =	wrdreg s25  }
0x19: {  	s28 =	sadd.s32 $0x5400, s12;
	s11 =	sor.u32 $0x3, s6;
	[dreg:$0x14] =	wrdreg s26  }
0x1a: {  	s29 =	sadd.s32 $0x7000, s12;
	[dreg:$0x15] =	wrdreg s28;
	s30 =	smul.u32 $0x62000, s11  }
0x1b: {  	s31 =	sadd.s32 $0x8C00, s12;
	[dreg:$0x16] =	wrdreg s29;
	s15 =	smul.u32 $0xC400, s11  }
0x1c: {  	s12 =	sadd.s32 $0xA800, s12;
	[dreg:$0x17] =	wrdreg s31;
	s14 =	sshrl.u32 s30, $0x3  }
0x1d: {  	[dreg:$0x18] =	wrdreg s12;
	s16 =	sadd.s32 s8, s15;
	s13 =	sadd.s32 s8, s14  }
0x1e: {  	[dreg:$0x19] =	wrdreg s16;
	s17 =	sadd.s32 $0x1C00, s13  }
0x1f: {  	s18 =	sadd.s32 $0x3800, s13;
	[dreg:$0x1a] =	wrdreg s17  }
0x20: {  	s12 =	sor.u32 $0x4, s6;
	s19 =	sadd.s32 $0x5400, s13;
	[dreg:$0x1b] =	wrdreg s18  }
0x21: {  	s21 =	smul.u32 $0x62000, s12;
	s20 =	sadd.s32 $0x7000, s13;
	[dreg:$0x1c] =	wrdreg s19  }
0x22: {  	s16 =	smul.u32 $0xC400, s12;
	s22 =	sadd.s32 $0x8C00, s13;
	[dreg:$0x1d] =	wrdreg s20  }
0x23: {  	s23 =	sshrl.u32 s21, $0x3;
	s13 =	sadd.s32 $0xA800, s13;
	[dreg:$0x1e] =	wrdreg s22  }
0x24: {  	s14 =	sadd.s32 s8, s23;
	[dreg:$0x1f] =	wrdreg s13;
	s24 =	sadd.s32 s8, s16  }
0x25: {  	s25 =	sadd.s32 $0x1C00, s14;
	[smem:$0x7E2] =	sst s24  }
0x26: {  	s5 =	ssub.s32 $0x2, s5;
	s28 =	sadd.s32 $0x3800, s14;
	[smem:$0x7E3] =	sst s25  }
0x27: {  	s29 =	sadd.s32 $0x5400, s14;
	s13 =	sor.u32 $0x5, s6;
	[smem:$0x7E4] =	sst s28  }
0x28: {  	s30 =	sadd.s32 $0x7000, s14;
	[smem:$0x7E5] =	sst s29;
	s17 =	smul.u32 $0x62000, s13  }
0x29: {  	s31 =	sadd.s32 $0x8C00, s14;
	[smem:$0x7E6] =	sst s30;
	s18 =	smul.u32 $0xC400, s13  }
0x2a: {  	s14 =	sadd.s32 $0xA800, s14;
	[smem:$0x7E7] =	sst s31;
	s19 =	sshrl.u32 s17, $0x3  }
0x2b: {  	[smem:$0x7E8] =	sst s14;
	s20 =	sadd.s32 s8, s18;
	s16 =	sadd.s32 s8, s19  }
0x2c: {  	s26 =	sshrl.u32 s5, $0x1;
	[smem:$0x7E9] =	sst s20;
	s21 =	sadd.s32 $0x1C00, s16  }
0x2d: {  	s15 =	ssub.s32 s5, s26;
	s22 =	sadd.s32 $0x3800, s16;
	[smem:$0x7EA] =	sst s21  }
0x2e: {  	s17 =	sor.u32 $0x6, s6;
	s23 =	sadd.s32 $0x5400, s16;
	[smem:$0x7EB] =	sst s22  }
0x2f: {  	s25 =	smul.u32 $0x62000, s17;
	s24 =	sadd.s32 $0x7000, s16;
	[smem:$0x7EC] =	sst s23  }
0x30: {  	s19 =	smul.u32 $0xC400, s17;
	s26 =	sadd.s32 $0x8C00, s16;
	[smem:$0x7ED] =	sst s24  }
0x31: {  	s28 =	sadd.s32 $0xA800, s16;
	[smem:$0x7EE] =	sst s26;
	s29 =	sshrl.u32 s25, $0x3  }
0x32: {  	[smem:$0x7EF] =	sst s28;
	s30 =	sadd.s32 s8, s19;
	s16 =	sadd.s32 s8, s29  }
0x33: {  	[smem:$0x7F0] =	sst s30;
	s31 =	sadd.s32 $0x1C00, s16  }
0x34: {  	s18 =	sadd.s32 $0x3800, s16;
	[smem:$0x7F1] =	sst s31  }
0x35: {  	s7 =	sand.u32 $0x19, s7;
	s19 =	sadd.s32 $0x5400, s16;
	[smem:$0x7F2] =	sst s18  }
0x36: {  	s5 =	sand.u32 $0xE0, s6;
	s20 =	sadd.s32 $0x7000, s16;
	[smem:$0x7F3] =	sst s19  }
0x37: {  	s6 =	sand.u32 $0x18, s6;
	s22 =	sadd.s32 $0x8C00, s16;
	[smem:$0x7F4] =	sst s20  }
0x38: {  	s24 =	sadd.s32 $0xA800, s16;
	s18 =	sshllo.u32 s9, $0x3;
	[smem:$0x7F5] =	sst s22  }
0x39: {  	s16 =	simm.s32 $0x80;
	[smem:$0x7F6] =	sst s24;
	s21 =	smul.u32 $0x62000, s18  }
0x3a: {  	s9 =	sand.u32 $0x1B, s11;
	s11 =	sand.u32 $0x1D, s13;
	s23 =	smul.u32 $0xC400, s18  }
0x3b: {  	s19 =	simm.s32 $0x2;
	s20 =	simm.s32 $0x3;
	s14 =	sshrl.u32 s21, $0x3  }
0x3c: {  	s13 =	sand.u32 $0x1F, s18;
	s25 =	sadd.s32 s8, s23;
	s14 =	sadd.s32 s8, s14  }
0x3d: {  	s18 =	simm.s32 $0x1;
	[smem:$0x7F7] =	sst s25;
	s26 =	sadd.s32 $0x1C00, s14  }
0x3e: {  	s21 =	simm.s32 $0x4;
	s28 =	sadd.s32 $0x3800, s14;
	[smem:$0x7F8] =	sst s26  }
0x3f: {  	s8 =	sand.u32 $0x1A, s10;
	s29 =	sadd.s32 $0x5400, s14;
	[smem:$0x7F9] =	sst s28  }
0x40: {  	s10 =	sand.u32 $0x1C, s12;
	s30 =	sadd.s32 $0x7000, s14;
	[smem:$0x7FA] =	sst s29  }
0x41: {  	s12 =	sand.u32 $0x1E, s17;
	s31 =	sadd.s32 $0x8C00, s14;
	[smem:$0x7FB] =	sst s30  }
0x42: {  	s17 =	simm.s32 $0xE080;
	s14 =	sadd.s32 $0xA800, s14;
	[smem:$0x7FC] =	sst s31  }
0x43: {  	[smem:$0x7FD] =	sst s14;
	s14 =	smax.u32 s15, $0x1;
	s15 =	simm.s32 $0x5  }
.LBB2_1:
0x44: {  	s22 =	rddreg [dreg:$0x4]  }
0x45: {  	[tilespmem:s3], [sflag:$0x5] =	stream.linear.gather [hbm4b:s22+s3], $0x20, $0x38;
	[tilespmem:$0x1C080] =	vst v63  }
0x46: {  	_ =	swait.ge [sflag:s15], $0x20  }
0x47: {  	[sflag:s15] =	ssyncset.done $0x0  }
0x48: {  	[sflag:s15] =	ssyncadd.s32 $0xFFFFFFE0  }
0x49: {  	v0 =	vld [tilespmem:s6+$0x0];
	_ =	sdelay $0x4  }
0x4a: {  	(v2sf) =	vpush v0, $0x0;
	_ =	sdelay $0xe  }
0x4b: {  	s24 =	spop (v2sf)  }
0x4c: {  	s22 =	sadd.s32 s5, s24  }
0x4d: {  	s22 =	smul.u32 $0x62000, s22;
	_ =	sdelay $0x1  }
0x4e: {  	s22 =	sshrl.u32 s22, $0x3  }
0x4f: {  	s22 =	sadd.s32 s1, s22  }
0x50: {  	[tilespmem:s16], [sflag:$0x1] =	stream.linear.gather [hbm4b:s22+s3], $0xE000, $0x38;
	[tilespmem:$0x1C080] =	vst v63  }
0x51: {  	v9 =	vld [tilespmem:s6+$0x0];
	_ =	sdelay $0x4  }
0x52: {  	(v2sf) =	vpush v9, $0x0;
	_ =	sdelay $0xe  }
0x53: {  	s25 =	spop (v2sf)  }
0x54: {  	s22 =	sadd.s32 s5, s25  }
0x55: {  	s22 =	smul.u32 $0x62000, s22;
	_ =	sdelay $0x1  }
0x56: {  	s22 =	sadd.s32 $0xE000, s22  }
0x57: {  	s22 =	sshrl.u32 s22, $0x3  }
0x58: {  	s22 =	sadd.s32 s1, s22  }
0x59: {  	[tilespmem:s17], [sflag:$0x2] =	stream.linear.gather [hbm4b:s22+s3], $0xE000, $0x38;
	[tilespmem:$0x1C080] =	vst v63  }
0x5a: {  	_ =	swait.ge [sflag:s18], $0xE000  }
0x5b: {  	[sflag:s18] =	ssyncset.done $0x0  }
0x5c: {  	[sflag:s18] =	ssyncadd.s32 $0xFFFF2000  }
0x5d: {  	[hbm4b:s4+s3] =	stream.linear.scatter [tilespmem:s16], [sflag:$0x3], $0xE000, $0x38;
	[tilespmem:$0x1C080] =	vst v63  }
0x5e: {  	_ =	swait.ge [sflag:s19], $0xE000  }
0x5f: {  	[sflag:s19] =	ssyncset.done $0x0  }
0x60: {  	s26 =	rddreg [dreg:$0x5];
	[sflag:s19] =	ssyncadd.s32 $0xFFFF2000  }
0x61: {  	[hbm4b:s26+s3] =	stream.linear.scatter [tilespmem:s17], [sflag:$0x4], $0xE000, $0x38;
	[tilespmem:$0x1C080] =	vst v63  }
0x62: {  	_ =	swait.ge [sflag:s20], $0xE000  }
0x63: {  	[sflag:s20] =	ssyncset.done $0x0  }
0x64: {  	[sflag:s20] =	ssyncadd.s32 $0xFFFF2000  }
0x65: {  	v10 =	vld [tilespmem:s6+$0x0];
	_ =	sdelay $0x4  }
0x66: {  	(v2sf) =	vpush v10, $0x0;
	_ =	sdelay $0xe  }
0x67: {  	s28 =	spop (v2sf)  }
0x68: {  	s22 =	sadd.s32 s5, s28  }
0x69: {  	s22 =	smul.u32 $0x62000, s22;
	_ =	sdelay $0x1  }
0x6a: {  	s22 =	sadd.s32 $0x1C000, s22  }
0x6b: {  	s22 =	sshrl.u32 s22, $0x3  }
0x6c: {  	s22 =	sadd.s32 s1, s22  }
0x6d: {  	[tilespmem:s16], [sflag:$0x1] =	stream.linear.gather [hbm4b:s22+s3], $0xE000, $0x38;
	[tilespmem:$0x1C080] =	vst v63  }
0x6e: {  	_ =	swait.ge [sflag:s18], $0xE000  }
0x6f: {  	[sflag:s18] =	ssyncset.done $0x0  }
0x70: {  	s29 =	rddreg [dreg:$0x6];
	[sflag:s18] =	ssyncadd.s32 $0xFFFF2000  }
0x71: {  	[hbm4b:s29+s3] =	stream.linear.scatter [tilespmem:s16], [sflag:$0x3], $0xE000, $0x38;
	[tilespmem:$0x1C080] =	vst v63  }
0x72: {  	_ =	swait.ge [sflag:s21], $0xE000  }
0x73: {  	[sflag:s21] =	ssyncset.done $0x0  }
0x74: {  	[sflag:s21] =	ssyncadd.s32 $0xFFFF2000  }
0x75: {  	v11 =	vld [tilespmem:s6+$0x0];
	_ =	sdelay $0x4  }
0x76: {  	(v2sf) =	vpush v11, $0x0;
	_ =	sdelay $0xe  }
0x77: {  	s30 =	spop (v2sf)  }
0x78: {  	s22 =	sadd.s32 s5, s30  }
0x79: {  	s22 =	smul.u32 $0x62000, s22;
	_ =	sdelay $0x1  }
0x7a: {  	s22 =	sadd.s32 $0x2A000, s22  }
0x7b: {  	s22 =	sshrl.u32 s22, $0x3  }
0x7c: {  	s22 =	sadd.s32 s1, s22  }
0x7d: {  	[tilespmem:s17], [sflag:$0x2] =	stream.linear.gather [hbm4b:s22+s3], $0xE000, $0x38;
	[tilespmem:$0x1C080] =	vst v63  }
0x7e: {  	_ =	swait.ge [sflag:s19], $0xE000  }
0x7f: {  	[sflag:s19] =	ssyncset.done $0x0  }
0x80: {  	s31 =	rddreg [dreg:$0x7];
	[sflag:s19] =	ssyncadd.s32 $0xFFFF2000  }
0x81: {  	[hbm4b:s31+s3] =	stream.linear.scatter [tilespmem:s17], [sflag:$0x4], $0xE000, $0x38;
	[tilespmem:$0x1C080] =	vst v63  }
0x82: {  	_ =	swait.ge [sflag:s20], $0xE000  }
0x83: {  	[sflag:s20] =	ssyncset.done $0x0  }
0x84: {  	[sflag:s20] =	ssyncadd.s32 $0xFFFF2000  }
0x85: {  	v12 =	vld [tilespmem:s6+$0x0];
	_ =	sdelay $0x4  }
0x86: {  	(v2sf) =	vpush v12, $0x0;
	_ =	sdelay $0xe  }
0x87: {  	s23 =	spop (v2sf)  }
0x88: {  	s22 =	sadd.s32 s5, s23  }
0x89: {  	s22 =	smul.u32 $0x62000, s22;
	_ =	sdelay $0x1  }
0x8a: {  	s22 =	sadd.s32 $0x38000, s22  }
0x8b: {  	s22 =	sshrl.u32 s22, $0x3  }
0x8c: {  	s22 =	sadd.s32 s1, s22  }
0x8d: {  	[tilespmem:s16], [sflag:$0x1] =	stream.linear.gather [hbm4b:s22+s3], $0xE000, $0x38;
	[tilespmem:$0x1C080] =	vst v63  }
0x8e: {  	_ =	swait.ge [sflag:s18], $0xE000  }
0x8f: {  	[sflag:s18] =	ssyncset.done $0x0  }
0x90: {  	s24 =	rddreg [dreg:$0x8];
	[sflag:s18] =	ssyncadd.s32 $0xFFFF2000  }
0x91: {  	[hbm4b:s24+s3] =	stream.linear.scatter [tilespmem:s16], [sflag:$0x3], $0xE000, $0x38;
	[tilespmem:$0x1C080] =	vst v63  }
0x92: {  	_ =	swait.ge [sflag:s21], $0xE000  }
0x93: {  	[sflag:s21] =	ssyncset.done $0x0  }
0x94: {  	[sflag:s21] =	ssyncadd.s32 $0xFFFF2000  }
0x95: {  	v13 =	vld [tilespmem:s6+$0x0];
	_ =	sdelay $0x4  }
0x96: {  	(v2sf) =	vpush v13, $0x0;
	_ =	sdelay $0xe  }
0x97: {  	s25 =	spop (v2sf)  }
0x98: {  	s22 =	sadd.s32 s5, s25  }
0x99: {  	s22 =	smul.u32 $0x62000, s22;
	_ =	sdelay $0x1  }
0x9a: {  	s22 =	sadd.s32 $0x46000, s22  }
0x9b: {  	s22 =	sshrl.u32 s22, $0x3  }
0x9c: {  	s22 =	sadd.s32 s1, s22  }
0x9d: {  	[tilespmem:s17], [sflag:$0x2] =	stream.linear.gather [hbm4b:s22+s3], $0xE000, $0x38;
	[tilespmem:$0x1C080] =	vst v63  }
0x9e: {  	_ =	swait.ge [sflag:s19], $0xE000  }
0x9f: {  	[sflag:s19] =	ssyncset.done $0x0  }
0xa0: {  	s26 =	rddreg [dreg:$0x9];
	[sflag:s19] =	ssyncadd.s32 $0xFFFF2000  }
0xa1: {  	[hbm4b:s26+s3] =	stream.linear.scatter [tilespmem:s17], [sflag:$0x4], $0xE000, $0x38;
	[tilespmem:$0x1C080] =	vst v63  }
0xa2: {  	_ =	swait.ge [sflag:s20], $0xE000  }
0xa3: {  	[sflag:s20] =	ssyncset.done $0x0  }
0xa4: {  	[sflag:s20] =	ssyncadd.s32 $0xFFFF2000  }
0xa5: {  	v14 =	vld [tilespmem:s6+$0x0];
	_ =	sdelay $0x4  }
0xa6: {  	(v2sf) =	vpush v14, $0x0;
	_ =	sdelay $0xe  }
0xa7: {  	s28 =	spop (v2sf)  }
0xa8: {  	s22 =	sadd.s32 s5, s28  }
0xa9: {  	s22 =	smul.u32 $0x62000, s22;
	_ =	sdelay $0x1  }
0xaa: {  	s22 =	sadd.s32 $0x54000, s22  }
0xab: {  	s22 =	sshrl.u32 s22, $0x3  }
0xac: {  	s22 =	sadd.s32 s1, s22  }
0xad: {  	[tilespmem:s16], [sflag:$0x1] =	stream.linear.gather [hbm4b:s22+s3], $0xE000, $0x38;
	[tilespmem:$0x1C080] =	vst v63  }
0xae: {  	_ =	swait.ge [sflag:s18], $0xE000  }
0xaf: {  	[sflag:s18] =	ssyncset.done $0x0  }
0xb0: {  	s29 =	rddreg [dreg:$0xa];
	[sflag:s18] =	ssyncadd.s32 $0xFFFF2000  }
0xb1: {  	[hbm4b:s29+s3] =	stream.linear.scatter [tilespmem:s16], [sflag:$0x3], $0xE000, $0x38;
	[tilespmem:$0x1C080] =	vst v63  }
0xb2: {  	_ =	swait.ge [sflag:s21], $0xE000  }
0xb3: {  	[sflag:s21] =	ssyncset.done $0x0  }
0xb4: {  	[sflag:s21] =	ssyncadd.s32 $0xFFFF2000  }
0xb5: {  	v15 =	vld [tilespmem:s7+$0x0];
	_ =	sdelay $0x4  }
0xb6: {  	(v2sf) =	vpush v15, $0x0;
	_ =	sdelay $0xe  }
0xb7: {  	s30 =	spop (v2sf)  }
0xb8: {  	s22 =	sadd.s32 s5, s30  }
0xb9: {  	s22 =	smul.u32 $0x62000, s22;
	_ =	sdelay $0x1  }
0xba: {  	s22 =	sshrl.u32 s22, $0x3  }
0xbb: {  	s22 =	sadd.s32 s1, s22  }
0xbc: {  	[tilespmem:s17], [sflag:$0x2] =	stream.linear.gather [hbm4b:s22+s3], $0xE000, $0x38;
	[tilespmem:$0x1C080] =	vst v63  }
0xbd: {  	_ =	swait.ge [sflag:s19], $0xE000  }
0xbe: {  	[sflag:s19] =	ssyncset.done $0x0  }
0xbf: {  	s31 =	rddreg [dreg:$0xb];
	[sflag:s19] =	ssyncadd.s32 $0xFFFF2000  }
0xc0: {  	[hbm4b:s31+s3] =	stream.linear.scatter [tilespmem:s17], [sflag:$0x4], $0xE000, $0x38;
	[tilespmem:$0x1C080] =	vst v63  }
0xc1: {  	_ =	swait.ge [sflag:s20], $0xE000  }
0xc2: {  	[sflag:s20] =	ssyncset.done $0x0  }
0xc3: {  	[sflag:s20] =	ssyncadd.s32 $0xFFFF2000  }
0xc4: {  	v16 =	vld [tilespmem:s7+$0x0];
	_ =	sdelay $0x4  }
0xc5: {  	(v2sf) =	vpush v16, $0x0;
	_ =	sdelay $0xe  }
0xc6: {  	s23 =	spop (v2sf)  }
0xc7: {  	s22 =	sadd.s32 s5, s23  }
0xc8: {  	s22 =	smul.u32 $0x62000, s22;
	_ =	sdelay $0x1  }
0xc9: {  	s22 =	sadd.s32 $0xE000, s22  }
0xca: {  	s22 =	sshrl.u32 s22, $0x3  }
0xcb: {  	s22 =	sadd.s32 s1, s22  }
0xcc: {  	[tilespmem:s16], [sflag:$0x1] =	stream.linear.gather [hbm4b:s22+s3], $0xE000, $0x38;
	[tilespmem:$0x1C080] =	vst v63  }
0xcd: {  	_ =	swait.ge [sflag:s18], $0xE000  }
0xce: {  	[sflag:s18] =	ssyncset.done $0x0  }
0xcf: {  	s24 =	rddreg [dreg:$0xc];
	[sflag:s18] =	ssyncadd.s32 $0xFFFF2000  }
0xd0: {  	[hbm4b:s24+s3] =	stream.linear.scatter [tilespmem:s16], [sflag:$0x3], $0xE000, $0x38;
	[tilespmem:$0x1C080] =	vst v63  }
0xd1: {  	_ =	swait.ge [sflag:s21], $0xE000  }
0xd2: {  	[sflag:s21] =	ssyncset.done $0x0  }
0xd3: {  	[sflag:s21] =	ssyncadd.s32 $0xFFFF2000  }
0xd4: {  	v17 =	vld [tilespmem:s7+$0x0];
	_ =	sdelay $0x4  }
0xd5: {  	(v2sf) =	vpush v17, $0x0;
	_ =	sdelay $0xe  }
0xd6: {  	s25 =	spop (v2sf)  }
0xd7: {  	s22 =	sadd.s32 s5, s25  }
0xd8: {  	s22 =	smul.u32 $0x62000, s22;
	_ =	sdelay $0x1  }
0xd9: {  	s22 =	sadd.s32 $0x1C000, s22  }
0xda: {  	s22 =	sshrl.u32 s22, $0x3  }
0xdb: {  	s22 =	sadd.s32 s1, s22  }
0xdc: {  	[tilespmem:s17], [sflag:$0x2] =	stream.linear.gather [hbm4b:s22+s3], $0xE000, $0x38;
	[tilespmem:$0x1C080] =	vst v63  }
0xdd: {  	_ =	swait.ge [sflag:s19], $0xE000  }
0xde: {  	[sflag:s19] =	ssyncset.done $0x0  }
0xdf: {  	s26 =	rddreg [dreg:$0xd];
	[sflag:s19] =	ssyncadd.s32 $0xFFFF2000  }
0xe0: {  	[hbm4b:s26+s3] =	stream.linear.scatter [tilespmem:s17], [sflag:$0x4], $0xE000, $0x38;
	[tilespmem:$0x1C080] =	vst v63  }
0xe1: {  	_ =	swait.ge [sflag:s20], $0xE000  }
0xe2: {  	[sflag:s20] =	ssyncset.done $0x0  }
0xe3: {  	[sflag:s20] =	ssyncadd.s32 $0xFFFF2000  }
0xe4: {  	v18 =	vld [tilespmem:s7+$0x0];
	_ =	sdelay $0x4  }
0xe5: {  	(v2sf) =	vpush v18, $0x0;
	_ =	sdelay $0xe  }
0xe6: {  	s28 =	spop (v2sf)  }
0xe7: {  	s22 =	sadd.s32 s5, s28  }
0xe8: {  	s22 =	smul.u32 $0x62000, s22;
	_ =	sdelay $0x1  }
0xe9: {  	s22 =	sadd.s32 $0x2A000, s22  }
0xea: {  	s22 =	sshrl.u32 s22, $0x3  }
0xeb: {  	s22 =	sadd.s32 s1, s22  }
0xec: {  	[tilespmem:s16], [sflag:$0x1] =	stream.linear.gather [hbm4b:s22+s3], $0xE000, $0x38;
	[tilespmem:$0x1C080] =	vst v63  }
0xed: {  	_ =	swait.ge [sflag:s18], $0xE000  }
0xee: {  	[sflag:s18] =	ssyncset.done $0x0  }
0xef: {  	s29 =	rddreg [dreg:$0xe];
	[sflag:s18] =	ssyncadd.s32 $0xFFFF2000  }
0xf0: {  	[hbm4b:s29+s3] =	stream.linear.scatter [tilespmem:s16], [sflag:$0x3], $0xE000, $0x38;
	[tilespmem:$0x1C080] =	vst v63  }
0xf1: {  	_ =	swait.ge [sflag:s21], $0xE000  }
0xf2: {  	[sflag:s21] =	ssyncset.done $0x0  }
0xf3: {  	[sflag:s21] =	ssyncadd.s32 $0xFFFF2000  }
0xf4: {  	v19 =	vld [tilespmem:s7+$0x0];
	_ =	sdelay $0x4  }
0xf5: {  	(v2sf) =	vpush v19, $0x0;
	_ =	sdelay $0xe  }
0xf6: {  	s30 =	spop (v2sf)  }
0xf7: {  	s22 =	sadd.s32 s5, s30  }
0xf8: {  	s22 =	smul.u32 $0x62000, s22;
	_ =	sdelay $0x1  }
0xf9: {  	s22 =	sadd.s32 $0x38000, s22  }
0xfa: {  	s22 =	sshrl.u32 s22, $0x3  }
0xfb: {  	s22 =	sadd.s32 s1, s22  }
0xfc: {  	[tilespmem:s17], [sflag:$0x2] =	stream.linear.gather [hbm4b:s22+s3], $0xE000, $0x38;
	[tilespmem:$0x1C080] =	vst v63  }
0xfd: {  	_ =	swait.ge [sflag:s19], $0xE000  }
0xfe: {  	[sflag:s19] =	ssyncset.done $0x0  }
0xff: {  	s31 =	rddreg [dreg:$0xf];
	[sflag:s19] =	ssyncadd.s32 $0xFFFF2000  }
0x100: {  	[hbm4b:s31+s3] =	stream.linear.scatter [tilespmem:s17], [sflag:$0x4], $0xE000, $0x38;
	[tilespmem:$0x1C080] =	vst v63  }
0x101: {  	_ =	swait.ge [sflag:s20], $0xE000  }
0x102: {  	[sflag:s20] =	ssyncset.done $0x0  }
0x103: {  	[sflag:s20] =	ssyncadd.s32 $0xFFFF2000  }
0x104: {  	v20 =	vld [tilespmem:s7+$0x0];
	_ =	sdelay $0x4  }
0x105: {  	(v2sf) =	vpush v20, $0x0;
	_ =	sdelay $0xe  }
0x106: {  	s23 =	spop (v2sf)  }
0x107: {  	s22 =	sadd.s32 s5, s23  }
0x108: {  	s22 =	smul.u32 $0x62000, s22;
	_ =	sdelay $0x1  }
0x109: {  	s22 =	sadd.s32 $0x46000, s22  }
0x10a: {  	s22 =	sshrl.u32 s22, $0x3  }
0x10b: {  	s22 =	sadd.s32 s1, s22  }
0x10c: {  	[tilespmem:s16], [sflag:$0x1] =	stream.linear.gather [hbm4b:s22+s3], $0xE000, $0x38;
	[tilespmem:$0x1C080] =	vst v63  }
0x10d: {  	_ =	swait.ge [sflag:s18], $0xE000  }
0x10e: {  	[sflag:s18] =	ssyncset.done $0x0  }
0x10f: {  	s24 =	rddreg [dreg:$0x10];
	[sflag:s18] =	ssyncadd.s32 $0xFFFF2000  }
0x110: {  	[hbm4b:s24+s3] =	stream.linear.scatter [tilespmem:s16], [sflag:$0x3], $0xE000, $0x38;
	[tilespmem:$0x1C080] =	vst v63  }
0x111: {  	_ =	swait.ge [sflag:s21], $0xE000  }
0x112: {  	[sflag:s21] =	ssyncset.done $0x0  }
0x113: {  	[sflag:s21] =	ssyncadd.s32 $0xFFFF2000  }
0x114: {  	v21 =	vld [tilespmem:s7+$0x0];
	_ =	sdelay $0x4  }
0x115: {  	(v2sf) =	vpush v21, $0x0;
	_ =	sdelay $0xe  }
0x116: {  	s25 =	spop (v2sf)  }
0x117: {  	s22 =	sadd.s32 s5, s25  }
0x118: {  	s22 =	smul.u32 $0x62000, s22;
	_ =	sdelay $0x1  }
0x119: {  	s22 =	sadd.s32 $0x54000, s22  }
0x11a: {  	s22 =	sshrl.u32 s22, $0x3  }
0x11b: {  	s22 =	sadd.s32 s1, s22  }
0x11c: {  	[tilespmem:s17], [sflag:$0x2] =	stream.linear.gather [hbm4b:s22+s3], $0xE000, $0x38;
	[tilespmem:$0x1C080] =	vst v63  }
0x11d: {  	_ =	swait.ge [sflag:s19], $0xE000  }
0x11e: {  	[sflag:s19] =	ssyncset.done $0x0  }
0x11f: {  	s26 =	rddreg [dreg:$0x11];
	[sflag:s19] =	ssyncadd.s32 $0xFFFF2000  }
0x120: {  	[hbm4b:s26+s3] =	stream.linear.scatter [tilespmem:s17], [sflag:$0x4], $0xE000, $0x38;
	[tilespmem:$0x1C080] =	vst v63  }
0x121: {  	_ =	swait.ge [sflag:s20], $0xE000  }
0x122: {  	[sflag:s20] =	ssyncset.done $0x0  }
0x123: {  	[sflag:s20] =	ssyncadd.s32 $0xFFFF2000  }
0x124: {  	v22 =	vld [tilespmem:s8+$0x0];
	_ =	sdelay $0x4  }
0x125: {  	(v2sf) =	vpush v22, $0x0;
	_ =	sdelay $0xe  }
0x126: {  	s28 =	spop (v2sf)  }
0x127: {  	s22 =	sadd.s32 s5, s28  }
0x128: {  	s22 =	smul.u32 $0x62000, s22;
	_ =	sdelay $0x1  }
0x129: {  	s22 =	sshrl.u32 s22, $0x3  }
0x12a: {  	s22 =	sadd.s32 s1, s22  }
0x12b: {  	[tilespmem:s16], [sflag:$0x1] =	stream.linear.gather [hbm4b:s22+s3], $0xE000, $0x38;
	[tilespmem:$0x1C080] =	vst v63  }
0x12c: {  	_ =	swait.ge [sflag:s18], $0xE000  }
0x12d: {  	[sflag:s18] =	ssyncset.done $0x0  }
0x12e: {  	s29 =	rddreg [dreg:$0x12];
	[sflag:s18] =	ssyncadd.s32 $0xFFFF2000  }
0x12f: {  	[hbm4b:s29+s3] =	stream.linear.scatter [tilespmem:s16], [sflag:$0x3], $0xE000, $0x38;
	[tilespmem:$0x1C080] =	vst v63  }
0x130: {  	_ =	swait.ge [sflag:s21], $0xE000  }
0x131: {  	[sflag:s21] =	ssyncset.done $0x0  }
0x132: {  	[sflag:s21] =	ssyncadd.s32 $0xFFFF2000  }
0x133: {  	v23 =	vld [tilespmem:s8+$0x0];
	_ =	sdelay $0x4  }
0x134: {  	(v2sf) =	vpush v23, $0x0;
	_ =	sdelay $0xe  }
0x135: {  	s30 =	spop (v2sf)  }
0x136: {  	s22 =	sadd.s32 s5, s30  }
0x137: {  	s22 =	smul.u32 $0x62000, s22;
	_ =	sdelay $0x1  }
0x138: {  	s22 =	sadd.s32 $0xE000, s22  }
0x139: {  	s22 =	sshrl.u32 s22, $0x3  }
0x13a: {  	s22 =	sadd.s32 s1, s22  }
0x13b: {  	[tilespmem:s17], [sflag:$0x2] =	stream.linear.gather [hbm4b:s22+s3], $0xE000, $0x38;
	[tilespmem:$0x1C080] =	vst v63  }
0x13c: {  	_ =	swait.ge [sflag:s19], $0xE000  }
0x13d: {  	[sflag:s19] =	ssyncset.done $0x0  }
0x13e: {  	s31 =	rddreg [dreg:$0x13];
	[sflag:s19] =	ssyncadd.s32 $0xFFFF2000  }
0x13f: {  	[hbm4b:s31+s3] =	stream.linear.scatter [tilespmem:s17], [sflag:$0x4], $0xE000, $0x38;
	[tilespmem:$0x1C080] =	vst v63  }
0x140: {  	_ =	swait.ge [sflag:s20], $0xE000  }
0x141: {  	[sflag:s20] =	ssyncset.done $0x0  }
0x142: {  	[sflag:s20] =	ssyncadd.s32 $0xFFFF2000  }
0x143: {  	v24 =	vld [tilespmem:s8+$0x0];
	_ =	sdelay $0x4  }
0x144: {  	(v2sf) =	vpush v24, $0x0;
	_ =	sdelay $0xe  }
0x145: {  	s23 =	spop (v2sf)  }
0x146: {  	s22 =	sadd.s32 s5, s23  }
0x147: {  	s22 =	smul.u32 $0x62000, s22;
	_ =	sdelay $0x1  }
0x148: {  	s22 =	sadd.s32 $0x1C000, s22  }
0x149: {  	s22 =	sshrl.u32 s22, $0x3  }
0x14a: {  	s22 =	sadd.s32 s1, s22  }
0x14b: {  	[tilespmem:s16], [sflag:$0x1] =	stream.linear.gather [hbm4b:s22+s3], $0xE000, $0x38;
	[tilespmem:$0x1C080] =	vst v63  }
0x14c: {  	_ =	swait.ge [sflag:s18], $0xE000  }
0x14d: {  	[sflag:s18] =	ssyncset.done $0x0  }
0x14e: {  	s24 =	rddreg [dreg:$0x14];
	[sflag:s18] =	ssyncadd.s32 $0xFFFF2000  }
0x14f: {  	[hbm4b:s24+s3] =	stream.linear.scatter [tilespmem:s16], [sflag:$0x3], $0xE000, $0x38;
	[tilespmem:$0x1C080] =	vst v63  }
0x150: {  	_ =	swait.ge [sflag:s21], $0xE000  }
0x151: {  	[sflag:s21] =	ssyncset.done $0x0  }
0x152: {  	[sflag:s21] =	ssyncadd.s32 $0xFFFF2000  }
0x153: {  	v25 =	vld [tilespmem:s8+$0x0];
	_ =	sdelay $0x4  }
0x154: {  	(v2sf) =	vpush v25, $0x0;
	_ =	sdelay $0xe  }
0x155: {  	s25 =	spop (v2sf)  }
0x156: {  	s22 =	sadd.s32 s5, s25  }
0x157: {  	s22 =	smul.u32 $0x62000, s22;
	_ =	sdelay $0x1  }
0x158: {  	s22 =	sadd.s32 $0x2A000, s22  }
0x159: {  	s22 =	sshrl.u32 s22, $0x3  }
0x15a: {  	s22 =	sadd.s32 s1, s22  }
0x15b: {  	[tilespmem:s17], [sflag:$0x2] =	stream.linear.gather [hbm4b:s22+s3], $0xE000, $0x38;
	[tilespmem:$0x1C080] =	vst v63  }
0x15c: {  	_ =	swait.ge [sflag:s19], $0xE000  }
0x15d: {  	[sflag:s19] =	ssyncset.done $0x0  }
0x15e: {  	s26 =	rddreg [dreg:$0x15];
	[sflag:s19] =	ssyncadd.s32 $0xFFFF2000  }
0x15f: {  	[hbm4b:s26+s3] =	stream.linear.scatter [tilespmem:s17], [sflag:$0x4], $0xE000, $0x38;
	[tilespmem:$0x1C080] =	vst v63  }
0x160: {  	_ =	swait.ge [sflag:s20], $0xE000  }
0x161: {  	[sflag:s20] =	ssyncset.done $0x0  }
0x162: {  	[sflag:s20] =	ssyncadd.s32 $0xFFFF2000  }
0x163: {  	v26 =	vld [tilespmem:s8+$0x0];
	_ =	sdelay $0x4  }
0x164: {  	(v2sf) =	vpush v26, $0x0;
	_ =	sdelay $0xe  }
0x165: {  	s28 =	spop (v2sf)  }
0x166: {  	s22 =	sadd.s32 s5, s28  }
0x167: {  	s22 =	smul.u32 $0x62000, s22;
	_ =	sdelay $0x1  }
0x168: {  	s22 =	sadd.s32 $0x38000, s22  }
0x169: {  	s22 =	sshrl.u32 s22, $0x3  }
0x16a: {  	s22 =	sadd.s32 s1, s22  }
0x16b: {  	[tilespmem:s16], [sflag:$0x1] =	stream.linear.gather [hbm4b:s22+s3], $0xE000, $0x38;
	[tilespmem:$0x1C080] =	vst v63  }
0x16c: {  	_ =	swait.ge [sflag:s18], $0xE000  }
0x16d: {  	[sflag:s18] =	ssyncset.done $0x0  }
0x16e: {  	s29 =	rddreg [dreg:$0x16];
	[sflag:s18] =	ssyncadd.s32 $0xFFFF2000  }
0x16f: {  	[hbm4b:s29+s3] =	stream.linear.scatter [tilespmem:s16], [sflag:$0x3], $0xE000, $0x38;
	[tilespmem:$0x1C080] =	vst v63  }
0x170: {  	_ =	swait.ge [sflag:s21], $0xE000  }
0x171: {  	[sflag:s21] =	ssyncset.done $0x0  }
0x172: {  	[sflag:s21] =	ssyncadd.s32 $0xFFFF2000  }
0x173: {  	v27 =	vld [tilespmem:s8+$0x0];
	_ =	sdelay $0x4  }
0x174: {  	(v2sf) =	vpush v27, $0x0;
	_ =	sdelay $0xe  }
0x175: {  	s30 =	spop (v2sf)  }
0x176: {  	s22 =	sadd.s32 s5, s30  }
0x177: {  	s22 =	smul.u32 $0x62000, s22;
	_ =	sdelay $0x1  }
0x178: {  	s22 =	sadd.s32 $0x46000, s22  }
0x179: {  	s22 =	sshrl.u32 s22, $0x3  }
0x17a: {  	s22 =	sadd.s32 s1, s22  }
0x17b: {  	[tilespmem:s17], [sflag:$0x2] =	stream.linear.gather [hbm4b:s22+s3], $0xE000, $0x38;
	[tilespmem:$0x1C080] =	vst v63  }
0x17c: {  	_ =	swait.ge [sflag:s19], $0xE000  }
0x17d: {  	[sflag:s19] =	ssyncset.done $0x0  }
0x17e: {  	s31 =	rddreg [dreg:$0x17];
	[sflag:s19] =	ssyncadd.s32 $0xFFFF2000  }
0x17f: {  	[hbm4b:s31+s3] =	stream.linear.scatter [tilespmem:s17], [sflag:$0x4], $0xE000, $0x38;
	[tilespmem:$0x1C080] =	vst v63  }
0x180: {  	_ =	swait.ge [sflag:s20], $0xE000  }
0x181: {  	[sflag:s20] =	ssyncset.done $0x0  }
0x182: {  	[sflag:s20] =	ssyncadd.s32 $0xFFFF2000  }
0x183: {  	v28 =	vld [tilespmem:s8+$0x0];
	_ =	sdelay $0x4  }
0x184: {  	(v2sf) =	vpush v28, $0x0;
	_ =	sdelay $0xe  }
0x185: {  	s23 =	spop (v2sf)  }
0x186: {  	s22 =	sadd.s32 s5, s23  }
0x187: {  	s22 =	smul.u32 $0x62000, s22;
	_ =	sdelay $0x1  }
0x188: {  	s22 =	sadd.s32 $0x54000, s22  }
0x189: {  	s22 =	sshrl.u32 s22, $0x3  }
0x18a: {  	s22 =	sadd.s32 s1, s22  }
0x18b: {  	[tilespmem:s16], [sflag:$0x1] =	stream.linear.gather [hbm4b:s22+s3], $0xE000, $0x38;
	[tilespmem:$0x1C080] =	vst v63  }
0x18c: {  	_ =	swait.ge [sflag:s18], $0xE000  }
0x18d: {  	[sflag:s18] =	ssyncset.done $0x0  }
0x18e: {  	s24 =	rddreg [dreg:$0x18];
	[sflag:s18] =	ssyncadd.s32 $0xFFFF2000  }
0x18f: {  	[hbm4b:s24+s3] =	stream.linear.scatter [tilespmem:s16], [sflag:$0x3], $0xE000, $0x38;
	[tilespmem:$0x1C080] =	vst v63  }
0x190: {  	_ =	swait.ge [sflag:s21], $0xE000  }
0x191: {  	[sflag:s21] =	ssyncset.done $0x0  }
0x192: {  	[sflag:s21] =	ssyncadd.s32 $0xFFFF2000  }
0x193: {  	v29 =	vld [tilespmem:s9+$0x0];
	_ =	sdelay $0x4  }
0x194: {  	(v2sf) =	vpush v29, $0x0;
	_ =	sdelay $0xe  }
0x195: {  	s25 =	spop (v2sf)  }
0x196: {  	s22 =	sadd.s32 s5, s25  }
0x197: {  	s22 =	smul.u32 $0x62000, s22;
	_ =	sdelay $0x1  }
0x198: {  	s22 =	sshrl.u32 s22, $0x3  }
0x199: {  	s22 =	sadd.s32 s1, s22  }
0x19a: {  	[tilespmem:s17], [sflag:$0x2] =	stream.linear.gather [hbm4b:s22+s3], $0xE000, $0x38;
	[tilespmem:$0x1C080] =	vst v63  }
0x19b: {  	_ =	swait.ge [sflag:s19], $0xE000  }
0x19c: {  	[sflag:s19] =	ssyncset.done $0x0  }
0x19d: {  	s26 =	rddreg [dreg:$0x19];
	[sflag:s19] =	ssyncadd.s32 $0xFFFF2000  }
0x19e: {  	[hbm4b:s26+s3] =	stream.linear.scatter [tilespmem:s17], [sflag:$0x4], $0xE000, $0x38;
	[tilespmem:$0x1C080] =	vst v63  }
0x19f: {  	_ =	swait.ge [sflag:s20], $0xE000  }
0x1a0: {  	[sflag:s20] =	ssyncset.done $0x0  }
0x1a1: {  	[sflag:s20] =	ssyncadd.s32 $0xFFFF2000  }
0x1a2: {  	v30 =	vld [tilespmem:s9+$0x0];
	_ =	sdelay $0x4  }
0x1a3: {  	(v2sf) =	vpush v30, $0x0;
	_ =	sdelay $0xe  }
0x1a4: {  	s28 =	spop (v2sf)  }
0x1a5: {  	s22 =	sadd.s32 s5, s28  }
0x1a6: {  	s22 =	smul.u32 $0x62000, s22;
	_ =	sdelay $0x1  }
0x1a7: {  	s22 =	sadd.s32 $0xE000, s22  }
0x1a8: {  	s22 =	sshrl.u32 s22, $0x3  }
0x1a9: {  	s22 =	sadd.s32 s1, s22  }
0x1aa: {  	[tilespmem:s16], [sflag:$0x1] =	stream.linear.gather [hbm4b:s22+s3], $0xE000, $0x38;
	[tilespmem:$0x1C080] =	vst v63  }
0x1ab: {  	_ =	swait.ge [sflag:s18], $0xE000  }
0x1ac: {  	[sflag:s18] =	ssyncset.done $0x0  }
0x1ad: {  	s29 =	rddreg [dreg:$0x1a];
	[sflag:s18] =	ssyncadd.s32 $0xFFFF2000  }
0x1ae: {  	[hbm4b:s29+s3] =	stream.linear.scatter [tilespmem:s16], [sflag:$0x3], $0xE000, $0x38;
	[tilespmem:$0x1C080] =	vst v63  }
0x1af: {  	_ =	swait.ge [sflag:s21], $0xE000  }
0x1b0: {  	[sflag:s21] =	ssyncset.done $0x0  }
0x1b1: {  	[sflag:s21] =	ssyncadd.s32 $0xFFFF2000  }
0x1b2: {  	v31 =	vld [tilespmem:s9+$0x0];
	_ =	sdelay $0x4  }
0x1b3: {  	(v2sf) =	vpush v31, $0x0;
	_ =	sdelay $0xe  }
0x1b4: {  	s30 =	spop (v2sf)  }
0x1b5: {  	s22 =	sadd.s32 s5, s30  }
0x1b6: {  	s22 =	smul.u32 $0x62000, s22;
	_ =	sdelay $0x1  }
0x1b7: {  	s22 =	sadd.s32 $0x1C000, s22  }
0x1b8: {  	s22 =	sshrl.u32 s22, $0x3  }
0x1b9: {  	s22 =	sadd.s32 s1, s22  }
0x1ba: {  	[tilespmem:s17], [sflag:$0x2] =	stream.linear.gather [hbm4b:s22+s3], $0xE000, $0x38;
	[tilespmem:$0x1C080] =	vst v63  }
0x1bb: {  	_ =	swait.ge [sflag:s19], $0xE000  }
0x1bc: {  	[sflag:s19] =	ssyncset.done $0x0  }
0x1bd: {  	s31 =	rddreg [dreg:$0x1b];
	[sflag:s19] =	ssyncadd.s32 $0xFFFF2000  }
0x1be: {  	[hbm4b:s31+s3] =	stream.linear.scatter [tilespmem:s17], [sflag:$0x4], $0xE000, $0x38;
	[tilespmem:$0x1C080] =	vst v63  }
0x1bf: {  	_ =	swait.ge [sflag:s20], $0xE000  }
0x1c0: {  	[sflag:s20] =	ssyncset.done $0x0  }
0x1c1: {  	[sflag:s20] =	ssyncadd.s32 $0xFFFF2000  }
0x1c2: {  	v32 =	vld [tilespmem:s9+$0x0];
	_ =	sdelay $0x4  }
0x1c3: {  	(v2sf) =	vpush v32, $0x0;
	_ =	sdelay $0xe  }
0x1c4: {  	s23 =	spop (v2sf)  }
0x1c5: {  	s22 =	sadd.s32 s5, s23  }
0x1c6: {  	s22 =	smul.u32 $0x62000, s22;
	_ =	sdelay $0x1  }
0x1c7: {  	s22 =	sadd.s32 $0x2A000, s22  }
0x1c8: {  	s22 =	sshrl.u32 s22, $0x3  }
0x1c9: {  	s22 =	sadd.s32 s1, s22  }
0x1ca: {  	[tilespmem:s16], [sflag:$0x1] =	stream.linear.gather [hbm4b:s22+s3], $0xE000, $0x38;
	[tilespmem:$0x1C080] =	vst v63  }
0x1cb: {  	_ =	swait.ge [sflag:s18], $0xE000  }
0x1cc: {  	[sflag:s18] =	ssyncset.done $0x0  }
0x1cd: {  	s24 =	rddreg [dreg:$0x1c];
	[sflag:s18] =	ssyncadd.s32 $0xFFFF2000  }
0x1ce: {  	[hbm4b:s24+s3] =	stream.linear.scatter [tilespmem:s16], [sflag:$0x3], $0xE000, $0x38;
	[tilespmem:$0x1C080] =	vst v63  }
0x1cf: {  	_ =	swait.ge [sflag:s21], $0xE000  }
0x1d0: {  	[sflag:s21] =	ssyncset.done $0x0  }
0x1d1: {  	[sflag:s21] =	ssyncadd.s32 $0xFFFF2000  }
0x1d2: {  	v33 =	vld [tilespmem:s9+$0x0];
	_ =	sdelay $0x4  }
0x1d3: {  	(v2sf) =	vpush v33, $0x0;
	_ =	sdelay $0xe  }
0x1d4: {  	s25 =	spop (v2sf)  }
0x1d5: {  	s22 =	sadd.s32 s5, s25  }
0x1d6: {  	s22 =	smul.u32 $0x62000, s22;
	_ =	sdelay $0x1  }
0x1d7: {  	s22 =	sadd.s32 $0x38000, s22  }
0x1d8: {  	s22 =	sshrl.u32 s22, $0x3  }
0x1d9: {  	s22 =	sadd.s32 s1, s22  }
0x1da: {  	[tilespmem:s17], [sflag:$0x2] =	stream.linear.gather [hbm4b:s22+s3], $0xE000, $0x38;
	[tilespmem:$0x1C080] =	vst v63  }
0x1db: {  	_ =	swait.ge [sflag:s19], $0xE000  }
0x1dc: {  	[sflag:s19] =	ssyncset.done $0x0  }
0x1dd: {  	s26 =	rddreg [dreg:$0x1d];
	[sflag:s19] =	ssyncadd.s32 $0xFFFF2000  }
0x1de: {  	[hbm4b:s26+s3] =	stream.linear.scatter [tilespmem:s17], [sflag:$0x4], $0xE000, $0x38;
	[tilespmem:$0x1C080] =	vst v63  }
0x1df: {  	_ =	swait.ge [sflag:s20], $0xE000  }
0x1e0: {  	[sflag:s20] =	ssyncset.done $0x0  }
0x1e1: {  	[sflag:s20] =	ssyncadd.s32 $0xFFFF2000  }
0x1e2: {  	v34 =	vld [tilespmem:s9+$0x0];
	_ =	sdelay $0x4  }
0x1e3: {  	(v2sf) =	vpush v34, $0x0;
	_ =	sdelay $0xe  }
0x1e4: {  	s28 =	spop (v2sf)  }
0x1e5: {  	s22 =	sadd.s32 s5, s28  }
0x1e6: {  	s22 =	smul.u32 $0x62000, s22;
	_ =	sdelay $0x1  }
0x1e7: {  	s22 =	sadd.s32 $0x46000, s22  }
0x1e8: {  	s22 =	sshrl.u32 s22, $0x3  }
0x1e9: {  	s22 =	sadd.s32 s1, s22  }
0x1ea: {  	[tilespmem:s16], [sflag:$0x1] =	stream.linear.gather [hbm4b:s22+s3], $0xE000, $0x38;
	[tilespmem:$0x1C080] =	vst v63  }
0x1eb: {  	_ =	swait.ge [sflag:s18], $0xE000  }
0x1ec: {  	[sflag:s18] =	ssyncset.done $0x0  }
0x1ed: {  	s29 =	rddreg [dreg:$0x1e];
	[sflag:s18] =	ssyncadd.s32 $0xFFFF2000  }
0x1ee: {  	[hbm4b:s29+s3] =	stream.linear.scatter [tilespmem:s16], [sflag:$0x3], $0xE000, $0x38;
	[tilespmem:$0x1C080] =	vst v63  }
0x1ef: {  	_ =	swait.ge [sflag:s21], $0xE000  }
0x1f0: {  	[sflag:s21] =	ssyncset.done $0x0  }
0x1f1: {  	[sflag:s21] =	ssyncadd.s32 $0xFFFF2000  }
0x1f2: {  	v35 =	vld [tilespmem:s9+$0x0];
	_ =	sdelay $0x4  }
0x1f3: {  	(v2sf) =	vpush v35, $0x0;
	_ =	sdelay $0xe  }
0x1f4: {  	s30 =	spop (v2sf)  }
0x1f5: {  	s22 =	sadd.s32 s5, s30  }
0x1f6: {  	s22 =	smul.u32 $0x62000, s22;
	_ =	sdelay $0x1  }
0x1f7: {  	s22 =	sadd.s32 $0x54000, s22  }
0x1f8: {  	s22 =	sshrl.u32 s22, $0x3  }
0x1f9: {  	s22 =	sadd.s32 s1, s22  }
0x1fa: {  	[tilespmem:s17], [sflag:$0x2] =	stream.linear.gather [hbm4b:s22+s3], $0xE000, $0x38;
	[tilespmem:$0x1C080] =	vst v63  }
0x1fb: {  	_ =	swait.ge [sflag:s19], $0xE000  }
0x1fc: {  	[sflag:s19] =	ssyncset.done $0x0  }
0x1fd: {  	s31 =	rddreg [dreg:$0x1f];
	[sflag:s19] =	ssyncadd.s32 $0xFFFF2000  }
0x1fe: {  	[hbm4b:s31+s3] =	stream.linear.scatter [tilespmem:s17], [sflag:$0x4], $0xE000, $0x38;
	[tilespmem:$0x1C080] =	vst v63  }
0x1ff: {  	_ =	swait.ge [sflag:s20], $0xE000  }
0x200: {  	[sflag:s20] =	ssyncset.done $0x0  }
0x201: {  	[sflag:s20] =	ssyncadd.s32 $0xFFFF2000  }
0x202: {  	v36 =	vld [tilespmem:s10+$0x0];
	_ =	sdelay $0x4  }
0x203: {  	(v2sf) =	vpush v36, $0x0;
	_ =	sdelay $0xe  }
0x204: {  	s23 =	spop (v2sf)  }
0x205: {  	s22 =	sadd.s32 s5, s23  }
0x206: {  	s22 =	smul.u32 $0x62000, s22;
	_ =	sdelay $0x1  }
0x207: {  	s22 =	sshrl.u32 s22, $0x3  }
0x208: {  	s22 =	sadd.s32 s1, s22  }
0x209: {  	[tilespmem:s16], [sflag:$0x1] =	stream.linear.gather [hbm4b:s22+s3], $0xE000, $0x38;
	[tilespmem:$0x1C080] =	vst v63  }
0x20a: {  	_ =	swait.ge [sflag:s18], $0xE000  }
0x20b: {  	s24 =	sld [smem:$0x7E2]  }
0x20c: {  	[sflag:s18] =	ssyncset.done $0x0  }
0x20d: {  	[sflag:s18] =	ssyncadd.s32 $0xFFFF2000  }
0x20e: {  	[hbm4b:s24+s3] =	stream.linear.scatter [tilespmem:s16], [sflag:$0x3], $0xE000, $0x38;
	[tilespmem:$0x1C080] =	vst v63  }
0x20f: {  	_ =	swait.ge [sflag:s21], $0xE000  }
0x210: {  	[sflag:s21] =	ssyncset.done $0x0  }
0x211: {  	[sflag:s21] =	ssyncadd.s32 $0xFFFF2000  }
0x212: {  	v37 =	vld [tilespmem:s10+$0x0];
	_ =	sdelay $0x4  }
0x213: {  	(v2sf) =	vpush v37, $0x0;
	_ =	sdelay $0xe  }
0x214: {  	s25 =	spop (v2sf)  }
0x215: {  	s22 =	sadd.s32 s5, s25  }
0x216: {  	s22 =	smul.u32 $0x62000, s22;
	_ =	sdelay $0x1  }
0x217: {  	s22 =	sadd.s32 $0xE000, s22  }
0x218: {  	s22 =	sshrl.u32 s22, $0x3  }
0x219: {  	s22 =	sadd.s32 s1, s22  }
0x21a: {  	[tilespmem:s17], [sflag:$0x2] =	stream.linear.gather [hbm4b:s22+s3], $0xE000, $0x38;
	[tilespmem:$0x1C080] =	vst v63  }
0x21b: {  	_ =	swait.ge [sflag:s19], $0xE000  }
0x21c: {  	s26 =	sld [smem:$0x7E3]  }
0x21d: {  	[sflag:s19] =	ssyncset.done $0x0  }
0x21e: {  	[sflag:s19] =	ssyncadd.s32 $0xFFFF2000  }
0x21f: {  	[hbm4b:s26+s3] =	stream.linear.scatter [tilespmem:s17], [sflag:$0x4], $0xE000, $0x38;
	[tilespmem:$0x1C080] =	vst v63  }
0x220: {  	_ =	swait.ge [sflag:s20], $0xE000  }
0x221: {  	[sflag:s20] =	ssyncset.done $0x0  }
0x222: {  	[sflag:s20] =	ssyncadd.s32 $0xFFFF2000  }
0x223: {  	v38 =	vld [tilespmem:s10+$0x0];
	_ =	sdelay $0x4  }
0x224: {  	(v2sf) =	vpush v38, $0x0;
	_ =	sdelay $0xe  }
0x225: {  	s28 =	spop (v2sf)  }
0x226: {  	s22 =	sadd.s32 s5, s28  }
0x227: {  	s22 =	smul.u32 $0x62000, s22;
	_ =	sdelay $0x1  }
0x228: {  	s22 =	sadd.s32 $0x1C000, s22  }
0x229: {  	s22 =	sshrl.u32 s22, $0x3  }
0x22a: {  	s22 =	sadd.s32 s1, s22  }
0x22b: {  	[tilespmem:s16], [sflag:$0x1] =	stream.linear.gather [hbm4b:s22+s3], $0xE000, $0x38;
	[tilespmem:$0x1C080] =	vst v63  }
0x22c: {  	_ =	swait.ge [sflag:s18], $0xE000  }
0x22d: {  	s29 =	sld [smem:$0x7E4]  }
0x22e: {  	[sflag:s18] =	ssyncset.done $0x0  }
0x22f: {  	[sflag:s18] =	ssyncadd.s32 $0xFFFF2000  }
0x230: {  	[hbm4b:s29+s3] =	stream.linear.scatter [tilespmem:s16], [sflag:$0x3], $0xE000, $0x38;
	[tilespmem:$0x1C080] =	vst v63  }
0x231: {  	_ =	swait.ge [sflag:s21], $0xE000  }
0x232: {  	[sflag:s21] =	ssyncset.done $0x0  }
0x233: {  	[sflag:s21] =	ssyncadd.s32 $0xFFFF2000  }
0x234: {  	v39 =	vld [tilespmem:s10+$0x0];
	_ =	sdelay $0x4  }
0x235: {  	(v2sf) =	vpush v39, $0x0;
	_ =	sdelay $0xe  }
0x236: {  	s30 =	spop (v2sf)  }
0x237: {  	s22 =	sadd.s32 s5, s30  }
0x238: {  	s22 =	smul.u32 $0x62000, s22;
	_ =	sdelay $0x1  }
0x239: {  	s22 =	sadd.s32 $0x2A000, s22  }
0x23a: {  	s22 =	sshrl.u32 s22, $0x3  }
0x23b: {  	s22 =	sadd.s32 s1, s22  }
0x23c: {  	[tilespmem:s17], [sflag:$0x2] =	stream.linear.gather [hbm4b:s22+s3], $0xE000, $0x38;
	[tilespmem:$0x1C080] =	vst v63  }
0x23d: {  	_ =	swait.ge [sflag:s19], $0xE000  }
0x23e: {  	s31 =	sld [smem:$0x7E5]  }
0x23f: {  	[sflag:s19] =	ssyncset.done $0x0  }
0x240: {  	[sflag:s19] =	ssyncadd.s32 $0xFFFF2000  }
0x241: {  	[hbm4b:s31+s3] =	stream.linear.scatter [tilespmem:s17], [sflag:$0x4], $0xE000, $0x38;
	[tilespmem:$0x1C080] =	vst v63  }
0x242: {  	_ =	swait.ge [sflag:s20], $0xE000  }
0x243: {  	[sflag:s20] =	ssyncset.done $0x0  }
0x244: {  	[sflag:s20] =	ssyncadd.s32 $0xFFFF2000  }
0x245: {  	v40 =	vld [tilespmem:s10+$0x0];
	_ =	sdelay $0x4  }
0x246: {  	(v2sf) =	vpush v40, $0x0;
	_ =	sdelay $0xe  }
0x247: {  	s23 =	spop (v2sf)  }
0x248: {  	s22 =	sadd.s32 s5, s23  }
0x249: {  	s22 =	smul.u32 $0x62000, s22;
	_ =	sdelay $0x1  }
0x24a: {  	s22 =	sadd.s32 $0x38000, s22  }
0x24b: {  	s22 =	sshrl.u32 s22, $0x3  }
0x24c: {  	s22 =	sadd.s32 s1, s22  }
0x24d: {  	[tilespmem:s16], [sflag:$0x1] =	stream.linear.gather [hbm4b:s22+s3], $0xE000, $0x38;
	[tilespmem:$0x1C080] =	vst v63  }
0x24e: {  	_ =	swait.ge [sflag:s18], $0xE000  }
0x24f: {  	s24 =	sld [smem:$0x7E6]  }
0x250: {  	[sflag:s18] =	ssyncset.done $0x0  }
0x251: {  	[sflag:s18] =	ssyncadd.s32 $0xFFFF2000  }
0x252: {  	[hbm4b:s24+s3] =	stream.linear.scatter [tilespmem:s16], [sflag:$0x3], $0xE000, $0x38;
	[tilespmem:$0x1C080] =	vst v63  }
0x253: {  	_ =	swait.ge [sflag:s21], $0xE000  }
0x254: {  	[sflag:s21] =	ssyncset.done $0x0  }
0x255: {  	[sflag:s21] =	ssyncadd.s32 $0xFFFF2000  }
0x256: {  	v41 =	vld [tilespmem:s10+$0x0];
	_ =	sdelay $0x4  }
0x257: {  	(v2sf) =	vpush v41, $0x0;
	_ =	sdelay $0xe  }
0x258: {  	s25 =	spop (v2sf)  }
0x259: {  	s22 =	sadd.s32 s5, s25  }
0x25a: {  	s22 =	smul.u32 $0x62000, s22;
	_ =	sdelay $0x1  }
0x25b: {  	s22 =	sadd.s32 $0x46000, s22  }
0x25c: {  	s22 =	sshrl.u32 s22, $0x3  }
0x25d: {  	s22 =	sadd.s32 s1, s22  }
0x25e: {  	[tilespmem:s17], [sflag:$0x2] =	stream.linear.gather [hbm4b:s22+s3], $0xE000, $0x38;
	[tilespmem:$0x1C080] =	vst v63  }
0x25f: {  	_ =	swait.ge [sflag:s19], $0xE000  }
0x260: {  	s26 =	sld [smem:$0x7E7]  }
0x261: {  	[sflag:s19] =	ssyncset.done $0x0  }
0x262: {  	[sflag:s19] =	ssyncadd.s32 $0xFFFF2000  }
0x263: {  	[hbm4b:s26+s3] =	stream.linear.scatter [tilespmem:s17], [sflag:$0x4], $0xE000, $0x38;
	[tilespmem:$0x1C080] =	vst v63  }
0x264: {  	_ =	swait.ge [sflag:s20], $0xE000  }
0x265: {  	[sflag:s20] =	ssyncset.done $0x0  }
0x266: {  	[sflag:s20] =	ssyncadd.s32 $0xFFFF2000  }
0x267: {  	v42 =	vld [tilespmem:s10+$0x0];
	_ =	sdelay $0x4  }
0x268: {  	(v2sf) =	vpush v42, $0x0;
	_ =	sdelay $0xe  }
0x269: {  	s28 =	spop (v2sf)  }
0x26a: {  	s22 =	sadd.s32 s5, s28  }
0x26b: {  	s22 =	smul.u32 $0x62000, s22;
	_ =	sdelay $0x1  }
0x26c: {  	s22 =	sadd.s32 $0x54000, s22  }
0x26d: {  	s22 =	sshrl.u32 s22, $0x3  }
0x26e: {  	s22 =	sadd.s32 s1, s22  }
0x26f: {  	[tilespmem:s16], [sflag:$0x1] =	stream.linear.gather [hbm4b:s22+s3], $0xE000, $0x38;
	[tilespmem:$0x1C080] =	vst v63  }
0x270: {  	_ =	swait.ge [sflag:s18], $0xE000  }
0x271: {  	s29 =	sld [smem:$0x7E8]  }
0x272: {  	[sflag:s18] =	ssyncset.done $0x0  }
0x273: {  	[sflag:s18] =	ssyncadd.s32 $0xFFFF2000  }
0x274: {  	[hbm4b:s29+s3] =	stream.linear.scatter [tilespmem:s16], [sflag:$0x3], $0xE000, $0x38;
	[tilespmem:$0x1C080] =	vst v63  }
0x275: {  	_ =	swait.ge [sflag:s21], $0xE000  }
0x276: {  	[sflag:s21] =	ssyncset.done $0x0  }
0x277: {  	[sflag:s21] =	ssyncadd.s32 $0xFFFF2000  }
0x278: {  	v43 =	vld [tilespmem:s11+$0x0];
	_ =	sdelay $0x4  }
0x279: {  	(v2sf) =	vpush v43, $0x0;
	_ =	sdelay $0xe  }
0x27a: {  	s30 =	spop (v2sf)  }
0x27b: {  	s22 =	sadd.s32 s5, s30  }
0x27c: {  	s22 =	smul.u32 $0x62000, s22;
	_ =	sdelay $0x1  }
0x27d: {  	s22 =	sshrl.u32 s22, $0x3  }
0x27e: {  	s22 =	sadd.s32 s1, s22  }
0x27f: {  	[tilespmem:s17], [sflag:$0x2] =	stream.linear.gather [hbm4b:s22+s3], $0xE000, $0x38;
	[tilespmem:$0x1C080] =	vst v63  }
0x280: {  	_ =	swait.ge [sflag:s19], $0xE000  }
0x281: {  	s31 =	sld [smem:$0x7E9]  }
0x282: {  	[sflag:s19] =	ssyncset.done $0x0  }
0x283: {  	[sflag:s19] =	ssyncadd.s32 $0xFFFF2000  }
0x284: {  	[hbm4b:s31+s3] =	stream.linear.scatter [tilespmem:s17], [sflag:$0x4], $0xE000, $0x38;
	[tilespmem:$0x1C080] =	vst v63  }
0x285: {  	_ =	swait.ge [sflag:s20], $0xE000  }
0x286: {  	[sflag:s20] =	ssyncset.done $0x0  }
0x287: {  	[sflag:s20] =	ssyncadd.s32 $0xFFFF2000  }
0x288: {  	v44 =	vld [tilespmem:s11+$0x0];
	_ =	sdelay $0x4  }
0x289: {  	(v2sf) =	vpush v44, $0x0;
	_ =	sdelay $0xe  }
0x28a: {  	s23 =	spop (v2sf)  }
0x28b: {  	s22 =	sadd.s32 s5, s23  }
0x28c: {  	s22 =	smul.u32 $0x62000, s22;
	_ =	sdelay $0x1  }
0x28d: {  	s22 =	sadd.s32 $0xE000, s22  }
0x28e: {  	s22 =	sshrl.u32 s22, $0x3  }
0x28f: {  	s22 =	sadd.s32 s1, s22  }
0x290: {  	[tilespmem:s16], [sflag:$0x1] =	stream.linear.gather [hbm4b:s22+s3], $0xE000, $0x38;
	[tilespmem:$0x1C080] =	vst v63  }
0x291: {  	_ =	swait.ge [sflag:s18], $0xE000  }
0x292: {  	s24 =	sld [smem:$0x7EA]  }
0x293: {  	[sflag:s18] =	ssyncset.done $0x0  }
0x294: {  	[sflag:s18] =	ssyncadd.s32 $0xFFFF2000  }
0x295: {  	[hbm4b:s24+s3] =	stream.linear.scatter [tilespmem:s16], [sflag:$0x3], $0xE000, $0x38;
	[tilespmem:$0x1C080] =	vst v63  }
0x296: {  	_ =	swait.ge [sflag:s21], $0xE000  }
0x297: {  	[sflag:s21] =	ssyncset.done $0x0  }
0x298: {  	[sflag:s21] =	ssyncadd.s32 $0xFFFF2000  }
0x299: {  	v45 =	vld [tilespmem:s11+$0x0];
	_ =	sdelay $0x4  }
0x29a: {  	(v2sf) =	vpush v45, $0x0;
	_ =	sdelay $0xe  }
0x29b: {  	s25 =	spop (v2sf)  }
0x29c: {  	s22 =	sadd.s32 s5, s25  }
0x29d: {  	s22 =	smul.u32 $0x62000, s22;
	_ =	sdelay $0x1  }
0x29e: {  	s22 =	sadd.s32 $0x1C000, s22  }
0x29f: {  	s22 =	sshrl.u32 s22, $0x3  }
0x2a0: {  	s22 =	sadd.s32 s1, s22  }
0x2a1: {  	[tilespmem:s17], [sflag:$0x2] =	stream.linear.gather [hbm4b:s22+s3], $0xE000, $0x38;
	[tilespmem:$0x1C080] =	vst v63  }
0x2a2: {  	_ =	swait.ge [sflag:s19], $0xE000  }
0x2a3: {  	s26 =	sld [smem:$0x7EB]  }
0x2a4: {  	[sflag:s19] =	ssyncset.done $0x0  }
0x2a5: {  	[sflag:s19] =	ssyncadd.s32 $0xFFFF2000  }
0x2a6: {  	[hbm4b:s26+s3] =	stream.linear.scatter [tilespmem:s17], [sflag:$0x4], $0xE000, $0x38;
	[tilespmem:$0x1C080] =	vst v63  }
0x2a7: {  	_ =	swait.ge [sflag:s20], $0xE000  }
0x2a8: {  	[sflag:s20] =	ssyncset.done $0x0  }
0x2a9: {  	[sflag:s20] =	ssyncadd.s32 $0xFFFF2000  }
0x2aa: {  	v46 =	vld [tilespmem:s11+$0x0];
	_ =	sdelay $0x4  }
0x2ab: {  	(v2sf) =	vpush v46, $0x0;
	_ =	sdelay $0xe  }
0x2ac: {  	s28 =	spop (v2sf)  }
0x2ad: {  	s22 =	sadd.s32 s5, s28  }
0x2ae: {  	s22 =	smul.u32 $0x62000, s22;
	_ =	sdelay $0x1  }
0x2af: {  	s22 =	sadd.s32 $0x2A000, s22  }
0x2b0: {  	s22 =	sshrl.u32 s22, $0x3  }
0x2b1: {  	s22 =	sadd.s32 s1, s22  }
0x2b2: {  	[tilespmem:s16], [sflag:$0x1] =	stream.linear.gather [hbm4b:s22+s3], $0xE000, $0x38;
	[tilespmem:$0x1C080] =	vst v63  }
0x2b3: {  	_ =	swait.ge [sflag:s18], $0xE000  }
0x2b4: {  	s29 =	sld [smem:$0x7EC]  }
0x2b5: {  	[sflag:s18] =	ssyncset.done $0x0  }
0x2b6: {  	[sflag:s18] =	ssyncadd.s32 $0xFFFF2000  }
0x2b7: {  	[hbm4b:s29+s3] =	stream.linear.scatter [tilespmem:s16], [sflag:$0x3], $0xE000, $0x38;
	[tilespmem:$0x1C080] =	vst v63  }
0x2b8: {  	_ =	swait.ge [sflag:s21], $0xE000  }
0x2b9: {  	[sflag:s21] =	ssyncset.done $0x0  }
0x2ba: {  	[sflag:s21] =	ssyncadd.s32 $0xFFFF2000  }
0x2bb: {  	v47 =	vld [tilespmem:s11+$0x0];
	_ =	sdelay $0x4  }
0x2bc: {  	(v2sf) =	vpush v47, $0x0;
	_ =	sdelay $0xe  }
0x2bd: {  	s30 =	spop (v2sf)  }
0x2be: {  	s22 =	sadd.s32 s5, s30  }
0x2bf: {  	s22 =	smul.u32 $0x62000, s22;
	_ =	sdelay $0x1  }
0x2c0: {  	s22 =	sadd.s32 $0x38000, s22  }
0x2c1: {  	s22 =	sshrl.u32 s22, $0x3  }
0x2c2: {  	s22 =	sadd.s32 s1, s22  }
0x2c3: {  	[tilespmem:s17], [sflag:$0x2] =	stream.linear.gather [hbm4b:s22+s3], $0xE000, $0x38;
	[tilespmem:$0x1C080] =	vst v63  }
0x2c4: {  	_ =	swait.ge [sflag:s19], $0xE000  }
0x2c5: {  	s31 =	sld [smem:$0x7ED]  }
0x2c6: {  	[sflag:s19] =	ssyncset.done $0x0  }
0x2c7: {  	[sflag:s19] =	ssyncadd.s32 $0xFFFF2000  }
0x2c8: {  	[hbm4b:s31+s3] =	stream.linear.scatter [tilespmem:s17], [sflag:$0x4], $0xE000, $0x38;
	[tilespmem:$0x1C080] =	vst v63  }
0x2c9: {  	_ =	swait.ge [sflag:s20], $0xE000  }
0x2ca: {  	[sflag:s20] =	ssyncset.done $0x0  }
0x2cb: {  	[sflag:s20] =	ssyncadd.s32 $0xFFFF2000  }
0x2cc: {  	v48 =	vld [tilespmem:s11+$0x0];
	_ =	sdelay $0x4  }
0x2cd: {  	(v2sf) =	vpush v48, $0x0;
	_ =	sdelay $0xe  }
0x2ce: {  	s23 =	spop (v2sf)  }
0x2cf: {  	s22 =	sadd.s32 s5, s23  }
0x2d0: {  	s22 =	smul.u32 $0x62000, s22;
	_ =	sdelay $0x1  }
0x2d1: {  	s22 =	sadd.s32 $0x46000, s22  }
0x2d2: {  	s22 =	sshrl.u32 s22, $0x3  }
0x2d3: {  	s22 =	sadd.s32 s1, s22  }
0x2d4: {  	[tilespmem:s16], [sflag:$0x1] =	stream.linear.gather [hbm4b:s22+s3], $0xE000, $0x38;
	[tilespmem:$0x1C080] =	vst v63  }
0x2d5: {  	_ =	swait.ge [sflag:s18], $0xE000  }
0x2d6: {  	s24 =	sld [smem:$0x7EE]  }
0x2d7: {  	[sflag:s18] =	ssyncset.done $0x0  }
0x2d8: {  	[sflag:s18] =	ssyncadd.s32 $0xFFFF2000  }
0x2d9: {  	[hbm4b:s24+s3] =	stream.linear.scatter [tilespmem:s16], [sflag:$0x3], $0xE000, $0x38;
	[tilespmem:$0x1C080] =	vst v63  }
0x2da: {  	_ =	swait.ge [sflag:s21], $0xE000  }
0x2db: {  	[sflag:s21] =	ssyncset.done $0x0  }
0x2dc: {  	[sflag:s21] =	ssyncadd.s32 $0xFFFF2000  }
0x2dd: {  	v49 =	vld [tilespmem:s11+$0x0];
	_ =	sdelay $0x4  }
0x2de: {  	(v2sf) =	vpush v49, $0x0;
	_ =	sdelay $0xe  }
0x2df: {  	s25 =	spop (v2sf)  }
0x2e0: {  	s22 =	sadd.s32 s5, s25  }
0x2e1: {  	s22 =	smul.u32 $0x62000, s22;
	_ =	sdelay $0x1  }
0x2e2: {  	s22 =	sadd.s32 $0x54000, s22  }
0x2e3: {  	s22 =	sshrl.u32 s22, $0x3  }
0x2e4: {  	s22 =	sadd.s32 s1, s22  }
0x2e5: {  	[tilespmem:s17], [sflag:$0x2] =	stream.linear.gather [hbm4b:s22+s3], $0xE000, $0x38;
	[tilespmem:$0x1C080] =	vst v63  }
0x2e6: {  	_ =	swait.ge [sflag:s19], $0xE000  }
0x2e7: {  	s26 =	sld [smem:$0x7EF]  }
0x2e8: {  	[sflag:s19] =	ssyncset.done $0x0  }
0x2e9: {  	[sflag:s19] =	ssyncadd.s32 $0xFFFF2000  }
0x2ea: {  	[hbm4b:s26+s3] =	stream.linear.scatter [tilespmem:s17], [sflag:$0x4], $0xE000, $0x38;
	[tilespmem:$0x1C080] =	vst v63  }
0x2eb: {  	_ =	swait.ge [sflag:s20], $0xE000  }
0x2ec: {  	[sflag:s20] =	ssyncset.done $0x0  }
0x2ed: {  	[sflag:s20] =	ssyncadd.s32 $0xFFFF2000  }
0x2ee: {  	v50 =	vld [tilespmem:s12+$0x0];
	_ =	sdelay $0x4  }
0x2ef: {  	(v2sf) =	vpush v50, $0x0;
	_ =	sdelay $0xe  }
0x2f0: {  	s28 =	spop (v2sf)  }
0x2f1: {  	s22 =	sadd.s32 s5, s28  }
0x2f2: {  	s22 =	smul.u32 $0x62000, s22;
	_ =	sdelay $0x1  }
0x2f3: {  	s22 =	sshrl.u32 s22, $0x3  }
0x2f4: {  	s22 =	sadd.s32 s1, s22  }
0x2f5: {  	[tilespmem:s16], [sflag:$0x1] =	stream.linear.gather [hbm4b:s22+s3], $0xE000, $0x38;
	[tilespmem:$0x1C080] =	vst v63  }
0x2f6: {  	_ =	swait.ge [sflag:s18], $0xE000  }
0x2f7: {  	s29 =	sld [smem:$0x7F0]  }
0x2f8: {  	[sflag:s18] =	ssyncset.done $0x0  }
0x2f9: {  	[sflag:s18] =	ssyncadd.s32 $0xFFFF2000  }
0x2fa: {  	[hbm4b:s29+s3] =	stream.linear.scatter [tilespmem:s16], [sflag:$0x3], $0xE000, $0x38;
	[tilespmem:$0x1C080] =	vst v63  }
0x2fb: {  	_ =	swait.ge [sflag:s21], $0xE000  }
0x2fc: {  	[sflag:s21] =	ssyncset.done $0x0  }
0x2fd: {  	[sflag:s21] =	ssyncadd.s32 $0xFFFF2000  }
0x2fe: {  	v51 =	vld [tilespmem:s12+$0x0];
	_ =	sdelay $0x4  }
0x2ff: {  	(v2sf) =	vpush v51, $0x0;
	_ =	sdelay $0xe  }
0x300: {  	s30 =	spop (v2sf)  }
0x301: {  	s22 =	sadd.s32 s5, s30  }
0x302: {  	s22 =	smul.u32 $0x62000, s22;
	_ =	sdelay $0x1  }
0x303: {  	s22 =	sadd.s32 $0xE000, s22  }
0x304: {  	s22 =	sshrl.u32 s22, $0x3  }
0x305: {  	s22 =	sadd.s32 s1, s22  }
0x306: {  	[tilespmem:s17], [sflag:$0x2] =	stream.linear.gather [hbm4b:s22+s3], $0xE000, $0x38;
	[tilespmem:$0x1C080] =	vst v63  }
0x307: {  	_ =	swait.ge [sflag:s19], $0xE000  }
0x308: {  	s31 =	sld [smem:$0x7F1]  }
0x309: {  	[sflag:s19] =	ssyncset.done $0x0  }
0x30a: {  	[sflag:s19] =	ssyncadd.s32 $0xFFFF2000  }
0x30b: {  	[hbm4b:s31+s3] =	stream.linear.scatter [tilespmem:s17], [sflag:$0x4], $0xE000, $0x38;
	[tilespmem:$0x1C080] =	vst v63  }
0x30c: {  	_ =	swait.ge [sflag:s20], $0xE000  }
0x30d: {  	[sflag:s20] =	ssyncset.done $0x0  }
0x30e: {  	[sflag:s20] =	ssyncadd.s32 $0xFFFF2000  }
0x30f: {  	v52 =	vld [tilespmem:s12+$0x0];
	_ =	sdelay $0x4  }
0x310: {  	(v2sf) =	vpush v52, $0x0;
	_ =	sdelay $0xe  }
0x311: {  	s23 =	spop (v2sf)  }
0x312: {  	s22 =	sadd.s32 s5, s23  }
0x313: {  	s22 =	smul.u32 $0x62000, s22;
	_ =	sdelay $0x1  }
0x314: {  	s22 =	sadd.s32 $0x1C000, s22  }
0x315: {  	s22 =	sshrl.u32 s22, $0x3  }
0x316: {  	s22 =	sadd.s32 s1, s22  }
0x317: {  	[tilespmem:s16], [sflag:$0x1] =	stream.linear.gather [hbm4b:s22+s3], $0xE000, $0x38;
	[tilespmem:$0x1C080] =	vst v63  }
0x318: {  	_ =	swait.ge [sflag:s18], $0xE000  }
0x319: {  	s24 =	sld [smem:$0x7F2]  }
0x31a: {  	[sflag:s18] =	ssyncset.done $0x0  }
0x31b: {  	[sflag:s18] =	ssyncadd.s32 $0xFFFF2000  }
0x31c: {  	[hbm4b:s24+s3] =	stream.linear.scatter [tilespmem:s16], [sflag:$0x3], $0xE000, $0x38;
	[tilespmem:$0x1C080] =	vst v63  }
0x31d: {  	_ =	swait.ge [sflag:s21], $0xE000  }
0x31e: {  	[sflag:s21] =	ssyncset.done $0x0  }
0x31f: {  	[sflag:s21] =	ssyncadd.s32 $0xFFFF2000  }
0x320: {  	v53 =	vld [tilespmem:s12+$0x0];
	_ =	sdelay $0x4  }
0x321: {  	(v2sf) =	vpush v53, $0x0;
	_ =	sdelay $0xe  }
0x322: {  	s25 =	spop (v2sf)  }
0x323: {  	s22 =	sadd.s32 s5, s25  }
0x324: {  	s22 =	smul.u32 $0x62000, s22;
	_ =	sdelay $0x1  }
0x325: {  	s22 =	sadd.s32 $0x2A000, s22  }
0x326: {  	s22 =	sshrl.u32 s22, $0x3  }
0x327: {  	s22 =	sadd.s32 s1, s22  }
0x328: {  	[tilespmem:s17], [sflag:$0x2] =	stream.linear.gather [hbm4b:s22+s3], $0xE000, $0x38;
	[tilespmem:$0x1C080] =	vst v63  }
0x329: {  	_ =	swait.ge [sflag:s19], $0xE000  }
0x32a: {  	s26 =	sld [smem:$0x7F3]  }
0x32b: {  	[sflag:s19] =	ssyncset.done $0x0  }
0x32c: {  	[sflag:s19] =	ssyncadd.s32 $0xFFFF2000  }
0x32d: {  	[hbm4b:s26+s3] =	stream.linear.scatter [tilespmem:s17], [sflag:$0x4], $0xE000, $0x38;
	[tilespmem:$0x1C080] =	vst v63  }
0x32e: {  	_ =	swait.ge [sflag:s20], $0xE000  }
0x32f: {  	[sflag:s20] =	ssyncset.done $0x0  }
0x330: {  	[sflag:s20] =	ssyncadd.s32 $0xFFFF2000  }
0x331: {  	v54 =	vld [tilespmem:s12+$0x0];
	_ =	sdelay $0x4  }
0x332: {  	(v2sf) =	vpush v54, $0x0;
	_ =	sdelay $0xe  }
0x333: {  	s28 =	spop (v2sf)  }
0x334: {  	s22 =	sadd.s32 s5, s28  }
0x335: {  	s22 =	smul.u32 $0x62000, s22;
	_ =	sdelay $0x1  }
0x336: {  	s22 =	sadd.s32 $0x38000, s22  }
0x337: {  	s22 =	sshrl.u32 s22, $0x3  }
0x338: {  	s22 =	sadd.s32 s1, s22  }
0x339: {  	[tilespmem:s16], [sflag:$0x1] =	stream.linear.gather [hbm4b:s22+s3], $0xE000, $0x38;
	[tilespmem:$0x1C080] =	vst v63  }
0x33a: {  	_ =	swait.ge [sflag:s18], $0xE000  }
0x33b: {  	s29 =	sld [smem:$0x7F4]  }
0x33c: {  	[sflag:s18] =	ssyncset.done $0x0  }
0x33d: {  	[sflag:s18] =	ssyncadd.s32 $0xFFFF2000  }
0x33e: {  	[hbm4b:s29+s3] =	stream.linear.scatter [tilespmem:s16], [sflag:$0x3], $0xE000, $0x38;
	[tilespmem:$0x1C080] =	vst v63  }
0x33f: {  	_ =	swait.ge [sflag:s21], $0xE000  }
0x340: {  	[sflag:s21] =	ssyncset.done $0x0  }
0x341: {  	[sflag:s21] =	ssyncadd.s32 $0xFFFF2000  }
0x342: {  	v55 =	vld [tilespmem:s12+$0x0];
	_ =	sdelay $0x4  }
0x343: {  	(v2sf) =	vpush v55, $0x0;
	_ =	sdelay $0xe  }
0x344: {  	s30 =	spop (v2sf)  }
0x345: {  	s22 =	sadd.s32 s5, s30  }
0x346: {  	s22 =	smul.u32 $0x62000, s22;
	_ =	sdelay $0x1  }
0x347: {  	s22 =	sadd.s32 $0x46000, s22  }
0x348: {  	s22 =	sshrl.u32 s22, $0x3  }
0x349: {  	s22 =	sadd.s32 s1, s22  }
0x34a: {  	[tilespmem:s17], [sflag:$0x2] =	stream.linear.gather [hbm4b:s22+s3], $0xE000, $0x38;
	[tilespmem:$0x1C080] =	vst v63  }
0x34b: {  	_ =	swait.ge [sflag:s19], $0xE000  }
0x34c: {  	s31 =	sld [smem:$0x7F5]  }
0x34d: {  	[sflag:s19] =	ssyncset.done $0x0  }
0x34e: {  	[sflag:s19] =	ssyncadd.s32 $0xFFFF2000  }
0x34f: {  	[hbm4b:s31+s3] =	stream.linear.scatter [tilespmem:s17], [sflag:$0x4], $0xE000, $0x38;
	[tilespmem:$0x1C080] =	vst v63  }
0x350: {  	_ =	swait.ge [sflag:s20], $0xE000  }
0x351: {  	[sflag:s20] =	ssyncset.done $0x0  }
0x352: {  	[sflag:s20] =	ssyncadd.s32 $0xFFFF2000  }
0x353: {  	v56 =	vld [tilespmem:s12+$0x0];
	_ =	sdelay $0x4  }
0x354: {  	(v2sf) =	vpush v56, $0x0;
	_ =	sdelay $0xe  }
0x355: {  	s23 =	spop (v2sf)  }
0x356: {  	s22 =	sadd.s32 s5, s23  }
0x357: {  	s22 =	smul.u32 $0x62000, s22;
	_ =	sdelay $0x1  }
0x358: {  	s22 =	sadd.s32 $0x54000, s22  }
0x359: {  	s22 =	sshrl.u32 s22, $0x3  }
0x35a: {  	s22 =	sadd.s32 s1, s22  }
0x35b: {  	[tilespmem:s16], [sflag:$0x1] =	stream.linear.gather [hbm4b:s22+s3], $0xE000, $0x38;
	[tilespmem:$0x1C080] =	vst v63  }
0x35c: {  	_ =	swait.ge [sflag:s18], $0xE000  }
0x35d: {  	s24 =	sld [smem:$0x7F6]  }
0x35e: {  	[sflag:s18] =	ssyncset.done $0x0  }
0x35f: {  	[sflag:s18] =	ssyncadd.s32 $0xFFFF2000  }
0x360: {  	[hbm4b:s24+s3] =	stream.linear.scatter [tilespmem:s16], [sflag:$0x3], $0xE000, $0x38;
	[tilespmem:$0x1C080] =	vst v63  }
0x361: {  	_ =	swait.ge [sflag:s21], $0xE000  }
0x362: {  	[sflag:s21] =	ssyncset.done $0x0  }
0x363: {  	[sflag:s21] =	ssyncadd.s32 $0xFFFF2000  }
0x364: {  	v57 =	vld [tilespmem:s13+$0x0];
	_ =	sdelay $0x4  }
0x365: {  	(v2sf) =	vpush v57, $0x0;
	_ =	sdelay $0xe  }
0x366: {  	s25 =	spop (v2sf)  }
0x367: {  	s22 =	sadd.s32 s5, s25  }
0x368: {  	s22 =	smul.u32 $0x62000, s22;
	_ =	sdelay $0x1  }
0x369: {  	s22 =	sshrl.u32 s22, $0x3  }
0x36a: {  	s22 =	sadd.s32 s1, s22  }
0x36b: {  	[tilespmem:s17], [sflag:$0x2] =	stream.linear.gather [hbm4b:s22+s3], $0xE000, $0x38;
	[tilespmem:$0x1C080] =	vst v63  }
0x36c: {  	_ =	swait.ge [sflag:s19], $0xE000  }
0x36d: {  	s26 =	sld [smem:$0x7F7]  }
0x36e: {  	[sflag:s19] =	ssyncset.done $0x0  }
0x36f: {  	[sflag:s19] =	ssyncadd.s32 $0xFFFF2000  }
0x370: {  	[hbm4b:s26+s3] =	stream.linear.scatter [tilespmem:s17], [sflag:$0x4], $0xE000, $0x38;
	[tilespmem:$0x1C080] =	vst v63  }
0x371: {  	_ =	swait.ge [sflag:s20], $0xE000  }
0x372: {  	[sflag:s20] =	ssyncset.done $0x0  }
0x373: {  	[sflag:s20] =	ssyncadd.s32 $0xFFFF2000  }
0x374: {  	v58 =	vld [tilespmem:s13+$0x0];
	_ =	sdelay $0x4  }
0x375: {  	(v2sf) =	vpush v58, $0x0;
	_ =	sdelay $0xe  }
0x376: {  	s28 =	spop (v2sf)  }
0x377: {  	s22 =	sadd.s32 s5, s28  }
0x378: {  	s22 =	smul.u32 $0x62000, s22;
	_ =	sdelay $0x1  }
0x379: {  	s22 =	sadd.s32 $0xE000, s22  }
0x37a: {  	s22 =	sshrl.u32 s22, $0x3  }
0x37b: {  	s22 =	sadd.s32 s1, s22  }
0x37c: {  	[tilespmem:s16], [sflag:$0x1] =	stream.linear.gather [hbm4b:s22+s3], $0xE000, $0x38;
	[tilespmem:$0x1C080] =	vst v63  }
0x37d: {  	_ =	swait.ge [sflag:s18], $0xE000  }
0x37e: {  	s29 =	sld [smem:$0x7F8]  }
0x37f: {  	[sflag:s18] =	ssyncset.done $0x0  }
0x380: {  	[sflag:s18] =	ssyncadd.s32 $0xFFFF2000  }
0x381: {  	[hbm4b:s29+s3] =	stream.linear.scatter [tilespmem:s16], [sflag:$0x3], $0xE000, $0x38;
	[tilespmem:$0x1C080] =	vst v63  }
0x382: {  	_ =	swait.ge [sflag:s21], $0xE000  }
0x383: {  	[sflag:s21] =	ssyncset.done $0x0  }
0x384: {  	[sflag:s21] =	ssyncadd.s32 $0xFFFF2000  }
0x385: {  	v59 =	vld [tilespmem:s13+$0x0];
	_ =	sdelay $0x4  }
0x386: {  	(v2sf) =	vpush v59, $0x0;
	_ =	sdelay $0xe  }
0x387: {  	s30 =	spop (v2sf)  }
0x388: {  	s22 =	sadd.s32 s5, s30  }
0x389: {  	s22 =	smul.u32 $0x62000, s22;
	_ =	sdelay $0x1  }
0x38a: {  	s22 =	sadd.s32 $0x1C000, s22  }
0x38b: {  	s22 =	sshrl.u32 s22, $0x3  }
0x38c: {  	s22 =	sadd.s32 s1, s22  }
0x38d: {  	[tilespmem:s17], [sflag:$0x2] =	stream.linear.gather [hbm4b:s22+s3], $0xE000, $0x38;
	[tilespmem:$0x1C080] =	vst v63  }
0x38e: {  	_ =	swait.ge [sflag:s19], $0xE000  }
0x38f: {  	s31 =	sld [smem:$0x7F9]  }
0x390: {  	[sflag:s19] =	ssyncset.done $0x0  }
0x391: {  	[sflag:s19] =	ssyncadd.s32 $0xFFFF2000  }
0x392: {  	[hbm4b:s31+s3] =	stream.linear.scatter [tilespmem:s17], [sflag:$0x4], $0xE000, $0x38;
	[tilespmem:$0x1C080] =	vst v63  }
0x393: {  	_ =	swait.ge [sflag:s20], $0xE000  }
0x394: {  	[sflag:s20] =	ssyncset.done $0x0  }
0x395: {  	[sflag:s20] =	ssyncadd.s32 $0xFFFF2000  }
0x396: {  	v60 =	vld [tilespmem:s13+$0x0];
	_ =	sdelay $0x4  }
0x397: {  	(v2sf) =	vpush v60, $0x0;
	_ =	sdelay $0xe  }
0x398: {  	s23 =	spop (v2sf)  }
0x399: {  	s22 =	sadd.s32 s5, s23  }
0x39a: {  	s22 =	smul.u32 $0x62000, s22;
	_ =	sdelay $0x1  }
0x39b: {  	s22 =	sadd.s32 $0x2A000, s22  }
0x39c: {  	s22 =	sshrl.u32 s22, $0x3  }
0x39d: {  	s22 =	sadd.s32 s1, s22  }
0x39e: {  	[tilespmem:s16], [sflag:$0x1] =	stream.linear.gather [hbm4b:s22+s3], $0xE000, $0x38;
	[tilespmem:$0x1C080] =	vst v63  }
0x39f: {  	_ =	swait.ge [sflag:s18], $0xE000  }
0x3a0: {  	s24 =	sld [smem:$0x7FA]  }
0x3a1: {  	[sflag:s18] =	ssyncset.done $0x0  }
0x3a2: {  	[sflag:s18] =	ssyncadd.s32 $0xFFFF2000  }
0x3a3: {  	[hbm4b:s24+s3] =	stream.linear.scatter [tilespmem:s16], [sflag:$0x3], $0xE000, $0x38;
	[tilespmem:$0x1C080] =	vst v63  }
0x3a4: {  	_ =	swait.ge [sflag:s21], $0xE000  }
0x3a5: {  	[sflag:s21] =	ssyncset.done $0x0  }
0x3a6: {  	[sflag:s21] =	ssyncadd.s32 $0xFFFF2000  }
0x3a7: {  	v61 =	vld [tilespmem:s13+$0x0];
	_ =	sdelay $0x4  }
0x3a8: {  	(v2sf) =	vpush v61, $0x0;
	_ =	sdelay $0xe  }
0x3a9: {  	s25 =	spop (v2sf)  }
0x3aa: {  	s22 =	sadd.s32 s5, s25  }
0x3ab: {  	s22 =	smul.u32 $0x62000, s22;
	_ =	sdelay $0x1  }
0x3ac: {  	s22 =	sadd.s32 $0x38000, s22  }
0x3ad: {  	s22 =	sshrl.u32 s22, $0x3  }
0x3ae: {  	s22 =	sadd.s32 s1, s22  }
0x3af: {  	[tilespmem:s17], [sflag:$0x2] =	stream.linear.gather [hbm4b:s22+s3], $0xE000, $0x38;
	[tilespmem:$0x1C080] =	vst v63  }
0x3b0: {  	_ =	swait.ge [sflag:s19], $0xE000  }
0x3b1: {  	s26 =	sld [smem:$0x7FB]  }
0x3b2: {  	[sflag:s19] =	ssyncset.done $0x0  }
0x3b3: {  	[sflag:s19] =	ssyncadd.s32 $0xFFFF2000  }
0x3b4: {  	[hbm4b:s26+s3] =	stream.linear.scatter [tilespmem:s17], [sflag:$0x4], $0xE000, $0x38;
	[tilespmem:$0x1C080] =	vst v63  }
0x3b5: {  	_ =	swait.ge [sflag:s20], $0xE000  }
0x3b6: {  	[sflag:s20] =	ssyncset.done $0x0  }
0x3b7: {  	[sflag:s20] =	ssyncadd.s32 $0xFFFF2000  }
0x3b8: {  	v62 =	vld [tilespmem:s13+$0x0];
	_ =	sdelay $0x4  }
0x3b9: {  	(v2sf) =	vpush v62, $0x0;
	_ =	sdelay $0xe  }
0x3ba: {  	s28 =	spop (v2sf)  }
0x3bb: {  	s22 =	sadd.s32 s5, s28  }
0x3bc: {  	s22 =	smul.u32 $0x62000, s22;
	_ =	sdelay $0x1  }
0x3bd: {  	s22 =	sadd.s32 $0x46000, s22  }
0x3be: {  	s22 =	sshrl.u32 s22, $0x3  }
0x3bf: {  	s22 =	sadd.s32 s1, s22  }
0x3c0: {  	[tilespmem:s16], [sflag:$0x1] =	stream.linear.gather [hbm4b:s22+s3], $0xE000, $0x38;
	[tilespmem:$0x1C080] =	vst v63  }
0x3c1: {  	_ =	swait.ge [sflag:s18], $0xE000  }
0x3c2: {  	s29 =	sld [smem:$0x7FC]  }
0x3c3: {  	[sflag:s18] =	ssyncset.done $0x0  }
0x3c4: {  	[sflag:s18] =	ssyncadd.s32 $0xFFFF2000  }
0x3c5: {  	[hbm4b:s29+s3] =	stream.linear.scatter [tilespmem:s16], [sflag:$0x3], $0xE000, $0x38;
	[tilespmem:$0x1C080] =	vst v63  }
0x3c6: {  	_ =	swait.ge [sflag:s21], $0xE000  }
0x3c7: {  	[sflag:s21] =	ssyncset.done $0x0  }
0x3c8: {  	[sflag:s21] =	ssyncadd.s32 $0xFFFF2000  }
0x3c9: {  	v63 =	vld [tilespmem:s13+$0x0];
	_ =	sdelay $0x4  }
0x3ca: {  	(v2sf) =	vpush v63, $0x0;
	_ =	sdelay $0xe  }
0x3cb: {  	s30 =	spop (v2sf)  }
0x3cc: {  	s22 =	sadd.s32 s5, s30  }
0x3cd: {  	s22 =	smul.u32 $0x62000, s22;
	_ =	sdelay $0x1  }
0x3ce: {  	s22 =	sadd.s32 $0x54000, s22  }
0x3cf: {  	s22 =	sshrl.u32 s22, $0x3  }
0x3d0: {  	s22 =	sadd.s32 s1, s22  }
0x3d1: {  	[tilespmem:s17], [sflag:$0x2] =	stream.linear.gather [hbm4b:s22+s3], $0xE000, $0x38;
	[tilespmem:$0x1C080] =	vst v63  }
0x3d2: {  	_ =	swait.ge [sflag:s19], $0xE000  }
0x3d3: {  	s31 =	sld [smem:$0x7FD]  }
0x3d4: {  	[sflag:s19] =	ssyncset.done $0x0  }
0x3d5: {  	[sflag:s19] =	ssyncadd.s32 $0xFFFF2000  }
0x3d6: {  	[hbm4b:s31+s3] =	stream.linear.scatter [tilespmem:s17], [sflag:$0x4], $0xE000, $0x38;
	[tilespmem:$0x1C080] =	vst v63  }
0x3d7: {  	p0 =	sne.s32 s14, $0x1;
	_ =	swait.ge [sflag:s20], $0xE000  }
.Ltmp0:
0x3d8: {  	[sflag:s20] =	ssyncset.done $0x0;
	(pc) =	sbr.rel @p0 .LBB2_1-.Ltmp0, $4  }
0x3d9: {  	[sflag:s20] =	ssyncadd.s32 $0xFFFF2000  }
0x3da: {  	_ =	swait.ge [sflag:s21], $0xE000  }
0x3db: {  	[sflag:s21] =	ssyncset.done $0x0  }
0x3dc: {  	s14 =	sadd.s32 $0xFFFFFFFF, s14;
	[sflag:s21] =	ssyncadd.s32 $0xFFFF2000  }
0x3dd: {  	_ =	sfence.sel $0x180000  }
0x3de: {  	[bflag:$0x0] =	sbarrier.arrive $0xFFFF  }
0x3df: {  	p0 =	sne.s32 s0, $0x0;
	_ =	strace $0x90000047  }
0x3e0: {  	s0 =	sadd.s32 @!p0 $0x100000, s2;
	[bflag:$0x2] =	sbarrier.arrive $0xFFFF  }
0x3e1: {  	[sflag:s0] =	ssyncadd.tile.s32 @!p0 $0x1;
	_ =	shalt  }
.Lfunc_end2:
_tile_overlayer_lowered:
.L_overlay_start_2:
0x3e2: {  	(tag) =	ssettag $0x2  }
0x3e3: {  	s0 =	rddreg [dreg:$0x0];
	s2 =	stileid.u32  }
0x3e4: {  	s1 =	rddreg [dreg:$0x1];
	p0 =	sne.s32 s2, $0x0  }
0x3e5: {  	s3 =	rddreg [dreg:$0x2];
	[bflag:$0x3] =	sbarrier.arrive $0xFFFF;
	s2 =	simm.s32 @!p0 $0x1C05  }
0x3e6: {  	[timem:s3], [sflag:s2] =	dma.local @!p0 [hbm:s0], s1  }
0x3e7: {  	s0 =	simm.s32 @!p0 $0x5  }
0x3e8: {  	_ =	swait.ge @!p0 [sflag:s0], s1  }
0x3e9: {  	s1 =	ssub.s32 @!p0 $0x0, s1;
	[sflag:s0] =	ssyncset.done @!p0 $0x0  }
0x3ea: {  	[sflag:s0] =	ssyncadd.s32 @!p0 s1  }
0x3eb: {  	[bflag:$0x3] =	sbarrier.arrive $0xFFFF  }
0x3ec: {  	_ =	shalt  }

</sc_bundles>
